<compile_context>
chip_gen: v7x
topology: tpu7x:2x2x1
jax: 0.10.2.dev20260603
libtpu: 0.0.44.dev20260713+nightly
codegen_flags: <defaults>
</compile_context>

<pallas_src>
import dataclasses

import jax
import jax.numpy as jnp
from jax import lax
from jax.experimental import pallas as pl
from jax.experimental.pallas import tpu as pltpu
from jax.experimental.pallas import tpu_sc as plsc

N = 10000
E = 320000
H = 128
G = 128
NBLK = 2000
EBLK = 12800

SC_NC = 2
SC_NS = 16
SC_NW = SC_NC * SC_NS
CW = 40
NCHUNK = E // CW
NCHW = NCHUNK // SC_NW
ROWS0 = 624



def _bf16_pack_i32(a, b):
    lo = jax.lax.bitcast_convert_type(
        a.astype(jnp.bfloat16), jnp.uint16).astype(jnp.uint32)
    hi = jax.lax.bitcast_convert_type(
        b.astype(jnp.bfloat16), jnp.uint16).astype(jnp.uint32)
    return jax.lax.bitcast_convert_type(lo | (hi << 16), jnp.int32)


def _proj_emit(y, k_ref, qv_ref, s_ref):
    k_ref[...] = y[:, 0:128]
    qv_ref[...] = _bf16_pack_i32(y[:, 128:256], y[:, 256:384])
    s_ref[...] = y[:, 384:512]


def _proj_body(h_ref, w_ref, b_ref, k_ref, qv_ref, s_ref):
    y = jnp.dot(h_ref[...], w_ref[...], preferred_element_type=jnp.float32)
    _proj_emit(y + b_ref[...], k_ref, qv_ref, s_ref)


_PROJ_OUT_SPECS = [
    pl.BlockSpec((NBLK, H), lambda i: (i, 0)),
    pl.BlockSpec((NBLK, H), lambda i: (i, 0)),
    pl.BlockSpec((NBLK, H), lambda i: (i, 0)),
]
_PROJ_OUT_SHAPE = [
    jax.ShapeDtypeStruct((N, H), jnp.float32),
    jax.ShapeDtypeStruct((N, H), jnp.int32),
    jax.ShapeDtypeStruct((N, H), jnp.float32),
]


def _proj(h, wc, bc):
    grid = (N // NBLK,)
    return pl.pallas_call(
        _proj_body,
        grid=grid,
        in_specs=[
            pl.BlockSpec((NBLK, H), lambda i: (i, 0)),
            pl.BlockSpec((H, 4 * H), lambda i: (0, 0)),
            pl.BlockSpec((1, 4 * H), lambda i: (0, 0)),
        ],
        out_specs=_PROJ_OUT_SPECS,
        out_shape=_PROJ_OUT_SHAPE,
    )(h, wc, bc)


def _proj_fused_body(a0_ref, a1_ref, s_ref, w_ref, b_ref,
                     k_ref, qv_ref, s_out_ref):
    h = jnp.maximum(a0_ref[0] + a1_ref[0] + s_ref[...], 0.0)
    y = jnp.dot(h, w_ref[...], preferred_element_type=jnp.float32)
    _proj_emit(y + b_ref[...], k_ref, qv_ref, s_out_ref)


def _proj_fused(agg2, s_prev, wc, bc):
    grid = (N // NBLK,)
    return pl.pallas_call(
        _proj_fused_body,
        grid=grid,
        in_specs=[
            pl.BlockSpec((1, NBLK, H), lambda i: (0, i, 0)),
            pl.BlockSpec((1, NBLK, H), lambda i: (1, i, 0)),
            pl.BlockSpec((NBLK, H), lambda i: (i, 0)),
            pl.BlockSpec((H, 4 * H), lambda i: (0, 0)),
            pl.BlockSpec((1, 4 * H), lambda i: (0, 0)),
        ],
        out_specs=_PROJ_OUT_SPECS,
        out_shape=_PROJ_OUT_SHAPE,
    )(agg2, agg2, s_prev, wc, bc)



def _edge_body(a_ref, w_ref, b_ref, e_ref):
    y = jax.lax.dot_general(
        a_ref[...], w_ref[...], (((0,), (0,)), ((), ())),
        preferred_element_type=jnp.float32)
    y = y + b_ref[...]
    e_ref[...] = _bf16_pack_i32(y[:, 0:64], y[:, 64:128])


def _edge_mm(edge_attr_t, we, be):
    grid = (E // EBLK,)
    return pl.pallas_call(
        _edge_body,
        grid=grid,
        in_specs=[
            pl.BlockSpec((16, EBLK), lambda i: (0, i)),
            pl.BlockSpec((16, H), lambda i: (0, 0)),
            pl.BlockSpec((1, H), lambda i: (0, 0)),
        ],
        out_specs=pl.BlockSpec((EBLK, H // 2), lambda i: (i, 0)),
        out_shape=jax.ShapeDtypeStruct((E, H // 2), jnp.int32),
    )(edge_attr_t, we, be)



def _head_body(a0_ref, a1_ref, s_ref, b_ref, w1_ref, b1_ref, w2_ref, b2_ref,
               o_ref, pool_ref):
    i = pl.program_id(0)

    @pl.when(i == 0)
    def _():
        pool_ref[...] = jnp.zeros_like(pool_ref)

    h = a0_ref[0] + a1_ref[0] + s_ref[...]
    seg = b_ref[0, 0, :]
    gids = jax.lax.broadcasted_iota(jnp.int32, (G, NBLK), 0)
    onehot = (seg[None, :] == gids).astype(jnp.float32)
    pool_ref[...] += jnp.dot(onehot, h, preferred_element_type=jnp.float32)

    @pl.when(i == pl.num_programs(0) - 1)
    def _():
        y = jnp.maximum(
            jnp.dot(pool_ref[...], w1_ref[...],
                    preferred_element_type=jnp.float32) + b1_ref[...], 0.0)
        z = jnp.dot(y, w2_ref[...], preferred_element_type=jnp.float32)
        z = z + b2_ref[...]
        o_ref[...] = jax.nn.sigmoid(z)


def _head(agg2, s, batch3, w1, b1, w2, b2):
    grid = (N // NBLK,)
    return pl.pallas_call(
        _head_body,
        grid=grid,
        in_specs=[
            pl.BlockSpec((1, NBLK, H), lambda i: (0, i, 0)),
            pl.BlockSpec((1, NBLK, H), lambda i: (1, i, 0)),
            pl.BlockSpec((NBLK, H), lambda i: (i, 0)),
            pl.BlockSpec((1, 1, NBLK), lambda i: (i, 0, 0)),
            pl.BlockSpec((H, 64), lambda i: (0, 0)),
            pl.BlockSpec((1, 64), lambda i: (0, 0)),
            pl.BlockSpec((64, 1), lambda i: (0, 0)),
            pl.BlockSpec((1, 1), lambda i: (0, 0)),
        ],
        out_specs=pl.BlockSpec((G, 1), lambda i: (0, 0)),
        out_shape=jax.ShapeDtypeStruct((G, 1), jnp.float32),
        scratch_shapes=[pltpu.VMEM((G, H), jnp.float32)],
    )(agg2, agg2, s, batch3, w1, b1, w2, b2)



def _edge_sc_body(kn_hbm, qv_hbm, e_hbm, src_hbm, dst_hbm, zeros_hbm,
                  out_hbm, acc, dsti, srci, kd, qv, ebuf, mb, isem, gsem):
    c = lax.axis_index("c")
    s = lax.axis_index("s")
    wid = s * SC_NC + c

    base_r = s * ROWS0
    pltpu.sync_copy(zeros_hbm.at[pl.ds(base_r, ROWS0)],
                    acc.at[pl.ds(base_r, ROWS0)])

    @pl.when(s == SC_NS - 1)
    def _():
        pltpu.sync_copy(zeros_hbm.at[pl.ds(SC_NS * ROWS0, N - SC_NS * ROWS0)],
                        acc.at[pl.ds(SC_NS * ROWS0, N - SC_NS * ROWS0)])

    plsc.subcore_barrier()

    def issue_idx(t, b):
        base = (wid + t * SC_NW) * CW
        pltpu.async_copy(dst_hbm.at[pl.ds(base, CW)], dsti.at[b], isem)
        pltpu.async_copy(src_hbm.at[pl.ds(base, CW)], srci.at[b], isem)

    def wait_idx(t, b):
        base = (wid + t * SC_NW) * CW
        pltpu.make_async_copy(dst_hbm.at[pl.ds(base, CW)], dsti.at[b],
                              isem).wait()
        pltpu.make_async_copy(src_hbm.at[pl.ds(base, CW)], srci.at[b],
                              isem).wait()

    def issue_data(t, b):
        base = (wid + t * SC_NW) * CW
        pltpu.async_copy(kn_hbm.at[dsti.at[b]], kd.at[b], gsem)
        pltpu.async_copy(qv_hbm.at[srci.at[b]], qv.at[b], gsem)
        pltpu.async_copy(e_hbm.at[pl.ds(base, CW)], ebuf.at[b], gsem)

    def wait_data(t, b):
        base = (wid + t * SC_NW) * CW
        pltpu.make_async_copy(kn_hbm.at[dsti.at[b]], kd.at[b], gsem).wait()
        pltpu.make_async_copy(qv_hbm.at[srci.at[b]], qv.at[b], gsem).wait()
        pltpu.make_async_copy(e_hbm.at[pl.ds(base, CW)], ebuf.at[b], gsem).wait()

    def body(t, b, guard2):
        if guard2:
            @pl.when(t + 1 < NCHW)
            def _():
                wait_idx(t + 1, 1 - b)
                issue_data(t + 1, 1 - b)
        else:
            wait_idx(t + 1, 1 - b)
            issue_data(t + 1, 1 - b)
        wait_data(t, b)

        @pl.loop(0, CW)
        def _(r):
            for u in range(H // 32):
                sla = pl.ds(u * 16, 16)
                slb = pl.ds(64 + u * 16, 16)
                qa, va = plsc.unpack(
                    plsc.bitcast(qv[b, r, sla], jnp.bfloat16),
                    format=plsc.PackFormat.INTERLEAVED)
                qb2, vb2 = plsc.unpack(
                    plsc.bitcast(qv[b, r, slb], jnp.bfloat16),
                    format=plsc.PackFormat.INTERLEAVED)
                ea, eb2 = plsc.unpack(
                    plsc.bitcast(ebuf[b, r, sla], jnp.bfloat16),
                    format=plsc.PackFormat.INTERLEAVED)
                za = kd[b, r, sla] + qa + ea
                zb = kd[b, r, slb] + qb2 + eb2
                mb[r, sla] = va / (1.0 + jnp.exp(za))
                mb[r, slb] = vb2 / (1.0 + jnp.exp(zb))

        pltpu.sync_copy(mb, acc.at[dsti.at[b]], add=True)

        @pl.when(t + 2 < NCHW)
        def _():
            issue_idx(t + 2, b)

    issue_idx(0, 0)
    issue_idx(1, 1)
    wait_idx(0, 0)
    issue_data(0, 0)

    @pl.loop(0, NCHW // 2)
    def _(i):
        t0 = i * 2
        body(t0, 0, guard2=False)
        body(t0 + 1, 1, guard2=True)

    plsc.subcore_barrier()

    pltpu.sync_copy(acc.at[pl.ds(base_r, ROWS0)],
                    out_hbm.at[c, pl.ds(base_r, ROWS0)])

    @pl.when(s == SC_NS - 1)
    def _():
        pltpu.sync_copy(acc.at[pl.ds(SC_NS * ROWS0, N - SC_NS * ROWS0)],
                        out_hbm.at[c, pl.ds(SC_NS * ROWS0, N - SC_NS * ROWS0)])


def _edge_stage(kn, qvt, en, src, dst, zeros):
    mesh = plsc.VectorSubcoreMesh(core_axis_name="c", subcore_axis_name="s")
    cp = pltpu.CompilerParams()
    if "needs_layout_passes" in pltpu.CompilerParams.__dataclass_fields__:
        cp = dataclasses.replace(cp, needs_layout_passes=False)
    f = pl.kernel(
        _edge_sc_body,
        mesh=mesh,
        compiler_params=cp,
        out_type=jax.ShapeDtypeStruct((SC_NC, N, H), jnp.float32),
        scratch_types=[
            pltpu.VMEM_SHARED((N, H), jnp.float32),
            pltpu.VMEM((2, CW), jnp.int32),
            pltpu.VMEM((2, CW), jnp.int32),
            pltpu.VMEM((2, CW, H), jnp.float32),
            pltpu.VMEM((2, CW, H), jnp.int32),
            pltpu.VMEM((2, CW, H // 2), jnp.int32),
            pltpu.VMEM((CW, H), jnp.float32),
            pltpu.SemaphoreType.DMA,
            pltpu.SemaphoreType.DMA,
        ],
    )
    return f(kn, qvt, en, src, dst, zeros)



def _layer_weights(p, din):
    wk = p['W_key']
    pad = H - din
    if pad:
        z = jnp.zeros((pad, wk.shape[1]), jnp.float32)
        cat = lambda w: jnp.concatenate([w, z], axis=0)
    else:
        cat = lambda w: w
    wc = jnp.concatenate(
        [-cat(p['W_key']), -cat(p['W_query']), cat(p['W_value']),
         cat(p['W_skip'])], axis=1)
    bc = jnp.concatenate(
        [-p['b_key'], -p['b_query'], p['b_value'], p['b_skip']])[None, :]
    return wc, bc


def kernel(x, edge_index, edge_attr, batch, params):
    src = edge_index[0]
    dst = edge_index[1]

    ea_t = edge_attr.T
    e_tabs = [
        _edge_mm(ea_t, -params[c]['W_edge'], -params[c]['b_edge'][None, :])
        for c in ('conv1', 'conv2', 'conv3')
    ]
    zeros = jnp.zeros((N, H), jnp.float32)

    h = jnp.pad(x, ((0, 0), (0, H - x.shape[1])))
    wc, bc = _layer_weights(params['conv1'], x.shape[1])
    kn, qvt, s = _proj(h, wc, bc)
    agg2 = _edge_stage(kn, qvt, e_tabs[0], src, dst, zeros)
    for li in (1, 2):
        wc, bc = _layer_weights(params['conv%d' % (li + 1)], H)
        kn, qvt, s_new = _proj_fused(agg2, s, wc, bc)
        agg2 = _edge_stage(kn, qvt, e_tabs[li], src, dst, zeros)
        s = s_new

    batch3 = batch.reshape(N // NBLK, 1, NBLK)
    return _head(agg2, s, batch3,
                 params['lin1']['W'], params['lin1']['b'][None, :],
                 params['lin2']['W'], params['lin2']['b'][None, :])

# --- scband reference (transcript-rebuilt; emitter-appended) ---
"""Pipeline reference for scband-rggraph-41540923686976 (READ-ONLY COPY).

The authoritative reference and input builder live on the scoring server;
editing this copy changes nothing except your own understanding.
"""

import jax, jax.numpy as jnp
import numpy as np

N = 10000; E = 320000; DIN = 126; H = 128; DE = 16; G = 128

def _lin_params(key, din, dout):
    k1, k2 = jax.random.split(key)
    s = 1.0 / np.sqrt(din)
    W = jax.random.uniform(k1, (din, dout), minval=-s, maxval=s, dtype=jnp.float32)
    b = jax.random.uniform(k2, (dout,), minval=-s, maxval=s, dtype=jnp.float32)
    return W, b

def _conv_params(key, din, dout, dedge):
    ks = jax.random.split(key, 5)
    p = {}
    for name, k in zip(['key', 'query', 'value', 'skip'], ks[:4]):
        W, b = _lin_params(k, din, dout)
        p['W_' + name] = W; p['b_' + name] = b
    We, be = _lin_params(ks[4], dedge, dout)
    p['W_edge'] = We; p['b_edge'] = be
    return p

def setup_inputs(seed: int = 0):
    key = jax.random.key(seed)
    ks = jax.random.split(key, 10)
    x = jax.random.normal(ks[0], (N, DIN), dtype=jnp.float32)
    edge_index = jax.random.randint(ks[1], (2, E), 0, N, dtype=jnp.int32)
    edge_attr = jax.random.normal(ks[2], (E, DE), dtype=jnp.float32)
    batch = jnp.sort(jax.random.randint(ks[3], (N,), 0, G, dtype=jnp.int32))
    params = {
        'conv1': _conv_params(ks[4], DIN, H, DE),
        'conv2': _conv_params(ks[5], H, H, DE),
        'conv3': _conv_params(ks[6], H, H, DE),
    }
    W1, b1 = _lin_params(ks[7], H, 64)
    params['lin1'] = {'W': W1, 'b': b1}
    W2, b2 = _lin_params(ks[8], 64, 1)
    params['lin2'] = {'W': W2, 'b': b2}
    return {'x': x, 'edge_index': edge_index, 'edge_attr': edge_attr, 'batch': batch, 'params': params}

def _res_gated_conv(x, edge_index, edge_attr, p):
    # PyG ResGatedGraphConv with edge_dim: eta_ij = sigmoid(k_i + q_j + lin_edge(e_ij));
    # out_i = lin_skip(x_i) + sum_j eta_ij * v_j
    src = edge_index[0]; dst = edge_index[1]
    k = x @ p['W_key'] + p['b_key']
    q = x @ p['W_query'] + p['b_query']
    v = x @ p['W_value'] + p['b_value']
    e = edge_attr @ p['W_edge'] + p['b_edge']
    gate = jax.nn.sigmoid(k[dst] + q[src] + e)
    agg = jnp.zeros((x.shape[0], gate.shape[1]), x.dtype).at[dst].add(gate * v[src])
    return agg + x @ p['W_skip'] + p['b_skip']

def reference(x, edge_index, edge_attr, batch, params):
    h = jax.nn.relu(_res_gated_conv(x, edge_index, edge_attr, params['conv1']))
    h = jax.nn.relu(_res_gated_conv(h, edge_index, edge_attr, params['conv2']))
    h = _res_gated_conv(h, edge_index, edge_attr, params['conv3'])
    h = jax.ops.segment_sum(h, batch, num_segments=G)  # global_add_pool
    h = jax.nn.relu(h @ params['lin1']['W'] + params['lin1']['b'])
    h = h @ params['lin2']['W'] + params['lin2']['b']  # dropout p=0 is identity
    return jax.nn.sigmoid(h)

if __name__ == "__main__":
    import jax
    _d = setup_inputs()
    print(jax.jit(kernel)(*tuple(_d.values())))

</pallas_src>

<mosaic_0001>
#map = affine_map<(d0, d1) -> (0, 0)>
#map1 = affine_map<(d0, d1) -> (0)>
#map2 = affine_map<(d0, d1) -> (0, 0, 0)>
module attributes {stable_mosaic.version = 14 : i64} {
  func.func @_edge_sc_body(%arg0: i32, %arg1: i32, %arg2: memref<10000x128xf32, #tpu.memory_space<hbm>>, %arg3: memref<10000x128xi32, #tpu.memory_space<hbm>>, %arg4: memref<320000x64xi32, #tpu.memory_space<hbm>>, %arg5: memref<320000xi32, #tpu.memory_space<hbm>>, %arg6: memref<320000xi32, #tpu.memory_space<hbm>>, %arg7: memref<10000x128xf32, #tpu.memory_space<hbm>>, %arg8: memref<2x10000x128xf32, #tpu.memory_space<hbm>>, %arg9: memref<10000x128xf32, #tpu.memory_space<vmem_shared>>, %arg10: memref<2x40xi32, #tpu.memory_space<vmem>>, %arg11: memref<2x40xi32, #tpu.memory_space<vmem>>, %arg12: memref<2x40x128xf32, #tpu.memory_space<vmem>>, %arg13: memref<2x40x128xi32, #tpu.memory_space<vmem>>, %arg14: memref<2x40x64xi32, #tpu.memory_space<vmem>>, %arg15: memref<40x128xf32, #tpu.memory_space<vmem>>, %arg16: memref<!tpu.dma_semaphore, #tpu.memory_space<semaphore_mem>>, %arg17: memref<!tpu.dma_semaphore, #tpu.memory_space<semaphore_mem>>) attributes {dimension_semantics = [#tpu.dimension_semantics<core_parallel>, #tpu.dimension_semantics<subcore_parallel>], iteration_bounds = array<i64: 2, 16>, scalar_prefetch = 0 : i64, scratch_operands = 9 : i64, tpu.core_type = #tpu.core_type<sc_vector_subcore>, window_params = [{transform_indices = #map}, {transform_indices = #map}, {transform_indices = #map}, {transform_indices = #map1}, {transform_indices = #map1}, {transform_indices = #map}, {transform_indices = #map2}]} {
    %mul3A = arith.constant 2 : i32
    %mul3A_0 = arith.muli %arg1, %mul3A : i32
    %add3A = arith.addi %mul3A_0, %arg0 : i32
    %mul3A_1 = arith.constant 624 : i32
    %mul3A_2 = arith.muli %arg1, %mul3A_1 : i32
    "tpu.region"() ({
      %run_scoped3A = tpu.sem_alloc : memref<!tpu.dma_semaphore, #tpu.memory_space<semaphore_mem>>
      %dma_start3A_120 = arith.constant 0 : i32
      %dma_start3A_121 = tpu.memref_slice %arg9[%mul3A_2, %dma_start3A_120] : memref<10000x128xf32, #tpu.memory_space<vmem_shared>> -> memref<624x128xf32, #tpu.memory_space<vmem_shared>>
      %dma_start3A_122 = arith.constant 0 : i32
      %dma_start3A_123 = tpu.memref_slice %arg7[%mul3A_2, %dma_start3A_122] : memref<10000x128xf32, #tpu.memory_space<hbm>> -> memref<624x128xf32, #tpu.memory_space<hbm>>
      tpu.enqueue_dma source(%dma_start3A_123 : memref<624x128xf32, #tpu.memory_space<hbm>>) target(%dma_start3A_121 : memref<624x128xf32, #tpu.memory_space<vmem_shared>>) target_semaphore(%run_scoped3A : memref<!tpu.dma_semaphore, #tpu.memory_space<semaphore_mem>>)
      %dma_wait3A_124 = arith.constant 0 : i32
      %dma_wait3A_125 = tpu.memref_slice %arg9[%mul3A_2, %dma_wait3A_124] : memref<10000x128xf32, #tpu.memory_space<vmem_shared>> -> memref<624x128xf32, #tpu.memory_space<vmem_shared>>
      %dma_wait3A_126 = arith.constant 0 : i32
      %dma_wait3A_127 = tpu.memref_slice %arg7[%mul3A_2, %dma_wait3A_126] : memref<10000x128xf32, #tpu.memory_space<hbm>> -> memref<624x128xf32, #tpu.memory_space<hbm>>
      tpu.wait_dma2 semaphore(%run_scoped3A : memref<!tpu.dma_semaphore, #tpu.memory_space<semaphore_mem>>) src(%dma_wait3A_127 : memref<624x128xf32, #tpu.memory_space<hbm>>) dst(%dma_wait3A_125 : memref<624x128xf32, #tpu.memory_space<vmem_shared>>)
      tpu.yield
    }) : () -> ()
    %eq3A = arith.constant 15 : i32
    %eq3A_3 = arith.cmpi eq, %arg1, %eq3A : i32
    %convert_element_type3A = arith.extui %eq3A_3 : i1 to i32
    %cond3A = arith.constant 0 : i32
    %cond3A_4 = arith.cmpi ne, %convert_element_type3A, %cond3A : i32
    scf.if %cond3A_4 {
      "tpu.region"() ({
        %run_scoped3A = tpu.sem_alloc : memref<!tpu.dma_semaphore, #tpu.memory_space<semaphore_mem>>
        %dma_start3A_120 = arith.constant 9984 : i32
        %dma_start3A_121 = arith.constant 0 : i32
        %dma_start3A_122 = tpu.memref_slice %arg9[%dma_start3A_120, %dma_start3A_121] : memref<10000x128xf32, #tpu.memory_space<vmem_shared>> -> memref<16x128xf32, #tpu.memory_space<vmem_shared>>
        %dma_start3A_123 = arith.constant 9984 : i32
        %dma_start3A_124 = arith.constant 0 : i32
        %dma_start3A_125 = tpu.memref_slice %arg7[%dma_start3A_123, %dma_start3A_124] : memref<10000x128xf32, #tpu.memory_space<hbm>> -> memref<16x128xf32, #tpu.memory_space<hbm>>
        tpu.enqueue_dma source(%dma_start3A_125 : memref<16x128xf32, #tpu.memory_space<hbm>>) target(%dma_start3A_122 : memref<16x128xf32, #tpu.memory_space<vmem_shared>>) target_semaphore(%run_scoped3A : memref<!tpu.dma_semaphore, #tpu.memory_space<semaphore_mem>>)
        %dma_wait3A_126 = arith.constant 9984 : i32
        %dma_wait3A_127 = arith.constant 0 : i32
        %dma_wait3A_128 = tpu.memref_slice %arg9[%dma_wait3A_126, %dma_wait3A_127] : memref<10000x128xf32, #tpu.memory_space<vmem_shared>> -> memref<16x128xf32, #tpu.memory_space<vmem_shared>>
        %dma_wait3A_129 = arith.constant 9984 : i32
        %dma_wait3A_130 = arith.constant 0 : i32
        %dma_wait3A_131 = tpu.memref_slice %arg7[%dma_wait3A_129, %dma_wait3A_130] : memref<10000x128xf32, #tpu.memory_space<hbm>> -> memref<16x128xf32, #tpu.memory_space<hbm>>
        tpu.wait_dma2 semaphore(%run_scoped3A : memref<!tpu.dma_semaphore, #tpu.memory_space<semaphore_mem>>) src(%dma_wait3A_131 : memref<16x128xf32, #tpu.memory_space<hbm>>) dst(%dma_wait3A_128 : memref<16x128xf32, #tpu.memory_space<vmem_shared>>)
        tpu.yield
      }) : () -> ()
    } else {
    }
    %barrier3A = arith.constant 0 : index
    tpu.barrier barrier_id(%barrier3A)
    %add3A_5 = arith.constant 0 : i32
    %add3A_6 = arith.addi %add3A, %add3A_5 : i32
    %mul3A_7 = arith.constant 40 : i32
    %mul3A_8 = arith.muli %add3A_6, %mul3A_7 : i32
    %dma_start3A = arith.constant 0 : i32
    %dma_start3A_9 = arith.constant 0 : i32
    %dma_start3A_10 = tpu.memref_slice %arg10[%dma_start3A, %dma_start3A_9] : memref<2x40xi32, #tpu.memory_space<vmem>> -> memref<1x40xi32, #tpu.memory_space<vmem>>
    %dma_start3A_11 = tpu.memref_squeeze %dma_start3A_10 : memref<1x40xi32, #tpu.memory_space<vmem>> -> memref<40xi32, #tpu.memory_space<vmem>>
    %dma_start3A_12 = tpu.memref_slice %arg6[%mul3A_8] : memref<320000xi32, #tpu.memory_space<hbm>> -> memref<40xi32, #tpu.memory_space<hbm>>
    %dma_start3A_13 = arith.constant 0 : i32
    %dma_start3A_14 = tpu.memref_slice %arg10[%dma_start3A, %dma_start3A_13] : memref<2x40xi32, #tpu.memory_space<vmem>> -> memref<1x40xi32, #tpu.memory_space<vmem>>
    %dma_start3A_15 = tpu.memref_squeeze %dma_start3A_14 : memref<1x40xi32, #tpu.memory_space<vmem>> -> memref<40xi32, #tpu.memory_space<vmem>>
    %dma_start3A_16 = tpu.memref_slice %arg6[%mul3A_8] : memref<320000xi32, #tpu.memory_space<hbm>> -> memref<40xi32, #tpu.memory_space<hbm>>
    tpu.enqueue_dma source(%dma_start3A_16 : memref<40xi32, #tpu.memory_space<hbm>>) target(%dma_start3A_15 : memref<40xi32, #tpu.memory_space<vmem>>) target_semaphore(%arg16 : memref<!tpu.dma_semaphore, #tpu.memory_space<semaphore_mem>>)
    %dma_start3A_17 = arith.constant 0 : i32
    %dma_start3A_18 = arith.constant 0 : i32
    %dma_start3A_19 = tpu.memref_slice %arg11[%dma_start3A_17, %dma_start3A_18] : memref<2x40xi32, #tpu.memory_space<vmem>> -> memref<1x40xi32, #tpu.memory_space<vmem>>
    %dma_start3A_20 = tpu.memref_squeeze %dma_start3A_19 : memref<1x40xi32, #tpu.memory_space<vmem>> -> memref<40xi32, #tpu.memory_space<vmem>>
    %dma_start3A_21 = tpu.memref_slice %arg5[%mul3A_8] : memref<320000xi32, #tpu.memory_space<hbm>> -> memref<40xi32, #tpu.memory_space<hbm>>
    %dma_start3A_22 = arith.constant 0 : i32
    %dma_start3A_23 = tpu.memref_slice %arg11[%dma_start3A_17, %dma_start3A_22] : memref<2x40xi32, #tpu.memory_space<vmem>> -> memref<1x40xi32, #tpu.memory_space<vmem>>
    %dma_start3A_24 = tpu.memref_squeeze %dma_start3A_23 : memref<1x40xi32, #tpu.memory_space<vmem>> -> memref<40xi32, #tpu.memory_space<vmem>>
    %dma_start3A_25 = tpu.memref_slice %arg5[%mul3A_8] : memref<320000xi32, #tpu.memory_space<hbm>> -> memref<40xi32, #tpu.memory_space<hbm>>
    tpu.enqueue_dma source(%dma_start3A_25 : memref<40xi32, #tpu.memory_space<hbm>>) target(%dma_start3A_24 : memref<40xi32, #tpu.memory_space<vmem>>) target_semaphore(%arg16 : memref<!tpu.dma_semaphore, #tpu.memory_space<semaphore_mem>>)
    %add3A_26 = arith.constant 32 : i32
    %add3A_27 = arith.addi %add3A, %add3A_26 : i32
    %mul3A_28 = arith.constant 40 : i32
    %mul3A_29 = arith.muli %add3A_27, %mul3A_28 : i32
    %dma_start3A_30 = arith.constant 1 : i32
    %dma_start3A_31 = arith.constant 0 : i32
    %dma_start3A_32 = tpu.memref_slice %arg10[%dma_start3A_30, %dma_start3A_31] : memref<2x40xi32, #tpu.memory_space<vmem>> -> memref<1x40xi32, #tpu.memory_space<vmem>>
    %dma_start3A_33 = tpu.memref_squeeze %dma_start3A_32 : memref<1x40xi32, #tpu.memory_space<vmem>> -> memref<40xi32, #tpu.memory_space<vmem>>
    %dma_start3A_34 = tpu.memref_slice %arg6[%mul3A_29] : memref<320000xi32, #tpu.memory_space<hbm>> -> memref<40xi32, #tpu.memory_space<hbm>>
    %dma_start3A_35 = arith.constant 0 : i32
    %dma_start3A_36 = tpu.memref_slice %arg10[%dma_start3A_30, %dma_start3A_35] : memref<2x40xi32, #tpu.memory_space<vmem>> -> memref<1x40xi32, #tpu.memory_space<vmem>>
    %dma_start3A_37 = tpu.memref_squeeze %dma_start3A_36 : memref<1x40xi32, #tpu.memory_space<vmem>> -> memref<40xi32, #tpu.memory_space<vmem>>
    %dma_start3A_38 = tpu.memref_slice %arg6[%mul3A_29] : memref<320000xi32, #tpu.memory_space<hbm>> -> memref<40xi32, #tpu.memory_space<hbm>>
    tpu.enqueue_dma source(%dma_start3A_38 : memref<40xi32, #tpu.memory_space<hbm>>) target(%dma_start3A_37 : memref<40xi32, #tpu.memory_space<vmem>>) target_semaphore(%arg16 : memref<!tpu.dma_semaphore, #tpu.memory_space<semaphore_mem>>)
    %dma_start3A_39 = arith.constant 1 : i32
    %dma_start3A_40 = arith.constant 0 : i32
    %dma_start3A_41 = tpu.memref_slice %arg11[%dma_start3A_39, %dma_start3A_40] : memref<2x40xi32, #tpu.memory_space<vmem>> -> memref<1x40xi32, #tpu.memory_space<vmem>>
    %dma_start3A_42 = tpu.memref_squeeze %dma_start3A_41 : memref<1x40xi32, #tpu.memory_space<vmem>> -> memref<40xi32, #tpu.memory_space<vmem>>
    %dma_start3A_43 = tpu.memref_slice %arg5[%mul3A_29] : memref<320000xi32, #tpu.memory_space<hbm>> -> memref<40xi32, #tpu.memory_space<hbm>>
    %dma_start3A_44 = arith.constant 0 : i32
    %dma_start3A_45 = tpu.memref_slice %arg11[%dma_start3A_39, %dma_start3A_44] : memref<2x40xi32, #tpu.memory_space<vmem>> -> memref<1x40xi32, #tpu.memory_space<vmem>>
    %dma_start3A_46 = tpu.memref_squeeze %dma_start3A_45 : memref<1x40xi32, #tpu.memory_space<vmem>> -> memref<40xi32, #tpu.memory_space<vmem>>
    %dma_start3A_47 = tpu.memref_slice %arg5[%mul3A_29] : memref<320000xi32, #tpu.memory_space<hbm>> -> memref<40xi32, #tpu.memory_space<hbm>>
    tpu.enqueue_dma source(%dma_start3A_47 : memref<40xi32, #tpu.memory_space<hbm>>) target(%dma_start3A_46 : memref<40xi32, #tpu.memory_space<vmem>>) target_semaphore(%arg16 : memref<!tpu.dma_semaphore, #tpu.memory_space<semaphore_mem>>)
    %add3A_48 = arith.constant 0 : i32
    %add3A_49 = arith.addi %add3A, %add3A_48 : i32
    %mul3A_50 = arith.constant 40 : i32
    %mul3A_51 = arith.muli %add3A_49, %mul3A_50 : i32
    %dma_wait3A = arith.constant 0 : i32
    %dma_wait3A_52 = arith.constant 0 : i32
    %dma_wait3A_53 = tpu.memref_slice %arg10[%dma_wait3A, %dma_wait3A_52] : memref<2x40xi32, #tpu.memory_space<vmem>> -> memref<1x40xi32, #tpu.memory_space<vmem>>
    %dma_wait3A_54 = tpu.memref_squeeze %dma_wait3A_53 : memref<1x40xi32, #tpu.memory_space<vmem>> -> memref<40xi32, #tpu.memory_space<vmem>>
    %dma_wait3A_55 = tpu.memref_slice %arg6[%mul3A_51] : memref<320000xi32, #tpu.memory_space<hbm>> -> memref<40xi32, #tpu.memory_space<hbm>>
    %dma_wait3A_56 = arith.constant 0 : i32
    %dma_wait3A_57 = tpu.memref_slice %arg10[%dma_wait3A, %dma_wait3A_56] : memref<2x40xi32, #tpu.memory_space<vmem>> -> memref<1x40xi32, #tpu.memory_space<vmem>>
    %dma_wait3A_58 = tpu.memref_squeeze %dma_wait3A_57 : memref<1x40xi32, #tpu.memory_space<vmem>> -> memref<40xi32, #tpu.memory_space<vmem>>
    %dma_wait3A_59 = tpu.memref_slice %arg6[%mul3A_51] : memref<320000xi32, #tpu.memory_space<hbm>> -> memref<40xi32, #tpu.memory_space<hbm>>
    tpu.wait_dma2 semaphore(%arg16 : memref<!tpu.dma_semaphore, #tpu.memory_space<semaphore_mem>>) src(%dma_wait3A_59 : memref<40xi32, #tpu.memory_space<hbm>>) dst(%dma_wait3A_58 : memref<40xi32, #tpu.memory_space<vmem>>)
    %dma_wait3A_60 = arith.constant 0 : i32
    %dma_wait3A_61 = arith.constant 0 : i32
    %dma_wait3A_62 = tpu.memref_slice %arg11[%dma_wait3A_60, %dma_wait3A_61] : memref<2x40xi32, #tpu.memory_space<vmem>> -> memref<1x40xi32, #tpu.memory_space<vmem>>
    %dma_wait3A_63 = tpu.memref_squeeze %dma_wait3A_62 : memref<1x40xi32, #tpu.memory_space<vmem>> -> memref<40xi32, #tpu.memory_space<vmem>>
    %dma_wait3A_64 = tpu.memref_slice %arg5[%mul3A_51] : memref<320000xi32, #tpu.memory_space<hbm>> -> memref<40xi32, #tpu.memory_space<hbm>>
    %dma_wait3A_65 = arith.constant 0 : i32
    %dma_wait3A_66 = tpu.memref_slice %arg11[%dma_wait3A_60, %dma_wait3A_65] : memref<2x40xi32, #tpu.memory_space<vmem>> -> memref<1x40xi32, #tpu.memory_space<vmem>>
    %dma_wait3A_67 = tpu.memref_squeeze %dma_wait3A_66 : memref<1x40xi32, #tpu.memory_space<vmem>> -> memref<40xi32, #tpu.memory_space<vmem>>
    %dma_wait3A_68 = tpu.memref_slice %arg5[%mul3A_51] : memref<320000xi32, #tpu.memory_space<hbm>> -> memref<40xi32, #tpu.memory_space<hbm>>
    tpu.wait_dma2 semaphore(%arg16 : memref<!tpu.dma_semaphore, #tpu.memory_space<semaphore_mem>>) src(%dma_wait3A_68 : memref<40xi32, #tpu.memory_space<hbm>>) dst(%dma_wait3A_67 : memref<40xi32, #tpu.memory_space<vmem>>)
    %add3A_69 = arith.constant 0 : i32
    %add3A_70 = arith.addi %add3A, %add3A_69 : i32
    %mul3A_71 = arith.constant 40 : i32
    %mul3A_72 = arith.muli %add3A_70, %mul3A_71 : i32
    %dma_start3A_73 = arith.constant 0 : i32
    %dma_start3A_74 = arith.constant 0 : i32
    %dma_start3A_75 = arith.constant 0 : i32
    %dma_start3A_76 = arith.constant 0 : i32
    %dma_start3A_77 = tpu.memref_slice %arg12[%dma_start3A_74, %dma_start3A_75, %dma_start3A_76] : memref<2x40x128xf32, #tpu.memory_space<vmem>> -> memref<1x40x128xf32, #tpu.memory_space<vmem>>
    %dma_start3A_78 = tpu.memref_squeeze %dma_start3A_77 : memref<1x40x128xf32, #tpu.memory_space<vmem>> -> memref<40x128xf32, #tpu.memory_space<vmem>>
    %dma_start3A_79 = arith.constant 0 : i32
    %dma_start3A_80 = tpu.memref_slice %arg10[%dma_start3A_73, %dma_start3A_79] : memref<2x40xi32, #tpu.memory_space<vmem>> -> memref<1x40xi32, #tpu.memory_space<vmem>>
    %dma_start3A_81 = tpu.memref_squeeze %dma_start3A_80 : memref<1x40xi32, #tpu.memory_space<vmem>> -> memref<40xi32, #tpu.memory_space<vmem>>
    %dma_start3A_82 = arith.constant 0 : i32
    %dma_start3A_83 = arith.constant 0 : i32
    %dma_start3A_84 = tpu.memref_slice %arg2[%dma_start3A_82, %dma_start3A_83] : memref<10000x128xf32, #tpu.memory_space<hbm>> -> memref<10000x128xf32, #tpu.memory_space<hbm>>
    tpu.enqueue_indirect_dma source(%dma_start3A_84 : memref<10000x128xf32, #tpu.memory_space<hbm>>) target(%dma_start3A_78 : memref<40x128xf32, #tpu.memory_space<vmem>>) offsets(%dma_start3A_81 : memref<40xi32, #tpu.memory_space<vmem>>) semaphore(%arg17 : memref<!tpu.dma_semaphore, #tpu.memory_space<semaphore_mem>>)
    %dma_start3A_85 = arith.constant 0 : i32
    %dma_start3A_86 = arith.constant 0 : i32
    %dma_start3A_87 = arith.constant 0 : i32
    %dma_start3A_88 = arith.constant 0 : i32
    %dma_start3A_89 = tpu.memref_slice %arg13[%dma_start3A_86, %dma_start3A_87, %dma_start3A_88] : memref<2x40x128xi32, #tpu.memory_space<vmem>> -> memref<1x40x128xi32, #tpu.memory_space<vmem>>
    %dma_start3A_90 = tpu.memref_squeeze %dma_start3A_89 : memref<1x40x128xi32, #tpu.memory_space<vmem>> -> memref<40x128xi32, #tpu.memory_space<vmem>>
    %dma_start3A_91 = arith.constant 0 : i32
    %dma_start3A_92 = tpu.memref_slice %arg11[%dma_start3A_85, %dma_start3A_91] : memref<2x40xi32, #tpu.memory_space<vmem>> -> memref<1x40xi32, #tpu.memory_space<vmem>>
    %dma_start3A_93 = tpu.memref_squeeze %dma_start3A_92 : memref<1x40xi32, #tpu.memory_space<vmem>> -> memref<40xi32, #tpu.memory_space<vmem>>
    %dma_start3A_94 = arith.constant 0 : i32
    %dma_start3A_95 = arith.constant 0 : i32
    %dma_start3A_96 = tpu.memref_slice %arg3[%dma_start3A_94, %dma_start3A_95] : memref<10000x128xi32, #tpu.memory_space<hbm>> -> memref<10000x128xi32, #tpu.memory_space<hbm>>
    tpu.enqueue_indirect_dma source(%dma_start3A_96 : memref<10000x128xi32, #tpu.memory_space<hbm>>) target(%dma_start3A_90 : memref<40x128xi32, #tpu.memory_space<vmem>>) offsets(%dma_start3A_93 : memref<40xi32, #tpu.memory_space<vmem>>) semaphore(%arg17 : memref<!tpu.dma_semaphore, #tpu.memory_space<semaphore_mem>>)
    %dma_start3A_97 = arith.constant 0 : i32
    %dma_start3A_98 = arith.constant 0 : i32
    %dma_start3A_99 = arith.constant 0 : i32
    %dma_start3A_100 = tpu.memref_slice %arg14[%dma_start3A_97, %dma_start3A_98, %dma_start3A_99] : memref<2x40x64xi32, #tpu.memory_space<vmem>> -> memref<1x40x64xi32, #tpu.memory_space<vmem>>
    %dma_start3A_101 = tpu.memref_squeeze %dma_start3A_100 : memref<1x40x64xi32, #tpu.memory_space<vmem>> -> memref<40x64xi32, #tpu.memory_space<vmem>>
    %dma_start3A_102 = arith.constant 0 : i32
    %dma_start3A_103 = tpu.memref_slice %arg4[%mul3A_72, %dma_start3A_102] : memref<320000x64xi32, #tpu.memory_space<hbm>> -> memref<40x64xi32, #tpu.memory_space<hbm>>
    %dma_start3A_104 = arith.constant 0 : i32
    %dma_start3A_105 = arith.constant 0 : i32
    %dma_start3A_106 = tpu.memref_slice %arg14[%dma_start3A_97, %dma_start3A_104, %dma_start3A_105] : memref<2x40x64xi32, #tpu.memory_space<vmem>> -> memref<1x40x64xi32, #tpu.memory_space<vmem>>
    %dma_start3A_107 = tpu.memref_squeeze %dma_start3A_106 : memref<1x40x64xi32, #tpu.memory_space<vmem>> -> memref<40x64xi32, #tpu.memory_space<vmem>>
    %dma_start3A_108 = arith.constant 0 : i32
    %dma_start3A_109 = tpu.memref_slice %arg4[%mul3A_72, %dma_start3A_108] : memref<320000x64xi32, #tpu.memory_space<hbm>> -> memref<40x64xi32, #tpu.memory_space<hbm>>
    tpu.enqueue_dma source(%dma_start3A_109 : memref<40x64xi32, #tpu.memory_space<hbm>>) target(%dma_start3A_107 : memref<40x64xi32, #tpu.memory_space<vmem>>) target_semaphore(%arg17 : memref<!tpu.dma_semaphore, #tpu.memory_space<semaphore_mem>>)
    %scan3A = arith.constant 0 : i32
    %scan3A_110 = arith.constant 125 : i32
    %scan3A_111 = arith.addi %scan3A, %scan3A_110 : i32
    %scan3A_112 = arith.constant 1 : i32
    scf.for %scan3A_120 = %scan3A to %scan3A_111 step %scan3A_112  : i32 {
      %mul3A_121 = arith.constant 1 : i32
      %mul3A_122 = arith.muli %scan3A_120, %mul3A_121 : i32
      %add3A_123 = arith.constant 0 : i32
      %add3A_124 = arith.addi %add3A_123, %mul3A_122 : i32
      %mul3A_125 = arith.constant 2 : i32
      %mul3A_126 = arith.muli %add3A_124, %mul3A_125 : i32
      %add3A_127 = arith.constant 1 : i32
      %add3A_128 = arith.addi %mul3A_126, %add3A_127 : i32
      %mul3A_129 = arith.constant 32 : i32
      %mul3A_130 = arith.muli %add3A_128, %mul3A_129 : i32
      %add3A_131 = arith.addi %add3A, %mul3A_130 : i32
      %mul3A_132 = arith.constant 40 : i32
      %mul3A_133 = arith.muli %add3A_131, %mul3A_132 : i32
      %dma_wait3A_134 = arith.constant 1 : i32
      %dma_wait3A_135 = arith.constant 0 : i32
      %dma_wait3A_136 = tpu.memref_slice %arg10[%dma_wait3A_134, %dma_wait3A_135] : memref<2x40xi32, #tpu.memory_space<vmem>> -> memref<1x40xi32, #tpu.memory_space<vmem>>
      %dma_wait3A_137 = tpu.memref_squeeze %dma_wait3A_136 : memref<1x40xi32, #tpu.memory_space<vmem>> -> memref<40xi32, #tpu.memory_space<vmem>>
      %dma_wait3A_138 = tpu.memref_slice %arg6[%mul3A_133] : memref<320000xi32, #tpu.memory_space<hbm>> -> memref<40xi32, #tpu.memory_space<hbm>>
      %dma_wait3A_139 = arith.constant 0 : i32
      %dma_wait3A_140 = tpu.memref_slice %arg10[%dma_wait3A_134, %dma_wait3A_139] : memref<2x40xi32, #tpu.memory_space<vmem>> -> memref<1x40xi32, #tpu.memory_space<vmem>>
      %dma_wait3A_141 = tpu.memref_squeeze %dma_wait3A_140 : memref<1x40xi32, #tpu.memory_space<vmem>> -> memref<40xi32, #tpu.memory_space<vmem>>
      %dma_wait3A_142 = tpu.memref_slice %arg6[%mul3A_133] : memref<320000xi32, #tpu.memory_space<hbm>> -> memref<40xi32, #tpu.memory_space<hbm>>
      tpu.wait_dma2 semaphore(%arg16 : memref<!tpu.dma_semaphore, #tpu.memory_space<semaphore_mem>>) src(%dma_wait3A_142 : memref<40xi32, #tpu.memory_space<hbm>>) dst(%dma_wait3A_141 : memref<40xi32, #tpu.memory_space<vmem>>)
      %dma_wait3A_143 = arith.constant 1 : i32
      %dma_wait3A_144 = arith.constant 0 : i32
      %dma_wait3A_145 = tpu.memref_slice %arg11[%dma_wait3A_143, %dma_wait3A_144] : memref<2x40xi32, #tpu.memory_space<vmem>> -> memref<1x40xi32, #tpu.memory_space<vmem>>
      %dma_wait3A_146 = tpu.memref_squeeze %dma_wait3A_145 : memref<1x40xi32, #tpu.memory_space<vmem>> -> memref<40xi32, #tpu.memory_space<vmem>>
      %dma_wait3A_147 = tpu.memref_slice %arg5[%mul3A_133] : memref<320000xi32, #tpu.memory_space<hbm>> -> memref<40xi32, #tpu.memory_space<hbm>>
      %dma_wait3A_148 = arith.constant 0 : i32
      %dma_wait3A_149 = tpu.memref_slice %arg11[%dma_wait3A_143, %dma_wait3A_148] : memref<2x40xi32, #tpu.memory_space<vmem>> -> memref<1x40xi32, #tpu.memory_space<vmem>>
      %dma_wait3A_150 = tpu.memref_squeeze %dma_wait3A_149 : memref<1x40xi32, #tpu.memory_space<vmem>> -> memref<40xi32, #tpu.memory_space<vmem>>
      %dma_wait3A_151 = tpu.memref_slice %arg5[%mul3A_133] : memref<320000xi32, #tpu.memory_space<hbm>> -> memref<40xi32, #tpu.memory_space<hbm>>
      tpu.wait_dma2 semaphore(%arg16 : memref<!tpu.dma_semaphore, #tpu.memory_space<semaphore_mem>>) src(%dma_wait3A_151 : memref<40xi32, #tpu.memory_space<hbm>>) dst(%dma_wait3A_150 : memref<40xi32, #tpu.memory_space<vmem>>)
      %add3A_152 = arith.constant 1 : i32
      %add3A_153 = arith.addi %mul3A_126, %add3A_152 : i32
      %mul3A_154 = arith.constant 32 : i32
      %mul3A_155 = arith.muli %add3A_153, %mul3A_154 : i32
      %add3A_156 = arith.addi %add3A, %mul3A_155 : i32
      %mul3A_157 = arith.constant 40 : i32
      %mul3A_158 = arith.muli %add3A_156, %mul3A_157 : i32
      %dma_start3A_159 = arith.constant 1 : i32
      %dma_start3A_160 = arith.constant 1 : i32
      %dma_start3A_161 = arith.constant 0 : i32
      %dma_start3A_162 = arith.constant 0 : i32
      %dma_start3A_163 = tpu.memref_slice %arg12[%dma_start3A_160, %dma_start3A_161, %dma_start3A_162] : memref<2x40x128xf32, #tpu.memory_space<vmem>> -> memref<1x40x128xf32, #tpu.memory_space<vmem>>
      %dma_start3A_164 = tpu.memref_squeeze %dma_start3A_163 : memref<1x40x128xf32, #tpu.memory_space<vmem>> -> memref<40x128xf32, #tpu.memory_space<vmem>>
      %dma_start3A_165 = arith.constant 0 : i32
      %dma_start3A_166 = tpu.memref_slice %arg10[%dma_start3A_159, %dma_start3A_165] : memref<2x40xi32, #tpu.memory_space<vmem>> -> memref<1x40xi32, #tpu.memory_space<vmem>>
      %dma_start3A_167 = tpu.memref_squeeze %dma_start3A_166 : memref<1x40xi32, #tpu.memory_space<vmem>> -> memref<40xi32, #tpu.memory_space<vmem>>
      %dma_start3A_168 = arith.constant 0 : i32
      %dma_start3A_169 = arith.constant 0 : i32
      %dma_start3A_170 = tpu.memref_slice %arg2[%dma_start3A_168, %dma_start3A_169] : memref<10000x128xf32, #tpu.memory_space<hbm>> -> memref<10000x128xf32, #tpu.memory_space<hbm>>
      tpu.enqueue_indirect_dma source(%dma_start3A_170 : memref<10000x128xf32, #tpu.memory_space<hbm>>) target(%dma_start3A_164 : memref<40x128xf32, #tpu.memory_space<vmem>>) offsets(%dma_start3A_167 : memref<40xi32, #tpu.memory_space<vmem>>) semaphore(%arg17 : memref<!tpu.dma_semaphore, #tpu.memory_space<semaphore_mem>>)
      %dma_start3A_171 = arith.constant 1 : i32
      %dma_start3A_172 = arith.constant 1 : i32
      %dma_start3A_173 = arith.constant 0 : i32
      %dma_start3A_174 = arith.constant 0 : i32
      %dma_start3A_175 = tpu.memref_slice %arg13[%dma_start3A_172, %dma_start3A_173, %dma_start3A_174] : memref<2x40x128xi32, #tpu.memory_space<vmem>> -> memref<1x40x128xi32, #tpu.memory_space<vmem>>
      %dma_start3A_176 = tpu.memref_squeeze %dma_start3A_175 : memref<1x40x128xi32, #tpu.memory_space<vmem>> -> memref<40x128xi32, #tpu.memory_space<vmem>>
      %dma_start3A_177 = arith.constant 0 : i32
      %dma_start3A_178 = tpu.memref_slice %arg11[%dma_start3A_171, %dma_start3A_177] : memref<2x40xi32, #tpu.memory_space<vmem>> -> memref<1x40xi32, #tpu.memory_space<vmem>>
      %dma_start3A_179 = tpu.memref_squeeze %dma_start3A_178 : memref<1x40xi32, #tpu.memory_space<vmem>> -> memref<40xi32, #tpu.memory_space<vmem>>
      %dma_start3A_180 = arith.constant 0 : i32
      %dma_start3A_181 = arith.constant 0 : i32
      %dma_start3A_182 = tpu.memref_slice %arg3[%dma_start3A_180, %dma_start3A_181] : memref<10000x128xi32, #tpu.memory_space<hbm>> -> memref<10000x128xi32, #tpu.memory_space<hbm>>
      tpu.enqueue_indirect_dma source(%dma_start3A_182 : memref<10000x128xi32, #tpu.memory_space<hbm>>) target(%dma_start3A_176 : memref<40x128xi32, #tpu.memory_space<vmem>>) offsets(%dma_start3A_179 : memref<40xi32, #tpu.memory_space<vmem>>) semaphore(%arg17 : memref<!tpu.dma_semaphore, #tpu.memory_space<semaphore_mem>>)
      %dma_start3A_183 = arith.constant 1 : i32
      %dma_start3A_184 = arith.constant 0 : i32
      %dma_start3A_185 = arith.constant 0 : i32
      %dma_start3A_186 = tpu.memref_slice %arg14[%dma_start3A_183, %dma_start3A_184, %dma_start3A_185] : memref<2x40x64xi32, #tpu.memory_space<vmem>> -> memref<1x40x64xi32, #tpu.memory_space<vmem>>
      %dma_start3A_187 = tpu.memref_squeeze %dma_start3A_186 : memref<1x40x64xi32, #tpu.memory_space<vmem>> -> memref<40x64xi32, #tpu.memory_space<vmem>>
      %dma_start3A_188 = arith.constant 0 : i32
      %dma_start3A_189 = tpu.memref_slice %arg4[%mul3A_158, %dma_start3A_188] : memref<320000x64xi32, #tpu.memory_space<hbm>> -> memref<40x64xi32, #tpu.memory_space<hbm>>
      %dma_start3A_190 = arith.constant 0 : i32
      %dma_start3A_191 = arith.constant 0 : i32
      %dma_start3A_192 = tpu.memref_slice %arg14[%dma_start3A_183, %dma_start3A_190, %dma_start3A_191] : memref<2x40x64xi32, #tpu.memory_space<vmem>> -> memref<1x40x64xi32, #tpu.memory_space<vmem>>
      %dma_start3A_193 = tpu.memref_squeeze %dma_start3A_192 : memref<1x40x64xi32, #tpu.memory_space<vmem>> -> memref<40x64xi32, #tpu.memory_space<vmem>>
      %dma_start3A_194 = arith.constant 0 : i32
      %dma_start3A_195 = tpu.memref_slice %arg4[%mul3A_158, %dma_start3A_194] : memref<320000x64xi32, #tpu.memory_space<hbm>> -> memref<40x64xi32, #tpu.memory_space<hbm>>
      tpu.enqueue_dma source(%dma_start3A_195 : memref<40x64xi32, #tpu.memory_space<hbm>>) target(%dma_start3A_193 : memref<40x64xi32, #tpu.memory_space<vmem>>) target_semaphore(%arg17 : memref<!tpu.dma_semaphore, #tpu.memory_space<semaphore_mem>>)
      %mul3A_196 = arith.constant 32 : i32
      %mul3A_197 = arith.muli %mul3A_126, %mul3A_196 : i32
      %add3A_198 = arith.addi %add3A, %mul3A_197 : i32
      %mul3A_199 = arith.constant 40 : i32
      %mul3A_200 = arith.muli %add3A_198, %mul3A_199 : i32
      %dma_wait3A_201 = arith.constant 0 : i32
      %dma_wait3A_202 = arith.constant 0 : i32
      %dma_wait3A_203 = arith.constant 0 : i32
      %dma_wait3A_204 = arith.constant 0 : i32
      %dma_wait3A_205 = tpu.memref_slice %arg12[%dma_wait3A_202, %dma_wait3A_203, %dma_wait3A_204] : memref<2x40x128xf32, #tpu.memory_space<vmem>> -> memref<1x40x128xf32, #tpu.memory_space<vmem>>
      %dma_wait3A_206 = tpu.memref_squeeze %dma_wait3A_205 : memref<1x40x128xf32, #tpu.memory_space<vmem>> -> memref<40x128xf32, #tpu.memory_space<vmem>>
      %dma_wait3A_207 = arith.constant 0 : i32
      %dma_wait3A_208 = tpu.memref_slice %arg10[%dma_wait3A_201, %dma_wait3A_207] : memref<2x40xi32, #tpu.memory_space<vmem>> -> memref<1x40xi32, #tpu.memory_space<vmem>>
      %dma_wait3A_209 = tpu.memref_squeeze %dma_wait3A_208 : memref<1x40xi32, #tpu.memory_space<vmem>> -> memref<40xi32, #tpu.memory_space<vmem>>
      %dma_wait3A_210 = arith.constant 0 : i32
      %dma_wait3A_211 = arith.constant 0 : i32
      %dma_wait3A_212 = tpu.memref_slice %arg2[%dma_wait3A_210, %dma_wait3A_211] : memref<10000x128xf32, #tpu.memory_space<hbm>> -> memref<10000x128xf32, #tpu.memory_space<hbm>>
      tpu.wait_indirect_dma semaphore(%arg17 : memref<!tpu.dma_semaphore, #tpu.memory_space<semaphore_mem>>) src(%dma_wait3A_212 : memref<10000x128xf32, #tpu.memory_space<hbm>>) dst(%dma_wait3A_206 : memref<40x128xf32, #tpu.memory_space<vmem>>)
      %dma_wait3A_213 = arith.constant 0 : i32
      %dma_wait3A_214 = arith.constant 0 : i32
      %dma_wait3A_215 = arith.constant 0 : i32
      %dma_wait3A_216 = arith.constant 0 : i32
      %dma_wait3A_217 = tpu.memref_slice %arg13[%dma_wait3A_214, %dma_wait3A_215, %dma_wait3A_216] : memref<2x40x128xi32, #tpu.memory_space<vmem>> -> memref<1x40x128xi32, #tpu.memory_space<vmem>>
      %dma_wait3A_218 = tpu.memref_squeeze %dma_wait3A_217 : memref<1x40x128xi32, #tpu.memory_space<vmem>> -> memref<40x128xi32, #tpu.memory_space<vmem>>
      %dma_wait3A_219 = arith.constant 0 : i32
      %dma_wait3A_220 = tpu.memref_slice %arg11[%dma_wait3A_213, %dma_wait3A_219] : memref<2x40xi32, #tpu.memory_space<vmem>> -> memref<1x40xi32, #tpu.memory_space<vmem>>
      %dma_wait3A_221 = tpu.memref_squeeze %dma_wait3A_220 : memref<1x40xi32, #tpu.memory_space<vmem>> -> memref<40xi32, #tpu.memory_space<vmem>>
      %dma_wait3A_222 = arith.constant 0 : i32
      %dma_wait3A_223 = arith.constant 0 : i32
      %dma_wait3A_224 = tpu.memref_slice %arg3[%dma_wait3A_222, %dma_wait3A_223] : memref<10000x128xi32, #tpu.memory_space<hbm>> -> memref<10000x128xi32, #tpu.memory_space<hbm>>
      tpu.wait_indirect_dma semaphore(%arg17 : memref<!tpu.dma_semaphore, #tpu.memory_space<semaphore_mem>>) src(%dma_wait3A_224 : memref<10000x128xi32, #tpu.memory_space<hbm>>) dst(%dma_wait3A_218 : memref<40x128xi32, #tpu.memory_space<vmem>>)
      %dma_wait3A_225 = arith.constant 0 : i32
      %dma_wait3A_226 = arith.constant 0 : i32
      %dma_wait3A_227 = arith.constant 0 : i32
      %dma_wait3A_228 = tpu.memref_slice %arg14[%dma_wait3A_225, %dma_wait3A_226, %dma_wait3A_227] : memref<2x40x64xi32, #tpu.memory_space<vmem>> -> memref<1x40x64xi32, #tpu.memory_space<vmem>>
      %dma_wait3A_229 = tpu.memref_squeeze %dma_wait3A_228 : memref<1x40x64xi32, #tpu.memory_space<vmem>> -> memref<40x64xi32, #tpu.memory_space<vmem>>
      %dma_wait3A_230 = arith.constant 0 : i32
      %dma_wait3A_231 = tpu.memref_slice %arg4[%mul3A_200, %dma_wait3A_230] : memref<320000x64xi32, #tpu.memory_space<hbm>> -> memref<40x64xi32, #tpu.memory_space<hbm>>
      %dma_wait3A_232 = arith.constant 0 : i32
      %dma_wait3A_233 = arith.constant 0 : i32
      %dma_wait3A_234 = tpu.memref_slice %arg14[%dma_wait3A_225, %dma_wait3A_232, %dma_wait3A_233] : memref<2x40x64xi32, #tpu.memory_space<vmem>> -> memref<1x40x64xi32, #tpu.memory_space<vmem>>
      %dma_wait3A_235 = tpu.memref_squeeze %dma_wait3A_234 : memref<1x40x64xi32, #tpu.memory_space<vmem>> -> memref<40x64xi32, #tpu.memory_space<vmem>>
      %dma_wait3A_236 = arith.constant 0 : i32
      %dma_wait3A_237 = tpu.memref_slice %arg4[%mul3A_200, %dma_wait3A_236] : memref<320000x64xi32, #tpu.memory_space<hbm>> -> memref<40x64xi32, #tpu.memory_space<hbm>>
      tpu.wait_dma2 semaphore(%arg17 : memref<!tpu.dma_semaphore, #tpu.memory_space<semaphore_mem>>) src(%dma_wait3A_237 : memref<40x64xi32, #tpu.memory_space<hbm>>) dst(%dma_wait3A_235 : memref<40x64xi32, #tpu.memory_space<vmem>>)
      %scan3A_238 = arith.constant 0 : i32
      %scan3A_239 = arith.constant 40 : i32
      %scan3A_240 = arith.addi %scan3A_238, %scan3A_239 : i32
      %scan3A_241 = arith.constant 1 : i32
      scf.for %scan3A_313 = %scan3A_238 to %scan3A_240 step %scan3A_241  : i32 {
        %mul3A_314 = arith.constant 1 : i32
        %mul3A_315 = arith.muli %scan3A_313, %mul3A_314 : i32
        %add3A_316 = arith.constant 0 : i32
        %add3A_317 = arith.addi %add3A_316, %mul3A_315 : i32
        %get3A = arith.constant 0 : i32
        %get3A_318 = arith.index_cast %get3A : i32 to index
        %get3A_319 = arith.index_cast %add3A_317 : i32 to index
        %get3A_320 = arith.constant 0 : index
        %get3A_321 = tpu.vector_load %arg13[%get3A_318, %get3A_319, %get3A_320] {strides = array<i32>} : memref<2x40x128xi32, #tpu.memory_space<vmem>>, vector<16xi32>,
        %bitcast3A = vector.bitcast %get3A_321 : vector<16xi32> to vector<32xbf16>
        %unpack3A = tpu.unpack_subelements %bitcast3A, 0 {pack_format = #tpu.pack_format<interleaved>} : vector<32xbf16> -> vector<16xf32>
        %unpack3A_322 = tpu.unpack_subelements %bitcast3A, 1 {pack_format = #tpu.pack_format<interleaved>} : vector<32xbf16> -> vector<16xf32>
        %get3A_323 = arith.constant 0 : i32
        %get3A_324 = arith.index_cast %get3A_323 : i32 to index
        %get3A_325 = arith.index_cast %add3A_317 : i32 to index
        %get3A_326 = arith.constant 64 : index
        %get3A_327 = tpu.vector_load %arg13[%get3A_324, %get3A_325, %get3A_326] {strides = array<i32>} : memref<2x40x128xi32, #tpu.memory_space<vmem>>, vector<16xi32>,
        %bitcast3A_328 = vector.bitcast %get3A_327 : vector<16xi32> to vector<32xbf16>
        %unpack3A_329 = tpu.unpack_subelements %bitcast3A_328, 0 {pack_format = #tpu.pack_format<interleaved>} : vector<32xbf16> -> vector<16xf32>
        %unpack3A_330 = tpu.unpack_subelements %bitcast3A_328, 1 {pack_format = #tpu.pack_format<interleaved>} : vector<32xbf16> -> vector<16xf32>
        %get3A_331 = arith.constant 0 : i32
        %get3A_332 = arith.index_cast %get3A_331 : i32 to index
        %get3A_333 = arith.index_cast %add3A_317 : i32 to index
        %get3A_334 = arith.constant 0 : index
        %get3A_335 = tpu.vector_load %arg14[%get3A_332, %get3A_333, %get3A_334] {strides = array<i32>} : memref<2x40x64xi32, #tpu.memory_space<vmem>>, vector<16xi32>,
        %bitcast3A_336 = vector.bitcast %get3A_335 : vector<16xi32> to vector<32xbf16>
        %unpack3A_337 = tpu.unpack_subelements %bitcast3A_336, 0 {pack_format = #tpu.pack_format<interleaved>} : vector<32xbf16> -> vector<16xf32>
        %unpack3A_338 = tpu.unpack_subelements %bitcast3A_336, 1 {pack_format = #tpu.pack_format<interleaved>} : vector<32xbf16> -> vector<16xf32>
        %get3A_339 = arith.constant 0 : i32
        %get3A_340 = arith.index_cast %get3A_339 : i32 to index
        %get3A_341 = arith.index_cast %add3A_317 : i32 to index
        %get3A_342 = arith.constant 0 : index
        %get3A_343 = tpu.vector_load %arg12[%get3A_340, %get3A_341, %get3A_342] {strides = array<i32>} : memref<2x40x128xf32, #tpu.memory_space<vmem>>, vector<16xf32>,
        %add3A_344 = arith.addf %get3A_343, %unpack3A : vector<16xf32>
        %add3A_345 = arith.addf %add3A_344, %unpack3A_337 : vector<16xf32>
        %get3A_346 = arith.constant 0 : i32
        %get3A_347 = arith.index_cast %get3A_346 : i32 to index
        %get3A_348 = arith.index_cast %add3A_317 : i32 to index
        %get3A_349 = arith.constant 64 : index
        %get3A_350 = tpu.vector_load %arg12[%get3A_347, %get3A_348, %get3A_349] {strides = array<i32>} : memref<2x40x128xf32, #tpu.memory_space<vmem>>, vector<16xf32>,
        %add3A_351 = arith.addf %get3A_350, %unpack3A_329 : vector<16xf32>
        %add3A_352 = arith.addf %add3A_351, %unpack3A_338 : vector<16xf32>
        %exp3A = math.exp %add3A_345 : vector<16xf32>
        %add3A_353 = arith.constant 1.000000e+00 : f32
        %add3A_354 = vector.broadcast %add3A_353 : f32 to vector<16xf32>
        %add3A_355 = arith.addf %add3A_354, %exp3A : vector<16xf32>
        %div3A = arith.divf %unpack3A_322, %add3A_355 : vector<16xf32>
        %swap3A = arith.index_cast %add3A_317 : i32 to index
        %swap3A_356 = arith.constant 0 : index
        %swap3A_357 = tpu.vector_load %arg15[%swap3A, %swap3A_356] {strides = array<i32>} : memref<40x128xf32, #tpu.memory_space<vmem>>, vector<16xf32>,
        tpu.vector_store %arg15[%swap3A, %swap3A_356], %div3A {strides = array<i32>} : memref<40x128xf32, #tpu.memory_space<vmem>>, vector<16xf32>,
        %exp3A_358 = math.exp %add3A_352 : vector<16xf32>
        %add3A_359 = arith.constant 1.000000e+00 : f32
        %add3A_360 = vector.broadcast %add3A_359 : f32 to vector<16xf32>
        %add3A_361 = arith.addf %add3A_360, %exp3A_358 : vector<16xf32>
        %div3A_362 = arith.divf %unpack3A_330, %add3A_361 : vector<16xf32>
        %swap3A_363 = arith.index_cast %add3A_317 : i32 to index
        %swap3A_364 = arith.constant 64 : index
        %swap3A_365 = tpu.vector_load %arg15[%swap3A_363, %swap3A_364] {strides = array<i32>} : memref<40x128xf32, #tpu.memory_space<vmem>>, vector<16xf32>,
        tpu.vector_store %arg15[%swap3A_363, %swap3A_364], %div3A_362 {strides = array<i32>} : memref<40x128xf32, #tpu.memory_space<vmem>>, vector<16xf32>,
        %get3A_366 = arith.constant 0 : i32
        %get3A_367 = arith.index_cast %get3A_366 : i32 to index
        %get3A_368 = arith.index_cast %add3A_317 : i32 to index
        %get3A_369 = arith.constant 16 : index
        %get3A_370 = tpu.vector_load %arg13[%get3A_367, %get3A_368, %get3A_369] {strides = array<i32>} : memref<2x40x128xi32, #tpu.memory_space<vmem>>, vector<16xi32>,
        %bitcast3A_371 = vector.bitcast %get3A_370 : vector<16xi32> to vector<32xbf16>
        %unpack3A_372 = tpu.unpack_subelements %bitcast3A_371, 0 {pack_format = #tpu.pack_format<interleaved>} : vector<32xbf16> -> vector<16xf32>
        %unpack3A_373 = tpu.unpack_subelements %bitcast3A_371, 1 {pack_format = #tpu.pack_format<interleaved>} : vector<32xbf16> -> vector<16xf32>
        %get3A_374 = arith.constant 0 : i32
        %get3A_375 = arith.index_cast %get3A_374 : i32 to index
        %get3A_376 = arith.index_cast %add3A_317 : i32 to index
        %get3A_377 = arith.constant 80 : index
        %get3A_378 = tpu.vector_load %arg13[%get3A_375, %get3A_376, %get3A_377] {strides = array<i32>} : memref<2x40x128xi32, #tpu.memory_space<vmem>>, vector<16xi32>,
        %bitcast3A_379 = vector.bitcast %get3A_378 : vector<16xi32> to vector<32xbf16>
        %unpack3A_380 = tpu.unpack_subelements %bitcast3A_379, 0 {pack_format = #tpu.pack_format<interleaved>} : vector<32xbf16> -> vector<16xf32>
        %unpack3A_381 = tpu.unpack_subelements %bitcast3A_379, 1 {pack_format = #tpu.pack_format<interleaved>} : vector<32xbf16> -> vector<16xf32>
        %get3A_382 = arith.constant 0 : i32
        %get3A_383 = arith.index_cast %get3A_382 : i32 to index
        %get3A_384 = arith.index_cast %add3A_317 : i32 to index
        %get3A_385 = arith.constant 16 : index
        %get3A_386 = tpu.vector_load %arg14[%get3A_383, %get3A_384, %get3A_385] {strides = array<i32>} : memref<2x40x64xi32, #tpu.memory_space<vmem>>, vector<16xi32>,
        %bitcast3A_387 = vector.bitcast %get3A_386 : vector<16xi32> to vector<32xbf16>
        %unpack3A_388 = tpu.unpack_subelements %bitcast3A_387, 0 {pack_format = #tpu.pack_format<interleaved>} : vector<32xbf16> -> vector<16xf32>
        %unpack3A_389 = tpu.unpack_subelements %bitcast3A_387, 1 {pack_format = #tpu.pack_format<interleaved>} : vector<32xbf16> -> vector<16xf32>
        %get3A_390 = arith.constant 0 : i32
        %get3A_391 = arith.index_cast %get3A_390 : i32 to index
        %get3A_392 = arith.index_cast %add3A_317 : i32 to index
        %get3A_393 = arith.constant 16 : index
        %get3A_394 = tpu.vector_load %arg12[%get3A_391, %get3A_392, %get3A_393] {strides = array<i32>} : memref<2x40x128xf32, #tpu.memory_space<vmem>>, vector<16xf32>,
        %add3A_395 = arith.addf %get3A_394, %unpack3A_372 : vector<16xf32>
        %add3A_396 = arith.addf %add3A_395, %unpack3A_388 : vector<16xf32>
        %get3A_397 = arith.constant 0 : i32
        %get3A_398 = arith.index_cast %get3A_397 : i32 to index
        %get3A_399 = arith.index_cast %add3A_317 : i32 to index
        %get3A_400 = arith.constant 80 : index
        %get3A_401 = tpu.vector_load %arg12[%get3A_398, %get3A_399, %get3A_400] {strides = array<i32>} : memref<2x40x128xf32, #tpu.memory_space<vmem>>, vector<16xf32>,
        %add3A_402 = arith.addf %get3A_401, %unpack3A_380 : vector<16xf32>
        %add3A_403 = arith.addf %add3A_402, %unpack3A_389 : vector<16xf32>
        %exp3A_404 = math.exp %add3A_396 : vector<16xf32>
        %add3A_405 = arith.constant 1.000000e+00 : f32
        %add3A_406 = vector.broadcast %add3A_405 : f32 to vector<16xf32>
        %add3A_407 = arith.addf %add3A_406, %exp3A_404 : vector<16xf32>
        %div3A_408 = arith.divf %unpack3A_373, %add3A_407 : vector<16xf32>
        %swap3A_409 = arith.index_cast %add3A_317 : i32 to index
        %swap3A_410 = arith.constant 16 : index
        %swap3A_411 = tpu.vector_load %arg15[%swap3A_409, %swap3A_410] {strides = array<i32>} : memref<40x128xf32, #tpu.memory_space<vmem>>, vector<16xf32>,
        tpu.vector_store %arg15[%swap3A_409, %swap3A_410], %div3A_408 {strides = array<i32>} : memref<40x128xf32, #tpu.memory_space<vmem>>, vector<16xf32>,
        %exp3A_412 = math.exp %add3A_403 : vector<16xf32>
        %add3A_413 = arith.constant 1.000000e+00 : f32
        %add3A_414 = vector.broadcast %add3A_413 : f32 to vector<16xf32>
        %add3A_415 = arith.addf %add3A_414, %exp3A_412 : vector<16xf32>
        %div3A_416 = arith.divf %unpack3A_381, %add3A_415 : vector<16xf32>
        %swap3A_417 = arith.index_cast %add3A_317 : i32 to index
        %swap3A_418 = arith.constant 80 : index
        %swap3A_419 = tpu.vector_load %arg15[%swap3A_417, %swap3A_418] {strides = array<i32>} : memref<40x128xf32, #tpu.memory_space<vmem>>, vector<16xf32>,
        tpu.vector_store %arg15[%swap3A_417, %swap3A_418], %div3A_416 {strides = array<i32>} : memref<40x128xf32, #tpu.memory_space<vmem>>, vector<16xf32>,
        %get3A_420 = arith.constant 0 : i32
        %get3A_421 = arith.index_cast %get3A_420 : i32 to index
        %get3A_422 = arith.index_cast %add3A_317 : i32 to index
        %get3A_423 = arith.constant 32 : index
        %get3A_424 = tpu.vector_load %arg13[%get3A_421, %get3A_422, %get3A_423] {strides = array<i32>} : memref<2x40x128xi32, #tpu.memory_space<vmem>>, vector<16xi32>,
        %bitcast3A_425 = vector.bitcast %get3A_424 : vector<16xi32> to vector<32xbf16>
        %unpack3A_426 = tpu.unpack_subelements %bitcast3A_425, 0 {pack_format = #tpu.pack_format<interleaved>} : vector<32xbf16> -> vector<16xf32>
        %unpack3A_427 = tpu.unpack_subelements %bitcast3A_425, 1 {pack_format = #tpu.pack_format<interleaved>} : vector<32xbf16> -> vector<16xf32>
        %get3A_428 = arith.constant 0 : i32
        %get3A_429 = arith.index_cast %get3A_428 : i32 to index
        %get3A_430 = arith.index_cast %add3A_317 : i32 to index
        %get3A_431 = arith.constant 96 : index
        %get3A_432 = tpu.vector_load %arg13[%get3A_429, %get3A_430, %get3A_431] {strides = array<i32>} : memref<2x40x128xi32, #tpu.memory_space<vmem>>, vector<16xi32>,
        %bitcast3A_433 = vector.bitcast %get3A_432 : vector<16xi32> to vector<32xbf16>
        %unpack3A_434 = tpu.unpack_subelements %bitcast3A_433, 0 {pack_format = #tpu.pack_format<interleaved>} : vector<32xbf16> -> vector<16xf32>
        %unpack3A_435 = tpu.unpack_subelements %bitcast3A_433, 1 {pack_format = #tpu.pack_format<interleaved>} : vector<32xbf16> -> vector<16xf32>
        %get3A_436 = arith.constant 0 : i32
        %get3A_437 = arith.index_cast %get3A_436 : i32 to index
        %get3A_438 = arith.index_cast %add3A_317 : i32 to index
        %get3A_439 = arith.constant 32 : index
        %get3A_440 = tpu.vector_load %arg14[%get3A_437, %get3A_438, %get3A_439] {strides = array<i32>} : memref<2x40x64xi32, #tpu.memory_space<vmem>>, vector<16xi32>,
        %bitcast3A_441 = vector.bitcast %get3A_440 : vector<16xi32> to vector<32xbf16>
        %unpack3A_442 = tpu.unpack_subelements %bitcast3A_441, 0 {pack_format = #tpu.pack_format<interleaved>} : vector<32xbf16> -> vector<16xf32>
        %unpack3A_443 = tpu.unpack_subelements %bitcast3A_441, 1 {pack_format = #tpu.pack_format<interleaved>} : vector<32xbf16> -> vector<16xf32>
        %get3A_444 = arith.constant 0 : i32
        %get3A_445 = arith.index_cast %get3A_444 : i32 to index
        %get3A_446 = arith.index_cast %add3A_317 : i32 to index
        %get3A_447 = arith.constant 32 : index
        %get3A_448 = tpu.vector_load %arg12[%get3A_445, %get3A_446, %get3A_447] {strides = array<i32>} : memref<2x40x128xf32, #tpu.memory_space<vmem>>, vector<16xf32>,
        %add3A_449 = arith.addf %get3A_448, %unpack3A_426 : vector<16xf32>
        %add3A_450 = arith.addf %add3A_449, %unpack3A_442 : vector<16xf32>
        %get3A_451 = arith.constant 0 : i32
        %get3A_452 = arith.index_cast %get3A_451 : i32 to index
        %get3A_453 = arith.index_cast %add3A_317 : i32 to index
        %get3A_454 = arith.constant 96 : index
        %get3A_455 = tpu.vector_load %arg12[%get3A_452, %get3A_453, %get3A_454] {strides = array<i32>} : memref<2x40x128xf32, #tpu.memory_space<vmem>>, vector<16xf32>,
        %add3A_456 = arith.addf %get3A_455, %unpack3A_434 : vector<16xf32>
        %add3A_457 = arith.addf %add3A_456, %unpack3A_443 : vector<16xf32>
        %exp3A_458 = math.exp %add3A_450 : vector<16xf32>
        %add3A_459 = arith.constant 1.000000e+00 : f32
        %add3A_460 = vector.broadcast %add3A_459 : f32 to vector<16xf32>
        %add3A_461 = arith.addf %add3A_460, %exp3A_458 : vector<16xf32>
        %div3A_462 = arith.divf %unpack3A_427, %add3A_461 : vector<16xf32>
        %swap3A_463 = arith.index_cast %add3A_317 : i32 to index
        %swap3A_464 = arith.constant 32 : index
        %swap3A_465 = tpu.vector_load %arg15[%swap3A_463, %swap3A_464] {strides = array<i32>} : memref<40x128xf32, #tpu.memory_space<vmem>>, vector<16xf32>,
        tpu.vector_store %arg15[%swap3A_463, %swap3A_464], %div3A_462 {strides = array<i32>} : memref<40x128xf32, #tpu.memory_space<vmem>>, vector<16xf32>,
        %exp3A_466 = math.exp %add3A_457 : vector<16xf32>
        %add3A_467 = arith.constant 1.000000e+00 : f32
        %add3A_468 = vector.broadcast %add3A_467 : f32 to vector<16xf32>
        %add3A_469 = arith.addf %add3A_468, %exp3A_466 : vector<16xf32>
        %div3A_470 = arith.divf %unpack3A_435, %add3A_469 : vector<16xf32>
        %swap3A_471 = arith.index_cast %add3A_317 : i32 to index
        %swap3A_472 = arith.constant 96 : index
        %swap3A_473 = tpu.vector_load %arg15[%swap3A_471, %swap3A_472] {strides = array<i32>} : memref<40x128xf32, #tpu.memory_space<vmem>>, vector<16xf32>,
        tpu.vector_store %arg15[%swap3A_471, %swap3A_472], %div3A_470 {strides = array<i32>} : memref<40x128xf32, #tpu.memory_space<vmem>>, vector<16xf32>,
        %get3A_474 = arith.constant 0 : i32
        %get3A_475 = arith.index_cast %get3A_474 : i32 to index
        %get3A_476 = arith.index_cast %add3A_317 : i32 to index
        %get3A_477 = arith.constant 48 : index
        %get3A_478 = tpu.vector_load %arg13[%get3A_475, %get3A_476, %get3A_477] {strides = array<i32>} : memref<2x40x128xi32, #tpu.memory_space<vmem>>, vector<16xi32>,
        %bitcast3A_479 = vector.bitcast %get3A_478 : vector<16xi32> to vector<32xbf16>
        %unpack3A_480 = tpu.unpack_subelements %bitcast3A_479, 0 {pack_format = #tpu.pack_format<interleaved>} : vector<32xbf16> -> vector<16xf32>
        %unpack3A_481 = tpu.unpack_subelements %bitcast3A_479, 1 {pack_format = #tpu.pack_format<interleaved>} : vector<32xbf16> -> vector<16xf32>
        %get3A_482 = arith.constant 0 : i32
        %get3A_483 = arith.index_cast %get3A_482 : i32 to index
        %get3A_484 = arith.index_cast %add3A_317 : i32 to index
        %get3A_485 = arith.constant 112 : index
        %get3A_486 = tpu.vector_load %arg13[%get3A_483, %get3A_484, %get3A_485] {strides = array<i32>} : memref<2x40x128xi32, #tpu.memory_space<vmem>>, vector<16xi32>,
        %bitcast3A_487 = vector.bitcast %get3A_486 : vector<16xi32> to vector<32xbf16>
        %unpack3A_488 = tpu.unpack_subelements %bitcast3A_487, 0 {pack_format = #tpu.pack_format<interleaved>} : vector<32xbf16> -> vector<16xf32>
        %unpack3A_489 = tpu.unpack_subelements %bitcast3A_487, 1 {pack_format = #tpu.pack_format<interleaved>} : vector<32xbf16> -> vector<16xf32>
        %get3A_490 = arith.constant 0 : i32
        %get3A_491 = arith.index_cast %get3A_490 : i32 to index
        %get3A_492 = arith.index_cast %add3A_317 : i32 to index
        %get3A_493 = arith.constant 48 : index
        %get3A_494 = tpu.vector_load %arg14[%get3A_491, %get3A_492, %get3A_493] {strides = array<i32>} : memref<2x40x64xi32, #tpu.memory_space<vmem>>, vector<16xi32>,
        %bitcast3A_495 = vector.bitcast %get3A_494 : vector<16xi32> to vector<32xbf16>
        %unpack3A_496 = tpu.unpack_subelements %bitcast3A_495, 0 {pack_format = #tpu.pack_format<interleaved>} : vector<32xbf16> -> vector<16xf32>
        %unpack3A_497 = tpu.unpack_subelements %bitcast3A_495, 1 {pack_format = #tpu.pack_format<interleaved>} : vector<32xbf16> -> vector<16xf32>
        %get3A_498 = arith.constant 0 : i32
        %get3A_499 = arith.index_cast %get3A_498 : i32 to index
        %get3A_500 = arith.index_cast %add3A_317 : i32 to index
        %get3A_501 = arith.constant 48 : index
        %get3A_502 = tpu.vector_load %arg12[%get3A_499, %get3A_500, %get3A_501] {strides = array<i32>} : memref<2x40x128xf32, #tpu.memory_space<vmem>>, vector<16xf32>,
        %add3A_503 = arith.addf %get3A_502, %unpack3A_480 : vector<16xf32>
        %add3A_504 = arith.addf %add3A_503, %unpack3A_496 : vector<16xf32>
        %get3A_505 = arith.constant 0 : i32
        %get3A_506 = arith.index_cast %get3A_505 : i32 to index
        %get3A_507 = arith.index_cast %add3A_317 : i32 to index
        %get3A_508 = arith.constant 112 : index
        %get3A_509 = tpu.vector_load %arg12[%get3A_506, %get3A_507, %get3A_508] {strides = array<i32>} : memref<2x40x128xf32, #tpu.memory_space<vmem>>, vector<16xf32>,
        %add3A_510 = arith.addf %get3A_509, %unpack3A_488 : vector<16xf32>
        %add3A_511 = arith.addf %add3A_510, %unpack3A_497 : vector<16xf32>
        %exp3A_512 = math.exp %add3A_504 : vector<16xf32>
        %add3A_513 = arith.constant 1.000000e+00 : f32
        %add3A_514 = vector.broadcast %add3A_513 : f32 to vector<16xf32>
        %add3A_515 = arith.addf %add3A_514, %exp3A_512 : vector<16xf32>
        %div3A_516 = arith.divf %unpack3A_481, %add3A_515 : vector<16xf32>
        %swap3A_517 = arith.index_cast %add3A_317 : i32 to index
        %swap3A_518 = arith.constant 48 : index
        %swap3A_519 = tpu.vector_load %arg15[%swap3A_517, %swap3A_518] {strides = array<i32>} : memref<40x128xf32, #tpu.memory_space<vmem>>, vector<16xf32>,
        tpu.vector_store %arg15[%swap3A_517, %swap3A_518], %div3A_516 {strides = array<i32>} : memref<40x128xf32, #tpu.memory_space<vmem>>, vector<16xf32>,
        %exp3A_520 = math.exp %add3A_511 : vector<16xf32>
        %add3A_521 = arith.constant 1.000000e+00 : f32
        %add3A_522 = vector.broadcast %add3A_521 : f32 to vector<16xf32>
        %add3A_523 = arith.addf %add3A_522, %exp3A_520 : vector<16xf32>
        %div3A_524 = arith.divf %unpack3A_489, %add3A_523 : vector<16xf32>
        %swap3A_525 = arith.index_cast %add3A_317 : i32 to index
        %swap3A_526 = arith.constant 112 : index
        %swap3A_527 = tpu.vector_load %arg15[%swap3A_525, %swap3A_526] {strides = array<i32>} : memref<40x128xf32, #tpu.memory_space<vmem>>, vector<16xf32>,
        tpu.vector_store %arg15[%swap3A_525, %swap3A_526], %div3A_524 {strides = array<i32>} : memref<40x128xf32, #tpu.memory_space<vmem>>, vector<16xf32>,
      }
      %scan3A_242 = arith.constant 40 : i32
      %run_scoped3A = arith.constant 0 : i32
      "tpu.region"() ({
        %run_scoped3A_313 = tpu.sem_alloc : memref<!tpu.dma_semaphore, #tpu.memory_space<semaphore_mem>>
        %dma_start3A_314 = arith.constant 0 : i32
        %dma_start3A_315 = tpu.memref_slice %arg10[%run_scoped3A, %dma_start3A_314] : memref<2x40xi32, #tpu.memory_space<vmem>> -> memref<1x40xi32, #tpu.memory_space<vmem>>
        %dma_start3A_316 = tpu.memref_squeeze %dma_start3A_315 : memref<1x40xi32, #tpu.memory_space<vmem>> -> memref<40xi32, #tpu.memory_space<vmem>>
        %dma_start3A_317 = arith.constant 0 : i32
        %dma_start3A_318 = arith.constant 0 : i32
        %dma_start3A_319 = tpu.memref_slice %arg9[%dma_start3A_317, %dma_start3A_318] : memref<10000x128xf32, #tpu.memory_space<vmem_shared>> -> memref<10000x128xf32, #tpu.memory_space<vmem_shared>>
        tpu.enqueue_indirect_dma source(%arg15 : memref<40x128xf32, #tpu.memory_space<vmem>>) target(%dma_start3A_319 : memref<10000x128xf32, #tpu.memory_space<vmem_shared>>) offsets(%dma_start3A_316 : memref<40xi32, #tpu.memory_space<vmem>>) semaphore(%run_scoped3A_313 : memref<!tpu.dma_semaphore, #tpu.memory_space<semaphore_mem>>) {add = true}
        %dma_wait3A_320 = arith.constant 0 : i32
        %dma_wait3A_321 = tpu.memref_slice %arg10[%run_scoped3A, %dma_wait3A_320] : memref<2x40xi32, #tpu.memory_space<vmem>> -> memref<1x40xi32, #tpu.memory_space<vmem>>
        %dma_wait3A_322 = tpu.memref_squeeze %dma_wait3A_321 : memref<1x40xi32, #tpu.memory_space<vmem>> -> memref<40xi32, #tpu.memory_space<vmem>>
        %dma_wait3A_323 = arith.constant 0 : i32
        %dma_wait3A_324 = arith.constant 0 : i32
        %dma_wait3A_325 = tpu.memref_slice %arg9[%dma_wait3A_323, %dma_wait3A_324] : memref<10000x128xf32, #tpu.memory_space<vmem_shared>> -> memref<10000x128xf32, #tpu.memory_space<vmem_shared>>
        tpu.wait_indirect_dma semaphore(%run_scoped3A_313 : memref<!tpu.dma_semaphore, #tpu.memory_space<semaphore_mem>>) src(%arg15 : memref<40x128xf32, #tpu.memory_space<vmem>>) dst(%dma_wait3A_325 : memref<10000x128xf32, #tpu.memory_space<vmem_shared>>)
        tpu.yield
      }) : () -> ()
      %add3A_243 = arith.constant 2 : i32
      %add3A_244 = arith.addi %mul3A_126, %add3A_243 : i32
      %lt3A = arith.constant 250 : i32
      %lt3A_245 = arith.cmpi slt, %add3A_244, %lt3A : i32
      %convert_element_type3A_246 = arith.extui %lt3A_245 : i1 to i32
      %cond3A_247 = arith.constant 0 : i32
      %cond3A_248 = arith.cmpi ne, %convert_element_type3A_246, %cond3A_247 : i32
      scf.if %cond3A_248 {
        %add3A_313 = arith.constant 2 : i32
        %add3A_314 = arith.addi %mul3A_126, %add3A_313 : i32
        %mul3A_315 = arith.constant 32 : i32
        %mul3A_316 = arith.muli %add3A_314, %mul3A_315 : i32
        %add3A_317 = arith.addi %add3A, %mul3A_316 : i32
        %mul3A_318 = arith.constant 40 : i32
        %mul3A_319 = arith.muli %add3A_317, %mul3A_318 : i32
        %dma_start3A_320 = arith.constant 0 : i32
        %dma_start3A_321 = arith.constant 0 : i32
        %dma_start3A_322 = tpu.memref_slice %arg10[%dma_start3A_320, %dma_start3A_321] : memref<2x40xi32, #tpu.memory_space<vmem>> -> memref<1x40xi32, #tpu.memory_space<vmem>>
        %dma_start3A_323 = tpu.memref_squeeze %dma_start3A_322 : memref<1x40xi32, #tpu.memory_space<vmem>> -> memref<40xi32, #tpu.memory_space<vmem>>
        %dma_start3A_324 = tpu.memref_slice %arg6[%mul3A_319] : memref<320000xi32, #tpu.memory_space<hbm>> -> memref<40xi32, #tpu.memory_space<hbm>>
        %dma_start3A_325 = arith.constant 0 : i32
        %dma_start3A_326 = tpu.memref_slice %arg10[%dma_start3A_320, %dma_start3A_325] : memref<2x40xi32, #tpu.memory_space<vmem>> -> memref<1x40xi32, #tpu.memory_space<vmem>>
        %dma_start3A_327 = tpu.memref_squeeze %dma_start3A_326 : memref<1x40xi32, #tpu.memory_space<vmem>> -> memref<40xi32, #tpu.memory_space<vmem>>
        %dma_start3A_328 = tpu.memref_slice %arg6[%mul3A_319] : memref<320000xi32, #tpu.memory_space<hbm>> -> memref<40xi32, #tpu.memory_space<hbm>>
        tpu.enqueue_dma source(%dma_start3A_328 : memref<40xi32, #tpu.memory_space<hbm>>) target(%dma_start3A_327 : memref<40xi32, #tpu.memory_space<vmem>>) target_semaphore(%arg16 : memref<!tpu.dma_semaphore, #tpu.memory_space<semaphore_mem>>)
        %dma_start3A_329 = arith.constant 0 : i32
        %dma_start3A_330 = arith.constant 0 : i32
        %dma_start3A_331 = tpu.memref_slice %arg11[%dma_start3A_329, %dma_start3A_330] : memref<2x40xi32, #tpu.memory_space<vmem>> -> memref<1x40xi32, #tpu.memory_space<vmem>>
        %dma_start3A_332 = tpu.memref_squeeze %dma_start3A_331 : memref<1x40xi32, #tpu.memory_space<vmem>> -> memref<40xi32, #tpu.memory_space<vmem>>
        %dma_start3A_333 = tpu.memref_slice %arg5[%mul3A_319] : memref<320000xi32, #tpu.memory_space<hbm>> -> memref<40xi32, #tpu.memory_space<hbm>>
        %dma_start3A_334 = arith.constant 0 : i32
        %dma_start3A_335 = tpu.memref_slice %arg11[%dma_start3A_329, %dma_start3A_334] : memref<2x40xi32, #tpu.memory_space<vmem>> -> memref<1x40xi32, #tpu.memory_space<vmem>>
        %dma_start3A_336 = tpu.memref_squeeze %dma_start3A_335 : memref<1x40xi32, #tpu.memory_space<vmem>> -> memref<40xi32, #tpu.memory_space<vmem>>
        %dma_start3A_337 = tpu.memref_slice %arg5[%mul3A_319] : memref<320000xi32, #tpu.memory_space<hbm>> -> memref<40xi32, #tpu.memory_space<hbm>>
        tpu.enqueue_dma source(%dma_start3A_337 : memref<40xi32, #tpu.memory_space<hbm>>) target(%dma_start3A_336 : memref<40xi32, #tpu.memory_space<vmem>>) target_semaphore(%arg16 : memref<!tpu.dma_semaphore, #tpu.memory_space<semaphore_mem>>)
      } else {
      }
      %add3A_249 = arith.constant 1 : i32
      %add3A_250 = arith.addi %mul3A_126, %add3A_249 : i32
      %add3A_251 = arith.constant 1 : i32
      %add3A_252 = arith.addi %add3A_250, %add3A_251 : i32
      %lt3A_253 = arith.constant 250 : i32
      %lt3A_254 = arith.cmpi slt, %add3A_252, %lt3A_253 : i32
      %convert_element_type3A_255 = arith.extui %lt3A_254 : i1 to i32
      %cond3A_256 = arith.constant 0 : i32
      %cond3A_257 = arith.cmpi ne, %convert_element_type3A_255, %cond3A_256 : i32
      scf.if %cond3A_257 {
        %add3A_313 = arith.constant 1 : i32
        %add3A_314 = arith.addi %add3A_250, %add3A_313 : i32
        %mul3A_315 = arith.constant 32 : i32
        %mul3A_316 = arith.muli %add3A_314, %mul3A_315 : i32
        %add3A_317 = arith.addi %add3A, %mul3A_316 : i32
        %mul3A_318 = arith.constant 40 : i32
        %mul3A_319 = arith.muli %add3A_317, %mul3A_318 : i32
        %dma_wait3A_320 = arith.constant 0 : i32
        %dma_wait3A_321 = arith.constant 0 : i32
        %dma_wait3A_322 = tpu.memref_slice %arg10[%dma_wait3A_320, %dma_wait3A_321] : memref<2x40xi32, #tpu.memory_space<vmem>> -> memref<1x40xi32, #tpu.memory_space<vmem>>
        %dma_wait3A_323 = tpu.memref_squeeze %dma_wait3A_322 : memref<1x40xi32, #tpu.memory_space<vmem>> -> memref<40xi32, #tpu.memory_space<vmem>>
        %dma_wait3A_324 = tpu.memref_slice %arg6[%mul3A_319] : memref<320000xi32, #tpu.memory_space<hbm>> -> memref<40xi32, #tpu.memory_space<hbm>>
        %dma_wait3A_325 = arith.constant 0 : i32
        %dma_wait3A_326 = tpu.memref_slice %arg10[%dma_wait3A_320, %dma_wait3A_325] : memref<2x40xi32, #tpu.memory_space<vmem>> -> memref<1x40xi32, #tpu.memory_space<vmem>>
        %dma_wait3A_327 = tpu.memref_squeeze %dma_wait3A_326 : memref<1x40xi32, #tpu.memory_space<vmem>> -> memref<40xi32, #tpu.memory_space<vmem>>
        %dma_wait3A_328 = tpu.memref_slice %arg6[%mul3A_319] : memref<320000xi32, #tpu.memory_space<hbm>> -> memref<40xi32, #tpu.memory_space<hbm>>
        tpu.wait_dma2 semaphore(%arg16 : memref<!tpu.dma_semaphore, #tpu.memory_space<semaphore_mem>>) src(%dma_wait3A_328 : memref<40xi32, #tpu.memory_space<hbm>>) dst(%dma_wait3A_327 : memref<40xi32, #tpu.memory_space<vmem>>)
        %dma_wait3A_329 = arith.constant 0 : i32
        %dma_wait3A_330 = arith.constant 0 : i32
        %dma_wait3A_331 = tpu.memref_slice %arg11[%dma_wait3A_329, %dma_wait3A_330] : memref<2x40xi32, #tpu.memory_space<vmem>> -> memref<1x40xi32, #tpu.memory_space<vmem>>
        %dma_wait3A_332 = tpu.memref_squeeze %dma_wait3A_331 : memref<1x40xi32, #tpu.memory_space<vmem>> -> memref<40xi32, #tpu.memory_space<vmem>>
        %dma_wait3A_333 = tpu.memref_slice %arg5[%mul3A_319] : memref<320000xi32, #tpu.memory_space<hbm>> -> memref<40xi32, #tpu.memory_space<hbm>>
        %dma_wait3A_334 = arith.constant 0 : i32
        %dma_wait3A_335 = tpu.memref_slice %arg11[%dma_wait3A_329, %dma_wait3A_334] : memref<2x40xi32, #tpu.memory_space<vmem>> -> memref<1x40xi32, #tpu.memory_space<vmem>>
        %dma_wait3A_336 = tpu.memref_squeeze %dma_wait3A_335 : memref<1x40xi32, #tpu.memory_space<vmem>> -> memref<40xi32, #tpu.memory_space<vmem>>
        %dma_wait3A_337 = tpu.memref_slice %arg5[%mul3A_319] : memref<320000xi32, #tpu.memory_space<hbm>> -> memref<40xi32, #tpu.memory_space<hbm>>
        tpu.wait_dma2 semaphore(%arg16 : memref<!tpu.dma_semaphore, #tpu.memory_space<semaphore_mem>>) src(%dma_wait3A_337 : memref<40xi32, #tpu.memory_space<hbm>>) dst(%dma_wait3A_336 : memref<40xi32, #tpu.memory_space<vmem>>)
        %add3A_338 = arith.constant 1 : i32
        %add3A_339 = arith.addi %add3A_250, %add3A_338 : i32
        %mul3A_340 = arith.constant 32 : i32
        %mul3A_341 = arith.muli %add3A_339, %mul3A_340 : i32
        %add3A_342 = arith.addi %add3A, %mul3A_341 : i32
        %mul3A_343 = arith.constant 40 : i32
        %mul3A_344 = arith.muli %add3A_342, %mul3A_343 : i32
        %dma_start3A_345 = arith.constant 0 : i32
        %dma_start3A_346 = arith.constant 0 : i32
        %dma_start3A_347 = arith.constant 0 : i32
        %dma_start3A_348 = arith.constant 0 : i32
        %dma_start3A_349 = tpu.memref_slice %arg12[%dma_start3A_346, %dma_start3A_347, %dma_start3A_348] : memref<2x40x128xf32, #tpu.memory_space<vmem>> -> memref<1x40x128xf32, #tpu.memory_space<vmem>>
        %dma_start3A_350 = tpu.memref_squeeze %dma_start3A_349 : memref<1x40x128xf32, #tpu.memory_space<vmem>> -> memref<40x128xf32, #tpu.memory_space<vmem>>
        %dma_start3A_351 = arith.constant 0 : i32
        %dma_start3A_352 = tpu.memref_slice %arg10[%dma_start3A_345, %dma_start3A_351] : memref<2x40xi32, #tpu.memory_space<vmem>> -> memref<1x40xi32, #tpu.memory_space<vmem>>
        %dma_start3A_353 = tpu.memref_squeeze %dma_start3A_352 : memref<1x40xi32, #tpu.memory_space<vmem>> -> memref<40xi32, #tpu.memory_space<vmem>>
        %dma_start3A_354 = arith.constant 0 : i32
        %dma_start3A_355 = arith.constant 0 : i32
        %dma_start3A_356 = tpu.memref_slice %arg2[%dma_start3A_354, %dma_start3A_355] : memref<10000x128xf32, #tpu.memory_space<hbm>> -> memref<10000x128xf32, #tpu.memory_space<hbm>>
        tpu.enqueue_indirect_dma source(%dma_start3A_356 : memref<10000x128xf32, #tpu.memory_space<hbm>>) target(%dma_start3A_350 : memref<40x128xf32, #tpu.memory_space<vmem>>) offsets(%dma_start3A_353 : memref<40xi32, #tpu.memory_space<vmem>>) semaphore(%arg17 : memref<!tpu.dma_semaphore, #tpu.memory_space<semaphore_mem>>)
        %dma_start3A_357 = arith.constant 0 : i32
        %dma_start3A_358 = arith.constant 0 : i32
        %dma_start3A_359 = arith.constant 0 : i32
        %dma_start3A_360 = arith.constant 0 : i32
        %dma_start3A_361 = tpu.memref_slice %arg13[%dma_start3A_358, %dma_start3A_359, %dma_start3A_360] : memref<2x40x128xi32, #tpu.memory_space<vmem>> -> memref<1x40x128xi32, #tpu.memory_space<vmem>>
        %dma_start3A_362 = tpu.memref_squeeze %dma_start3A_361 : memref<1x40x128xi32, #tpu.memory_space<vmem>> -> memref<40x128xi32, #tpu.memory_space<vmem>>
        %dma_start3A_363 = arith.constant 0 : i32
        %dma_start3A_364 = tpu.memref_slice %arg11[%dma_start3A_357, %dma_start3A_363] : memref<2x40xi32, #tpu.memory_space<vmem>> -> memref<1x40xi32, #tpu.memory_space<vmem>>
        %dma_start3A_365 = tpu.memref_squeeze %dma_start3A_364 : memref<1x40xi32, #tpu.memory_space<vmem>> -> memref<40xi32, #tpu.memory_space<vmem>>
        %dma_start3A_366 = arith.constant 0 : i32
        %dma_start3A_367 = arith.constant 0 : i32
        %dma_start3A_368 = tpu.memref_slice %arg3[%dma_start3A_366, %dma_start3A_367] : memref<10000x128xi32, #tpu.memory_space<hbm>> -> memref<10000x128xi32, #tpu.memory_space<hbm>>
        tpu.enqueue_indirect_dma source(%dma_start3A_368 : memref<10000x128xi32, #tpu.memory_space<hbm>>) target(%dma_start3A_362 : memref<40x128xi32, #tpu.memory_space<vmem>>) offsets(%dma_start3A_365 : memref<40xi32, #tpu.memory_space<vmem>>) semaphore(%arg17 : memref<!tpu.dma_semaphore, #tpu.memory_space<semaphore_mem>>)
        %dma_start3A_369 = arith.constant 0 : i32
        %dma_start3A_370 = arith.constant 0 : i32
        %dma_start3A_371 = arith.constant 0 : i32
        %dma_start3A_372 = tpu.memref_slice %arg14[%dma_start3A_369, %dma_start3A_370, %dma_start3A_371] : memref<2x40x64xi32, #tpu.memory_space<vmem>> -> memref<1x40x64xi32, #tpu.memory_space<vmem>>
        %dma_start3A_373 = tpu.memref_squeeze %dma_start3A_372 : memref<1x40x64xi32, #tpu.memory_space<vmem>> -> memref<40x64xi32, #tpu.memory_space<vmem>>
        %dma_start3A_374 = arith.constant 0 : i32
        %dma_start3A_375 = tpu.memref_slice %arg4[%mul3A_344, %dma_start3A_374] : memref<320000x64xi32, #tpu.memory_space<hbm>> -> memref<40x64xi32, #tpu.memory_space<hbm>>
        %dma_start3A_376 = arith.constant 0 : i32
        %dma_start3A_377 = arith.constant 0 : i32
        %dma_start3A_378 = tpu.memref_slice %arg14[%dma_start3A_369, %dma_start3A_376, %dma_start3A_377] : memref<2x40x64xi32, #tpu.memory_space<vmem>> -> memref<1x40x64xi32, #tpu.memory_space<vmem>>
        %dma_start3A_379 = tpu.memref_squeeze %dma_start3A_378 : memref<1x40x64xi32, #tpu.memory_space<vmem>> -> memref<40x64xi32, #tpu.memory_space<vmem>>
        %dma_start3A_380 = arith.constant 0 : i32
        %dma_start3A_381 = tpu.memref_slice %arg4[%mul3A_344, %dma_start3A_380] : memref<320000x64xi32, #tpu.memory_space<hbm>> -> memref<40x64xi32, #tpu.memory_space<hbm>>
        tpu.enqueue_dma source(%dma_start3A_381 : memref<40x64xi32, #tpu.memory_space<hbm>>) target(%dma_start3A_379 : memref<40x64xi32, #tpu.memory_space<vmem>>) target_semaphore(%arg17 : memref<!tpu.dma_semaphore, #tpu.memory_space<semaphore_mem>>)
      } else {
      }
      %mul3A_258 = arith.constant 32 : i32
      %mul3A_259 = arith.muli %add3A_250, %mul3A_258 : i32
      %add3A_260 = arith.addi %add3A, %mul3A_259 : i32
      %mul3A_261 = arith.constant 40 : i32
      %mul3A_262 = arith.muli %add3A_260, %mul3A_261 : i32
      %dma_wait3A_263 = arith.constant 1 : i32
      %dma_wait3A_264 = arith.constant 1 : i32
      %dma_wait3A_265 = arith.constant 0 : i32
      %dma_wait3A_266 = arith.constant 0 : i32
      %dma_wait3A_267 = tpu.memref_slice %arg12[%dma_wait3A_264, %dma_wait3A_265, %dma_wait3A_266] : memref<2x40x128xf32, #tpu.memory_space<vmem>> -> memref<1x40x128xf32, #tpu.memory_space<vmem>>
      %dma_wait3A_268 = tpu.memref_squeeze %dma_wait3A_267 : memref<1x40x128xf32, #tpu.memory_space<vmem>> -> memref<40x128xf32, #tpu.memory_space<vmem>>
      %dma_wait3A_269 = arith.constant 0 : i32
      %dma_wait3A_270 = tpu.memref_slice %arg10[%dma_wait3A_263, %dma_wait3A_269] : memref<2x40xi32, #tpu.memory_space<vmem>> -> memref<1x40xi32, #tpu.memory_space<vmem>>
      %dma_wait3A_271 = tpu.memref_squeeze %dma_wait3A_270 : memref<1x40xi32, #tpu.memory_space<vmem>> -> memref<40xi32, #tpu.memory_space<vmem>>
      %dma_wait3A_272 = arith.constant 0 : i32
      %dma_wait3A_273 = arith.constant 0 : i32
      %dma_wait3A_274 = tpu.memref_slice %arg2[%dma_wait3A_272, %dma_wait3A_273] : memref<10000x128xf32, #tpu.memory_space<hbm>> -> memref<10000x128xf32, #tpu.memory_space<hbm>>
      tpu.wait_indirect_dma semaphore(%arg17 : memref<!tpu.dma_semaphore, #tpu.memory_space<semaphore_mem>>) src(%dma_wait3A_274 : memref<10000x128xf32, #tpu.memory_space<hbm>>) dst(%dma_wait3A_268 : memref<40x128xf32, #tpu.memory_space<vmem>>)
      %dma_wait3A_275 = arith.constant 1 : i32
      %dma_wait3A_276 = arith.constant 1 : i32
      %dma_wait3A_277 = arith.constant 0 : i32
      %dma_wait3A_278 = arith.constant 0 : i32
      %dma_wait3A_279 = tpu.memref_slice %arg13[%dma_wait3A_276, %dma_wait3A_277, %dma_wait3A_278] : memref<2x40x128xi32, #tpu.memory_space<vmem>> -> memref<1x40x128xi32, #tpu.memory_space<vmem>>
      %dma_wait3A_280 = tpu.memref_squeeze %dma_wait3A_279 : memref<1x40x128xi32, #tpu.memory_space<vmem>> -> memref<40x128xi32, #tpu.memory_space<vmem>>
      %dma_wait3A_281 = arith.constant 0 : i32
      %dma_wait3A_282 = tpu.memref_slice %arg11[%dma_wait3A_275, %dma_wait3A_281] : memref<2x40xi32, #tpu.memory_space<vmem>> -> memref<1x40xi32, #tpu.memory_space<vmem>>
      %dma_wait3A_283 = tpu.memref_squeeze %dma_wait3A_282 : memref<1x40xi32, #tpu.memory_space<vmem>> -> memref<40xi32, #tpu.memory_space<vmem>>
      %dma_wait3A_284 = arith.constant 0 : i32
      %dma_wait3A_285 = arith.constant 0 : i32
      %dma_wait3A_286 = tpu.memref_slice %arg3[%dma_wait3A_284, %dma_wait3A_285] : memref<10000x128xi32, #tpu.memory_space<hbm>> -> memref<10000x128xi32, #tpu.memory_space<hbm>>
      tpu.wait_indirect_dma semaphore(%arg17 : memref<!tpu.dma_semaphore, #tpu.memory_space<semaphore_mem>>) src(%dma_wait3A_286 : memref<10000x128xi32, #tpu.memory_space<hbm>>) dst(%dma_wait3A_280 : memref<40x128xi32, #tpu.memory_space<vmem>>)
      %dma_wait3A_287 = arith.constant 1 : i32
      %dma_wait3A_288 = arith.constant 0 : i32
      %dma_wait3A_289 = arith.constant 0 : i32
      %dma_wait3A_290 = tpu.memref_slice %arg14[%dma_wait3A_287, %dma_wait3A_288, %dma_wait3A_289] : memref<2x40x64xi32, #tpu.memory_space<vmem>> -> memref<1x40x64xi32, #tpu.memory_space<vmem>>
      %dma_wait3A_291 = tpu.memref_squeeze %dma_wait3A_290 : memref<1x40x64xi32, #tpu.memory_space<vmem>> -> memref<40x64xi32, #tpu.memory_space<vmem>>
      %dma_wait3A_292 = arith.constant 0 : i32
      %dma_wait3A_293 = tpu.memref_slice %arg4[%mul3A_262, %dma_wait3A_292] : memref<320000x64xi32, #tpu.memory_space<hbm>> -> memref<40x64xi32, #tpu.memory_space<hbm>>
      %dma_wait3A_294 = arith.constant 0 : i32
      %dma_wait3A_295 = arith.constant 0 : i32
      %dma_wait3A_296 = tpu.memref_slice %arg14[%dma_wait3A_287, %dma_wait3A_294, %dma_wait3A_295] : memref<2x40x64xi32, #tpu.memory_space<vmem>> -> memref<1x40x64xi32, #tpu.memory_space<vmem>>
      %dma_wait3A_297 = tpu.memref_squeeze %dma_wait3A_296 : memref<1x40x64xi32, #tpu.memory_space<vmem>> -> memref<40x64xi32, #tpu.memory_space<vmem>>
      %dma_wait3A_298 = arith.constant 0 : i32
      %dma_wait3A_299 = tpu.memref_slice %arg4[%mul3A_262, %dma_wait3A_298] : memref<320000x64xi32, #tpu.memory_space<hbm>> -> memref<40x64xi32, #tpu.memory_space<hbm>>
      tpu.wait_dma2 semaphore(%arg17 : memref<!tpu.dma_semaphore, #tpu.memory_space<semaphore_mem>>) src(%dma_wait3A_299 : memref<40x64xi32, #tpu.memory_space<hbm>>) dst(%dma_wait3A_297 : memref<40x64xi32, #tpu.memory_space<vmem>>)
      %scan3A_300 = arith.constant 0 : i32
      %scan3A_301 = arith.constant 40 : i32
      %scan3A_302 = arith.addi %scan3A_300, %scan3A_301 : i32
      %scan3A_303 = arith.constant 1 : i32
      scf.for %scan3A_313 = %scan3A_300 to %scan3A_302 step %scan3A_303  : i32 {
        %mul3A_314 = arith.constant 1 : i32
        %mul3A_315 = arith.muli %scan3A_313, %mul3A_314 : i32
        %add3A_316 = arith.constant 0 : i32
        %add3A_317 = arith.addi %add3A_316, %mul3A_315 : i32
        %get3A = arith.constant 1 : i32
        %get3A_318 = arith.index_cast %get3A : i32 to index
        %get3A_319 = arith.index_cast %add3A_317 : i32 to index
        %get3A_320 = arith.constant 0 : index
        %get3A_321 = tpu.vector_load %arg13[%get3A_318, %get3A_319, %get3A_320] {strides = array<i32>} : memref<2x40x128xi32, #tpu.memory_space<vmem>>, vector<16xi32>,
        %bitcast3A = vector.bitcast %get3A_321 : vector<16xi32> to vector<32xbf16>
        %unpack3A = tpu.unpack_subelements %bitcast3A, 0 {pack_format = #tpu.pack_format<interleaved>} : vector<32xbf16> -> vector<16xf32>
        %unpack3A_322 = tpu.unpack_subelements %bitcast3A, 1 {pack_format = #tpu.pack_format<interleaved>} : vector<32xbf16> -> vector<16xf32>
        %get3A_323 = arith.constant 1 : i32
        %get3A_324 = arith.index_cast %get3A_323 : i32 to index
        %get3A_325 = arith.index_cast %add3A_317 : i32 to index
        %get3A_326 = arith.constant 64 : index
        %get3A_327 = tpu.vector_load %arg13[%get3A_324, %get3A_325, %get3A_326] {strides = array<i32>} : memref<2x40x128xi32, #tpu.memory_space<vmem>>, vector<16xi32>,
        %bitcast3A_328 = vector.bitcast %get3A_327 : vector<16xi32> to vector<32xbf16>
        %unpack3A_329 = tpu.unpack_subelements %bitcast3A_328, 0 {pack_format = #tpu.pack_format<interleaved>} : vector<32xbf16> -> vector<16xf32>
        %unpack3A_330 = tpu.unpack_subelements %bitcast3A_328, 1 {pack_format = #tpu.pack_format<interleaved>} : vector<32xbf16> -> vector<16xf32>
        %get3A_331 = arith.constant 1 : i32
        %get3A_332 = arith.index_cast %get3A_331 : i32 to index
        %get3A_333 = arith.index_cast %add3A_317 : i32 to index
        %get3A_334 = arith.constant 0 : index
        %get3A_335 = tpu.vector_load %arg14[%get3A_332, %get3A_333, %get3A_334] {strides = array<i32>} : memref<2x40x64xi32, #tpu.memory_space<vmem>>, vector<16xi32>,
        %bitcast3A_336 = vector.bitcast %get3A_335 : vector<16xi32> to vector<32xbf16>
        %unpack3A_337 = tpu.unpack_subelements %bitcast3A_336, 0 {pack_format = #tpu.pack_format<interleaved>} : vector<32xbf16> -> vector<16xf32>
        %unpack3A_338 = tpu.unpack_subelements %bitcast3A_336, 1 {pack_format = #tpu.pack_format<interleaved>} : vector<32xbf16> -> vector<16xf32>
        %get3A_339 = arith.constant 1 : i32
        %get3A_340 = arith.index_cast %get3A_339 : i32 to index
        %get3A_341 = arith.index_cast %add3A_317 : i32 to index
        %get3A_342 = arith.constant 0 : index
        %get3A_343 = tpu.vector_load %arg12[%get3A_340, %get3A_341, %get3A_342] {strides = array<i32>} : memref<2x40x128xf32, #tpu.memory_space<vmem>>, vector<16xf32>,
        %add3A_344 = arith.addf %get3A_343, %unpack3A : vector<16xf32>
        %add3A_345 = arith.addf %add3A_344, %unpack3A_337 : vector<16xf32>
        %get3A_346 = arith.constant 1 : i32
        %get3A_347 = arith.index_cast %get3A_346 : i32 to index
        %get3A_348 = arith.index_cast %add3A_317 : i32 to index
        %get3A_349 = arith.constant 64 : index
        %get3A_350 = tpu.vector_load %arg12[%get3A_347, %get3A_348, %get3A_349] {strides = array<i32>} : memref<2x40x128xf32, #tpu.memory_space<vmem>>, vector<16xf32>,
        %add3A_351 = arith.addf %get3A_350, %unpack3A_329 : vector<16xf32>
        %add3A_352 = arith.addf %add3A_351, %unpack3A_338 : vector<16xf32>
        %exp3A = math.exp %add3A_345 : vector<16xf32>
        %add3A_353 = arith.constant 1.000000e+00 : f32
        %add3A_354 = vector.broadcast %add3A_353 : f32 to vector<16xf32>
        %add3A_355 = arith.addf %add3A_354, %exp3A : vector<16xf32>
        %div3A = arith.divf %unpack3A_322, %add3A_355 : vector<16xf32>
        %swap3A = arith.index_cast %add3A_317 : i32 to index
        %swap3A_356 = arith.constant 0 : index
        %swap3A_357 = tpu.vector_load %arg15[%swap3A, %swap3A_356] {strides = array<i32>} : memref<40x128xf32, #tpu.memory_space<vmem>>, vector<16xf32>,
        tpu.vector_store %arg15[%swap3A, %swap3A_356], %div3A {strides = array<i32>} : memref<40x128xf32, #tpu.memory_space<vmem>>, vector<16xf32>,
        %exp3A_358 = math.exp %add3A_352 : vector<16xf32>
        %add3A_359 = arith.constant 1.000000e+00 : f32
        %add3A_360 = vector.broadcast %add3A_359 : f32 to vector<16xf32>
        %add3A_361 = arith.addf %add3A_360, %exp3A_358 : vector<16xf32>
        %div3A_362 = arith.divf %unpack3A_330, %add3A_361 : vector<16xf32>
        %swap3A_363 = arith.index_cast %add3A_317 : i32 to index
        %swap3A_364 = arith.constant 64 : index
        %swap3A_365 = tpu.vector_load %arg15[%swap3A_363, %swap3A_364] {strides = array<i32>} : memref<40x128xf32, #tpu.memory_space<vmem>>, vector<16xf32>,
        tpu.vector_store %arg15[%swap3A_363, %swap3A_364], %div3A_362 {strides = array<i32>} : memref<40x128xf32, #tpu.memory_space<vmem>>, vector<16xf32>,
        %get3A_366 = arith.constant 1 : i32
        %get3A_367 = arith.index_cast %get3A_366 : i32 to index
        %get3A_368 = arith.index_cast %add3A_317 : i32 to index
        %get3A_369 = arith.constant 16 : index
        %get3A_370 = tpu.vector_load %arg13[%get3A_367, %get3A_368, %get3A_369] {strides = array<i32>} : memref<2x40x128xi32, #tpu.memory_space<vmem>>, vector<16xi32>,
        %bitcast3A_371 = vector.bitcast %get3A_370 : vector<16xi32> to vector<32xbf16>
        %unpack3A_372 = tpu.unpack_subelements %bitcast3A_371, 0 {pack_format = #tpu.pack_format<interleaved>} : vector<32xbf16> -> vector<16xf32>
        %unpack3A_373 = tpu.unpack_subelements %bitcast3A_371, 1 {pack_format = #tpu.pack_format<interleaved>} : vector<32xbf16> -> vector<16xf32>
        %get3A_374 = arith.constant 1 : i32
        %get3A_375 = arith.index_cast %get3A_374 : i32 to index
        %get3A_376 = arith.index_cast %add3A_317 : i32 to index
        %get3A_377 = arith.constant 80 : index
        %get3A_378 = tpu.vector_load %arg13[%get3A_375, %get3A_376, %get3A_377] {strides = array<i32>} : memref<2x40x128xi32, #tpu.memory_space<vmem>>, vector<16xi32>,
        %bitcast3A_379 = vector.bitcast %get3A_378 : vector<16xi32> to vector<32xbf16>
        %unpack3A_380 = tpu.unpack_subelements %bitcast3A_379, 0 {pack_format = #tpu.pack_format<interleaved>} : vector<32xbf16> -> vector<16xf32>
        %unpack3A_381 = tpu.unpack_subelements %bitcast3A_379, 1 {pack_format = #tpu.pack_format<interleaved>} : vector<32xbf16> -> vector<16xf32>
        %get3A_382 = arith.constant 1 : i32
        %get3A_383 = arith.index_cast %get3A_382 : i32 to index
        %get3A_384 = arith.index_cast %add3A_317 : i32 to index
        %get3A_385 = arith.constant 16 : index
        %get3A_386 = tpu.vector_load %arg14[%get3A_383, %get3A_384, %get3A_385] {strides = array<i32>} : memref<2x40x64xi32, #tpu.memory_space<vmem>>, vector<16xi32>,
        %bitcast3A_387 = vector.bitcast %get3A_386 : vector<16xi32> to vector<32xbf16>
        %unpack3A_388 = tpu.unpack_subelements %bitcast3A_387, 0 {pack_format = #tpu.pack_format<interleaved>} : vector<32xbf16> -> vector<16xf32>
        %unpack3A_389 = tpu.unpack_subelements %bitcast3A_387, 1 {pack_format = #tpu.pack_format<interleaved>} : vector<32xbf16> -> vector<16xf32>
        %get3A_390 = arith.constant 1 : i32
        %get3A_391 = arith.index_cast %get3A_390 : i32 to index
        %get3A_392 = arith.index_cast %add3A_317 : i32 to index
        %get3A_393 = arith.constant 16 : index
        %get3A_394 = tpu.vector_load %arg12[%get3A_391, %get3A_392, %get3A_393] {strides = array<i32>} : memref<2x40x128xf32, #tpu.memory_space<vmem>>, vector<16xf32>,
        %add3A_395 = arith.addf %get3A_394, %unpack3A_372 : vector<16xf32>
        %add3A_396 = arith.addf %add3A_395, %unpack3A_388 : vector<16xf32>
        %get3A_397 = arith.constant 1 : i32
        %get3A_398 = arith.index_cast %get3A_397 : i32 to index
        %get3A_399 = arith.index_cast %add3A_317 : i32 to index
        %get3A_400 = arith.constant 80 : index
        %get3A_401 = tpu.vector_load %arg12[%get3A_398, %get3A_399, %get3A_400] {strides = array<i32>} : memref<2x40x128xf32, #tpu.memory_space<vmem>>, vector<16xf32>,
        %add3A_402 = arith.addf %get3A_401, %unpack3A_380 : vector<16xf32>
        %add3A_403 = arith.addf %add3A_402, %unpack3A_389 : vector<16xf32>
        %exp3A_404 = math.exp %add3A_396 : vector<16xf32>
        %add3A_405 = arith.constant 1.000000e+00 : f32
        %add3A_406 = vector.broadcast %add3A_405 : f32 to vector<16xf32>
        %add3A_407 = arith.addf %add3A_406, %exp3A_404 : vector<16xf32>
        %div3A_408 = arith.divf %unpack3A_373, %add3A_407 : vector<16xf32>
        %swap3A_409 = arith.index_cast %add3A_317 : i32 to index
        %swap3A_410 = arith.constant 16 : index
        %swap3A_411 = tpu.vector_load %arg15[%swap3A_409, %swap3A_410] {strides = array<i32>} : memref<40x128xf32, #tpu.memory_space<vmem>>, vector<16xf32>,
        tpu.vector_store %arg15[%swap3A_409, %swap3A_410], %div3A_408 {strides = array<i32>} : memref<40x128xf32, #tpu.memory_space<vmem>>, vector<16xf32>,
        %exp3A_412 = math.exp %add3A_403 : vector<16xf32>
        %add3A_413 = arith.constant 1.000000e+00 : f32
        %add3A_414 = vector.broadcast %add3A_413 : f32 to vector<16xf32>
        %add3A_415 = arith.addf %add3A_414, %exp3A_412 : vector<16xf32>
        %div3A_416 = arith.divf %unpack3A_381, %add3A_415 : vector<16xf32>
        %swap3A_417 = arith.index_cast %add3A_317 : i32 to index
        %swap3A_418 = arith.constant 80 : index
        %swap3A_419 = tpu.vector_load %arg15[%swap3A_417, %swap3A_418] {strides = array<i32>} : memref<40x128xf32, #tpu.memory_space<vmem>>, vector<16xf32>,
        tpu.vector_store %arg15[%swap3A_417, %swap3A_418], %div3A_416 {strides = array<i32>} : memref<40x128xf32, #tpu.memory_space<vmem>>, vector<16xf32>,
        %get3A_420 = arith.constant 1 : i32
        %get3A_421 = arith.index_cast %get3A_420 : i32 to index
        %get3A_422 = arith.index_cast %add3A_317 : i32 to index
        %get3A_423 = arith.constant 32 : index
        %get3A_424 = tpu.vector_load %arg13[%get3A_421, %get3A_422, %get3A_423] {strides = array<i32>} : memref<2x40x128xi32, #tpu.memory_space<vmem>>, vector<16xi32>,
        %bitcast3A_425 = vector.bitcast %get3A_424 : vector<16xi32> to vector<32xbf16>
        %unpack3A_426 = tpu.unpack_subelements %bitcast3A_425, 0 {pack_format = #tpu.pack_format<interleaved>} : vector<32xbf16> -> vector<16xf32>
        %unpack3A_427 = tpu.unpack_subelements %bitcast3A_425, 1 {pack_format = #tpu.pack_format<interleaved>} : vector<32xbf16> -> vector<16xf32>
        %get3A_428 = arith.constant 1 : i32
        %get3A_429 = arith.index_cast %get3A_428 : i32 to index
        %get3A_430 = arith.index_cast %add3A_317 : i32 to index
        %get3A_431 = arith.constant 96 : index
        %get3A_432 = tpu.vector_load %arg13[%get3A_429, %get3A_430, %get3A_431] {strides = array<i32>} : memref<2x40x128xi32, #tpu.memory_space<vmem>>, vector<16xi32>,
        %bitcast3A_433 = vector.bitcast %get3A_432 : vector<16xi32> to vector<32xbf16>
        %unpack3A_434 = tpu.unpack_subelements %bitcast3A_433, 0 {pack_format = #tpu.pack_format<interleaved>} : vector<32xbf16> -> vector<16xf32>
        %unpack3A_435 = tpu.unpack_subelements %bitcast3A_433, 1 {pack_format = #tpu.pack_format<interleaved>} : vector<32xbf16> -> vector<16xf32>
        %get3A_436 = arith.constant 1 : i32
        %get3A_437 = arith.index_cast %get3A_436 : i32 to index
        %get3A_438 = arith.index_cast %add3A_317 : i32 to index
        %get3A_439 = arith.constant 32 : index
        %get3A_440 = tpu.vector_load %arg14[%get3A_437, %get3A_438, %get3A_439] {strides = array<i32>} : memref<2x40x64xi32, #tpu.memory_space<vmem>>, vector<16xi32>,
        %bitcast3A_441 = vector.bitcast %get3A_440 : vector<16xi32> to vector<32xbf16>
        %unpack3A_442 = tpu.unpack_subelements %bitcast3A_441, 0 {pack_format = #tpu.pack_format<interleaved>} : vector<32xbf16> -> vector<16xf32>
        %unpack3A_443 = tpu.unpack_subelements %bitcast3A_441, 1 {pack_format = #tpu.pack_format<interleaved>} : vector<32xbf16> -> vector<16xf32>
        %get3A_444 = arith.constant 1 : i32
        %get3A_445 = arith.index_cast %get3A_444 : i32 to index
        %get3A_446 = arith.index_cast %add3A_317 : i32 to index
        %get3A_447 = arith.constant 32 : index
        %get3A_448 = tpu.vector_load %arg12[%get3A_445, %get3A_446, %get3A_447] {strides = array<i32>} : memref<2x40x128xf32, #tpu.memory_space<vmem>>, vector<16xf32>,
        %add3A_449 = arith.addf %get3A_448, %unpack3A_426 : vector<16xf32>
        %add3A_450 = arith.addf %add3A_449, %unpack3A_442 : vector<16xf32>
        %get3A_451 = arith.constant 1 : i32
        %get3A_452 = arith.index_cast %get3A_451 : i32 to index
        %get3A_453 = arith.index_cast %add3A_317 : i32 to index
        %get3A_454 = arith.constant 96 : index
        %get3A_455 = tpu.vector_load %arg12[%get3A_452, %get3A_453, %get3A_454] {strides = array<i32>} : memref<2x40x128xf32, #tpu.memory_space<vmem>>, vector<16xf32>,
        %add3A_456 = arith.addf %get3A_455, %unpack3A_434 : vector<16xf32>
        %add3A_457 = arith.addf %add3A_456, %unpack3A_443 : vector<16xf32>
        %exp3A_458 = math.exp %add3A_450 : vector<16xf32>
        %add3A_459 = arith.constant 1.000000e+00 : f32
        %add3A_460 = vector.broadcast %add3A_459 : f32 to vector<16xf32>
        %add3A_461 = arith.addf %add3A_460, %exp3A_458 : vector<16xf32>
        %div3A_462 = arith.divf %unpack3A_427, %add3A_461 : vector<16xf32>
        %swap3A_463 = arith.index_cast %add3A_317 : i32 to index
        %swap3A_464 = arith.constant 32 : index
        %swap3A_465 = tpu.vector_load %arg15[%swap3A_463, %swap3A_464] {strides = array<i32>} : memref<40x128xf32, #tpu.memory_space<vmem>>, vector<16xf32>,
        tpu.vector_store %arg15[%swap3A_463, %swap3A_464], %div3A_462 {strides = array<i32>} : memref<40x128xf32, #tpu.memory_space<vmem>>, vector<16xf32>,
        %exp3A_466 = math.exp %add3A_457 : vector<16xf32>
        %add3A_467 = arith.constant 1.000000e+00 : f32
        %add3A_468 = vector.broadcast %add3A_467 : f32 to vector<16xf32>
        %add3A_469 = arith.addf %add3A_468, %exp3A_466 : vector<16xf32>
        %div3A_470 = arith.divf %unpack3A_435, %add3A_469 : vector<16xf32>
        %swap3A_471 = arith.index_cast %add3A_317 : i32 to index
        %swap3A_472 = arith.constant 96 : index
        %swap3A_473 = tpu.vector_load %arg15[%swap3A_471, %swap3A_472] {strides = array<i32>} : memref<40x128xf32, #tpu.memory_space<vmem>>, vector<16xf32>,
        tpu.vector_store %arg15[%swap3A_471, %swap3A_472], %div3A_470 {strides = array<i32>} : memref<40x128xf32, #tpu.memory_space<vmem>>, vector<16xf32>,
        %get3A_474 = arith.constant 1 : i32
        %get3A_475 = arith.index_cast %get3A_474 : i32 to index
        %get3A_476 = arith.index_cast %add3A_317 : i32 to index
        %get3A_477 = arith.constant 48 : index
        %get3A_478 = tpu.vector_load %arg13[%get3A_475, %get3A_476, %get3A_477] {strides = array<i32>} : memref<2x40x128xi32, #tpu.memory_space<vmem>>, vector<16xi32>,
        %bitcast3A_479 = vector.bitcast %get3A_478 : vector<16xi32> to vector<32xbf16>
        %unpack3A_480 = tpu.unpack_subelements %bitcast3A_479, 0 {pack_format = #tpu.pack_format<interleaved>} : vector<32xbf16> -> vector<16xf32>
        %unpack3A_481 = tpu.unpack_subelements %bitcast3A_479, 1 {pack_format = #tpu.pack_format<interleaved>} : vector<32xbf16> -> vector<16xf32>
        %get3A_482 = arith.constant 1 : i32
        %get3A_483 = arith.index_cast %get3A_482 : i32 to index
        %get3A_484 = arith.index_cast %add3A_317 : i32 to index
        %get3A_485 = arith.constant 112 : index
        %get3A_486 = tpu.vector_load %arg13[%get3A_483, %get3A_484, %get3A_485] {strides = array<i32>} : memref<2x40x128xi32, #tpu.memory_space<vmem>>, vector<16xi32>,
        %bitcast3A_487 = vector.bitcast %get3A_486 : vector<16xi32> to vector<32xbf16>
        %unpack3A_488 = tpu.unpack_subelements %bitcast3A_487, 0 {pack_format = #tpu.pack_format<interleaved>} : vector<32xbf16> -> vector<16xf32>
        %unpack3A_489 = tpu.unpack_subelements %bitcast3A_487, 1 {pack_format = #tpu.pack_format<interleaved>} : vector<32xbf16> -> vector<16xf32>
        %get3A_490 = arith.constant 1 : i32
        %get3A_491 = arith.index_cast %get3A_490 : i32 to index
        %get3A_492 = arith.index_cast %add3A_317 : i32 to index
        %get3A_493 = arith.constant 48 : index
        %get3A_494 = tpu.vector_load %arg14[%get3A_491, %get3A_492, %get3A_493] {strides = array<i32>} : memref<2x40x64xi32, #tpu.memory_space<vmem>>, vector<16xi32>,
        %bitcast3A_495 = vector.bitcast %get3A_494 : vector<16xi32> to vector<32xbf16>
        %unpack3A_496 = tpu.unpack_subelements %bitcast3A_495, 0 {pack_format = #tpu.pack_format<interleaved>} : vector<32xbf16> -> vector<16xf32>
        %unpack3A_497 = tpu.unpack_subelements %bitcast3A_495, 1 {pack_format = #tpu.pack_format<interleaved>} : vector<32xbf16> -> vector<16xf32>
        %get3A_498 = arith.constant 1 : i32
        %get3A_499 = arith.index_cast %get3A_498 : i32 to index
        %get3A_500 = arith.index_cast %add3A_317 : i32 to index
        %get3A_501 = arith.constant 48 : index
        %get3A_502 = tpu.vector_load %arg12[%get3A_499, %get3A_500, %get3A_501] {strides = array<i32>} : memref<2x40x128xf32, #tpu.memory_space<vmem>>, vector<16xf32>,
        %add3A_503 = arith.addf %get3A_502, %unpack3A_480 : vector<16xf32>
        %add3A_504 = arith.addf %add3A_503, %unpack3A_496 : vector<16xf32>
        %get3A_505 = arith.constant 1 : i32
        %get3A_506 = arith.index_cast %get3A_505 : i32 to index
        %get3A_507 = arith.index_cast %add3A_317 : i32 to index
        %get3A_508 = arith.constant 112 : index
        %get3A_509 = tpu.vector_load %arg12[%get3A_506, %get3A_507, %get3A_508] {strides = array<i32>} : memref<2x40x128xf32, #tpu.memory_space<vmem>>, vector<16xf32>,
        %add3A_510 = arith.addf %get3A_509, %unpack3A_488 : vector<16xf32>
        %add3A_511 = arith.addf %add3A_510, %unpack3A_497 : vector<16xf32>
        %exp3A_512 = math.exp %add3A_504 : vector<16xf32>
        %add3A_513 = arith.constant 1.000000e+00 : f32
        %add3A_514 = vector.broadcast %add3A_513 : f32 to vector<16xf32>
        %add3A_515 = arith.addf %add3A_514, %exp3A_512 : vector<16xf32>
        %div3A_516 = arith.divf %unpack3A_481, %add3A_515 : vector<16xf32>
        %swap3A_517 = arith.index_cast %add3A_317 : i32 to index
        %swap3A_518 = arith.constant 48 : index
        %swap3A_519 = tpu.vector_load %arg15[%swap3A_517, %swap3A_518] {strides = array<i32>} : memref<40x128xf32, #tpu.memory_space<vmem>>, vector<16xf32>,
        tpu.vector_store %arg15[%swap3A_517, %swap3A_518], %div3A_516 {strides = array<i32>} : memref<40x128xf32, #tpu.memory_space<vmem>>, vector<16xf32>,
        %exp3A_520 = math.exp %add3A_511 : vector<16xf32>
        %add3A_521 = arith.constant 1.000000e+00 : f32
        %add3A_522 = vector.broadcast %add3A_521 : f32 to vector<16xf32>
        %add3A_523 = arith.addf %add3A_522, %exp3A_520 : vector<16xf32>
        %div3A_524 = arith.divf %unpack3A_489, %add3A_523 : vector<16xf32>
        %swap3A_525 = arith.index_cast %add3A_317 : i32 to index
        %swap3A_526 = arith.constant 112 : index
        %swap3A_527 = tpu.vector_load %arg15[%swap3A_525, %swap3A_526] {strides = array<i32>} : memref<40x128xf32, #tpu.memory_space<vmem>>, vector<16xf32>,
        tpu.vector_store %arg15[%swap3A_525, %swap3A_526], %div3A_524 {strides = array<i32>} : memref<40x128xf32, #tpu.memory_space<vmem>>, vector<16xf32>,
      }
      %scan3A_304 = arith.constant 40 : i32
      %run_scoped3A_305 = arith.constant 1 : i32
      "tpu.region"() ({
        %run_scoped3A_313 = tpu.sem_alloc : memref<!tpu.dma_semaphore, #tpu.memory_space<semaphore_mem>>
        %dma_start3A_314 = arith.constant 0 : i32
        %dma_start3A_315 = tpu.memref_slice %arg10[%run_scoped3A_305, %dma_start3A_314] : memref<2x40xi32, #tpu.memory_space<vmem>> -> memref<1x40xi32, #tpu.memory_space<vmem>>
        %dma_start3A_316 = tpu.memref_squeeze %dma_start3A_315 : memref<1x40xi32, #tpu.memory_space<vmem>> -> memref<40xi32, #tpu.memory_space<vmem>>
        %dma_start3A_317 = arith.constant 0 : i32
        %dma_start3A_318 = arith.constant 0 : i32
        %dma_start3A_319 = tpu.memref_slice %arg9[%dma_start3A_317, %dma_start3A_318] : memref<10000x128xf32, #tpu.memory_space<vmem_shared>> -> memref<10000x128xf32, #tpu.memory_space<vmem_shared>>
        tpu.enqueue_indirect_dma source(%arg15 : memref<40x128xf32, #tpu.memory_space<vmem>>) target(%dma_start3A_319 : memref<10000x128xf32, #tpu.memory_space<vmem_shared>>) offsets(%dma_start3A_316 : memref<40xi32, #tpu.memory_space<vmem>>) semaphore(%run_scoped3A_313 : memref<!tpu.dma_semaphore, #tpu.memory_space<semaphore_mem>>) {add = true}
        %dma_wait3A_320 = arith.constant 0 : i32
        %dma_wait3A_321 = tpu.memref_slice %arg10[%run_scoped3A_305, %dma_wait3A_320] : memref<2x40xi32, #tpu.memory_space<vmem>> -> memref<1x40xi32, #tpu.memory_space<vmem>>
        %dma_wait3A_322 = tpu.memref_squeeze %dma_wait3A_321 : memref<1x40xi32, #tpu.memory_space<vmem>> -> memref<40xi32, #tpu.memory_space<vmem>>
        %dma_wait3A_323 = arith.constant 0 : i32
        %dma_wait3A_324 = arith.constant 0 : i32
        %dma_wait3A_325 = tpu.memref_slice %arg9[%dma_wait3A_323, %dma_wait3A_324] : memref<10000x128xf32, #tpu.memory_space<vmem_shared>> -> memref<10000x128xf32, #tpu.memory_space<vmem_shared>>
        tpu.wait_indirect_dma semaphore(%run_scoped3A_313 : memref<!tpu.dma_semaphore, #tpu.memory_space<semaphore_mem>>) src(%arg15 : memref<40x128xf32, #tpu.memory_space<vmem>>) dst(%dma_wait3A_325 : memref<10000x128xf32, #tpu.memory_space<vmem_shared>>)
        tpu.yield
      }) : () -> ()
      %add3A_306 = arith.constant 2 : i32
      %add3A_307 = arith.addi %add3A_250, %add3A_306 : i32
      %lt3A_308 = arith.constant 250 : i32
      %lt3A_309 = arith.cmpi slt, %add3A_307, %lt3A_308 : i32
      %convert_element_type3A_310 = arith.extui %lt3A_309 : i1 to i32
      %cond3A_311 = arith.constant 0 : i32
      %cond3A_312 = arith.cmpi ne, %convert_element_type3A_310, %cond3A_311 : i32
      scf.if %cond3A_312 {
        %add3A_313 = arith.constant 2 : i32
        %add3A_314 = arith.addi %add3A_250, %add3A_313 : i32
        %mul3A_315 = arith.constant 32 : i32
        %mul3A_316 = arith.muli %add3A_314, %mul3A_315 : i32
        %add3A_317 = arith.addi %add3A, %mul3A_316 : i32
        %mul3A_318 = arith.constant 40 : i32
        %mul3A_319 = arith.muli %add3A_317, %mul3A_318 : i32
        %dma_start3A_320 = arith.constant 1 : i32
        %dma_start3A_321 = arith.constant 0 : i32
        %dma_start3A_322 = tpu.memref_slice %arg10[%dma_start3A_320, %dma_start3A_321] : memref<2x40xi32, #tpu.memory_space<vmem>> -> memref<1x40xi32, #tpu.memory_space<vmem>>
        %dma_start3A_323 = tpu.memref_squeeze %dma_start3A_322 : memref<1x40xi32, #tpu.memory_space<vmem>> -> memref<40xi32, #tpu.memory_space<vmem>>
        %dma_start3A_324 = tpu.memref_slice %arg6[%mul3A_319] : memref<320000xi32, #tpu.memory_space<hbm>> -> memref<40xi32, #tpu.memory_space<hbm>>
        %dma_start3A_325 = arith.constant 0 : i32
        %dma_start3A_326 = tpu.memref_slice %arg10[%dma_start3A_320, %dma_start3A_325] : memref<2x40xi32, #tpu.memory_space<vmem>> -> memref<1x40xi32, #tpu.memory_space<vmem>>
        %dma_start3A_327 = tpu.memref_squeeze %dma_start3A_326 : memref<1x40xi32, #tpu.memory_space<vmem>> -> memref<40xi32, #tpu.memory_space<vmem>>
        %dma_start3A_328 = tpu.memref_slice %arg6[%mul3A_319] : memref<320000xi32, #tpu.memory_space<hbm>> -> memref<40xi32, #tpu.memory_space<hbm>>
        tpu.enqueue_dma source(%dma_start3A_328 : memref<40xi32, #tpu.memory_space<hbm>>) target(%dma_start3A_327 : memref<40xi32, #tpu.memory_space<vmem>>) target_semaphore(%arg16 : memref<!tpu.dma_semaphore, #tpu.memory_space<semaphore_mem>>)
        %dma_start3A_329 = arith.constant 1 : i32
        %dma_start3A_330 = arith.constant 0 : i32
        %dma_start3A_331 = tpu.memref_slice %arg11[%dma_start3A_329, %dma_start3A_330] : memref<2x40xi32, #tpu.memory_space<vmem>> -> memref<1x40xi32, #tpu.memory_space<vmem>>
        %dma_start3A_332 = tpu.memref_squeeze %dma_start3A_331 : memref<1x40xi32, #tpu.memory_space<vmem>> -> memref<40xi32, #tpu.memory_space<vmem>>
        %dma_start3A_333 = tpu.memref_slice %arg5[%mul3A_319] : memref<320000xi32, #tpu.memory_space<hbm>> -> memref<40xi32, #tpu.memory_space<hbm>>
        %dma_start3A_334 = arith.constant 0 : i32
        %dma_start3A_335 = tpu.memref_slice %arg11[%dma_start3A_329, %dma_start3A_334] : memref<2x40xi32, #tpu.memory_space<vmem>> -> memref<1x40xi32, #tpu.memory_space<vmem>>
        %dma_start3A_336 = tpu.memref_squeeze %dma_start3A_335 : memref<1x40xi32, #tpu.memory_space<vmem>> -> memref<40xi32, #tpu.memory_space<vmem>>
        %dma_start3A_337 = tpu.memref_slice %arg5[%mul3A_319] : memref<320000xi32, #tpu.memory_space<hbm>> -> memref<40xi32, #tpu.memory_space<hbm>>
        tpu.enqueue_dma source(%dma_start3A_337 : memref<40xi32, #tpu.memory_space<hbm>>) target(%dma_start3A_336 : memref<40xi32, #tpu.memory_space<vmem>>) target_semaphore(%arg16 : memref<!tpu.dma_semaphore, #tpu.memory_space<semaphore_mem>>)
      } else {
      }
    }
    %scan3A_113 = arith.constant 125 : i32
    %barrier3A_114 = arith.constant 0 : index
    tpu.barrier barrier_id(%barrier3A_114)
    "tpu.region"() ({
      %run_scoped3A = tpu.sem_alloc : memref<!tpu.dma_semaphore, #tpu.memory_space<semaphore_mem>>
      %dma_start3A_120 = arith.constant 0 : i32
      %dma_start3A_121 = tpu.memref_slice %arg8[%arg0, %mul3A_2, %dma_start3A_120] : memref<2x10000x128xf32, #tpu.memory_space<hbm>> -> memref<1x624x128xf32, #tpu.memory_space<hbm>>
      %dma_start3A_122 = tpu.memref_squeeze %dma_start3A_121 : memref<1x624x128xf32, #tpu.memory_space<hbm>> -> memref<624x128xf32, #tpu.memory_space<hbm>>
      %dma_start3A_123 = arith.constant 0 : i32
      %dma_start3A_124 = tpu.memref_slice %arg9[%mul3A_2, %dma_start3A_123] : memref<10000x128xf32, #tpu.memory_space<vmem_shared>> -> memref<624x128xf32, #tpu.memory_space<vmem_shared>>
      tpu.enqueue_dma source(%dma_start3A_124 : memref<624x128xf32, #tpu.memory_space<vmem_shared>>) target(%dma_start3A_122 : memref<624x128xf32, #tpu.memory_space<hbm>>) target_semaphore(%run_scoped3A : memref<!tpu.dma_semaphore, #tpu.memory_space<semaphore_mem>>)
      %dma_wait3A_125 = arith.constant 0 : i32
      %dma_wait3A_126 = tpu.memref_slice %arg8[%arg0, %mul3A_2, %dma_wait3A_125] : memref<2x10000x128xf32, #tpu.memory_space<hbm>> -> memref<1x624x128xf32, #tpu.memory_space<hbm>>
      %dma_wait3A_127 = tpu.memref_squeeze %dma_wait3A_126 : memref<1x624x128xf32, #tpu.memory_space<hbm>> -> memref<624x128xf32, #tpu.memory_space<hbm>>
      %dma_wait3A_128 = arith.constant 0 : i32
      %dma_wait3A_129 = tpu.memref_slice %arg9[%mul3A_2, %dma_wait3A_128] : memref<10000x128xf32, #tpu.memory_space<vmem_shared>> -> memref<624x128xf32, #tpu.memory_space<vmem_shared>>
      tpu.wait_dma2 semaphore(%run_scoped3A : memref<!tpu.dma_semaphore, #tpu.memory_space<semaphore_mem>>) src(%dma_wait3A_129 : memref<624x128xf32, #tpu.memory_space<vmem_shared>>) dst(%dma_wait3A_127 : memref<624x128xf32, #tpu.memory_space<hbm>>)
      tpu.yield
    }) : () -> ()
    %eq3A_115 = arith.constant 15 : i32
    %eq3A_116 = arith.cmpi eq, %arg1, %eq3A_115 : i32
    %convert_element_type3A_117 = arith.extui %eq3A_116 : i1 to i32
    %cond3A_118 = arith.constant 0 : i32
    %cond3A_119 = arith.cmpi ne, %convert_element_type3A_117, %cond3A_118 : i32
    scf.if %cond3A_119 {
      "tpu.region"() ({
        %run_scoped3A = tpu.sem_alloc : memref<!tpu.dma_semaphore, #tpu.memory_space<semaphore_mem>>
        %dma_start3A_120 = arith.constant 9984 : i32
        %dma_start3A_121 = arith.constant 0 : i32
        %dma_start3A_122 = tpu.memref_slice %arg8[%arg0, %dma_start3A_120, %dma_start3A_121] : memref<2x10000x128xf32, #tpu.memory_space<hbm>> -> memref<1x16x128xf32, #tpu.memory_space<hbm>>
        %dma_start3A_123 = tpu.memref_squeeze %dma_start3A_122 : memref<1x16x128xf32, #tpu.memory_space<hbm>> -> memref<16x128xf32, #tpu.memory_space<hbm>>
        %dma_start3A_124 = arith.constant 9984 : i32
        %dma_start3A_125 = arith.constant 0 : i32
        %dma_start3A_126 = tpu.memref_slice %arg9[%dma_start3A_124, %dma_start3A_125] : memref<10000x128xf32, #tpu.memory_space<vmem_shared>> -> memref<16x128xf32, #tpu.memory_space<vmem_shared>>
        tpu.enqueue_dma source(%dma_start3A_126 : memref<16x128xf32, #tpu.memory_space<vmem_shared>>) target(%dma_start3A_123 : memref<16x128xf32, #tpu.memory_space<hbm>>) target_semaphore(%run_scoped3A : memref<!tpu.dma_semaphore, #tpu.memory_space<semaphore_mem>>)
        %dma_wait3A_127 = arith.constant 9984 : i32
        %dma_wait3A_128 = arith.constant 0 : i32
        %dma_wait3A_129 = tpu.memref_slice %arg8[%arg0, %dma_wait3A_127, %dma_wait3A_128] : memref<2x10000x128xf32, #tpu.memory_space<hbm>> -> memref<1x16x128xf32, #tpu.memory_space<hbm>>
        %dma_wait3A_130 = tpu.memref_squeeze %dma_wait3A_129 : memref<1x16x128xf32, #tpu.memory_space<hbm>> -> memref<16x128xf32, #tpu.memory_space<hbm>>
        %dma_wait3A_131 = arith.constant 9984 : i32
        %dma_wait3A_132 = arith.constant 0 : i32
        %dma_wait3A_133 = tpu.memref_slice %arg9[%dma_wait3A_131, %dma_wait3A_132] : memref<10000x128xf32, #tpu.memory_space<vmem_shared>> -> memref<16x128xf32, #tpu.memory_space<vmem_shared>>
        tpu.wait_dma2 semaphore(%run_scoped3A : memref<!tpu.dma_semaphore, #tpu.memory_space<semaphore_mem>>) src(%dma_wait3A_133 : memref<16x128xf32, #tpu.memory_space<vmem_shared>>) dst(%dma_wait3A_130 : memref<16x128xf32, #tpu.memory_space<hbm>>)
        tpu.yield
      }) : () -> ()
    } else {
    }
    return
  }
}

#map = affine_map<(d0, d1) -> (0, 0)>
#map1 = affine_map<(d0, d1) -> (0)>
#map2 = affine_map<(d0, d1) -> (0, 0, 0)>
module attributes {stable_mosaic.version = 14 : i64} {
  func.func @_edge_sc_body(%arg0: i32, %arg1: i32, %arg2: memref<10000x128xf32, #tpu.memory_space<hbm>>, %arg3: memref<10000x128xi32, #tpu.memory_space<hbm>>, %arg4: memref<320000x64xi32, #tpu.memory_space<hbm>>, %arg5: memref<320000xi32, #tpu.memory_space<hbm>>, %arg6: memref<320000xi32, #tpu.memory_space<hbm>>, %arg7: memref<10000x128xf32, #tpu.memory_space<hbm>>, %arg8: memref<2x10000x128xf32, #tpu.memory_space<hbm>>, %arg9: memref<10000x128xf32, #tpu.memory_space<vmem_shared>>, %arg10: memref<2x40xi32, #tpu.memory_space<vmem>>, %arg11: memref<2x40xi32, #tpu.memory_space<vmem>>, %arg12: memref<2x40x128xf32, #tpu.memory_space<vmem>>, %arg13: memref<2x40x128xi32, #tpu.memory_space<vmem>>, %arg14: memref<2x40x64xi32, #tpu.memory_space<vmem>>, %arg15: memref<40x128xf32, #tpu.memory_space<vmem>>, %arg16: memref<!tpu.dma_semaphore, #tpu.memory_space<semaphore_mem>>, %arg17: memref<!tpu.dma_semaphore, #tpu.memory_space<semaphore_mem>>) attributes {dimension_semantics = [#tpu.dimension_semantics<core_parallel>, #tpu.dimension_semantics<subcore_parallel>], iteration_bounds = array<i64: 2, 16>, scalar_prefetch = 0 : i64, scratch_operands = 9 : i64, tpu.core_type = #tpu.core_type<sc_vector_subcore>, window_params = [{transform_indices = #map}, {transform_indices = #map}, {transform_indices = #map}, {transform_indices = #map1}, {transform_indices = #map1}, {transform_indices = #map}, {transform_indices = #map2}]} {
    %mul3A = arith.constant 2 : i32
    %mul3A_0 = arith.muli %arg1, %mul3A : i32
    %add3A = arith.addi %mul3A_0, %arg0 : i32
    %mul3A_1 = arith.constant 624 : i32
    %mul3A_2 = arith.muli %arg1, %mul3A_1 : i32
    "tpu.region"() ({
      %run_scoped3A = tpu.sem_alloc : memref<!tpu.dma_semaphore, #tpu.memory_space<semaphore_mem>>
      %dma_start3A_120 = arith.constant 0 : i32
      %dma_start3A_121 = tpu.memref_slice %arg9[%mul3A_2, %dma_start3A_120] : memref<10000x128xf32, #tpu.memory_space<vmem_shared>> -> memref<624x128xf32, #tpu.memory_space<vmem_shared>>
      %dma_start3A_122 = arith.constant 0 : i32
      %dma_start3A_123 = tpu.memref_slice %arg7[%mul3A_2, %dma_start3A_122] : memref<10000x128xf32, #tpu.memory_space<hbm>> -> memref<624x128xf32, #tpu.memory_space<hbm>>
      tpu.enqueue_dma source(%dma_start3A_123 : memref<624x128xf32, #tpu.memory_space<hbm>>) target(%dma_start3A_121 : memref<624x128xf32, #tpu.memory_space<vmem_shared>>) target_semaphore(%run_scoped3A : memref<!tpu.dma_semaphore, #tpu.memory_space<semaphore_mem>>)
      %dma_wait3A_124 = arith.constant 0 : i32
      %dma_wait3A_125 = tpu.memref_slice %arg9[%mul3A_2, %dma_wait3A_124] : memref<10000x128xf32, #tpu.memory_space<vmem_shared>> -> memref<624x128xf32, #tpu.memory_space<vmem_shared>>
      %dma_wait3A_126 = arith.constant 0 : i32
      %dma_wait3A_127 = tpu.memref_slice %arg7[%mul3A_2, %dma_wait3A_126] : memref<10000x128xf32, #tpu.memory_space<hbm>> -> memref<624x128xf32, #tpu.memory_space<hbm>>
      tpu.wait_dma2 semaphore(%run_scoped3A : memref<!tpu.dma_semaphore, #tpu.memory_space<semaphore_mem>>) src(%dma_wait3A_127 : memref<624x128xf32, #tpu.memory_space<hbm>>) dst(%dma_wait3A_125 : memref<624x128xf32, #tpu.memory_space<vmem_shared>>)
      tpu.yield
    }) : () -> ()
    %eq3A = arith.constant 15 : i32
    %eq3A_3 = arith.cmpi eq, %arg1, %eq3A : i32
    %convert_element_type3A = arith.extui %eq3A_3 : i1 to i32
    %cond3A = arith.constant 0 : i32
    %cond3A_4 = arith.cmpi ne, %convert_element_type3A, %cond3A : i32
    scf.if %cond3A_4 {
      "tpu.region"() ({
        %run_scoped3A = tpu.sem_alloc : memref<!tpu.dma_semaphore, #tpu.memory_space<semaphore_mem>>
        %dma_start3A_120 = arith.constant 9984 : i32
        %dma_start3A_121 = arith.constant 0 : i32
        %dma_start3A_122 = tpu.memref_slice %arg9[%dma_start3A_120, %dma_start3A_121] : memref<10000x128xf32, #tpu.memory_space<vmem_shared>> -> memref<16x128xf32, #tpu.memory_space<vmem_shared>>
        %dma_start3A_123 = arith.constant 9984 : i32
        %dma_start3A_124 = arith.constant 0 : i32
        %dma_start3A_125 = tpu.memref_slice %arg7[%dma_start3A_123, %dma_start3A_124] : memref<10000x128xf32, #tpu.memory_space<hbm>> -> memref<16x128xf32, #tpu.memory_space<hbm>>
        tpu.enqueue_dma source(%dma_start3A_125 : memref<16x128xf32, #tpu.memory_space<hbm>>) target(%dma_start3A_122 : memref<16x128xf32, #tpu.memory_space<vmem_shared>>) target_semaphore(%run_scoped3A : memref<!tpu.dma_semaphore, #tpu.memory_space<semaphore_mem>>)
        %dma_wait3A_126 = arith.constant 9984 : i32
        %dma_wait3A_127 = arith.constant 0 : i32
        %dma_wait3A_128 = tpu.memref_slice %arg9[%dma_wait3A_126, %dma_wait3A_127] : memref<10000x128xf32, #tpu.memory_space<vmem_shared>> -> memref<16x128xf32, #tpu.memory_space<vmem_shared>>
        %dma_wait3A_129 = arith.constant 9984 : i32
        %dma_wait3A_130 = arith.constant 0 : i32
        %dma_wait3A_131 = tpu.memref_slice %arg7[%dma_wait3A_129, %dma_wait3A_130] : memref<10000x128xf32, #tpu.memory_space<hbm>> -> memref<16x128xf32, #tpu.memory_space<hbm>>
        tpu.wait_dma2 semaphore(%run_scoped3A : memref<!tpu.dma_semaphore, #tpu.memory_space<semaphore_mem>>) src(%dma_wait3A_131 : memref<16x128xf32, #tpu.memory_space<hbm>>) dst(%dma_wait3A_128 : memref<16x128xf32, #tpu.memory_space<vmem_shared>>)
        tpu.yield
      }) : () -> ()
    } else {
    }
    %barrier3A = arith.constant 0 : index
    tpu.barrier barrier_id(%barrier3A)
    %add3A_5 = arith.constant 0 : i32
    %add3A_6 = arith.addi %add3A, %add3A_5 : i32
    %mul3A_7 = arith.constant 40 : i32
    %mul3A_8 = arith.muli %add3A_6, %mul3A_7 : i32
    %dma_start3A = arith.constant 0 : i32
    %dma_start3A_9 = arith.constant 0 : i32
    %dma_start3A_10 = tpu.memref_slice %arg10[%dma_start3A, %dma_start3A_9] : memref<2x40xi32, #tpu.memory_space<vmem>> -> memref<1x40xi32, #tpu.memory_space<vmem>>
    %dma_start3A_11 = tpu.memref_squeeze %dma_start3A_10 : memref<1x40xi32, #tpu.memory_space<vmem>> -> memref<40xi32, #tpu.memory_space<vmem>>
    %dma_start3A_12 = tpu.memref_slice %arg6[%mul3A_8] : memref<320000xi32, #tpu.memory_space<hbm>> -> memref<40xi32, #tpu.memory_space<hbm>>
    %dma_start3A_13 = arith.constant 0 : i32
    %dma_start3A_14 = tpu.memref_slice %arg10[%dma_start3A, %dma_start3A_13] : memref<2x40xi32, #tpu.memory_space<vmem>> -> memref<1x40xi32, #tpu.memory_space<vmem>>
    %dma_start3A_15 = tpu.memref_squeeze %dma_start3A_14 : memref<1x40xi32, #tpu.memory_space<vmem>> -> memref<40xi32, #tpu.memory_space<vmem>>
    %dma_start3A_16 = tpu.memref_slice %arg6[%mul3A_8] : memref<320000xi32, #tpu.memory_space<hbm>> -> memref<40xi32, #tpu.memory_space<hbm>>
    tpu.enqueue_dma source(%dma_start3A_16 : memref<40xi32, #tpu.memory_space<hbm>>) target(%dma_start3A_15 : memref<40xi32, #tpu.memory_space<vmem>>) target_semaphore(%arg16 : memref<!tpu.dma_semaphore, #tpu.memory_space<semaphore_mem>>)
    %dma_start3A_17 = arith.constant 0 : i32
    %dma_start3A_18 = arith.constant 0 : i32
    %dma_start3A_19 = tpu.memref_slice %arg11[%dma_start3A_17, %dma_start3A_18] : memref<2x40xi32, #tpu.memory_space<vmem>> -> memref<1x40xi32, #tpu.memory_space<vmem>>
    %dma_start3A_20 = tpu.memref_squeeze %dma_start3A_19 : memref<1x40xi32, #tpu.memory_space<vmem>> -> memref<40xi32, #tpu.memory_space<vmem>>
    %dma_start3A_21 = tpu.memref_slice %arg5[%mul3A_8] : memref<320000xi32, #tpu.memory_space<hbm>> -> memref<40xi32, #tpu.memory_space<hbm>>
    %dma_start3A_22 = arith.constant 0 : i32
    %dma_start3A_23 = tpu.memref_slice %arg11[%dma_start3A_17, %dma_start3A_22] : memref<2x40xi32, #tpu.memory_space<vmem>> -> memref<1x40xi32, #tpu.memory_space<vmem>>
    %dma_start3A_24 = tpu.memref_squeeze %dma_start3A_23 : memref<1x40xi32, #tpu.memory_space<vmem>> -> memref<40xi32, #tpu.memory_space<vmem>>
    %dma_start3A_25 = tpu.memref_slice %arg5[%mul3A_8] : memref<320000xi32, #tpu.memory_space<hbm>> -> memref<40xi32, #tpu.memory_space<hbm>>
    tpu.enqueue_dma source(%dma_start3A_25 : memref<40xi32, #tpu.memory_space<hbm>>) target(%dma_start3A_24 : memref<40xi32, #tpu.memory_space<vmem>>) target_semaphore(%arg16 : memref<!tpu.dma_semaphore, #tpu.memory_space<semaphore_mem>>)
    %add3A_26 = arith.constant 32 : i32
    %add3A_27 = arith.addi %add3A, %add3A_26 : i32
    %mul3A_28 = arith.constant 40 : i32
    %mul3A_29 = arith.muli %add3A_27, %mul3A_28 : i32
    %dma_start3A_30 = arith.constant 1 : i32
    %dma_start3A_31 = arith.constant 0 : i32
    %dma_start3A_32 = tpu.memref_slice %arg10[%dma_start3A_30, %dma_start3A_31] : memref<2x40xi32, #tpu.memory_space<vmem>> -> memref<1x40xi32, #tpu.memory_space<vmem>>
    %dma_start3A_33 = tpu.memref_squeeze %dma_start3A_32 : memref<1x40xi32, #tpu.memory_space<vmem>> -> memref<40xi32, #tpu.memory_space<vmem>>
    %dma_start3A_34 = tpu.memref_slice %arg6[%mul3A_29] : memref<320000xi32, #tpu.memory_space<hbm>> -> memref<40xi32, #tpu.memory_space<hbm>>
    %dma_start3A_35 = arith.constant 0 : i32
    %dma_start3A_36 = tpu.memref_slice %arg10[%dma_start3A_30, %dma_start3A_35] : memref<2x40xi32, #tpu.memory_space<vmem>> -> memref<1x40xi32, #tpu.memory_space<vmem>>
    %dma_start3A_37 = tpu.memref_squeeze %dma_start3A_36 : memref<1x40xi32, #tpu.memory_space<vmem>> -> memref<40xi32, #tpu.memory_space<vmem>>
    %dma_start3A_38 = tpu.memref_slice %arg6[%mul3A_29] : memref<320000xi32, #tpu.memory_space<hbm>> -> memref<40xi32, #tpu.memory_space<hbm>>
    tpu.enqueue_dma source(%dma_start3A_38 : memref<40xi32, #tpu.memory_space<hbm>>) target(%dma_start3A_37 : memref<40xi32, #tpu.memory_space<vmem>>) target_semaphore(%arg16 : memref<!tpu.dma_semaphore, #tpu.memory_space<semaphore_mem>>)
    %dma_start3A_39 = arith.constant 1 : i32
    %dma_start3A_40 = arith.constant 0 : i32
    %dma_start3A_41 = tpu.memref_slice %arg11[%dma_start3A_39, %dma_start3A_40] : memref<2x40xi32, #tpu.memory_space<vmem>> -> memref<1x40xi32, #tpu.memory_space<vmem>>
    %dma_start3A_42 = tpu.memref_squeeze %dma_start3A_41 : memref<1x40xi32, #tpu.memory_space<vmem>> -> memref<40xi32, #tpu.memory_space<vmem>>
    %dma_start3A_43 = tpu.memref_slice %arg5[%mul3A_29] : memref<320000xi32, #tpu.memory_space<hbm>> -> memref<40xi32, #tpu.memory_space<hbm>>
    %dma_start3A_44 = arith.constant 0 : i32
    %dma_start3A_45 = tpu.memref_slice %arg11[%dma_start3A_39, %dma_start3A_44] : memref<2x40xi32, #tpu.memory_space<vmem>> -> memref<1x40xi32, #tpu.memory_space<vmem>>
    %dma_start3A_46 = tpu.memref_squeeze %dma_start3A_45 : memref<1x40xi32, #tpu.memory_space<vmem>> -> memref<40xi32, #tpu.memory_space<vmem>>
    %dma_start3A_47 = tpu.memref_slice %arg5[%mul3A_29] : memref<320000xi32, #tpu.memory_space<hbm>> -> memref<40xi32, #tpu.memory_space<hbm>>
    tpu.enqueue_dma source(%dma_start3A_47 : memref<40xi32, #tpu.memory_space<hbm>>) target(%dma_start3A_46 : memref<40xi32, #tpu.memory_space<vmem>>) target_semaphore(%arg16 : memref<!tpu.dma_semaphore, #tpu.memory_space<semaphore_mem>>)
    %add3A_48 = arith.constant 0 : i32
    %add3A_49 = arith.addi %add3A, %add3A_48 : i32
    %mul3A_50 = arith.constant 40 : i32
    %mul3A_51 = arith.muli %add3A_49, %mul3A_50 : i32
    %dma_wait3A = arith.constant 0 : i32
    %dma_wait3A_52 = arith.constant 0 : i32
    %dma_wait3A_53 = tpu.memref_slice %arg10[%dma_wait3A, %dma_wait3A_52] : memref<2x40xi32, #tpu.memory_space<vmem>> -> memref<1x40xi32, #tpu.memory_space<vmem>>
    %dma_wait3A_54 = tpu.memref_squeeze %dma_wait3A_53 : memref<1x40xi32, #tpu.memory_space<vmem>> -> memref<40xi32, #tpu.memory_space<vmem>>
    %dma_wait3A_55 = tpu.memref_slice %arg6[%mul3A_51] : memref<320000xi32, #tpu.memory_space<hbm>> -> memref<40xi32, #tpu.memory_space<hbm>>
    %dma_wait3A_56 = arith.constant 0 : i32
    %dma_wait3A_57 = tpu.memref_slice %arg10[%dma_wait3A, %dma_wait3A_56] : memref<2x40xi32, #tpu.memory_space<vmem>> -> memref<1x40xi32, #tpu.memory_space<vmem>>
    %dma_wait3A_58 = tpu.memref_squeeze %dma_wait3A_57 : memref<1x40xi32, #tpu.memory_space<vmem>> -> memref<40xi32, #tpu.memory_space<vmem>>
    %dma_wait3A_59 = tpu.memref_slice %arg6[%mul3A_51] : memref<320000xi32, #tpu.memory_space<hbm>> -> memref<40xi32, #tpu.memory_space<hbm>>
    tpu.wait_dma2 semaphore(%arg16 : memref<!tpu.dma_semaphore, #tpu.memory_space<semaphore_mem>>) src(%dma_wait3A_59 : memref<40xi32, #tpu.memory_space<hbm>>) dst(%dma_wait3A_58 : memref<40xi32, #tpu.memory_space<vmem>>)
    %dma_wait3A_60 = arith.constant 0 : i32
    %dma_wait3A_61 = arith.constant 0 : i32
    %dma_wait3A_62 = tpu.memref_slice %arg11[%dma_wait3A_60, %dma_wait3A_61] : memref<2x40xi32, #tpu.memory_space<vmem>> -> memref<1x40xi32, #tpu.memory_space<vmem>>
    %dma_wait3A_63 = tpu.memref_squeeze %dma_wait3A_62 : memref<1x40xi32, #tpu.memory_space<vmem>> -> memref<40xi32, #tpu.memory_space<vmem>>
    %dma_wait3A_64 = tpu.memref_slice %arg5[%mul3A_51] : memref<320000xi32, #tpu.memory_space<hbm>> -> memref<40xi32, #tpu.memory_space<hbm>>
    %dma_wait3A_65 = arith.constant 0 : i32
    %dma_wait3A_66 = tpu.memref_slice %arg11[%dma_wait3A_60, %dma_wait3A_65] : memref<2x40xi32, #tpu.memory_space<vmem>> -> memref<1x40xi32, #tpu.memory_space<vmem>>
    %dma_wait3A_67 = tpu.memref_squeeze %dma_wait3A_66 : memref<1x40xi32, #tpu.memory_space<vmem>> -> memref<40xi32, #tpu.memory_space<vmem>>
    %dma_wait3A_68 = tpu.memref_slice %arg5[%mul3A_51] : memref<320000xi32, #tpu.memory_space<hbm>> -> memref<40xi32, #tpu.memory_space<hbm>>
    tpu.wait_dma2 semaphore(%arg16 : memref<!tpu.dma_semaphore, #tpu.memory_space<semaphore_mem>>) src(%dma_wait3A_68 : memref<40xi32, #tpu.memory_space<hbm>>) dst(%dma_wait3A_67 : memref<40xi32, #tpu.memory_space<vmem>>)
    %add3A_69 = arith.constant 0 : i32
    %add3A_70 = arith.addi %add3A, %add3A_69 : i32
    %mul3A_71 = arith.constant 40 : i32
    %mul3A_72 = arith.muli %add3A_70, %mul3A_71 : i32
    %dma_start3A_73 = arith.constant 0 : i32
    %dma_start3A_74 = arith.constant 0 : i32
    %dma_start3A_75 = arith.constant 0 : i32
    %dma_start3A_76 = arith.constant 0 : i32
    %dma_start3A_77 = tpu.memref_slice %arg12[%dma_start3A_74, %dma_start3A_75, %dma_start3A_76] : memref<2x40x128xf32, #tpu.memory_space<vmem>> -> memref<1x40x128xf32, #tpu.memory_space<vmem>>
    %dma_start3A_78 = tpu.memref_squeeze %dma_start3A_77 : memref<1x40x128xf32, #tpu.memory_space<vmem>> -> memref<40x128xf32, #tpu.memory_space<vmem>>
    %dma_start3A_79 = arith.constant 0 : i32
    %dma_start3A_80 = tpu.memref_slice %arg10[%dma_start3A_73, %dma_start3A_79] : memref<2x40xi32, #tpu.memory_space<vmem>> -> memref<1x40xi32, #tpu.memory_space<vmem>>
    %dma_start3A_81 = tpu.memref_squeeze %dma_start3A_80 : memref<1x40xi32, #tpu.memory_space<vmem>> -> memref<40xi32, #tpu.memory_space<vmem>>
    %dma_start3A_82 = arith.constant 0 : i32
    %dma_start3A_83 = arith.constant 0 : i32
    %dma_start3A_84 = tpu.memref_slice %arg2[%dma_start3A_82, %dma_start3A_83] : memref<10000x128xf32, #tpu.memory_space<hbm>> -> memref<10000x128xf32, #tpu.memory_space<hbm>>
    tpu.enqueue_indirect_dma source(%dma_start3A_84 : memref<10000x128xf32, #tpu.memory_space<hbm>>) target(%dma_start3A_78 : memref<40x128xf32, #tpu.memory_space<vmem>>) offsets(%dma_start3A_81 : memref<40xi32, #tpu.memory_space<vmem>>) semaphore(%arg17 : memref<!tpu.dma_semaphore, #tpu.memory_space<semaphore_mem>>)
    %dma_start3A_85 = arith.constant 0 : i32
    %dma_start3A_86 = arith.constant 0 : i32
    %dma_start3A_87 = arith.constant 0 : i32
    %dma_start3A_88 = arith.constant 0 : i32
    %dma_start3A_89 = tpu.memref_slice %arg13[%dma_start3A_86, %dma_start3A_87, %dma_start3A_88] : memref<2x40x128xi32, #tpu.memory_space<vmem>> -> memref<1x40x128xi32, #tpu.memory_space<vmem>>
    %dma_start3A_90 = tpu.memref_squeeze %dma_start3A_89 : memref<1x40x128xi32, #tpu.memory_space<vmem>> -> memref<40x128xi32, #tpu.memory_space<vmem>>
    %dma_start3A_91 = arith.constant 0 : i32
    %dma_start3A_92 = tpu.memref_slice %arg11[%dma_start3A_85, %dma_start3A_91] : memref<2x40xi32, #tpu.memory_space<vmem>> -> memref<1x40xi32, #tpu.memory_space<vmem>>
    %dma_start3A_93 = tpu.memref_squeeze %dma_start3A_92 : memref<1x40xi32, #tpu.memory_space<vmem>> -> memref<40xi32, #tpu.memory_space<vmem>>
    %dma_start3A_94 = arith.constant 0 : i32
    %dma_start3A_95 = arith.constant 0 : i32
    %dma_start3A_96 = tpu.memref_slice %arg3[%dma_start3A_94, %dma_start3A_95] : memref<10000x128xi32, #tpu.memory_space<hbm>> -> memref<10000x128xi32, #tpu.memory_space<hbm>>
    tpu.enqueue_indirect_dma source(%dma_start3A_96 : memref<10000x128xi32, #tpu.memory_space<hbm>>) target(%dma_start3A_90 : memref<40x128xi32, #tpu.memory_space<vmem>>) offsets(%dma_start3A_93 : memref<40xi32, #tpu.memory_space<vmem>>) semaphore(%arg17 : memref<!tpu.dma_semaphore, #tpu.memory_space<semaphore_mem>>)
    %dma_start3A_97 = arith.constant 0 : i32
    %dma_start3A_98 = arith.constant 0 : i32
    %dma_start3A_99 = arith.constant 0 : i32
    %dma_start3A_100 = tpu.memref_slice %arg14[%dma_start3A_97, %dma_start3A_98, %dma_start3A_99] : memref<2x40x64xi32, #tpu.memory_space<vmem>> -> memref<1x40x64xi32, #tpu.memory_space<vmem>>
    %dma_start3A_101 = tpu.memref_squeeze %dma_start3A_100 : memref<1x40x64xi32, #tpu.memory_space<vmem>> -> memref<40x64xi32, #tpu.memory_space<vmem>>
    %dma_start3A_102 = arith.constant 0 : i32
    %dma_start3A_103 = tpu.memref_slice %arg4[%mul3A_72, %dma_start3A_102] : memref<320000x64xi32, #tpu.memory_space<hbm>> -> memref<40x64xi32, #tpu.memory_space<hbm>>
    %dma_start3A_104 = arith.constant 0 : i32
    %dma_start3A_105 = arith.constant 0 : i32
    %dma_start3A_106 = tpu.memref_slice %arg14[%dma_start3A_97, %dma_start3A_104, %dma_start3A_105] : memref<2x40x64xi32, #tpu.memory_space<vmem>> -> memref<1x40x64xi32, #tpu.memory_space<vmem>>
    %dma_start3A_107 = tpu.memref_squeeze %dma_start3A_106 : memref<1x40x64xi32, #tpu.memory_space<vmem>> -> memref<40x64xi32, #tpu.memory_space<vmem>>
    %dma_start3A_108 = arith.constant 0 : i32
    %dma_start3A_109 = tpu.memref_slice %arg4[%mul3A_72, %dma_start3A_108] : memref<320000x64xi32, #tpu.memory_space<hbm>> -> memref<40x64xi32, #tpu.memory_space<hbm>>
    tpu.enqueue_dma source(%dma_start3A_109 : memref<40x64xi32, #tpu.memory_space<hbm>>) target(%dma_start3A_107 : memref<40x64xi32, #tpu.memory_space<vmem>>) target_semaphore(%arg17 : memref<!tpu.dma_semaphore, #tpu.memory_space<semaphore_mem>>)
    %scan3A = arith.constant 0 : i32
    %scan3A_110 = arith.constant 125 : i32
    %scan3A_111 = arith.addi %scan3A, %scan3A_110 : i32
    %scan3A_112 = arith.constant 1 : i32
    scf.for %scan3A_120 = %scan3A to %scan3A_111 step %scan3A_112  : i32 {
      %mul3A_121 = arith.constant 1 : i32
      %mul3A_122 = arith.muli %scan3A_120, %mul3A_121 : i32
      %add3A_123 = arith.constant 0 : i32
      %add3A_124 = arith.addi %add3A_123, %mul3A_122 : i32
      %mul3A_125 = arith.constant 2 : i32
      %mul3A_126 = arith.muli %add3A_124, %mul3A_125 : i32
      %add3A_127 = arith.constant 1 : i32
      %add3A_128 = arith.addi %mul3A_126, %add3A_127 : i32
      %mul3A_129 = arith.constant 32 : i32
      %mul3A_130 = arith.muli %add3A_128, %mul3A_129 : i32
      %add3A_131 = arith.addi %add3A, %mul3A_130 : i32
      %mul3A_132 = arith.constant 40 : i32
      %mul3A_133 = arith.muli %add3A_131, %mul3A_132 : i32
      %dma_wait3A_134 = arith.constant 1 : i32
      %dma_wait3A_135 = arith.constant 0 : i32
      %dma_wait3A_136 = tpu.memref_slice %arg10[%dma_wait3A_134, %dma_wait3A_135] : memref<2x40xi32, #tpu.memory_space<vmem>> -> memref<1x40xi32, #tpu.memory_space<vmem>>
      %dma_wait3A_137 = tpu.memref_squeeze %dma_wait3A_136 : memref<1x40xi32, #tpu.memory_space<vmem>> -> memref<40xi32, #tpu.memory_space<vmem>>
      %dma_wait3A_138 = tpu.memref_slice %arg6[%mul3A_133] : memref<320000xi32, #tpu.memory_space<hbm>> -> memref<40xi32, #tpu.memory_space<hbm>>
      %dma_wait3A_139 = arith.constant 0 : i32
      %dma_wait3A_140 = tpu.memref_slice %arg10[%dma_wait3A_134, %dma_wait3A_139] : memref<2x40xi32, #tpu.memory_space<vmem>> -> memref<1x40xi32, #tpu.memory_space<vmem>>
      %dma_wait3A_141 = tpu.memref_squeeze %dma_wait3A_140 : memref<1x40xi32, #tpu.memory_space<vmem>> -> memref<40xi32, #tpu.memory_space<vmem>>
      %dma_wait3A_142 = tpu.memref_slice %arg6[%mul3A_133] : memref<320000xi32, #tpu.memory_space<hbm>> -> memref<40xi32, #tpu.memory_space<hbm>>
      tpu.wait_dma2 semaphore(%arg16 : memref<!tpu.dma_semaphore, #tpu.memory_space<semaphore_mem>>) src(%dma_wait3A_142 : memref<40xi32, #tpu.memory_space<hbm>>) dst(%dma_wait3A_141 : memref<40xi32, #tpu.memory_space<vmem>>)
      %dma_wait3A_143 = arith.constant 1 : i32
      %dma_wait3A_144 = arith.constant 0 : i32
      %dma_wait3A_145 = tpu.memref_slice %arg11[%dma_wait3A_143, %dma_wait3A_144] : memref<2x40xi32, #tpu.memory_space<vmem>> -> memref<1x40xi32, #tpu.memory_space<vmem>>
      %dma_wait3A_146 = tpu.memref_squeeze %dma_wait3A_145 : memref<1x40xi32, #tpu.memory_space<vmem>> -> memref<40xi32, #tpu.memory_space<vmem>>
      %dma_wait3A_147 = tpu.memref_slice %arg5[%mul3A_133] : memref<320000xi32, #tpu.memory_space<hbm>> -> memref<40xi32, #tpu.memory_space<hbm>>
      %dma_wait3A_148 = arith.constant 0 : i32
      %dma_wait3A_149 = tpu.memref_slice %arg11[%dma_wait3A_143, %dma_wait3A_148] : memref<2x40xi32, #tpu.memory_space<vmem>> -> memref<1x40xi32, #tpu.memory_space<vmem>>
      %dma_wait3A_150 = tpu.memref_squeeze %dma_wait3A_149 : memref<1x40xi32, #tpu.memory_space<vmem>> -> memref<40xi32, #tpu.memory_space<vmem>>
      %dma_wait3A_151 = tpu.memref_slice %arg5[%mul3A_133] : memref<320000xi32, #tpu.memory_space<hbm>> -> memref<40xi32, #tpu.memory_space<hbm>>
      tpu.wait_dma2 semaphore(%arg16 : memref<!tpu.dma_semaphore, #tpu.memory_space<semaphore_mem>>) src(%dma_wait3A_151 : memref<40xi32, #tpu.memory_space<hbm>>) dst(%dma_wait3A_150 : memref<40xi32, #tpu.memory_space<vmem>>)
      %add3A_152 = arith.constant 1 : i32
      %add3A_153 = arith.addi %mul3A_126, %add3A_152 : i32
      %mul3A_154 = arith.constant 32 : i32
      %mul3A_155 = arith.muli %add3A_153, %mul3A_154 : i32
      %add3A_156 = arith.addi %add3A, %mul3A_155 : i32
      %mul3A_157 = arith.constant 40 : i32
      %mul3A_158 = arith.muli %add3A_156, %mul3A_157 : i32
      %dma_start3A_159 = arith.constant 1 : i32
      %dma_start3A_160 = arith.constant 1 : i32
      %dma_start3A_161 = arith.constant 0 : i32
      %dma_start3A_162 = arith.constant 0 : i32
      %dma_start3A_163 = tpu.memref_slice %arg12[%dma_start3A_160, %dma_start3A_161, %dma_start3A_162] : memref<2x40x128xf32, #tpu.memory_space<vmem>> -> memref<1x40x128xf32, #tpu.memory_space<vmem>>
      %dma_start3A_164 = tpu.memref_squeeze %dma_start3A_163 : memref<1x40x128xf32, #tpu.memory_space<vmem>> -> memref<40x128xf32, #tpu.memory_space<vmem>>
      %dma_start3A_165 = arith.constant 0 : i32
      %dma_start3A_166 = tpu.memref_slice %arg10[%dma_start3A_159, %dma_start3A_165] : memref<2x40xi32, #tpu.memory_space<vmem>> -> memref<1x40xi32, #tpu.memory_space<vmem>>
      %dma_start3A_167 = tpu.memref_squeeze %dma_start3A_166 : memref<1x40xi32, #tpu.memory_space<vmem>> -> memref<40xi32, #tpu.memory_space<vmem>>
      %dma_start3A_168 = arith.constant 0 : i32
      %dma_start3A_169 = arith.constant 0 : i32
      %dma_start3A_170 = tpu.memref_slice %arg2[%dma_start3A_168, %dma_start3A_169] : memref<10000x128xf32, #tpu.memory_space<hbm>> -> memref<10000x128xf32, #tpu.memory_space<hbm>>
      tpu.enqueue_indirect_dma source(%dma_start3A_170 : memref<10000x128xf32, #tpu.memory_space<hbm>>) target(%dma_start3A_164 : memref<40x128xf32, #tpu.memory_space<vmem>>) offsets(%dma_start3A_167 : memref<40xi32, #tpu.memory_space<vmem>>) semaphore(%arg17 : memref<!tpu.dma_semaphore, #tpu.memory_space<semaphore_mem>>)
      %dma_start3A_171 = arith.constant 1 : i32
      %dma_start3A_172 = arith.constant 1 : i32
      %dma_start3A_173 = arith.constant 0 : i32
      %dma_start3A_174 = arith.constant 0 : i32
      %dma_start3A_175 = tpu.memref_slice %arg13[%dma_start3A_172, %dma_start3A_173, %dma_start3A_174] : memref<2x40x128xi32, #tpu.memory_space<vmem>> -> memref<1x40x128xi32, #tpu.memory_space<vmem>>
      %dma_start3A_176 = tpu.memref_squeeze %dma_start3A_175 : memref<1x40x128xi32, #tpu.memory_space<vmem>> -> memref<40x128xi32, #tpu.memory_space<vmem>>
      %dma_start3A_177 = arith.constant 0 : i32
      %dma_start3A_178 = tpu.memref_slice %arg11[%dma_start3A_171, %dma_start3A_177] : memref<2x40xi32, #tpu.memory_space<vmem>> -> memref<1x40xi32, #tpu.memory_space<vmem>>
      %dma_start3A_179 = tpu.memref_squeeze %dma_start3A_178 : memref<1x40xi32, #tpu.memory_space<vmem>> -> memref<40xi32, #tpu.memory_space<vmem>>
      %dma_start3A_180 = arith.constant 0 : i32
      %dma_start3A_181 = arith.constant 0 : i32
      %dma_start3A_182 = tpu.memref_slice %arg3[%dma_start3A_180, %dma_start3A_181] : memref<10000x128xi32, #tpu.memory_space<hbm>> -> memref<10000x128xi32, #tpu.memory_space<hbm>>
      tpu.enqueue_indirect_dma source(%dma_start3A_182 : memref<10000x128xi32, #tpu.memory_space<hbm>>) target(%dma_start3A_176 : memref<40x128xi32, #tpu.memory_space<vmem>>) offsets(%dma_start3A_179 : memref<40xi32, #tpu.memory_space<vmem>>) semaphore(%arg17 : memref<!tpu.dma_semaphore, #tpu.memory_space<semaphore_mem>>)
      %dma_start3A_183 = arith.constant 1 : i32
      %dma_start3A_184 = arith.constant 0 : i32
      %dma_start3A_185 = arith.constant 0 : i32
      %dma_start3A_186 = tpu.memref_slice %arg14[%dma_start3A_183, %dma_start3A_184, %dma_start3A_185] : memref<2x40x64xi32, #tpu.memory_space<vmem>> -> memref<1x40x64xi32, #tpu.memory_space<vmem>>
      %dma_start3A_187 = tpu.memref_squeeze %dma_start3A_186 : memref<1x40x64xi32, #tpu.memory_space<vmem>> -> memref<40x64xi32, #tpu.memory_space<vmem>>
      %dma_start3A_188 = arith.constant 0 : i32
      %dma_start3A_189 = tpu.memref_slice %arg4[%mul3A_158, %dma_start3A_188] : memref<320000x64xi32, #tpu.memory_space<hbm>> -> memref<40x64xi32, #tpu.memory_space<hbm>>
      %dma_start3A_190 = arith.constant 0 : i32
      %dma_start3A_191 = arith.constant 0 : i32
      %dma_start3A_192 = tpu.memref_slice %arg14[%dma_start3A_183, %dma_start3A_190, %dma_start3A_191] : memref<2x40x64xi32, #tpu.memory_space<vmem>> -> memref<1x40x64xi32, #tpu.memory_space<vmem>>
      %dma_start3A_193 = tpu.memref_squeeze %dma_start3A_192 : memref<1x40x64xi32, #tpu.memory_space<vmem>> -> memref<40x64xi32, #tpu.memory_space<vmem>>
      %dma_start3A_194 = arith.constant 0 : i32
      %dma_start3A_195 = tpu.memref_slice %arg4[%mul3A_158, %dma_start3A_194] : memref<320000x64xi32, #tpu.memory_space<hbm>> -> memref<40x64xi32, #tpu.memory_space<hbm>>
      tpu.enqueue_dma source(%dma_start3A_195 : memref<40x64xi32, #tpu.memory_space<hbm>>) target(%dma_start3A_193 : memref<40x64xi32, #tpu.memory_space<vmem>>) target_semaphore(%arg17 : memref<!tpu.dma_semaphore, #tpu.memory_space<semaphore_mem>>)
      %mul3A_196 = arith.constant 32 : i32
      %mul3A_197 = arith.muli %mul3A_126, %mul3A_196 : i32
      %add3A_198 = arith.addi %add3A, %mul3A_197 : i32
      %mul3A_199 = arith.constant 40 : i32
      %mul3A_200 = arith.muli %add3A_198, %mul3A_199 : i32
      %dma_wait3A_201 = arith.constant 0 : i32
      %dma_wait3A_202 = arith.constant 0 : i32
      %dma_wait3A_203 = arith.constant 0 : i32
      %dma_wait3A_204 = arith.constant 0 : i32
      %dma_wait3A_205 = tpu.memref_slice %arg12[%dma_wait3A_202, %dma_wait3A_203, %dma_wait3A_204] : memref<2x40x128xf32, #tpu.memory_space<vmem>> -> memref<1x40x128xf32, #tpu.memory_space<vmem>>
      %dma_wait3A_206 = tpu.memref_squeeze %dma_wait3A_205 : memref<1x40x128xf32, #tpu.memory_space<vmem>> -> memref<40x128xf32, #tpu.memory_space<vmem>>
      %dma_wait3A_207 = arith.constant 0 : i32
      %dma_wait3A_208 = tpu.memref_slice %arg10[%dma_wait3A_201, %dma_wait3A_207] : memref<2x40xi32, #tpu.memory_space<vmem>> -> memref<1x40xi32, #tpu.memory_space<vmem>>
      %dma_wait3A_209 = tpu.memref_squeeze %dma_wait3A_208 : memref<1x40xi32, #tpu.memory_space<vmem>> -> memref<40xi32, #tpu.memory_space<vmem>>
      %dma_wait3A_210 = arith.constant 0 : i32
      %dma_wait3A_211 = arith.constant 0 : i32
      %dma_wait3A_212 = tpu.memref_slice %arg2[%dma_wait3A_210, %dma_wait3A_211] : memref<10000x128xf32, #tpu.memory_space<hbm>> -> memref<10000x128xf32, #tpu.memory_space<hbm>>
      tpu.wait_indirect_dma semaphore(%arg17 : memref<!tpu.dma_semaphore, #tpu.memory_space<semaphore_mem>>) src(%dma_wait3A_212 : memref<10000x128xf32, #tpu.memory_space<hbm>>) dst(%dma_wait3A_206 : memref<40x128xf32, #tpu.memory_space<vmem>>)
      %dma_wait3A_213 = arith.constant 0 : i32
      %dma_wait3A_214 = arith.constant 0 : i32
      %dma_wait3A_215 = arith.constant 0 : i32
      %dma_wait3A_216 = arith.constant 0 : i32
      %dma_wait3A_217 = tpu.memref_slice %arg13[%dma_wait3A_214, %dma_wait3A_215, %dma_wait3A_216] : memref<2x40x128xi32, #tpu.memory_space<vmem>> -> memref<1x40x128xi32, #tpu.memory_space<vmem>>
      %dma_wait3A_218 = tpu.memref_squeeze %dma_wait3A_217 : memref<1x40x128xi32, #tpu.memory_space<vmem>> -> memref<40x128xi32, #tpu.memory_space<vmem>>
      %dma_wait3A_219 = arith.constant 0 : i32
      %dma_wait3A_220 = tpu.memref_slice %arg11[%dma_wait3A_213, %dma_wait3A_219] : memref<2x40xi32, #tpu.memory_space<vmem>> -> memref<1x40xi32, #tpu.memory_space<vmem>>
      %dma_wait3A_221 = tpu.memref_squeeze %dma_wait3A_220 : memref<1x40xi32, #tpu.memory_space<vmem>> -> memref<40xi32, #tpu.memory_space<vmem>>
      %dma_wait3A_222 = arith.constant 0 : i32
      %dma_wait3A_223 = arith.constant 0 : i32
      %dma_wait3A_224 = tpu.memref_slice %arg3[%dma_wait3A_222, %dma_wait3A_223] : memref<10000x128xi32, #tpu.memory_space<hbm>> -> memref<10000x128xi32, #tpu.memory_space<hbm>>
      tpu.wait_indirect_dma semaphore(%arg17 : memref<!tpu.dma_semaphore, #tpu.memory_space<semaphore_mem>>) src(%dma_wait3A_224 : memref<10000x128xi32, #tpu.memory_space<hbm>>) dst(%dma_wait3A_218 : memref<40x128xi32, #tpu.memory_space<vmem>>)
      %dma_wait3A_225 = arith.constant 0 : i32
      %dma_wait3A_226 = arith.constant 0 : i32
      %dma_wait3A_227 = arith.constant 0 : i32
      %dma_wait3A_228 = tpu.memref_slice %arg14[%dma_wait3A_225, %dma_wait3A_226, %dma_wait3A_227] : memref<2x40x64xi32, #tpu.memory_space<vmem>> -> memref<1x40x64xi32, #tpu.memory_space<vmem>>
      %dma_wait3A_229 = tpu.memref_squeeze %dma_wait3A_228 : memref<1x40x64xi32, #tpu.memory_space<vmem>> -> memref<40x64xi32, #tpu.memory_space<vmem>>
      %dma_wait3A_230 = arith.constant 0 : i32
      %dma_wait3A_231 = tpu.memref_slice %arg4[%mul3A_200, %dma_wait3A_230] : memref<320000x64xi32, #tpu.memory_space<hbm>> -> memref<40x64xi32, #tpu.memory_space<hbm>>
      %dma_wait3A_232 = arith.constant 0 : i32
      %dma_wait3A_233 = arith.constant 0 : i32
      %dma_wait3A_234 = tpu.memref_slice %arg14[%dma_wait3A_225, %dma_wait3A_232, %dma_wait3A_233] : memref<2x40x64xi32, #tpu.memory_space<vmem>> -> memref<1x40x64xi32, #tpu.memory_space<vmem>>
      %dma_wait3A_235 = tpu.memref_squeeze %dma_wait3A_234 : memref<1x40x64xi32, #tpu.memory_space<vmem>> -> memref<40x64xi32, #tpu.memory_space<vmem>>
      %dma_wait3A_236 = arith.constant 0 : i32
      %dma_wait3A_237 = tpu.memref_slice %arg4[%mul3A_200, %dma_wait3A_236] : memref<320000x64xi32, #tpu.memory_space<hbm>> -> memref<40x64xi32, #tpu.memory_space<hbm>>
      tpu.wait_dma2 semaphore(%arg17 : memref<!tpu.dma_semaphore, #tpu.memory_space<semaphore_mem>>) src(%dma_wait3A_237 : memref<40x64xi32, #tpu.memory_space<hbm>>) dst(%dma_wait3A_235 : memref<40x64xi32, #tpu.memory_space<vmem>>)
      %scan3A_238 = arith.constant 0 : i32
      %scan3A_239 = arith.constant 40 : i32
      %scan3A_240 = arith.addi %scan3A_238, %scan3A_239 : i32
      %scan3A_241 = arith.constant 1 : i32
      scf.for %scan3A_313 = %scan3A_238 to %scan3A_240 step %scan3A_241  : i32 {
        %mul3A_314 = arith.constant 1 : i32
        %mul3A_315 = arith.muli %scan3A_313, %mul3A_314 : i32
        %add3A_316 = arith.constant 0 : i32
        %add3A_317 = arith.addi %add3A_316, %mul3A_315 : i32
        %get3A = arith.constant 0 : i32
        %get3A_318 = arith.index_cast %get3A : i32 to index
        %get3A_319 = arith.index_cast %add3A_317 : i32 to index
        %get3A_320 = arith.constant 0 : index
        %get3A_321 = tpu.vector_load %arg13[%get3A_318, %get3A_319, %get3A_320] {strides = array<i32>} : memref<2x40x128xi32, #tpu.memory_space<vmem>>, vector<16xi32>,
        %bitcast3A = vector.bitcast %get3A_321 : vector<16xi32> to vector<32xbf16>
        %unpack3A = tpu.unpack_subelements %bitcast3A, 0 {pack_format = #tpu.pack_format<interleaved>} : vector<32xbf16> -> vector<16xf32>
        %unpack3A_322 = tpu.unpack_subelements %bitcast3A, 1 {pack_format = #tpu.pack_format<interleaved>} : vector<32xbf16> -> vector<16xf32>
        %get3A_323 = arith.constant 0 : i32
        %get3A_324 = arith.index_cast %get3A_323 : i32 to index
        %get3A_325 = arith.index_cast %add3A_317 : i32 to index
        %get3A_326 = arith.constant 64 : index
        %get3A_327 = tpu.vector_load %arg13[%get3A_324, %get3A_325, %get3A_326] {strides = array<i32>} : memref<2x40x128xi32, #tpu.memory_space<vmem>>, vector<16xi32>,
        %bitcast3A_328 = vector.bitcast %get3A_327 : vector<16xi32> to vector<32xbf16>
        %unpack3A_329 = tpu.unpack_subelements %bitcast3A_328, 0 {pack_format = #tpu.pack_format<interleaved>} : vector<32xbf16> -> vector<16xf32>
        %unpack3A_330 = tpu.unpack_subelements %bitcast3A_328, 1 {pack_format = #tpu.pack_format<interleaved>} : vector<32xbf16> -> vector<16xf32>
        %get3A_331 = arith.constant 0 : i32
        %get3A_332 = arith.index_cast %get3A_331 : i32 to index
        %get3A_333 = arith.index_cast %add3A_317 : i32 to index
        %get3A_334 = arith.constant 0 : index
        %get3A_335 = tpu.vector_load %arg14[%get3A_332, %get3A_333, %get3A_334] {strides = array<i32>} : memref<2x40x64xi32, #tpu.memory_space<vmem>>, vector<16xi32>,
        %bitcast3A_336 = vector.bitcast %get3A_335 : vector<16xi32> to vector<32xbf16>
        %unpack3A_337 = tpu.unpack_subelements %bitcast3A_336, 0 {pack_format = #tpu.pack_format<interleaved>} : vector<32xbf16> -> vector<16xf32>
        %unpack3A_338 = tpu.unpack_subelements %bitcast3A_336, 1 {pack_format = #tpu.pack_format<interleaved>} : vector<32xbf16> -> vector<16xf32>
        %get3A_339 = arith.constant 0 : i32
        %get3A_340 = arith.index_cast %get3A_339 : i32 to index
        %get3A_341 = arith.index_cast %add3A_317 : i32 to index
        %get3A_342 = arith.constant 0 : index
        %get3A_343 = tpu.vector_load %arg12[%get3A_340, %get3A_341, %get3A_342] {strides = array<i32>} : memref<2x40x128xf32, #tpu.memory_space<vmem>>, vector<16xf32>,
        %add3A_344 = arith.addf %get3A_343, %unpack3A : vector<16xf32>
        %add3A_345 = arith.addf %add3A_344, %unpack3A_337 : vector<16xf32>
        %get3A_346 = arith.constant 0 : i32
        %get3A_347 = arith.index_cast %get3A_346 : i32 to index
        %get3A_348 = arith.index_cast %add3A_317 : i32 to index
        %get3A_349 = arith.constant 64 : index
        %get3A_350 = tpu.vector_load %arg12[%get3A_347, %get3A_348, %get3A_349] {strides = array<i32>} : memref<2x40x128xf32, #tpu.memory_space<vmem>>, vector<16xf32>,
        %add3A_351 = arith.addf %get3A_350, %unpack3A_329 : vector<16xf32>
        %add3A_352 = arith.addf %add3A_351, %unpack3A_338 : vector<16xf32>
        %exp3A = math.exp %add3A_345 : vector<16xf32>
        %add3A_353 = arith.constant 1.000000e+00 : f32
        %add3A_354 = vector.broadcast %add3A_353 : f32 to vector<16xf32>
        %add3A_355 = arith.addf %add3A_354, %exp3A : vector<16xf32>
        %div3A = arith.divf %unpack3A_322, %add3A_355 : vector<16xf32>
        %swap3A = arith.index_cast %add3A_317 : i32 to index
        %swap3A_356 = arith.constant 0 : index
        %swap3A_357 = tpu.vector_load %arg15[%swap3A, %swap3A_356] {strides = array<i32>} : memref<40x128xf32, #tpu.memory_space<vmem>>, vector<16xf32>,
        tpu.vector_store %arg15[%swap3A, %swap3A_356], %div3A {strides = array<i32>} : memref<40x128xf32, #tpu.memory_space<vmem>>, vector<16xf32>,
        %exp3A_358 = math.exp %add3A_352 : vector<16xf32>
        %add3A_359 = arith.constant 1.000000e+00 : f32
        %add3A_360 = vector.broadcast %add3A_359 : f32 to vector<16xf32>
        %add3A_361 = arith.addf %add3A_360, %exp3A_358 : vector<16xf32>
        %div3A_362 = arith.divf %unpack3A_330, %add3A_361 : vector<16xf32>
        %swap3A_363 = arith.index_cast %add3A_317 : i32 to index
        %swap3A_364 = arith.constant 64 : index
        %swap3A_365 = tpu.vector_load %arg15[%swap3A_363, %swap3A_364] {strides = array<i32>} : memref<40x128xf32, #tpu.memory_space<vmem>>, vector<16xf32>,
        tpu.vector_store %arg15[%swap3A_363, %swap3A_364], %div3A_362 {strides = array<i32>} : memref<40x128xf32, #tpu.memory_space<vmem>>, vector<16xf32>,
        %get3A_366 = arith.constant 0 : i32
        %get3A_367 = arith.index_cast %get3A_366 : i32 to index
        %get3A_368 = arith.index_cast %add3A_317 : i32 to index
        %get3A_369 = arith.constant 16 : index
        %get3A_370 = tpu.vector_load %arg13[%get3A_367, %get3A_368, %get3A_369] {strides = array<i32>} : memref<2x40x128xi32, #tpu.memory_space<vmem>>, vector<16xi32>,
        %bitcast3A_371 = vector.bitcast %get3A_370 : vector<16xi32> to vector<32xbf16>
        %unpack3A_372 = tpu.unpack_subelements %bitcast3A_371, 0 {pack_format = #tpu.pack_format<interleaved>} : vector<32xbf16> -> vector<16xf32>
        %unpack3A_373 = tpu.unpack_subelements %bitcast3A_371, 1 {pack_format = #tpu.pack_format<interleaved>} : vector<32xbf16> -> vector<16xf32>
        %get3A_374 = arith.constant 0 : i32
        %get3A_375 = arith.index_cast %get3A_374 : i32 to index
        %get3A_376 = arith.index_cast %add3A_317 : i32 to index
        %get3A_377 = arith.constant 80 : index
        %get3A_378 = tpu.vector_load %arg13[%get3A_375, %get3A_376, %get3A_377] {strides = array<i32>} : memref<2x40x128xi32, #tpu.memory_space<vmem>>, vector<16xi32>,
        %bitcast3A_379 = vector.bitcast %get3A_378 : vector<16xi32> to vector<32xbf16>
        %unpack3A_380 = tpu.unpack_subelements %bitcast3A_379, 0 {pack_format = #tpu.pack_format<interleaved>} : vector<32xbf16> -> vector<16xf32>
        %unpack3A_381 = tpu.unpack_subelements %bitcast3A_379, 1 {pack_format = #tpu.pack_format<interleaved>} : vector<32xbf16> -> vector<16xf32>
        %get3A_382 = arith.constant 0 : i32
        %get3A_383 = arith.index_cast %get3A_382 : i32 to index
        %get3A_384 = arith.index_cast %add3A_317 : i32 to index
        %get3A_385 = arith.constant 16 : index
        %get3A_386 = tpu.vector_load %arg14[%get3A_383, %get3A_384, %get3A_385] {strides = array<i32>} : memref<2x40x64xi32, #tpu.memory_space<vmem>>, vector<16xi32>,
        %bitcast3A_387 = vector.bitcast %get3A_386 : vector<16xi32> to vector<32xbf16>
        %unpack3A_388 = tpu.unpack_subelements %bitcast3A_387, 0 {pack_format = #tpu.pack_format<interleaved>} : vector<32xbf16> -> vector<16xf32>
        %unpack3A_389 = tpu.unpack_subelements %bitcast3A_387, 1 {pack_format = #tpu.pack_format<interleaved>} : vector<32xbf16> -> vector<16xf32>
        %get3A_390 = arith.constant 0 : i32
        %get3A_391 = arith.index_cast %get3A_390 : i32 to index
        %get3A_392 = arith.index_cast %add3A_317 : i32 to index
        %get3A_393 = arith.constant 16 : index
        %get3A_394 = tpu.vector_load %arg12[%get3A_391, %get3A_392, %get3A_393] {strides = array<i32>} : memref<2x40x128xf32, #tpu.memory_space<vmem>>, vector<16xf32>,
        %add3A_395 = arith.addf %get3A_394, %unpack3A_372 : vector<16xf32>
        %add3A_396 = arith.addf %add3A_395, %unpack3A_388 : vector<16xf32>
        %get3A_397 = arith.constant 0 : i32
        %get3A_398 = arith.index_cast %get3A_397 : i32 to index
        %get3A_399 = arith.index_cast %add3A_317 : i32 to index
        %get3A_400 = arith.constant 80 : index
        %get3A_401 = tpu.vector_load %arg12[%get3A_398, %get3A_399, %get3A_400] {strides = array<i32>} : memref<2x40x128xf32, #tpu.memory_space<vmem>>, vector<16xf32>,
        %add3A_402 = arith.addf %get3A_401, %unpack3A_380 : vector<16xf32>
        %add3A_403 = arith.addf %add3A_402, %unpack3A_389 : vector<16xf32>
        %exp3A_404 = math.exp %add3A_396 : vector<16xf32>
        %add3A_405 = arith.constant 1.000000e+00 : f32
        %add3A_406 = vector.broadcast %add3A_405 : f32 to vector<16xf32>
        %add3A_407 = arith.addf %add3A_406, %exp3A_404 : vector<16xf32>
        %div3A_408 = arith.divf %unpack3A_373, %add3A_407 : vector<16xf32>
        %swap3A_409 = arith.index_cast %add3A_317 : i32 to index
        %swap3A_410 = arith.constant 16 : index
        %swap3A_411 = tpu.vector_load %arg15[%swap3A_409, %swap3A_410] {strides = array<i32>} : memref<40x128xf32, #tpu.memory_space<vmem>>, vector<16xf32>,
        tpu.vector_store %arg15[%swap3A_409, %swap3A_410], %div3A_408 {strides = array<i32>} : memref<40x128xf32, #tpu.memory_space<vmem>>, vector<16xf32>,
        %exp3A_412 = math.exp %add3A_403 : vector<16xf32>
        %add3A_413 = arith.constant 1.000000e+00 : f32
        %add3A_414 = vector.broadcast %add3A_413 : f32 to vector<16xf32>
        %add3A_415 = arith.addf %add3A_414, %exp3A_412 : vector<16xf32>
        %div3A_416 = arith.divf %unpack3A_381, %add3A_415 : vector<16xf32>
        %swap3A_417 = arith.index_cast %add3A_317 : i32 to index
        %swap3A_418 = arith.constant 80 : index
        %swap3A_419 = tpu.vector_load %arg15[%swap3A_417, %swap3A_418] {strides = array<i32>} : memref<40x128xf32, #tpu.memory_space<vmem>>, vector<16xf32>,
        tpu.vector_store %arg15[%swap3A_417, %swap3A_418], %div3A_416 {strides = array<i32>} : memref<40x128xf32, #tpu.memory_space<vmem>>, vector<16xf32>,
        %get3A_420 = arith.constant 0 : i32
        %get3A_421 = arith.index_cast %get3A_420 : i32 to index
        %get3A_422 = arith.index_cast %add3A_317 : i32 to index
        %get3A_423 = arith.constant 32 : index
        %get3A_424 = tpu.vector_load %arg13[%get3A_421, %get3A_422, %get3A_423] {strides = array<i32>} : memref<2x40x128xi32, #tpu.memory_space<vmem>>, vector<16xi32>,
        %bitcast3A_425 = vector.bitcast %get3A_424 : vector<16xi32> to vector<32xbf16>
        %unpack3A_426 = tpu.unpack_subelements %bitcast3A_425, 0 {pack_format = #tpu.pack_format<interleaved>} : vector<32xbf16> -> vector<16xf32>
        %unpack3A_427 = tpu.unpack_subelements %bitcast3A_425, 1 {pack_format = #tpu.pack_format<interleaved>} : vector<32xbf16> -> vector<16xf32>
        %get3A_428 = arith.constant 0 : i32
        %get3A_429 = arith.index_cast %get3A_428 : i32 to index
        %get3A_430 = arith.index_cast %add3A_317 : i32 to index
        %get3A_431 = arith.constant 96 : index
        %get3A_432 = tpu.vector_load %arg13[%get3A_429, %get3A_430, %get3A_431] {strides = array<i32>} : memref<2x40x128xi32, #tpu.memory_space<vmem>>, vector<16xi32>,
        %bitcast3A_433 = vector.bitcast %get3A_432 : vector<16xi32> to vector<32xbf16>
        %unpack3A_434 = tpu.unpack_subelements %bitcast3A_433, 0 {pack_format = #tpu.pack_format<interleaved>} : vector<32xbf16> -> vector<16xf32>
        %unpack3A_435 = tpu.unpack_subelements %bitcast3A_433, 1 {pack_format = #tpu.pack_format<interleaved>} : vector<32xbf16> -> vector<16xf32>
        %get3A_436 = arith.constant 0 : i32
        %get3A_437 = arith.index_cast %get3A_436 : i32 to index
        %get3A_438 = arith.index_cast %add3A_317 : i32 to index
        %get3A_439 = arith.constant 32 : index
        %get3A_440 = tpu.vector_load %arg14[%get3A_437, %get3A_438, %get3A_439] {strides = array<i32>} : memref<2x40x64xi32, #tpu.memory_space<vmem>>, vector<16xi32>,
        %bitcast3A_441 = vector.bitcast %get3A_440 : vector<16xi32> to vector<32xbf16>
        %unpack3A_442 = tpu.unpack_subelements %bitcast3A_441, 0 {pack_format = #tpu.pack_format<interleaved>} : vector<32xbf16> -> vector<16xf32>
        %unpack3A_443 = tpu.unpack_subelements %bitcast3A_441, 1 {pack_format = #tpu.pack_format<interleaved>} : vector<32xbf16> -> vector<16xf32>
        %get3A_444 = arith.constant 0 : i32
        %get3A_445 = arith.index_cast %get3A_444 : i32 to index
        %get3A_446 = arith.index_cast %add3A_317 : i32 to index
        %get3A_447 = arith.constant 32 : index
        %get3A_448 = tpu.vector_load %arg12[%get3A_445, %get3A_446, %get3A_447] {strides = array<i32>} : memref<2x40x128xf32, #tpu.memory_space<vmem>>, vector<16xf32>,
        %add3A_449 = arith.addf %get3A_448, %unpack3A_426 : vector<16xf32>
        %add3A_450 = arith.addf %add3A_449, %unpack3A_442 : vector<16xf32>
        %get3A_451 = arith.constant 0 : i32
        %get3A_452 = arith.index_cast %get3A_451 : i32 to index
        %get3A_453 = arith.index_cast %add3A_317 : i32 to index
        %get3A_454 = arith.constant 96 : index
        %get3A_455 = tpu.vector_load %arg12[%get3A_452, %get3A_453, %get3A_454] {strides = array<i32>} : memref<2x40x128xf32, #tpu.memory_space<vmem>>, vector<16xf32>,
        %add3A_456 = arith.addf %get3A_455, %unpack3A_434 : vector<16xf32>
        %add3A_457 = arith.addf %add3A_456, %unpack3A_443 : vector<16xf32>
        %exp3A_458 = math.exp %add3A_450 : vector<16xf32>
        %add3A_459 = arith.constant 1.000000e+00 : f32
        %add3A_460 = vector.broadcast %add3A_459 : f32 to vector<16xf32>
        %add3A_461 = arith.addf %add3A_460, %exp3A_458 : vector<16xf32>
        %div3A_462 = arith.divf %unpack3A_427, %add3A_461 : vector<16xf32>
        %swap3A_463 = arith.index_cast %add3A_317 : i32 to index
        %swap3A_464 = arith.constant 32 : index
        %swap3A_465 = tpu.vector_load %arg15[%swap3A_463, %swap3A_464] {strides = array<i32>} : memref<40x128xf32, #tpu.memory_space<vmem>>, vector<16xf32>,
        tpu.vector_store %arg15[%swap3A_463, %swap3A_464], %div3A_462 {strides = array<i32>} : memref<40x128xf32, #tpu.memory_space<vmem>>, vector<16xf32>,
        %exp3A_466 = math.exp %add3A_457 : vector<16xf32>
        %add3A_467 = arith.constant 1.000000e+00 : f32
        %add3A_468 = vector.broadcast %add3A_467 : f32 to vector<16xf32>
        %add3A_469 = arith.addf %add3A_468, %exp3A_466 : vector<16xf32>
        %div3A_470 = arith.divf %unpack3A_435, %add3A_469 : vector<16xf32>
        %swap3A_471 = arith.index_cast %add3A_317 : i32 to index
        %swap3A_472 = arith.constant 96 : index
        %swap3A_473 = tpu.vector_load %arg15[%swap3A_471, %swap3A_472] {strides = array<i32>} : memref<40x128xf32, #tpu.memory_space<vmem>>, vector<16xf32>,
        tpu.vector_store %arg15[%swap3A_471, %swap3A_472], %div3A_470 {strides = array<i32>} : memref<40x128xf32, #tpu.memory_space<vmem>>, vector<16xf32>,
        %get3A_474 = arith.constant 0 : i32
        %get3A_475 = arith.index_cast %get3A_474 : i32 to index
        %get3A_476 = arith.index_cast %add3A_317 : i32 to index
        %get3A_477 = arith.constant 48 : index
        %get3A_478 = tpu.vector_load %arg13[%get3A_475, %get3A_476, %get3A_477] {strides = array<i32>} : memref<2x40x128xi32, #tpu.memory_space<vmem>>, vector<16xi32>,
        %bitcast3A_479 = vector.bitcast %get3A_478 : vector<16xi32> to vector<32xbf16>
        %unpack3A_480 = tpu.unpack_subelements %bitcast3A_479, 0 {pack_format = #tpu.pack_format<interleaved>} : vector<32xbf16> -> vector<16xf32>
        %unpack3A_481 = tpu.unpack_subelements %bitcast3A_479, 1 {pack_format = #tpu.pack_format<interleaved>} : vector<32xbf16> -> vector<16xf32>
        %get3A_482 = arith.constant 0 : i32
        %get3A_483 = arith.index_cast %get3A_482 : i32 to index
        %get3A_484 = arith.index_cast %add3A_317 : i32 to index
        %get3A_485 = arith.constant 112 : index
        %get3A_486 = tpu.vector_load %arg13[%get3A_483, %get3A_484, %get3A_485] {strides = array<i32>} : memref<2x40x128xi32, #tpu.memory_space<vmem>>, vector<16xi32>,
        %bitcast3A_487 = vector.bitcast %get3A_486 : vector<16xi32> to vector<32xbf16>
        %unpack3A_488 = tpu.unpack_subelements %bitcast3A_487, 0 {pack_format = #tpu.pack_format<interleaved>} : vector<32xbf16> -> vector<16xf32>
        %unpack3A_489 = tpu.unpack_subelements %bitcast3A_487, 1 {pack_format = #tpu.pack_format<interleaved>} : vector<32xbf16> -> vector<16xf32>
        %get3A_490 = arith.constant 0 : i32
        %get3A_491 = arith.index_cast %get3A_490 : i32 to index
        %get3A_492 = arith.index_cast %add3A_317 : i32 to index
        %get3A_493 = arith.constant 48 : index
        %get3A_494 = tpu.vector_load %arg14[%get3A_491, %get3A_492, %get3A_493] {strides = array<i32>} : memref<2x40x64xi32, #tpu.memory_space<vmem>>, vector<16xi32>,
        %bitcast3A_495 = vector.bitcast %get3A_494 : vector<16xi32> to vector<32xbf16>
        %unpack3A_496 = tpu.unpack_subelements %bitcast3A_495, 0 {pack_format = #tpu.pack_format<interleaved>} : vector<32xbf16> -> vector<16xf32>
        %unpack3A_497 = tpu.unpack_subelements %bitcast3A_495, 1 {pack_format = #tpu.pack_format<interleaved>} : vector<32xbf16> -> vector<16xf32>
        %get3A_498 = arith.constant 0 : i32
        %get3A_499 = arith.index_cast %get3A_498 : i32 to index
        %get3A_500 = arith.index_cast %add3A_317 : i32 to index
        %get3A_501 = arith.constant 48 : index
        %get3A_502 = tpu.vector_load %arg12[%get3A_499, %get3A_500, %get3A_501] {strides = array<i32>} : memref<2x40x128xf32, #tpu.memory_space<vmem>>, vector<16xf32>,
        %add3A_503 = arith.addf %get3A_502, %unpack3A_480 : vector<16xf32>
        %add3A_504 = arith.addf %add3A_503, %unpack3A_496 : vector<16xf32>
        %get3A_505 = arith.constant 0 : i32
        %get3A_506 = arith.index_cast %get3A_505 : i32 to index
        %get3A_507 = arith.index_cast %add3A_317 : i32 to index
        %get3A_508 = arith.constant 112 : index
        %get3A_509 = tpu.vector_load %arg12[%get3A_506, %get3A_507, %get3A_508] {strides = array<i32>} : memref<2x40x128xf32, #tpu.memory_space<vmem>>, vector<16xf32>,
        %add3A_510 = arith.addf %get3A_509, %unpack3A_488 : vector<16xf32>
        %add3A_511 = arith.addf %add3A_510, %unpack3A_497 : vector<16xf32>
        %exp3A_512 = math.exp %add3A_504 : vector<16xf32>
        %add3A_513 = arith.constant 1.000000e+00 : f32
        %add3A_514 = vector.broadcast %add3A_513 : f32 to vector<16xf32>
        %add3A_515 = arith.addf %add3A_514, %exp3A_512 : vector<16xf32>
        %div3A_516 = arith.divf %unpack3A_481, %add3A_515 : vector<16xf32>
        %swap3A_517 = arith.index_cast %add3A_317 : i32 to index
        %swap3A_518 = arith.constant 48 : index
        %swap3A_519 = tpu.vector_load %arg15[%swap3A_517, %swap3A_518] {strides = array<i32>} : memref<40x128xf32, #tpu.memory_space<vmem>>, vector<16xf32>,
        tpu.vector_store %arg15[%swap3A_517, %swap3A_518], %div3A_516 {strides = array<i32>} : memref<40x128xf32, #tpu.memory_space<vmem>>, vector<16xf32>,
        %exp3A_520 = math.exp %add3A_511 : vector<16xf32>
        %add3A_521 = arith.constant 1.000000e+00 : f32
        %add3A_522 = vector.broadcast %add3A_521 : f32 to vector<16xf32>
        %add3A_523 = arith.addf %add3A_522, %exp3A_520 : vector<16xf32>
        %div3A_524 = arith.divf %unpack3A_489, %add3A_523 : vector<16xf32>
        %swap3A_525 = arith.index_cast %add3A_317 : i32 to index
        %swap3A_526 = arith.constant 112 : index
        %swap3A_527 = tpu.vector_load %arg15[%swap3A_525, %swap3A_526] {strides = array<i32>} : memref<40x128xf32, #tpu.memory_space<vmem>>, vector<16xf32>,
        tpu.vector_store %arg15[%swap3A_525, %swap3A_526], %div3A_524 {strides = array<i32>} : memref<40x128xf32, #tpu.memory_space<vmem>>, vector<16xf32>,
      }
      %scan3A_242 = arith.constant 40 : i32
      %run_scoped3A = arith.constant 0 : i32
      "tpu.region"() ({
        %run_scoped3A_313 = tpu.sem_alloc : memref<!tpu.dma_semaphore, #tpu.memory_space<semaphore_mem>>
        %dma_start3A_314 = arith.constant 0 : i32
        %dma_start3A_315 = tpu.memref_slice %arg10[%run_scoped3A, %dma_start3A_314] : memref<2x40xi32, #tpu.memory_space<vmem>> -> memref<1x40xi32, #tpu.memory_space<vmem>>
        %dma_start3A_316 = tpu.memref_squeeze %dma_start3A_315 : memref<1x40xi32, #tpu.memory_space<vmem>> -> memref<40xi32, #tpu.memory_space<vmem>>
        %dma_start3A_317 = arith.constant 0 : i32
        %dma_start3A_318 = arith.constant 0 : i32
        %dma_start3A_319 = tpu.memref_slice %arg9[%dma_start3A_317, %dma_start3A_318] : memref<10000x128xf32, #tpu.memory_space<vmem_shared>> -> memref<10000x128xf32, #tpu.memory_space<vmem_shared>>
        tpu.enqueue_indirect_dma source(%arg15 : memref<40x128xf32, #tpu.memory_space<vmem>>) target(%dma_start3A_319 : memref<10000x128xf32, #tpu.memory_space<vmem_shared>>) offsets(%dma_start3A_316 : memref<40xi32, #tpu.memory_space<vmem>>) semaphore(%run_scoped3A_313 : memref<!tpu.dma_semaphore, #tpu.memory_space<semaphore_mem>>) {add = true}
        %dma_wait3A_320 = arith.constant 0 : i32
        %dma_wait3A_321 = tpu.memref_slice %arg10[%run_scoped3A, %dma_wait3A_320] : memref<2x40xi32, #tpu.memory_space<vmem>> -> memref<1x40xi32, #tpu.memory_space<vmem>>
        %dma_wait3A_322 = tpu.memref_squeeze %dma_wait3A_321 : memref<1x40xi32, #tpu.memory_space<vmem>> -> memref<40xi32, #tpu.memory_space<vmem>>
        %dma_wait3A_323 = arith.constant 0 : i32
        %dma_wait3A_324 = arith.constant 0 : i32
        %dma_wait3A_325 = tpu.memref_slice %arg9[%dma_wait3A_323, %dma_wait3A_324] : memref<10000x128xf32, #tpu.memory_space<vmem_shared>> -> memref<10000x128xf32, #tpu.memory_space<vmem_shared>>
        tpu.wait_indirect_dma semaphore(%run_scoped3A_313 : memref<!tpu.dma_semaphore, #tpu.memory_space<semaphore_mem>>) src(%arg15 : memref<40x128xf32, #tpu.memory_space<vmem>>) dst(%dma_wait3A_325 : memref<10000x128xf32, #tpu.memory_space<vmem_shared>>)
        tpu.yield
      }) : () -> ()
      %add3A_243 = arith.constant 2 : i32
      %add3A_244 = arith.addi %mul3A_126, %add3A_243 : i32
      %lt3A = arith.constant 250 : i32
      %lt3A_245 = arith.cmpi slt, %add3A_244, %lt3A : i32
      %convert_element_type3A_246 = arith.extui %lt3A_245 : i1 to i32
      %cond3A_247 = arith.constant 0 : i32
      %cond3A_248 = arith.cmpi ne, %convert_element_type3A_246, %cond3A_247 : i32
      scf.if %cond3A_248 {
        %add3A_313 = arith.constant 2 : i32
        %add3A_314 = arith.addi %mul3A_126, %add3A_313 : i32
        %mul3A_315 = arith.constant 32 : i32
        %mul3A_316 = arith.muli %add3A_314, %mul3A_315 : i32
        %add3A_317 = arith.addi %add3A, %mul3A_316 : i32
        %mul3A_318 = arith.constant 40 : i32
        %mul3A_319 = arith.muli %add3A_317, %mul3A_318 : i32
        %dma_start3A_320 = arith.constant 0 : i32
        %dma_start3A_321 = arith.constant 0 : i32
        %dma_start3A_322 = tpu.memref_slice %arg10[%dma_start3A_320, %dma_start3A_321] : memref<2x40xi32, #tpu.memory_space<vmem>> -> memref<1x40xi32, #tpu.memory_space<vmem>>
        %dma_start3A_323 = tpu.memref_squeeze %dma_start3A_322 : memref<1x40xi32, #tpu.memory_space<vmem>> -> memref<40xi32, #tpu.memory_space<vmem>>
        %dma_start3A_324 = tpu.memref_slice %arg6[%mul3A_319] : memref<320000xi32, #tpu.memory_space<hbm>> -> memref<40xi32, #tpu.memory_space<hbm>>
        %dma_start3A_325 = arith.constant 0 : i32
        %dma_start3A_326 = tpu.memref_slice %arg10[%dma_start3A_320, %dma_start3A_325] : memref<2x40xi32, #tpu.memory_space<vmem>> -> memref<1x40xi32, #tpu.memory_space<vmem>>
        %dma_start3A_327 = tpu.memref_squeeze %dma_start3A_326 : memref<1x40xi32, #tpu.memory_space<vmem>> -> memref<40xi32, #tpu.memory_space<vmem>>
        %dma_start3A_328 = tpu.memref_slice %arg6[%mul3A_319] : memref<320000xi32, #tpu.memory_space<hbm>> -> memref<40xi32, #tpu.memory_space<hbm>>
        tpu.enqueue_dma source(%dma_start3A_328 : memref<40xi32, #tpu.memory_space<hbm>>) target(%dma_start3A_327 : memref<40xi32, #tpu.memory_space<vmem>>) target_semaphore(%arg16 : memref<!tpu.dma_semaphore, #tpu.memory_space<semaphore_mem>>)
        %dma_start3A_329 = arith.constant 0 : i32
        %dma_start3A_330 = arith.constant 0 : i32
        %dma_start3A_331 = tpu.memref_slice %arg11[%dma_start3A_329, %dma_start3A_330] : memref<2x40xi32, #tpu.memory_space<vmem>> -> memref<1x40xi32, #tpu.memory_space<vmem>>
        %dma_start3A_332 = tpu.memref_squeeze %dma_start3A_331 : memref<1x40xi32, #tpu.memory_space<vmem>> -> memref<40xi32, #tpu.memory_space<vmem>>
        %dma_start3A_333 = tpu.memref_slice %arg5[%mul3A_319] : memref<320000xi32, #tpu.memory_space<hbm>> -> memref<40xi32, #tpu.memory_space<hbm>>
        %dma_start3A_334 = arith.constant 0 : i32
        %dma_start3A_335 = tpu.memref_slice %arg11[%dma_start3A_329, %dma_start3A_334] : memref<2x40xi32, #tpu.memory_space<vmem>> -> memref<1x40xi32, #tpu.memory_space<vmem>>
        %dma_start3A_336 = tpu.memref_squeeze %dma_start3A_335 : memref<1x40xi32, #tpu.memory_space<vmem>> -> memref<40xi32, #tpu.memory_space<vmem>>
        %dma_start3A_337 = tpu.memref_slice %arg5[%mul3A_319] : memref<320000xi32, #tpu.memory_space<hbm>> -> memref<40xi32, #tpu.memory_space<hbm>>
        tpu.enqueue_dma source(%dma_start3A_337 : memref<40xi32, #tpu.memory_space<hbm>>) target(%dma_start3A_336 : memref<40xi32, #tpu.memory_space<vmem>>) target_semaphore(%arg16 : memref<!tpu.dma_semaphore, #tpu.memory_space<semaphore_mem>>)
      } else {
      }
      %add3A_249 = arith.constant 1 : i32
      %add3A_250 = arith.addi %mul3A_126, %add3A_249 : i32
      %add3A_251 = arith.constant 1 : i32
      %add3A_252 = arith.addi %add3A_250, %add3A_251 : i32
      %lt3A_253 = arith.constant 250 : i32
      %lt3A_254 = arith.cmpi slt, %add3A_252, %lt3A_253 : i32
      %convert_element_type3A_255 = arith.extui %lt3A_254 : i1 to i32
      %cond3A_256 = arith.constant 0 : i32
      %cond3A_257 = arith.cmpi ne, %convert_element_type3A_255, %cond3A_256 : i32
      scf.if %cond3A_257 {
        %add3A_313 = arith.constant 1 : i32
        %add3A_314 = arith.addi %add3A_250, %add3A_313 : i32
        %mul3A_315 = arith.constant 32 : i32
        %mul3A_316 = arith.muli %add3A_314, %mul3A_315 : i32
        %add3A_317 = arith.addi %add3A, %mul3A_316 : i32
        %mul3A_318 = arith.constant 40 : i32
        %mul3A_319 = arith.muli %add3A_317, %mul3A_318 : i32
        %dma_wait3A_320 = arith.constant 0 : i32
        %dma_wait3A_321 = arith.constant 0 : i32
        %dma_wait3A_322 = tpu.memref_slice %arg10[%dma_wait3A_320, %dma_wait3A_321] : memref<2x40xi32, #tpu.memory_space<vmem>> -> memref<1x40xi32, #tpu.memory_space<vmem>>
        %dma_wait3A_323 = tpu.memref_squeeze %dma_wait3A_322 : memref<1x40xi32, #tpu.memory_space<vmem>> -> memref<40xi32, #tpu.memory_space<vmem>>
        %dma_wait3A_324 = tpu.memref_slice %arg6[%mul3A_319] : memref<320000xi32, #tpu.memory_space<hbm>> -> memref<40xi32, #tpu.memory_space<hbm>>
        %dma_wait3A_325 = arith.constant 0 : i32
        %dma_wait3A_326 = tpu.memref_slice %arg10[%dma_wait3A_320, %dma_wait3A_325] : memref<2x40xi32, #tpu.memory_space<vmem>> -> memref<1x40xi32, #tpu.memory_space<vmem>>
        %dma_wait3A_327 = tpu.memref_squeeze %dma_wait3A_326 : memref<1x40xi32, #tpu.memory_space<vmem>> -> memref<40xi32, #tpu.memory_space<vmem>>
        %dma_wait3A_328 = tpu.memref_slice %arg6[%mul3A_319] : memref<320000xi32, #tpu.memory_space<hbm>> -> memref<40xi32, #tpu.memory_space<hbm>>
        tpu.wait_dma2 semaphore(%arg16 : memref<!tpu.dma_semaphore, #tpu.memory_space<semaphore_mem>>) src(%dma_wait3A_328 : memref<40xi32, #tpu.memory_space<hbm>>) dst(%dma_wait3A_327 : memref<40xi32, #tpu.memory_space<vmem>>)
        %dma_wait3A_329 = arith.constant 0 : i32
        %dma_wait3A_330 = arith.constant 0 : i32
        %dma_wait3A_331 = tpu.memref_slice %arg11[%dma_wait3A_329, %dma_wait3A_330] : memref<2x40xi32, #tpu.memory_space<vmem>> -> memref<1x40xi32, #tpu.memory_space<vmem>>
        %dma_wait3A_332 = tpu.memref_squeeze %dma_wait3A_331 : memref<1x40xi32, #tpu.memory_space<vmem>> -> memref<40xi32, #tpu.memory_space<vmem>>
        %dma_wait3A_333 = tpu.memref_slice %arg5[%mul3A_319] : memref<320000xi32, #tpu.memory_space<hbm>> -> memref<40xi32, #tpu.memory_space<hbm>>
        %dma_wait3A_334 = arith.constant 0 : i32
        %dma_wait3A_335 = tpu.memref_slice %arg11[%dma_wait3A_329, %dma_wait3A_334] : memref<2x40xi32, #tpu.memory_space<vmem>> -> memref<1x40xi32, #tpu.memory_space<vmem>>
        %dma_wait3A_336 = tpu.memref_squeeze %dma_wait3A_335 : memref<1x40xi32, #tpu.memory_space<vmem>> -> memref<40xi32, #tpu.memory_space<vmem>>
        %dma_wait3A_337 = tpu.memref_slice %arg5[%mul3A_319] : memref<320000xi32, #tpu.memory_space<hbm>> -> memref<40xi32, #tpu.memory_space<hbm>>
        tpu.wait_dma2 semaphore(%arg16 : memref<!tpu.dma_semaphore, #tpu.memory_space<semaphore_mem>>) src(%dma_wait3A_337 : memref<40xi32, #tpu.memory_space<hbm>>) dst(%dma_wait3A_336 : memref<40xi32, #tpu.memory_space<vmem>>)
        %add3A_338 = arith.constant 1 : i32
        %add3A_339 = arith.addi %add3A_250, %add3A_338 : i32
        %mul3A_340 = arith.constant 32 : i32
        %mul3A_341 = arith.muli %add3A_339, %mul3A_340 : i32
        %add3A_342 = arith.addi %add3A, %mul3A_341 : i32
        %mul3A_343 = arith.constant 40 : i32
        %mul3A_344 = arith.muli %add3A_342, %mul3A_343 : i32
        %dma_start3A_345 = arith.constant 0 : i32
        %dma_start3A_346 = arith.constant 0 : i32
        %dma_start3A_347 = arith.constant 0 : i32
        %dma_start3A_348 = arith.constant 0 : i32
        %dma_start3A_349 = tpu.memref_slice %arg12[%dma_start3A_346, %dma_start3A_347, %dma_start3A_348] : memref<2x40x128xf32, #tpu.memory_space<vmem>> -> memref<1x40x128xf32, #tpu.memory_space<vmem>>
        %dma_start3A_350 = tpu.memref_squeeze %dma_start3A_349 : memref<1x40x128xf32, #tpu.memory_space<vmem>> -> memref<40x128xf32, #tpu.memory_space<vmem>>
        %dma_start3A_351 = arith.constant 0 : i32
        %dma_start3A_352 = tpu.memref_slice %arg10[%dma_start3A_345, %dma_start3A_351] : memref<2x40xi32, #tpu.memory_space<vmem>> -> memref<1x40xi32, #tpu.memory_space<vmem>>
        %dma_start3A_353 = tpu.memref_squeeze %dma_start3A_352 : memref<1x40xi32, #tpu.memory_space<vmem>> -> memref<40xi32, #tpu.memory_space<vmem>>
        %dma_start3A_354 = arith.constant 0 : i32
        %dma_start3A_355 = arith.constant 0 : i32
        %dma_start3A_356 = tpu.memref_slice %arg2[%dma_start3A_354, %dma_start3A_355] : memref<10000x128xf32, #tpu.memory_space<hbm>> -> memref<10000x128xf32, #tpu.memory_space<hbm>>
        tpu.enqueue_indirect_dma source(%dma_start3A_356 : memref<10000x128xf32, #tpu.memory_space<hbm>>) target(%dma_start3A_350 : memref<40x128xf32, #tpu.memory_space<vmem>>) offsets(%dma_start3A_353 : memref<40xi32, #tpu.memory_space<vmem>>) semaphore(%arg17 : memref<!tpu.dma_semaphore, #tpu.memory_space<semaphore_mem>>)
        %dma_start3A_357 = arith.constant 0 : i32
        %dma_start3A_358 = arith.constant 0 : i32
        %dma_start3A_359 = arith.constant 0 : i32
        %dma_start3A_360 = arith.constant 0 : i32
        %dma_start3A_361 = tpu.memref_slice %arg13[%dma_start3A_358, %dma_start3A_359, %dma_start3A_360] : memref<2x40x128xi32, #tpu.memory_space<vmem>> -> memref<1x40x128xi32, #tpu.memory_space<vmem>>
        %dma_start3A_362 = tpu.memref_squeeze %dma_start3A_361 : memref<1x40x128xi32, #tpu.memory_space<vmem>> -> memref<40x128xi32, #tpu.memory_space<vmem>>
        %dma_start3A_363 = arith.constant 0 : i32
        %dma_start3A_364 = tpu.memref_slice %arg11[%dma_start3A_357, %dma_start3A_363] : memref<2x40xi32, #tpu.memory_space<vmem>> -> memref<1x40xi32, #tpu.memory_space<vmem>>
        %dma_start3A_365 = tpu.memref_squeeze %dma_start3A_364 : memref<1x40xi32, #tpu.memory_space<vmem>> -> memref<40xi32, #tpu.memory_space<vmem>>
        %dma_start3A_366 = arith.constant 0 : i32
        %dma_start3A_367 = arith.constant 0 : i32
        %dma_start3A_368 = tpu.memref_slice %arg3[%dma_start3A_366, %dma_start3A_367] : memref<10000x128xi32, #tpu.memory_space<hbm>> -> memref<10000x128xi32, #tpu.memory_space<hbm>>
        tpu.enqueue_indirect_dma source(%dma_start3A_368 : memref<10000x128xi32, #tpu.memory_space<hbm>>) target(%dma_start3A_362 : memref<40x128xi32, #tpu.memory_space<vmem>>) offsets(%dma_start3A_365 : memref<40xi32, #tpu.memory_space<vmem>>) semaphore(%arg17 : memref<!tpu.dma_semaphore, #tpu.memory_space<semaphore_mem>>)
        %dma_start3A_369 = arith.constant 0 : i32
        %dma_start3A_370 = arith.constant 0 : i32
        %dma_start3A_371 = arith.constant 0 : i32
        %dma_start3A_372 = tpu.memref_slice %arg14[%dma_start3A_369, %dma_start3A_370, %dma_start3A_371] : memref<2x40x64xi32, #tpu.memory_space<vmem>> -> memref<1x40x64xi32, #tpu.memory_space<vmem>>
        %dma_start3A_373 = tpu.memref_squeeze %dma_start3A_372 : memref<1x40x64xi32, #tpu.memory_space<vmem>> -> memref<40x64xi32, #tpu.memory_space<vmem>>
        %dma_start3A_374 = arith.constant 0 : i32
        %dma_start3A_375 = tpu.memref_slice %arg4[%mul3A_344, %dma_start3A_374] : memref<320000x64xi32, #tpu.memory_space<hbm>> -> memref<40x64xi32, #tpu.memory_space<hbm>>
        %dma_start3A_376 = arith.constant 0 : i32
        %dma_start3A_377 = arith.constant 0 : i32
        %dma_start3A_378 = tpu.memref_slice %arg14[%dma_start3A_369, %dma_start3A_376, %dma_start3A_377] : memref<2x40x64xi32, #tpu.memory_space<vmem>> -> memref<1x40x64xi32, #tpu.memory_space<vmem>>
        %dma_start3A_379 = tpu.memref_squeeze %dma_start3A_378 : memref<1x40x64xi32, #tpu.memory_space<vmem>> -> memref<40x64xi32, #tpu.memory_space<vmem>>
        %dma_start3A_380 = arith.constant 0 : i32
        %dma_start3A_381 = tpu.memref_slice %arg4[%mul3A_344, %dma_start3A_380] : memref<320000x64xi32, #tpu.memory_space<hbm>> -> memref<40x64xi32, #tpu.memory_space<hbm>>
        tpu.enqueue_dma source(%dma_start3A_381 : memref<40x64xi32, #tpu.memory_space<hbm>>) target(%dma_start3A_379 : memref<40x64xi32, #tpu.memory_space<vmem>>) target_semaphore(%arg17 : memref<!tpu.dma_semaphore, #tpu.memory_space<semaphore_mem>>)
      } else {
      }
      %mul3A_258 = arith.constant 32 : i32
      %mul3A_259 = arith.muli %add3A_250, %mul3A_258 : i32
      %add3A_260 = arith.addi %add3A, %mul3A_259 : i32
      %mul3A_261 = arith.constant 40 : i32
      %mul3A_262 = arith.muli %add3A_260, %mul3A_261 : i32
      %dma_wait3A_263 = arith.constant 1 : i32
      %dma_wait3A_264 = arith.constant 1 : i32
      %dma_wait3A_265 = arith.constant 0 : i32
      %dma_wait3A_266 = arith.constant 0 : i32
      %dma_wait3A_267 = tpu.memref_slice %arg12[%dma_wait3A_264, %dma_wait3A_265, %dma_wait3A_266] : memref<2x40x128xf32, #tpu.memory_space<vmem>> -> memref<1x40x128xf32, #tpu.memory_space<vmem>>
      %dma_wait3A_268 = tpu.memref_squeeze %dma_wait3A_267 : memref<1x40x128xf32, #tpu.memory_space<vmem>> -> memref<40x128xf32, #tpu.memory_space<vmem>>
      %dma_wait3A_269 = arith.constant 0 : i32
      %dma_wait3A_270 = tpu.memref_slice %arg10[%dma_wait3A_263, %dma_wait3A_269] : memref<2x40xi32, #tpu.memory_space<vmem>> -> memref<1x40xi32, #tpu.memory_space<vmem>>
      %dma_wait3A_271 = tpu.memref_squeeze %dma_wait3A_270 : memref<1x40xi32, #tpu.memory_space<vmem>> -> memref<40xi32, #tpu.memory_space<vmem>>
      %dma_wait3A_272 = arith.constant 0 : i32
      %dma_wait3A_273 = arith.constant 0 : i32
      %dma_wait3A_274 = tpu.memref_slice %arg2[%dma_wait3A_272, %dma_wait3A_273] : memref<10000x128xf32, #tpu.memory_space<hbm>> -> memref<10000x128xf32, #tpu.memory_space<hbm>>
      tpu.wait_indirect_dma semaphore(%arg17 : memref<!tpu.dma_semaphore, #tpu.memory_space<semaphore_mem>>) src(%dma_wait3A_274 : memref<10000x128xf32, #tpu.memory_space<hbm>>) dst(%dma_wait3A_268 : memref<40x128xf32, #tpu.memory_space<vmem>>)
      %dma_wait3A_275 = arith.constant 1 : i32
      %dma_wait3A_276 = arith.constant 1 : i32
      %dma_wait3A_277 = arith.constant 0 : i32
      %dma_wait3A_278 = arith.constant 0 : i32
      %dma_wait3A_279 = tpu.memref_slice %arg13[%dma_wait3A_276, %dma_wait3A_277, %dma_wait3A_278] : memref<2x40x128xi32, #tpu.memory_space<vmem>> -> memref<1x40x128xi32, #tpu.memory_space<vmem>>
      %dma_wait3A_280 = tpu.memref_squeeze %dma_wait3A_279 : memref<1x40x128xi32, #tpu.memory_space<vmem>> -> memref<40x128xi32, #tpu.memory_space<vmem>>
      %dma_wait3A_281 = arith.constant 0 : i32
      %dma_wait3A_282 = tpu.memref_slice %arg11[%dma_wait3A_275, %dma_wait3A_281] : memref<2x40xi32, #tpu.memory_space<vmem>> -> memref<1x40xi32, #tpu.memory_space<vmem>>
      %dma_wait3A_283 = tpu.memref_squeeze %dma_wait3A_282 : memref<1x40xi32, #tpu.memory_space<vmem>> -> memref<40xi32, #tpu.memory_space<vmem>>
      %dma_wait3A_284 = arith.constant 0 : i32
      %dma_wait3A_285 = arith.constant 0 : i32
      %dma_wait3A_286 = tpu.memref_slice %arg3[%dma_wait3A_284, %dma_wait3A_285] : memref<10000x128xi32, #tpu.memory_space<hbm>> -> memref<10000x128xi32, #tpu.memory_space<hbm>>
      tpu.wait_indirect_dma semaphore(%arg17 : memref<!tpu.dma_semaphore, #tpu.memory_space<semaphore_mem>>) src(%dma_wait3A_286 : memref<10000x128xi32, #tpu.memory_space<hbm>>) dst(%dma_wait3A_280 : memref<40x128xi32, #tpu.memory_space<vmem>>)
      %dma_wait3A_287 = arith.constant 1 : i32
      %dma_wait3A_288 = arith.constant 0 : i32
      %dma_wait3A_289 = arith.constant 0 : i32
      %dma_wait3A_290 = tpu.memref_slice %arg14[%dma_wait3A_287, %dma_wait3A_288, %dma_wait3A_289] : memref<2x40x64xi32, #tpu.memory_space<vmem>> -> memref<1x40x64xi32, #tpu.memory_space<vmem>>
      %dma_wait3A_291 = tpu.memref_squeeze %dma_wait3A_290 : memref<1x40x64xi32, #tpu.memory_space<vmem>> -> memref<40x64xi32, #tpu.memory_space<vmem>>
      %dma_wait3A_292 = arith.constant 0 : i32
      %dma_wait3A_293 = tpu.memref_slice %arg4[%mul3A_262, %dma_wait3A_292] : memref<320000x64xi32, #tpu.memory_space<hbm>> -> memref<40x64xi32, #tpu.memory_space<hbm>>
      %dma_wait3A_294 = arith.constant 0 : i32
      %dma_wait3A_295 = arith.constant 0 : i32
      %dma_wait3A_296 = tpu.memref_slice %arg14[%dma_wait3A_287, %dma_wait3A_294, %dma_wait3A_295] : memref<2x40x64xi32, #tpu.memory_space<vmem>> -> memref<1x40x64xi32, #tpu.memory_space<vmem>>
      %dma_wait3A_297 = tpu.memref_squeeze %dma_wait3A_296 : memref<1x40x64xi32, #tpu.memory_space<vmem>> -> memref<40x64xi32, #tpu.memory_space<vmem>>
      %dma_wait3A_298 = arith.constant 0 : i32
      %dma_wait3A_299 = tpu.memref_slice %arg4[%mul3A_262, %dma_wait3A_298] : memref<320000x64xi32, #tpu.memory_space<hbm>> -> memref<40x64xi32, #tpu.memory_space<hbm>>
      tpu.wait_dma2 semaphore(%arg17 : memref<!tpu.dma_semaphore, #tpu.memory_space<semaphore_mem>>) src(%dma_wait3A_299 : memref<40x64xi32, #tpu.memory_space<hbm>>) dst(%dma_wait3A_297 : memref<40x64xi32, #tpu.memory_space<vmem>>)
      %scan3A_300 = arith.constant 0 : i32
      %scan3A_301 = arith.constant 40 : i32
      %scan3A_302 = arith.addi %scan3A_300, %scan3A_301 : i32
      %scan3A_303 = arith.constant 1 : i32
      scf.for %scan3A_313 = %scan3A_300 to %scan3A_302 step %scan3A_303  : i32 {
        %mul3A_314 = arith.constant 1 : i32
        %mul3A_315 = arith.muli %scan3A_313, %mul3A_314 : i32
        %add3A_316 = arith.constant 0 : i32
        %add3A_317 = arith.addi %add3A_316, %mul3A_315 : i32
        %get3A = arith.constant 1 : i32
        %get3A_318 = arith.index_cast %get3A : i32 to index
        %get3A_319 = arith.index_cast %add3A_317 : i32 to index
        %get3A_320 = arith.constant 0 : index
        %get3A_321 = tpu.vector_load %arg13[%get3A_318, %get3A_319, %get3A_320] {strides = array<i32>} : memref<2x40x128xi32, #tpu.memory_space<vmem>>, vector<16xi32>,
        %bitcast3A = vector.bitcast %get3A_321 : vector<16xi32> to vector<32xbf16>
        %unpack3A = tpu.unpack_subelements %bitcast3A, 0 {pack_format = #tpu.pack_format<interleaved>} : vector<32xbf16> -> vector<16xf32>
        %unpack3A_322 = tpu.unpack_subelements %bitcast3A, 1 {pack_format = #tpu.pack_format<interleaved>} : vector<32xbf16> -> vector<16xf32>
        %get3A_323 = arith.constant 1 : i32
        %get3A_324 = arith.index_cast %get3A_323 : i32 to index
        %get3A_325 = arith.index_cast %add3A_317 : i32 to index
        %get3A_326 = arith.constant 64 : index
        %get3A_327 = tpu.vector_load %arg13[%get3A_324, %get3A_325, %get3A_326] {strides = array<i32>} : memref<2x40x128xi32, #tpu.memory_space<vmem>>, vector<16xi32>,
        %bitcast3A_328 = vector.bitcast %get3A_327 : vector<16xi32> to vector<32xbf16>
        %unpack3A_329 = tpu.unpack_subelements %bitcast3A_328, 0 {pack_format = #tpu.pack_format<interleaved>} : vector<32xbf16> -> vector<16xf32>
        %unpack3A_330 = tpu.unpack_subelements %bitcast3A_328, 1 {pack_format = #tpu.pack_format<interleaved>} : vector<32xbf16> -> vector<16xf32>
        %get3A_331 = arith.constant 1 : i32
        %get3A_332 = arith.index_cast %get3A_331 : i32 to index
        %get3A_333 = arith.index_cast %add3A_317 : i32 to index
        %get3A_334 = arith.constant 0 : index
        %get3A_335 = tpu.vector_load %arg14[%get3A_332, %get3A_333, %get3A_334] {strides = array<i32>} : memref<2x40x64xi32, #tpu.memory_space<vmem>>, vector<16xi32>,
        %bitcast3A_336 = vector.bitcast %get3A_335 : vector<16xi32> to vector<32xbf16>
        %unpack3A_337 = tpu.unpack_subelements %bitcast3A_336, 0 {pack_format = #tpu.pack_format<interleaved>} : vector<32xbf16> -> vector<16xf32>
        %unpack3A_338 = tpu.unpack_subelements %bitcast3A_336, 1 {pack_format = #tpu.pack_format<interleaved>} : vector<32xbf16> -> vector<16xf32>
        %get3A_339 = arith.constant 1 : i32
        %get3A_340 = arith.index_cast %get3A_339 : i32 to index
        %get3A_341 = arith.index_cast %add3A_317 : i32 to index
        %get3A_342 = arith.constant 0 : index
        %get3A_343 = tpu.vector_load %arg12[%get3A_340, %get3A_341, %get3A_342] {strides = array<i32>} : memref<2x40x128xf32, #tpu.memory_space<vmem>>, vector<16xf32>,
        %add3A_344 = arith.addf %get3A_343, %unpack3A : vector<16xf32>
        %add3A_345 = arith.addf %add3A_344, %unpack3A_337 : vector<16xf32>
        %get3A_346 = arith.constant 1 : i32
        %get3A_347 = arith.index_cast %get3A_346 : i32 to index
        %get3A_348 = arith.index_cast %add3A_317 : i32 to index
        %get3A_349 = arith.constant 64 : index
        %get3A_350 = tpu.vector_load %arg12[%get3A_347, %get3A_348, %get3A_349] {strides = array<i32>} : memref<2x40x128xf32, #tpu.memory_space<vmem>>, vector<16xf32>,
        %add3A_351 = arith.addf %get3A_350, %unpack3A_329 : vector<16xf32>
        %add3A_352 = arith.addf %add3A_351, %unpack3A_338 : vector<16xf32>
        %exp3A = math.exp %add3A_345 : vector<16xf32>
        %add3A_353 = arith.constant 1.000000e+00 : f32
        %add3A_354 = vector.broadcast %add3A_353 : f32 to vector<16xf32>
        %add3A_355 = arith.addf %add3A_354, %exp3A : vector<16xf32>
        %div3A = arith.divf %unpack3A_322, %add3A_355 : vector<16xf32>
        %swap3A = arith.index_cast %add3A_317 : i32 to index
        %swap3A_356 = arith.constant 0 : index
        %swap3A_357 = tpu.vector_load %arg15[%swap3A, %swap3A_356] {strides = array<i32>} : memref<40x128xf32, #tpu.memory_space<vmem>>, vector<16xf32>,
        tpu.vector_store %arg15[%swap3A, %swap3A_356], %div3A {strides = array<i32>} : memref<40x128xf32, #tpu.memory_space<vmem>>, vector<16xf32>,
        %exp3A_358 = math.exp %add3A_352 : vector<16xf32>
        %add3A_359 = arith.constant 1.000000e+00 : f32
        %add3A_360 = vector.broadcast %add3A_359 : f32 to vector<16xf32>
        %add3A_361 = arith.addf %add3A_360, %exp3A_358 : vector<16xf32>
        %div3A_362 = arith.divf %unpack3A_330, %add3A_361 : vector<16xf32>
        %swap3A_363 = arith.index_cast %add3A_317 : i32 to index
        %swap3A_364 = arith.constant 64 : index
        %swap3A_365 = tpu.vector_load %arg15[%swap3A_363, %swap3A_364] {strides = array<i32>} : memref<40x128xf32, #tpu.memory_space<vmem>>, vector<16xf32>,
        tpu.vector_store %arg15[%swap3A_363, %swap3A_364], %div3A_362 {strides = array<i32>} : memref<40x128xf32, #tpu.memory_space<vmem>>, vector<16xf32>,
        %get3A_366 = arith.constant 1 : i32
        %get3A_367 = arith.index_cast %get3A_366 : i32 to index
        %get3A_368 = arith.index_cast %add3A_317 : i32 to index
        %get3A_369 = arith.constant 16 : index
        %get3A_370 = tpu.vector_load %arg13[%get3A_367, %get3A_368, %get3A_369] {strides = array<i32>} : memref<2x40x128xi32, #tpu.memory_space<vmem>>, vector<16xi32>,
        %bitcast3A_371 = vector.bitcast %get3A_370 : vector<16xi32> to vector<32xbf16>
        %unpack3A_372 = tpu.unpack_subelements %bitcast3A_371, 0 {pack_format = #tpu.pack_format<interleaved>} : vector<32xbf16> -> vector<16xf32>
        %unpack3A_373 = tpu.unpack_subelements %bitcast3A_371, 1 {pack_format = #tpu.pack_format<interleaved>} : vector<32xbf16> -> vector<16xf32>
        %get3A_374 = arith.constant 1 : i32
        %get3A_375 = arith.index_cast %get3A_374 : i32 to index
        %get3A_376 = arith.index_cast %add3A_317 : i32 to index
        %get3A_377 = arith.constant 80 : index
        %get3A_378 = tpu.vector_load %arg13[%get3A_375, %get3A_376, %get3A_377] {strides = array<i32>} : memref<2x40x128xi32, #tpu.memory_space<vmem>>, vector<16xi32>,
        %bitcast3A_379 = vector.bitcast %get3A_378 : vector<16xi32> to vector<32xbf16>
        %unpack3A_380 = tpu.unpack_subelements %bitcast3A_379, 0 {pack_format = #tpu.pack_format<interleaved>} : vector<32xbf16> -> vector<16xf32>
        %unpack3A_381 = tpu.unpack_subelements %bitcast3A_379, 1 {pack_format = #tpu.pack_format<interleaved>} : vector<32xbf16> -> vector<16xf32>
        %get3A_382 = arith.constant 1 : i32
        %get3A_383 = arith.index_cast %get3A_382 : i32 to index
        %get3A_384 = arith.index_cast %add3A_317 : i32 to index
        %get3A_385 = arith.constant 16 : index
        %get3A_386 = tpu.vector_load %arg14[%get3A_383, %get3A_384, %get3A_385] {strides = array<i32>} : memref<2x40x64xi32, #tpu.memory_space<vmem>>, vector<16xi32>,
        %bitcast3A_387 = vector.bitcast %get3A_386 : vector<16xi32> to vector<32xbf16>
        %unpack3A_388 = tpu.unpack_subelements %bitcast3A_387, 0 {pack_format = #tpu.pack_format<interleaved>} : vector<32xbf16> -> vector<16xf32>
        %unpack3A_389 = tpu.unpack_subelements %bitcast3A_387, 1 {pack_format = #tpu.pack_format<interleaved>} : vector<32xbf16> -> vector<16xf32>
        %get3A_390 = arith.constant 1 : i32
        %get3A_391 = arith.index_cast %get3A_390 : i32 to index
        %get3A_392 = arith.index_cast %add3A_317 : i32 to index
        %get3A_393 = arith.constant 16 : index
        %get3A_394 = tpu.vector_load %arg12[%get3A_391, %get3A_392, %get3A_393] {strides = array<i32>} : memref<2x40x128xf32, #tpu.memory_space<vmem>>, vector<16xf32>,
        %add3A_395 = arith.addf %get3A_394, %unpack3A_372 : vector<16xf32>
        %add3A_396 = arith.addf %add3A_395, %unpack3A_388 : vector<16xf32>
        %get3A_397 = arith.constant 1 : i32
        %get3A_398 = arith.index_cast %get3A_397 : i32 to index
        %get3A_399 = arith.index_cast %add3A_317 : i32 to index
        %get3A_400 = arith.constant 80 : index
        %get3A_401 = tpu.vector_load %arg12[%get3A_398, %get3A_399, %get3A_400] {strides = array<i32>} : memref<2x40x128xf32, #tpu.memory_space<vmem>>, vector<16xf32>,
        %add3A_402 = arith.addf %get3A_401, %unpack3A_380 : vector<16xf32>
        %add3A_403 = arith.addf %add3A_402, %unpack3A_389 : vector<16xf32>
        %exp3A_404 = math.exp %add3A_396 : vector<16xf32>
        %add3A_405 = arith.constant 1.000000e+00 : f32
        %add3A_406 = vector.broadcast %add3A_405 : f32 to vector<16xf32>
        %add3A_407 = arith.addf %add3A_406, %exp3A_404 : vector<16xf32>
        %div3A_408 = arith.divf %unpack3A_373, %add3A_407 : vector<16xf32>
        %swap3A_409 = arith.index_cast %add3A_317 : i32 to index
        %swap3A_410 = arith.constant 16 : index
        %swap3A_411 = tpu.vector_load %arg15[%swap3A_409, %swap3A_410] {strides = array<i32>} : memref<40x128xf32, #tpu.memory_space<vmem>>, vector<16xf32>,
        tpu.vector_store %arg15[%swap3A_409, %swap3A_410], %div3A_408 {strides = array<i32>} : memref<40x128xf32, #tpu.memory_space<vmem>>, vector<16xf32>,
        %exp3A_412 = math.exp %add3A_403 : vector<16xf32>
        %add3A_413 = arith.constant 1.000000e+00 : f32
        %add3A_414 = vector.broadcast %add3A_413 : f32 to vector<16xf32>
        %add3A_415 = arith.addf %add3A_414, %exp3A_412 : vector<16xf32>
        %div3A_416 = arith.divf %unpack3A_381, %add3A_415 : vector<16xf32>
        %swap3A_417 = arith.index_cast %add3A_317 : i32 to index
        %swap3A_418 = arith.constant 80 : index
        %swap3A_419 = tpu.vector_load %arg15[%swap3A_417, %swap3A_418] {strides = array<i32>} : memref<40x128xf32, #tpu.memory_space<vmem>>, vector<16xf32>,
        tpu.vector_store %arg15[%swap3A_417, %swap3A_418], %div3A_416 {strides = array<i32>} : memref<40x128xf32, #tpu.memory_space<vmem>>, vector<16xf32>,
        %get3A_420 = arith.constant 1 : i32
        %get3A_421 = arith.index_cast %get3A_420 : i32 to index
        %get3A_422 = arith.index_cast %add3A_317 : i32 to index
        %get3A_423 = arith.constant 32 : index
        %get3A_424 = tpu.vector_load %arg13[%get3A_421, %get3A_422, %get3A_423] {strides = array<i32>} : memref<2x40x128xi32, #tpu.memory_space<vmem>>, vector<16xi32>,
        %bitcast3A_425 = vector.bitcast %get3A_424 : vector<16xi32> to vector<32xbf16>
        %unpack3A_426 = tpu.unpack_subelements %bitcast3A_425, 0 {pack_format = #tpu.pack_format<interleaved>} : vector<32xbf16> -> vector<16xf32>
        %unpack3A_427 = tpu.unpack_subelements %bitcast3A_425, 1 {pack_format = #tpu.pack_format<interleaved>} : vector<32xbf16> -> vector<16xf32>
        %get3A_428 = arith.constant 1 : i32
        %get3A_429 = arith.index_cast %get3A_428 : i32 to index
        %get3A_430 = arith.index_cast %add3A_317 : i32 to index
        %get3A_431 = arith.constant 96 : index
        %get3A_432 = tpu.vector_load %arg13[%get3A_429, %get3A_430, %get3A_431] {strides = array<i32>} : memref<2x40x128xi32, #tpu.memory_space<vmem>>, vector<16xi32>,
        %bitcast3A_433 = vector.bitcast %get3A_432 : vector<16xi32> to vector<32xbf16>
        %unpack3A_434 = tpu.unpack_subelements %bitcast3A_433, 0 {pack_format = #tpu.pack_format<interleaved>} : vector<32xbf16> -> vector<16xf32>
        %unpack3A_435 = tpu.unpack_subelements %bitcast3A_433, 1 {pack_format = #tpu.pack_format<interleaved>} : vector<32xbf16> -> vector<16xf32>
        %get3A_436 = arith.constant 1 : i32
        %get3A_437 = arith.index_cast %get3A_436 : i32 to index
        %get3A_438 = arith.index_cast %add3A_317 : i32 to index
        %get3A_439 = arith.constant 32 : index
        %get3A_440 = tpu.vector_load %arg14[%get3A_437, %get3A_438, %get3A_439] {strides = array<i32>} : memref<2x40x64xi32, #tpu.memory_space<vmem>>, vector<16xi32>,
        %bitcast3A_441 = vector.bitcast %get3A_440 : vector<16xi32> to vector<32xbf16>
        %unpack3A_442 = tpu.unpack_subelements %bitcast3A_441, 0 {pack_format = #tpu.pack_format<interleaved>} : vector<32xbf16> -> vector<16xf32>
        %unpack3A_443 = tpu.unpack_subelements %bitcast3A_441, 1 {pack_format = #tpu.pack_format<interleaved>} : vector<32xbf16> -> vector<16xf32>
        %get3A_444 = arith.constant 1 : i32
        %get3A_445 = arith.index_cast %get3A_444 : i32 to index
        %get3A_446 = arith.index_cast %add3A_317 : i32 to index
        %get3A_447 = arith.constant 32 : index
        %get3A_448 = tpu.vector_load %arg12[%get3A_445, %get3A_446, %get3A_447] {strides = array<i32>} : memref<2x40x128xf32, #tpu.memory_space<vmem>>, vector<16xf32>,
        %add3A_449 = arith.addf %get3A_448, %unpack3A_426 : vector<16xf32>
        %add3A_450 = arith.addf %add3A_449, %unpack3A_442 : vector<16xf32>
        %get3A_451 = arith.constant 1 : i32
        %get3A_452 = arith.index_cast %get3A_451 : i32 to index
        %get3A_453 = arith.index_cast %add3A_317 : i32 to index
        %get3A_454 = arith.constant 96 : index
        %get3A_455 = tpu.vector_load %arg12[%get3A_452, %get3A_453, %get3A_454] {strides = array<i32>} : memref<2x40x128xf32, #tpu.memory_space<vmem>>, vector<16xf32>,
        %add3A_456 = arith.addf %get3A_455, %unpack3A_434 : vector<16xf32>
        %add3A_457 = arith.addf %add3A_456, %unpack3A_443 : vector<16xf32>
        %exp3A_458 = math.exp %add3A_450 : vector<16xf32>
        %add3A_459 = arith.constant 1.000000e+00 : f32
        %add3A_460 = vector.broadcast %add3A_459 : f32 to vector<16xf32>
        %add3A_461 = arith.addf %add3A_460, %exp3A_458 : vector<16xf32>
        %div3A_462 = arith.divf %unpack3A_427, %add3A_461 : vector<16xf32>
        %swap3A_463 = arith.index_cast %add3A_317 : i32 to index
        %swap3A_464 = arith.constant 32 : index
        %swap3A_465 = tpu.vector_load %arg15[%swap3A_463, %swap3A_464] {strides = array<i32>} : memref<40x128xf32, #tpu.memory_space<vmem>>, vector<16xf32>,
        tpu.vector_store %arg15[%swap3A_463, %swap3A_464], %div3A_462 {strides = array<i32>} : memref<40x128xf32, #tpu.memory_space<vmem>>, vector<16xf32>,
        %exp3A_466 = math.exp %add3A_457 : vector<16xf32>
        %add3A_467 = arith.constant 1.000000e+00 : f32
        %add3A_468 = vector.broadcast %add3A_467 : f32 to vector<16xf32>
        %add3A_469 = arith.addf %add3A_468, %exp3A_466 : vector<16xf32>
        %div3A_470 = arith.divf %unpack3A_435, %add3A_469 : vector<16xf32>
        %swap3A_471 = arith.index_cast %add3A_317 : i32 to index
        %swap3A_472 = arith.constant 96 : index
        %swap3A_473 = tpu.vector_load %arg15[%swap3A_471, %swap3A_472] {strides = array<i32>} : memref<40x128xf32, #tpu.memory_space<vmem>>, vector<16xf32>,
        tpu.vector_store %arg15[%swap3A_471, %swap3A_472], %div3A_470 {strides = array<i32>} : memref<40x128xf32, #tpu.memory_space<vmem>>, vector<16xf32>,
        %get3A_474 = arith.constant 1 : i32
        %get3A_475 = arith.index_cast %get3A_474 : i32 to index
        %get3A_476 = arith.index_cast %add3A_317 : i32 to index
        %get3A_477 = arith.constant 48 : index
        %get3A_478 = tpu.vector_load %arg13[%get3A_475, %get3A_476, %get3A_477] {strides = array<i32>} : memref<2x40x128xi32, #tpu.memory_space<vmem>>, vector<16xi32>,
        %bitcast3A_479 = vector.bitcast %get3A_478 : vector<16xi32> to vector<32xbf16>
        %unpack3A_480 = tpu.unpack_subelements %bitcast3A_479, 0 {pack_format = #tpu.pack_format<interleaved>} : vector<32xbf16> -> vector<16xf32>
        %unpack3A_481 = tpu.unpack_subelements %bitcast3A_479, 1 {pack_format = #tpu.pack_format<interleaved>} : vector<32xbf16> -> vector<16xf32>
        %get3A_482 = arith.constant 1 : i32
        %get3A_483 = arith.index_cast %get3A_482 : i32 to index
        %get3A_484 = arith.index_cast %add3A_317 : i32 to index
        %get3A_485 = arith.constant 112 : index
        %get3A_486 = tpu.vector_load %arg13[%get3A_483, %get3A_484, %get3A_485] {strides = array<i32>} : memref<2x40x128xi32, #tpu.memory_space<vmem>>, vector<16xi32>,
        %bitcast3A_487 = vector.bitcast %get3A_486 : vector<16xi32> to vector<32xbf16>
        %unpack3A_488 = tpu.unpack_subelements %bitcast3A_487, 0 {pack_format = #tpu.pack_format<interleaved>} : vector<32xbf16> -> vector<16xf32>
        %unpack3A_489 = tpu.unpack_subelements %bitcast3A_487, 1 {pack_format = #tpu.pack_format<interleaved>} : vector<32xbf16> -> vector<16xf32>
        %get3A_490 = arith.constant 1 : i32
        %get3A_491 = arith.index_cast %get3A_490 : i32 to index
        %get3A_492 = arith.index_cast %add3A_317 : i32 to index
        %get3A_493 = arith.constant 48 : index
        %get3A_494 = tpu.vector_load %arg14[%get3A_491, %get3A_492, %get3A_493] {strides = array<i32>} : memref<2x40x64xi32, #tpu.memory_space<vmem>>, vector<16xi32>,
        %bitcast3A_495 = vector.bitcast %get3A_494 : vector<16xi32> to vector<32xbf16>
        %unpack3A_496 = tpu.unpack_subelements %bitcast3A_495, 0 {pack_format = #tpu.pack_format<interleaved>} : vector<32xbf16> -> vector<16xf32>
        %unpack3A_497 = tpu.unpack_subelements %bitcast3A_495, 1 {pack_format = #tpu.pack_format<interleaved>} : vector<32xbf16> -> vector<16xf32>
        %get3A_498 = arith.constant 1 : i32
        %get3A_499 = arith.index_cast %get3A_498 : i32 to index
        %get3A_500 = arith.index_cast %add3A_317 : i32 to index
        %get3A_501 = arith.constant 48 : index
        %get3A_502 = tpu.vector_load %arg12[%get3A_499, %get3A_500, %get3A_501] {strides = array<i32>} : memref<2x40x128xf32, #tpu.memory_space<vmem>>, vector<16xf32>,
        %add3A_503 = arith.addf %get3A_502, %unpack3A_480 : vector<16xf32>
        %add3A_504 = arith.addf %add3A_503, %unpack3A_496 : vector<16xf32>
        %get3A_505 = arith.constant 1 : i32
        %get3A_506 = arith.index_cast %get3A_505 : i32 to index
        %get3A_507 = arith.index_cast %add3A_317 : i32 to index
        %get3A_508 = arith.constant 112 : index
        %get3A_509 = tpu.vector_load %arg12[%get3A_506, %get3A_507, %get3A_508] {strides = array<i32>} : memref<2x40x128xf32, #tpu.memory_space<vmem>>, vector<16xf32>,
        %add3A_510 = arith.addf %get3A_509, %unpack3A_488 : vector<16xf32>
        %add3A_511 = arith.addf %add3A_510, %unpack3A_497 : vector<16xf32>
        %exp3A_512 = math.exp %add3A_504 : vector<16xf32>
        %add3A_513 = arith.constant 1.000000e+00 : f32
        %add3A_514 = vector.broadcast %add3A_513 : f32 to vector<16xf32>
        %add3A_515 = arith.addf %add3A_514, %exp3A_512 : vector<16xf32>
        %div3A_516 = arith.divf %unpack3A_481, %add3A_515 : vector<16xf32>
        %swap3A_517 = arith.index_cast %add3A_317 : i32 to index
        %swap3A_518 = arith.constant 48 : index
        %swap3A_519 = tpu.vector_load %arg15[%swap3A_517, %swap3A_518] {strides = array<i32>} : memref<40x128xf32, #tpu.memory_space<vmem>>, vector<16xf32>,
        tpu.vector_store %arg15[%swap3A_517, %swap3A_518], %div3A_516 {strides = array<i32>} : memref<40x128xf32, #tpu.memory_space<vmem>>, vector<16xf32>,
        %exp3A_520 = math.exp %add3A_511 : vector<16xf32>
        %add3A_521 = arith.constant 1.000000e+00 : f32
        %add3A_522 = vector.broadcast %add3A_521 : f32 to vector<16xf32>
        %add3A_523 = arith.addf %add3A_522, %exp3A_520 : vector<16xf32>
        %div3A_524 = arith.divf %unpack3A_489, %add3A_523 : vector<16xf32>
        %swap3A_525 = arith.index_cast %add3A_317 : i32 to index
        %swap3A_526 = arith.constant 112 : index
        %swap3A_527 = tpu.vector_load %arg15[%swap3A_525, %swap3A_526] {strides = array<i32>} : memref<40x128xf32, #tpu.memory_space<vmem>>, vector<16xf32>,
        tpu.vector_store %arg15[%swap3A_525, %swap3A_526], %div3A_524 {strides = array<i32>} : memref<40x128xf32, #tpu.memory_space<vmem>>, vector<16xf32>,
      }
      %scan3A_304 = arith.constant 40 : i32
      %run_scoped3A_305 = arith.constant 1 : i32
      "tpu.region"() ({
        %run_scoped3A_313 = tpu.sem_alloc : memref<!tpu.dma_semaphore, #tpu.memory_space<semaphore_mem>>
        %dma_start3A_314 = arith.constant 0 : i32
        %dma_start3A_315 = tpu.memref_slice %arg10[%run_scoped3A_305, %dma_start3A_314] : memref<2x40xi32, #tpu.memory_space<vmem>> -> memref<1x40xi32, #tpu.memory_space<vmem>>
        %dma_start3A_316 = tpu.memref_squeeze %dma_start3A_315 : memref<1x40xi32, #tpu.memory_space<vmem>> -> memref<40xi32, #tpu.memory_space<vmem>>
        %dma_start3A_317 = arith.constant 0 : i32
        %dma_start3A_318 = arith.constant 0 : i32
        %dma_start3A_319 = tpu.memref_slice %arg9[%dma_start3A_317, %dma_start3A_318] : memref<10000x128xf32, #tpu.memory_space<vmem_shared>> -> memref<10000x128xf32, #tpu.memory_space<vmem_shared>>
        tpu.enqueue_indirect_dma source(%arg15 : memref<40x128xf32, #tpu.memory_space<vmem>>) target(%dma_start3A_319 : memref<10000x128xf32, #tpu.memory_space<vmem_shared>>) offsets(%dma_start3A_316 : memref<40xi32, #tpu.memory_space<vmem>>) semaphore(%run_scoped3A_313 : memref<!tpu.dma_semaphore, #tpu.memory_space<semaphore_mem>>) {add = true}
        %dma_wait3A_320 = arith.constant 0 : i32
        %dma_wait3A_321 = tpu.memref_slice %arg10[%run_scoped3A_305, %dma_wait3A_320] : memref<2x40xi32, #tpu.memory_space<vmem>> -> memref<1x40xi32, #tpu.memory_space<vmem>>
        %dma_wait3A_322 = tpu.memref_squeeze %dma_wait3A_321 : memref<1x40xi32, #tpu.memory_space<vmem>> -> memref<40xi32, #tpu.memory_space<vmem>>
        %dma_wait3A_323 = arith.constant 0 : i32
        %dma_wait3A_324 = arith.constant 0 : i32
        %dma_wait3A_325 = tpu.memref_slice %arg9[%dma_wait3A_323, %dma_wait3A_324] : memref<10000x128xf32, #tpu.memory_space<vmem_shared>> -> memref<10000x128xf32, #tpu.memory_space<vmem_shared>>
        tpu.wait_indirect_dma semaphore(%run_scoped3A_313 : memref<!tpu.dma_semaphore, #tpu.memory_space<semaphore_mem>>) src(%arg15 : memref<40x128xf32, #tpu.memory_space<vmem>>) dst(%dma_wait3A_325 : memref<10000x128xf32, #tpu.memory_space<vmem_shared>>)
        tpu.yield
      }) : () -> ()
      %add3A_306 = arith.constant 2 : i32
      %add3A_307 = arith.addi %add3A_250, %add3A_306 : i32
      %lt3A_308 = arith.constant 250 : i32
      %lt3A_309 = arith.cmpi slt, %add3A_307, %lt3A_308 : i32
      %convert_element_type3A_310 = arith.extui %lt3A_309 : i1 to i32
      %cond3A_311 = arith.constant 0 : i32
      %cond3A_312 = arith.cmpi ne, %convert_element_type3A_310, %cond3A_311 : i32
      scf.if %cond3A_312 {
        %add3A_313 = arith.constant 2 : i32
        %add3A_314 = arith.addi %add3A_250, %add3A_313 : i32
        %mul3A_315 = arith.constant 32 : i32
        %mul3A_316 = arith.muli %add3A_314, %mul3A_315 : i32
        %add3A_317 = arith.addi %add3A, %mul3A_316 : i32
        %mul3A_318 = arith.constant 40 : i32
        %mul3A_319 = arith.muli %add3A_317, %mul3A_318 : i32
        %dma_start3A_320 = arith.constant 1 : i32
        %dma_start3A_321 = arith.constant 0 : i32
        %dma_start3A_322 = tpu.memref_slice %arg10[%dma_start3A_320, %dma_start3A_321] : memref<2x40xi32, #tpu.memory_space<vmem>> -> memref<1x40xi32, #tpu.memory_space<vmem>>
        %dma_start3A_323 = tpu.memref_squeeze %dma_start3A_322 : memref<1x40xi32, #tpu.memory_space<vmem>> -> memref<40xi32, #tpu.memory_space<vmem>>
        %dma_start3A_324 = tpu.memref_slice %arg6[%mul3A_319] : memref<320000xi32, #tpu.memory_space<hbm>> -> memref<40xi32, #tpu.memory_space<hbm>>
        %dma_start3A_325 = arith.constant 0 : i32
        %dma_start3A_326 = tpu.memref_slice %arg10[%dma_start3A_320, %dma_start3A_325] : memref<2x40xi32, #tpu.memory_space<vmem>> -> memref<1x40xi32, #tpu.memory_space<vmem>>
        %dma_start3A_327 = tpu.memref_squeeze %dma_start3A_326 : memref<1x40xi32, #tpu.memory_space<vmem>> -> memref<40xi32, #tpu.memory_space<vmem>>
        %dma_start3A_328 = tpu.memref_slice %arg6[%mul3A_319] : memref<320000xi32, #tpu.memory_space<hbm>> -> memref<40xi32, #tpu.memory_space<hbm>>
        tpu.enqueue_dma source(%dma_start3A_328 : memref<40xi32, #tpu.memory_space<hbm>>) target(%dma_start3A_327 : memref<40xi32, #tpu.memory_space<vmem>>) target_semaphore(%arg16 : memref<!tpu.dma_semaphore, #tpu.memory_space<semaphore_mem>>)
        %dma_start3A_329 = arith.constant 1 : i32
        %dma_start3A_330 = arith.constant 0 : i32
        %dma_start3A_331 = tpu.memref_slice %arg11[%dma_start3A_329, %dma_start3A_330] : memref<2x40xi32, #tpu.memory_space<vmem>> -> memref<1x40xi32, #tpu.memory_space<vmem>>
        %dma_start3A_332 = tpu.memref_squeeze %dma_start3A_331 : memref<1x40xi32, #tpu.memory_space<vmem>> -> memref<40xi32, #tpu.memory_space<vmem>>
        %dma_start3A_333 = tpu.memref_slice %arg5[%mul3A_319] : memref<320000xi32, #tpu.memory_space<hbm>> -> memref<40xi32, #tpu.memory_space<hbm>>
        %dma_start3A_334 = arith.constant 0 : i32
        %dma_start3A_335 = tpu.memref_slice %arg11[%dma_start3A_329, %dma_start3A_334] : memref<2x40xi32, #tpu.memory_space<vmem>> -> memref<1x40xi32, #tpu.memory_space<vmem>>
        %dma_start3A_336 = tpu.memref_squeeze %dma_start3A_335 : memref<1x40xi32, #tpu.memory_space<vmem>> -> memref<40xi32, #tpu.memory_space<vmem>>
        %dma_start3A_337 = tpu.memref_slice %arg5[%mul3A_319] : memref<320000xi32, #tpu.memory_space<hbm>> -> memref<40xi32, #tpu.memory_space<hbm>>
        tpu.enqueue_dma source(%dma_start3A_337 : memref<40xi32, #tpu.memory_space<hbm>>) target(%dma_start3A_336 : memref<40xi32, #tpu.memory_space<vmem>>) target_semaphore(%arg16 : memref<!tpu.dma_semaphore, #tpu.memory_space<semaphore_mem>>)
      } else {
      }
    }
    %scan3A_113 = arith.constant 125 : i32
    %barrier3A_114 = arith.constant 0 : index
    tpu.barrier barrier_id(%barrier3A_114)
    "tpu.region"() ({
      %run_scoped3A = tpu.sem_alloc : memref<!tpu.dma_semaphore, #tpu.memory_space<semaphore_mem>>
      %dma_start3A_120 = arith.constant 0 : i32
      %dma_start3A_121 = tpu.memref_slice %arg8[%arg0, %mul3A_2, %dma_start3A_120] : memref<2x10000x128xf32, #tpu.memory_space<hbm>> -> memref<1x624x128xf32, #tpu.memory_space<hbm>>
      %dma_start3A_122 = tpu.memref_squeeze %dma_start3A_121 : memref<1x624x128xf32, #tpu.memory_space<hbm>> -> memref<624x128xf32, #tpu.memory_space<hbm>>
      %dma_start3A_123 = arith.constant 0 : i32
      %dma_start3A_124 = tpu.memref_slice %arg9[%mul3A_2, %dma_start3A_123] : memref<10000x128xf32, #tpu.memory_space<vmem_shared>> -> memref<624x128xf32, #tpu.memory_space<vmem_shared>>
      tpu.enqueue_dma source(%dma_start3A_124 : memref<624x128xf32, #tpu.memory_space<vmem_shared>>) target(%dma_start3A_122 : memref<624x128xf32, #tpu.memory_space<hbm>>) target_semaphore(%run_scoped3A : memref<!tpu.dma_semaphore, #tpu.memory_space<semaphore_mem>>)
      %dma_wait3A_125 = arith.constant 0 : i32
      %dma_wait3A_126 = tpu.memref_slice %arg8[%arg0, %mul3A_2, %dma_wait3A_125] : memref<2x10000x128xf32, #tpu.memory_space<hbm>> -> memref<1x624x128xf32, #tpu.memory_space<hbm>>
      %dma_wait3A_127 = tpu.memref_squeeze %dma_wait3A_126 : memref<1x624x128xf32, #tpu.memory_space<hbm>> -> memref<624x128xf32, #tpu.memory_space<hbm>>
      %dma_wait3A_128 = arith.constant 0 : i32
      %dma_wait3A_129 = tpu.memref_slice %arg9[%mul3A_2, %dma_wait3A_128] : memref<10000x128xf32, #tpu.memory_space<vmem_shared>> -> memref<624x128xf32, #tpu.memory_space<vmem_shared>>
      tpu.wait_dma2 semaphore(%run_scoped3A : memref<!tpu.dma_semaphore, #tpu.memory_space<semaphore_mem>>) src(%dma_wait3A_129 : memref<624x128xf32, #tpu.memory_space<vmem_shared>>) dst(%dma_wait3A_127 : memref<624x128xf32, #tpu.memory_space<hbm>>)
      tpu.yield
    }) : () -> ()
    %eq3A_115 = arith.constant 15 : i32
    %eq3A_116 = arith.cmpi eq, %arg1, %eq3A_115 : i32
    %convert_element_type3A_117 = arith.extui %eq3A_116 : i1 to i32
    %cond3A_118 = arith.constant 0 : i32
    %cond3A_119 = arith.cmpi ne, %convert_element_type3A_117, %cond3A_118 : i32
    scf.if %cond3A_119 {
      "tpu.region"() ({
        %run_scoped3A = tpu.sem_alloc : memref<!tpu.dma_semaphore, #tpu.memory_space<semaphore_mem>>
        %dma_start3A_120 = arith.constant 9984 : i32
        %dma_start3A_121 = arith.constant 0 : i32
        %dma_start3A_122 = tpu.memref_slice %arg8[%arg0, %dma_start3A_120, %dma_start3A_121] : memref<2x10000x128xf32, #tpu.memory_space<hbm>> -> memref<1x16x128xf32, #tpu.memory_space<hbm>>
        %dma_start3A_123 = tpu.memref_squeeze %dma_start3A_122 : memref<1x16x128xf32, #tpu.memory_space<hbm>> -> memref<16x128xf32, #tpu.memory_space<hbm>>
        %dma_start3A_124 = arith.constant 9984 : i32
        %dma_start3A_125 = arith.constant 0 : i32
        %dma_start3A_126 = tpu.memref_slice %arg9[%dma_start3A_124, %dma_start3A_125] : memref<10000x128xf32, #tpu.memory_space<vmem_shared>> -> memref<16x128xf32, #tpu.memory_space<vmem_shared>>
        tpu.enqueue_dma source(%dma_start3A_126 : memref<16x128xf32, #tpu.memory_space<vmem_shared>>) target(%dma_start3A_123 : memref<16x128xf32, #tpu.memory_space<hbm>>) target_semaphore(%run_scoped3A : memref<!tpu.dma_semaphore, #tpu.memory_space<semaphore_mem>>)
        %dma_wait3A_127 = arith.constant 9984 : i32
        %dma_wait3A_128 = arith.constant 0 : i32
        %dma_wait3A_129 = tpu.memref_slice %arg8[%arg0, %dma_wait3A_127, %dma_wait3A_128] : memref<2x10000x128xf32, #tpu.memory_space<hbm>> -> memref<1x16x128xf32, #tpu.memory_space<hbm>>
        %dma_wait3A_130 = tpu.memref_squeeze %dma_wait3A_129 : memref<1x16x128xf32, #tpu.memory_space<hbm>> -> memref<16x128xf32, #tpu.memory_space<hbm>>
        %dma_wait3A_131 = arith.constant 9984 : i32
        %dma_wait3A_132 = arith.constant 0 : i32
        %dma_wait3A_133 = tpu.memref_slice %arg9[%dma_wait3A_131, %dma_wait3A_132] : memref<10000x128xf32, #tpu.memory_space<vmem_shared>> -> memref<16x128xf32, #tpu.memory_space<vmem_shared>>
        tpu.wait_dma2 semaphore(%run_scoped3A : memref<!tpu.dma_semaphore, #tpu.memory_space<semaphore_mem>>) src(%dma_wait3A_133 : memref<16x128xf32, #tpu.memory_space<vmem_shared>>) dst(%dma_wait3A_130 : memref<16x128xf32, #tpu.memory_space<hbm>>)
        tpu.yield
      }) : () -> ()
    } else {
    }
    return
  }
}

#map = affine_map<(d0, d1) -> (0, 0)>
#map1 = affine_map<(d0, d1) -> (0)>
#map2 = affine_map<(d0, d1) -> (0, 0, 0)>
module attributes {stable_mosaic.version = 14 : i64} {
  func.func @_edge_sc_body(%arg0: i32, %arg1: i32, %arg2: memref<10000x128xf32, #tpu.memory_space<hbm>>, %arg3: memref<10000x128xi32, #tpu.memory_space<hbm>>, %arg4: memref<320000x64xi32, #tpu.memory_space<hbm>>, %arg5: memref<320000xi32, #tpu.memory_space<hbm>>, %arg6: memref<320000xi32, #tpu.memory_space<hbm>>, %arg7: memref<10000x128xf32, #tpu.memory_space<hbm>>, %arg8: memref<2x10000x128xf32, #tpu.memory_space<hbm>>, %arg9: memref<10000x128xf32, #tpu.memory_space<vmem_shared>>, %arg10: memref<2x40xi32, #tpu.memory_space<vmem>>, %arg11: memref<2x40xi32, #tpu.memory_space<vmem>>, %arg12: memref<2x40x128xf32, #tpu.memory_space<vmem>>, %arg13: memref<2x40x128xi32, #tpu.memory_space<vmem>>, %arg14: memref<2x40x64xi32, #tpu.memory_space<vmem>>, %arg15: memref<40x128xf32, #tpu.memory_space<vmem>>, %arg16: memref<!tpu.dma_semaphore, #tpu.memory_space<semaphore_mem>>, %arg17: memref<!tpu.dma_semaphore, #tpu.memory_space<semaphore_mem>>) attributes {dimension_semantics = [#tpu.dimension_semantics<core_parallel>, #tpu.dimension_semantics<subcore_parallel>], iteration_bounds = array<i64: 2, 16>, scalar_prefetch = 0 : i64, scratch_operands = 9 : i64, tpu.core_type = #tpu.core_type<sc_vector_subcore>, window_params = [{transform_indices = #map}, {transform_indices = #map}, {transform_indices = #map}, {transform_indices = #map1}, {transform_indices = #map1}, {transform_indices = #map}, {transform_indices = #map2}]} {
    %mul3A = arith.constant 2 : i32
    %mul3A_0 = arith.muli %arg1, %mul3A : i32
    %add3A = arith.addi %mul3A_0, %arg0 : i32
    %mul3A_1 = arith.constant 624 : i32
    %mul3A_2 = arith.muli %arg1, %mul3A_1 : i32
    "tpu.region"() ({
      %run_scoped3A = tpu.sem_alloc : memref<!tpu.dma_semaphore, #tpu.memory_space<semaphore_mem>>
      %dma_start3A_120 = arith.constant 0 : i32
      %dma_start3A_121 = tpu.memref_slice %arg9[%mul3A_2, %dma_start3A_120] : memref<10000x128xf32, #tpu.memory_space<vmem_shared>> -> memref<624x128xf32, #tpu.memory_space<vmem_shared>>
      %dma_start3A_122 = arith.constant 0 : i32
      %dma_start3A_123 = tpu.memref_slice %arg7[%mul3A_2, %dma_start3A_122] : memref<10000x128xf32, #tpu.memory_space<hbm>> -> memref<624x128xf32, #tpu.memory_space<hbm>>
      tpu.enqueue_dma source(%dma_start3A_123 : memref<624x128xf32, #tpu.memory_space<hbm>>) target(%dma_start3A_121 : memref<624x128xf32, #tpu.memory_space<vmem_shared>>) target_semaphore(%run_scoped3A : memref<!tpu.dma_semaphore, #tpu.memory_space<semaphore_mem>>)
      %dma_wait3A_124 = arith.constant 0 : i32
      %dma_wait3A_125 = tpu.memref_slice %arg9[%mul3A_2, %dma_wait3A_124] : memref<10000x128xf32, #tpu.memory_space<vmem_shared>> -> memref<624x128xf32, #tpu.memory_space<vmem_shared>>
      %dma_wait3A_126 = arith.constant 0 : i32
      %dma_wait3A_127 = tpu.memref_slice %arg7[%mul3A_2, %dma_wait3A_126] : memref<10000x128xf32, #tpu.memory_space<hbm>> -> memref<624x128xf32, #tpu.memory_space<hbm>>
      tpu.wait_dma2 semaphore(%run_scoped3A : memref<!tpu.dma_semaphore, #tpu.memory_space<semaphore_mem>>) src(%dma_wait3A_127 : memref<624x128xf32, #tpu.memory_space<hbm>>) dst(%dma_wait3A_125 : memref<624x128xf32, #tpu.memory_space<vmem_shared>>)
      tpu.yield
    }) : () -> ()
    %eq3A = arith.constant 15 : i32
    %eq3A_3 = arith.cmpi eq, %arg1, %eq3A : i32
    %convert_element_type3A = arith.extui %eq3A_3 : i1 to i32
    %cond3A = arith.constant 0 : i32
    %cond3A_4 = arith.cmpi ne, %convert_element_type3A, %cond3A : i32
    scf.if %cond3A_4 {
      "tpu.region"() ({
        %run_scoped3A = tpu.sem_alloc : memref<!tpu.dma_semaphore, #tpu.memory_space<semaphore_mem>>
        %dma_start3A_120 = arith.constant 9984 : i32
        %dma_start3A_121 = arith.constant 0 : i32
        %dma_start3A_122 = tpu.memref_slice %arg9[%dma_start3A_120, %dma_start3A_121] : memref<10000x128xf32, #tpu.memory_space<vmem_shared>> -> memref<16x128xf32, #tpu.memory_space<vmem_shared>>
        %dma_start3A_123 = arith.constant 9984 : i32
        %dma_start3A_124 = arith.constant 0 : i32
        %dma_start3A_125 = tpu.memref_slice %arg7[%dma_start3A_123, %dma_start3A_124] : memref<10000x128xf32, #tpu.memory_space<hbm>> -> memref<16x128xf32, #tpu.memory_space<hbm>>
        tpu.enqueue_dma source(%dma_start3A_125 : memref<16x128xf32, #tpu.memory_space<hbm>>) target(%dma_start3A_122 : memref<16x128xf32, #tpu.memory_space<vmem_shared>>) target_semaphore(%run_scoped3A : memref<!tpu.dma_semaphore, #tpu.memory_space<semaphore_mem>>)
        %dma_wait3A_126 = arith.constant 9984 : i32
        %dma_wait3A_127 = arith.constant 0 : i32
        %dma_wait3A_128 = tpu.memref_slice %arg9[%dma_wait3A_126, %dma_wait3A_127] : memref<10000x128xf32, #tpu.memory_space<vmem_shared>> -> memref<16x128xf32, #tpu.memory_space<vmem_shared>>
        %dma_wait3A_129 = arith.constant 9984 : i32
        %dma_wait3A_130 = arith.constant 0 : i32
        %dma_wait3A_131 = tpu.memref_slice %arg7[%dma_wait3A_129, %dma_wait3A_130] : memref<10000x128xf32, #tpu.memory_space<hbm>> -> memref<16x128xf32, #tpu.memory_space<hbm>>
        tpu.wait_dma2 semaphore(%run_scoped3A : memref<!tpu.dma_semaphore, #tpu.memory_space<semaphore_mem>>) src(%dma_wait3A_131 : memref<16x128xf32, #tpu.memory_space<hbm>>) dst(%dma_wait3A_128 : memref<16x128xf32, #tpu.memory_space<vmem_shared>>)
        tpu.yield
      }) : () -> ()
    } else {
    }
    %barrier3A = arith.constant 0 : index
    tpu.barrier barrier_id(%barrier3A)
    %add3A_5 = arith.constant 0 : i32
    %add3A_6 = arith.addi %add3A, %add3A_5 : i32
    %mul3A_7 = arith.constant 40 : i32
    %mul3A_8 = arith.muli %add3A_6, %mul3A_7 : i32
    %dma_start3A = arith.constant 0 : i32
    %dma_start3A_9 = arith.constant 0 : i32
    %dma_start3A_10 = tpu.memref_slice %arg10[%dma_start3A, %dma_start3A_9] : memref<2x40xi32, #tpu.memory_space<vmem>> -> memref<1x40xi32, #tpu.memory_space<vmem>>
    %dma_start3A_11 = tpu.memref_squeeze %dma_start3A_10 : memref<1x40xi32, #tpu.memory_space<vmem>> -> memref<40xi32, #tpu.memory_space<vmem>>
    %dma_start3A_12 = tpu.memref_slice %arg6[%mul3A_8] : memref<320000xi32, #tpu.memory_space<hbm>> -> memref<40xi32, #tpu.memory_space<hbm>>
    %dma_start3A_13 = arith.constant 0 : i32
    %dma_start3A_14 = tpu.memref_slice %arg10[%dma_start3A, %dma_start3A_13] : memref<2x40xi32, #tpu.memory_space<vmem>> -> memref<1x40xi32, #tpu.memory_space<vmem>>
    %dma_start3A_15 = tpu.memref_squeeze %dma_start3A_14 : memref<1x40xi32, #tpu.memory_space<vmem>> -> memref<40xi32, #tpu.memory_space<vmem>>
    %dma_start3A_16 = tpu.memref_slice %arg6[%mul3A_8] : memref<320000xi32, #tpu.memory_space<hbm>> -> memref<40xi32, #tpu.memory_space<hbm>>
    tpu.enqueue_dma source(%dma_start3A_16 : memref<40xi32, #tpu.memory_space<hbm>>) target(%dma_start3A_15 : memref<40xi32, #tpu.memory_space<vmem>>) target_semaphore(%arg16 : memref<!tpu.dma_semaphore, #tpu.memory_space<semaphore_mem>>)
    %dma_start3A_17 = arith.constant 0 : i32
    %dma_start3A_18 = arith.constant 0 : i32
    %dma_start3A_19 = tpu.memref_slice %arg11[%dma_start3A_17, %dma_start3A_18] : memref<2x40xi32, #tpu.memory_space<vmem>> -> memref<1x40xi32, #tpu.memory_space<vmem>>
    %dma_start3A_20 = tpu.memref_squeeze %dma_start3A_19 : memref<1x40xi32, #tpu.memory_space<vmem>> -> memref<40xi32, #tpu.memory_space<vmem>>
    %dma_start3A_21 = tpu.memref_slice %arg5[%mul3A_8] : memref<320000xi32, #tpu.memory_space<hbm>> -> memref<40xi32, #tpu.memory_space<hbm>>
    %dma_start3A_22 = arith.constant 0 : i32
    %dma_start3A_23 = tpu.memref_slice %arg11[%dma_start3A_17, %dma_start3A_22] : memref<2x40xi32, #tpu.memory_space<vmem>> -> memref<1x40xi32, #tpu.memory_space<vmem>>
    %dma_start3A_24 = tpu.memref_squeeze %dma_start3A_23 : memref<1x40xi32, #tpu.memory_space<vmem>> -> memref<40xi32, #tpu.memory_space<vmem>>
    %dma_start3A_25 = tpu.memref_slice %arg5[%mul3A_8] : memref<320000xi32, #tpu.memory_space<hbm>> -> memref<40xi32, #tpu.memory_space<hbm>>
    tpu.enqueue_dma source(%dma_start3A_25 : memref<40xi32, #tpu.memory_space<hbm>>) target(%dma_start3A_24 : memref<40xi32, #tpu.memory_space<vmem>>) target_semaphore(%arg16 : memref<!tpu.dma_semaphore, #tpu.memory_space<semaphore_mem>>)
    %add3A_26 = arith.constant 32 : i32
    %add3A_27 = arith.addi %add3A, %add3A_26 : i32
    %mul3A_28 = arith.constant 40 : i32
    %mul3A_29 = arith.muli %add3A_27, %mul3A_28 : i32
    %dma_start3A_30 = arith.constant 1 : i32
    %dma_start3A_31 = arith.constant 0 : i32
    %dma_start3A_32 = tpu.memref_slice %arg10[%dma_start3A_30, %dma_start3A_31] : memref<2x40xi32, #tpu.memory_space<vmem>> -> memref<1x40xi32, #tpu.memory_space<vmem>>
    %dma_start3A_33 = tpu.memref_squeeze %dma_start3A_32 : memref<1x40xi32, #tpu.memory_space<vmem>> -> memref<40xi32, #tpu.memory_space<vmem>>
    %dma_start3A_34 = tpu.memref_slice %arg6[%mul3A_29] : memref<320000xi32, #tpu.memory_space<hbm>> -> memref<40xi32, #tpu.memory_space<hbm>>
    %dma_start3A_35 = arith.constant 0 : i32
    %dma_start3A_36 = tpu.memref_slice %arg10[%dma_start3A_30, %dma_start3A_35] : memref<2x40xi32, #tpu.memory_space<vmem>> -> memref<1x40xi32, #tpu.memory_space<vmem>>
    %dma_start3A_37 = tpu.memref_squeeze %dma_start3A_36 : memref<1x40xi32, #tpu.memory_space<vmem>> -> memref<40xi32, #tpu.memory_space<vmem>>
    %dma_start3A_38 = tpu.memref_slice %arg6[%mul3A_29] : memref<320000xi32, #tpu.memory_space<hbm>> -> memref<40xi32, #tpu.memory_space<hbm>>
    tpu.enqueue_dma source(%dma_start3A_38 : memref<40xi32, #tpu.memory_space<hbm>>) target(%dma_start3A_37 : memref<40xi32, #tpu.memory_space<vmem>>) target_semaphore(%arg16 : memref<!tpu.dma_semaphore, #tpu.memory_space<semaphore_mem>>)
    %dma_start3A_39 = arith.constant 1 : i32
    %dma_start3A_40 = arith.constant 0 : i32
    %dma_start3A_41 = tpu.memref_slice %arg11[%dma_start3A_39, %dma_start3A_40] : memref<2x40xi32, #tpu.memory_space<vmem>> -> memref<1x40xi32, #tpu.memory_space<vmem>>
    %dma_start3A_42 = tpu.memref_squeeze %dma_start3A_41 : memref<1x40xi32, #tpu.memory_space<vmem>> -> memref<40xi32, #tpu.memory_space<vmem>>
    %dma_start3A_43 = tpu.memref_slice %arg5[%mul3A_29] : memref<320000xi32, #tpu.memory_space<hbm>> -> memref<40xi32, #tpu.memory_space<hbm>>
    %dma_start3A_44 = arith.constant 0 : i32
    %dma_start3A_45 = tpu.memref_slice %arg11[%dma_start3A_39, %dma_start3A_44] : memref<2x40xi32, #tpu.memory_space<vmem>> -> memref<1x40xi32, #tpu.memory_space<vmem>>
    %dma_start3A_46 = tpu.memref_squeeze %dma_start3A_45 : memref<1x40xi32, #tpu.memory_space<vmem>> -> memref<40xi32, #tpu.memory_space<vmem>>
    %dma_start3A_47 = tpu.memref_slice %arg5[%mul3A_29] : memref<320000xi32, #tpu.memory_space<hbm>> -> memref<40xi32, #tpu.memory_space<hbm>>
    tpu.enqueue_dma source(%dma_start3A_47 : memref<40xi32, #tpu.memory_space<hbm>>) target(%dma_start3A_46 : memref<40xi32, #tpu.memory_space<vmem>>) target_semaphore(%arg16 : memref<!tpu.dma_semaphore, #tpu.memory_space<semaphore_mem>>)
    %add3A_48 = arith.constant 0 : i32
    %add3A_49 = arith.addi %add3A, %add3A_48 : i32
    %mul3A_50 = arith.constant 40 : i32
    %mul3A_51 = arith.muli %add3A_49, %mul3A_50 : i32
    %dma_wait3A = arith.constant 0 : i32
    %dma_wait3A_52 = arith.constant 0 : i32
    %dma_wait3A_53 = tpu.memref_slice %arg10[%dma_wait3A, %dma_wait3A_52] : memref<2x40xi32, #tpu.memory_space<vmem>> -> memref<1x40xi32, #tpu.memory_space<vmem>>
    %dma_wait3A_54 = tpu.memref_squeeze %dma_wait3A_53 : memref<1x40xi32, #tpu.memory_space<vmem>> -> memref<40xi32, #tpu.memory_space<vmem>>
    %dma_wait3A_55 = tpu.memref_slice %arg6[%mul3A_51] : memref<320000xi32, #tpu.memory_space<hbm>> -> memref<40xi32, #tpu.memory_space<hbm>>
    %dma_wait3A_56 = arith.constant 0 : i32
    %dma_wait3A_57 = tpu.memref_slice %arg10[%dma_wait3A, %dma_wait3A_56] : memref<2x40xi32, #tpu.memory_space<vmem>> -> memref<1x40xi32, #tpu.memory_space<vmem>>
    %dma_wait3A_58 = tpu.memref_squeeze %dma_wait3A_57 : memref<1x40xi32, #tpu.memory_space<vmem>> -> memref<40xi32, #tpu.memory_space<vmem>>
    %dma_wait3A_59 = tpu.memref_slice %arg6[%mul3A_51] : memref<320000xi32, #tpu.memory_space<hbm>> -> memref<40xi32, #tpu.memory_space<hbm>>
    tpu.wait_dma2 semaphore(%arg16 : memref<!tpu.dma_semaphore, #tpu.memory_space<semaphore_mem>>) src(%dma_wait3A_59 : memref<40xi32, #tpu.memory_space<hbm>>) dst(%dma_wait3A_58 : memref<40xi32, #tpu.memory_space<vmem>>)
    %dma_wait3A_60 = arith.constant 0 : i32
    %dma_wait3A_61 = arith.constant 0 : i32
    %dma_wait3A_62 = tpu.memref_slice %arg11[%dma_wait3A_60, %dma_wait3A_61] : memref<2x40xi32, #tpu.memory_space<vmem>> -> memref<1x40xi32, #tpu.memory_space<vmem>>
    %dma_wait3A_63 = tpu.memref_squeeze %dma_wait3A_62 : memref<1x40xi32, #tpu.memory_space<vmem>> -> memref<40xi32, #tpu.memory_space<vmem>>
    %dma_wait3A_64 = tpu.memref_slice %arg5[%mul3A_51] : memref<320000xi32, #tpu.memory_space<hbm>> -> memref<40xi32, #tpu.memory_space<hbm>>
    %dma_wait3A_65 = arith.constant 0 : i32
    %dma_wait3A_66 = tpu.memref_slice %arg11[%dma_wait3A_60, %dma_wait3A_65] : memref<2x40xi32, #tpu.memory_space<vmem>> -> memref<1x40xi32, #tpu.memory_space<vmem>>
    %dma_wait3A_67 = tpu.memref_squeeze %dma_wait3A_66 : memref<1x40xi32, #tpu.memory_space<vmem>> -> memref<40xi32, #tpu.memory_space<vmem>>
    %dma_wait3A_68 = tpu.memref_slice %arg5[%mul3A_51] : memref<320000xi32, #tpu.memory_space<hbm>> -> memref<40xi32, #tpu.memory_space<hbm>>
    tpu.wait_dma2 semaphore(%arg16 : memref<!tpu.dma_semaphore, #tpu.memory_space<semaphore_mem>>) src(%dma_wait3A_68 : memref<40xi32, #tpu.memory_space<hbm>>) dst(%dma_wait3A_67 : memref<40xi32, #tpu.memory_space<vmem>>)
    %add3A_69 = arith.constant 0 : i32
    %add3A_70 = arith.addi %add3A, %add3A_69 : i32
    %mul3A_71 = arith.constant 40 : i32
    %mul3A_72 = arith.muli %add3A_70, %mul3A_71 : i32
    %dma_start3A_73 = arith.constant 0 : i32
    %dma_start3A_74 = arith.constant 0 : i32
    %dma_start3A_75 = arith.constant 0 : i32
    %dma_start3A_76 = arith.constant 0 : i32
    %dma_start3A_77 = tpu.memref_slice %arg12[%dma_start3A_74, %dma_start3A_75, %dma_start3A_76] : memref<2x40x128xf32, #tpu.memory_space<vmem>> -> memref<1x40x128xf32, #tpu.memory_space<vmem>>
    %dma_start3A_78 = tpu.memref_squeeze %dma_start3A_77 : memref<1x40x128xf32, #tpu.memory_space<vmem>> -> memref<40x128xf32, #tpu.memory_space<vmem>>
    %dma_start3A_79 = arith.constant 0 : i32
    %dma_start3A_80 = tpu.memref_slice %arg10[%dma_start3A_73, %dma_start3A_79] : memref<2x40xi32, #tpu.memory_space<vmem>> -> memref<1x40xi32, #tpu.memory_space<vmem>>
    %dma_start3A_81 = tpu.memref_squeeze %dma_start3A_80 : memref<1x40xi32, #tpu.memory_space<vmem>> -> memref<40xi32, #tpu.memory_space<vmem>>
    %dma_start3A_82 = arith.constant 0 : i32
    %dma_start3A_83 = arith.constant 0 : i32
    %dma_start3A_84 = tpu.memref_slice %arg2[%dma_start3A_82, %dma_start3A_83] : memref<10000x128xf32, #tpu.memory_space<hbm>> -> memref<10000x128xf32, #tpu.memory_space<hbm>>
    tpu.enqueue_indirect_dma source(%dma_start3A_84 : memref<10000x128xf32, #tpu.memory_space<hbm>>) target(%dma_start3A_78 : memref<40x128xf32, #tpu.memory_space<vmem>>) offsets(%dma_start3A_81 : memref<40xi32, #tpu.memory_space<vmem>>) semaphore(%arg17 : memref<!tpu.dma_semaphore, #tpu.memory_space<semaphore_mem>>)
    %dma_start3A_85 = arith.constant 0 : i32
    %dma_start3A_86 = arith.constant 0 : i32
    %dma_start3A_87 = arith.constant 0 : i32
    %dma_start3A_88 = arith.constant 0 : i32
    %dma_start3A_89 = tpu.memref_slice %arg13[%dma_start3A_86, %dma_start3A_87, %dma_start3A_88] : memref<2x40x128xi32, #tpu.memory_space<vmem>> -> memref<1x40x128xi32, #tpu.memory_space<vmem>>
    %dma_start3A_90 = tpu.memref_squeeze %dma_start3A_89 : memref<1x40x128xi32, #tpu.memory_space<vmem>> -> memref<40x128xi32, #tpu.memory_space<vmem>>
    %dma_start3A_91 = arith.constant 0 : i32
    %dma_start3A_92 = tpu.memref_slice %arg11[%dma_start3A_85, %dma_start3A_91] : memref<2x40xi32, #tpu.memory_space<vmem>> -> memref<1x40xi32, #tpu.memory_space<vmem>>
    %dma_start3A_93 = tpu.memref_squeeze %dma_start3A_92 : memref<1x40xi32, #tpu.memory_space<vmem>> -> memref<40xi32, #tpu.memory_space<vmem>>
    %dma_start3A_94 = arith.constant 0 : i32
    %dma_start3A_95 = arith.constant 0 : i32
    %dma_start3A_96 = tpu.memref_slice %arg3[%dma_start3A_94, %dma_start3A_95] : memref<10000x128xi32, #tpu.memory_space<hbm>> -> memref<10000x128xi32, #tpu.memory_space<hbm>>
    tpu.enqueue_indirect_dma source(%dma_start3A_96 : memref<10000x128xi32, #tpu.memory_space<hbm>>) target(%dma_start3A_90 : memref<40x128xi32, #tpu.memory_space<vmem>>) offsets(%dma_start3A_93 : memref<40xi32, #tpu.memory_space<vmem>>) semaphore(%arg17 : memref<!tpu.dma_semaphore, #tpu.memory_space<semaphore_mem>>)
    %dma_start3A_97 = arith.constant 0 : i32
    %dma_start3A_98 = arith.constant 0 : i32
    %dma_start3A_99 = arith.constant 0 : i32
    %dma_start3A_100 = tpu.memref_slice %arg14[%dma_start3A_97, %dma_start3A_98, %dma_start3A_99] : memref<2x40x64xi32, #tpu.memory_space<vmem>> -> memref<1x40x64xi32, #tpu.memory_space<vmem>>
    %dma_start3A_101 = tpu.memref_squeeze %dma_start3A_100 : memref<1x40x64xi32, #tpu.memory_space<vmem>> -> memref<40x64xi32, #tpu.memory_space<vmem>>
    %dma_start3A_102 = arith.constant 0 : i32
    %dma_start3A_103 = tpu.memref_slice %arg4[%mul3A_72, %dma_start3A_102] : memref<320000x64xi32, #tpu.memory_space<hbm>> -> memref<40x64xi32, #tpu.memory_space<hbm>>
    %dma_start3A_104 = arith.constant 0 : i32
    %dma_start3A_105 = arith.constant 0 : i32
    %dma_start3A_106 = tpu.memref_slice %arg14[%dma_start3A_97, %dma_start3A_104, %dma_start3A_105] : memref<2x40x64xi32, #tpu.memory_space<vmem>> -> memref<1x40x64xi32, #tpu.memory_space<vmem>>
    %dma_start3A_107 = tpu.memref_squeeze %dma_start3A_106 : memref<1x40x64xi32, #tpu.memory_space<vmem>> -> memref<40x64xi32, #tpu.memory_space<vmem>>
    %dma_start3A_108 = arith.constant 0 : i32
    %dma_start3A_109 = tpu.memref_slice %arg4[%mul3A_72, %dma_start3A_108] : memref<320000x64xi32, #tpu.memory_space<hbm>> -> memref<40x64xi32, #tpu.memory_space<hbm>>
    tpu.enqueue_dma source(%dma_start3A_109 : memref<40x64xi32, #tpu.memory_space<hbm>>) target(%dma_start3A_107 : memref<40x64xi32, #tpu.memory_space<vmem>>) target_semaphore(%arg17 : memref<!tpu.dma_semaphore, #tpu.memory_space<semaphore_mem>>)
    %scan3A = arith.constant 0 : i32
    %scan3A_110 = arith.constant 125 : i32
    %scan3A_111 = arith.addi %scan3A, %scan3A_110 : i32
    %scan3A_112 = arith.constant 1 : i32
    scf.for %scan3A_120 = %scan3A to %scan3A_111 step %scan3A_112  : i32 {
      %mul3A_121 = arith.constant 1 : i32
      %mul3A_122 = arith.muli %scan3A_120, %mul3A_121 : i32
      %add3A_123 = arith.constant 0 : i32
      %add3A_124 = arith.addi %add3A_123, %mul3A_122 : i32
      %mul3A_125 = arith.constant 2 : i32
      %mul3A_126 = arith.muli %add3A_124, %mul3A_125 : i32
      %add3A_127 = arith.constant 1 : i32
      %add3A_128 = arith.addi %mul3A_126, %add3A_127 : i32
      %mul3A_129 = arith.constant 32 : i32
      %mul3A_130 = arith.muli %add3A_128, %mul3A_129 : i32
      %add3A_131 = arith.addi %add3A, %mul3A_130 : i32
      %mul3A_132 = arith.constant 40 : i32
      %mul3A_133 = arith.muli %add3A_131, %mul3A_132 : i32
      %dma_wait3A_134 = arith.constant 1 : i32
      %dma_wait3A_135 = arith.constant 0 : i32
      %dma_wait3A_136 = tpu.memref_slice %arg10[%dma_wait3A_134, %dma_wait3A_135] : memref<2x40xi32, #tpu.memory_space<vmem>> -> memref<1x40xi32, #tpu.memory_space<vmem>>
      %dma_wait3A_137 = tpu.memref_squeeze %dma_wait3A_136 : memref<1x40xi32, #tpu.memory_space<vmem>> -> memref<40xi32, #tpu.memory_space<vmem>>
      %dma_wait3A_138 = tpu.memref_slice %arg6[%mul3A_133] : memref<320000xi32, #tpu.memory_space<hbm>> -> memref<40xi32, #tpu.memory_space<hbm>>
      %dma_wait3A_139 = arith.constant 0 : i32
      %dma_wait3A_140 = tpu.memref_slice %arg10[%dma_wait3A_134, %dma_wait3A_139] : memref<2x40xi32, #tpu.memory_space<vmem>> -> memref<1x40xi32, #tpu.memory_space<vmem>>
      %dma_wait3A_141 = tpu.memref_squeeze %dma_wait3A_140 : memref<1x40xi32, #tpu.memory_space<vmem>> -> memref<40xi32, #tpu.memory_space<vmem>>
      %dma_wait3A_142 = tpu.memref_slice %arg6[%mul3A_133] : memref<320000xi32, #tpu.memory_space<hbm>> -> memref<40xi32, #tpu.memory_space<hbm>>
      tpu.wait_dma2 semaphore(%arg16 : memref<!tpu.dma_semaphore, #tpu.memory_space<semaphore_mem>>) src(%dma_wait3A_142 : memref<40xi32, #tpu.memory_space<hbm>>) dst(%dma_wait3A_141 : memref<40xi32, #tpu.memory_space<vmem>>)
      %dma_wait3A_143 = arith.constant 1 : i32
      %dma_wait3A_144 = arith.constant 0 : i32
      %dma_wait3A_145 = tpu.memref_slice %arg11[%dma_wait3A_143, %dma_wait3A_144] : memref<2x40xi32, #tpu.memory_space<vmem>> -> memref<1x40xi32, #tpu.memory_space<vmem>>
      %dma_wait3A_146 = tpu.memref_squeeze %dma_wait3A_145 : memref<1x40xi32, #tpu.memory_space<vmem>> -> memref<40xi32, #tpu.memory_space<vmem>>
      %dma_wait3A_147 = tpu.memref_slice %arg5[%mul3A_133] : memref<320000xi32, #tpu.memory_space<hbm>> -> memref<40xi32, #tpu.memory_space<hbm>>
      %dma_wait3A_148 = arith.constant 0 : i32
      %dma_wait3A_149 = tpu.memref_slice %arg11[%dma_wait3A_143, %dma_wait3A_148] : memref<2x40xi32, #tpu.memory_space<vmem>> -> memref<1x40xi32, #tpu.memory_space<vmem>>
      %dma_wait3A_150 = tpu.memref_squeeze %dma_wait3A_149 : memref<1x40xi32, #tpu.memory_space<vmem>> -> memref<40xi32, #tpu.memory_space<vmem>>
      %dma_wait3A_151 = tpu.memref_slice %arg5[%mul3A_133] : memref<320000xi32, #tpu.memory_space<hbm>> -> memref<40xi32, #tpu.memory_space<hbm>>
      tpu.wait_dma2 semaphore(%arg16 : memref<!tpu.dma_semaphore, #tpu.memory_space<semaphore_mem>>) src(%dma_wait3A_151 : memref<40xi32, #tpu.memory_space<hbm>>) dst(%dma_wait3A_150 : memref<40xi32, #tpu.memory_space<vmem>>)
      %add3A_152 = arith.constant 1 : i32
      %add3A_153 = arith.addi %mul3A_126, %add3A_152 : i32
      %mul3A_154 = arith.constant 32 : i32
      %mul3A_155 = arith.muli %add3A_153, %mul3A_154 : i32
      %add3A_156 = arith.addi %add3A, %mul3A_155 : i32
      %mul3A_157 = arith.constant 40 : i32
      %mul3A_158 = arith.muli %add3A_156, %mul3A_157 : i32
      %dma_start3A_159 = arith.constant 1 : i32
      %dma_start3A_160 = arith.constant 1 : i32
      %dma_start3A_161 = arith.constant 0 : i32
      %dma_start3A_162 = arith.constant 0 : i32
      %dma_start3A_163 = tpu.memref_slice %arg12[%dma_start3A_160, %dma_start3A_161, %dma_start3A_162] : memref<2x40x128xf32, #tpu.memory_space<vmem>> -> memref<1x40x128xf32, #tpu.memory_space<vmem>>
      %dma_start3A_164 = tpu.memref_squeeze %dma_start3A_163 : memref<1x40x128xf32, #tpu.memory_space<vmem>> -> memref<40x128xf32, #tpu.memory_space<vmem>>
      %dma_start3A_165 = arith.constant 0 : i32
      %dma_start3A_166 = tpu.memref_slice %arg10[%dma_start3A_159, %dma_start3A_165] : memref<2x40xi32, #tpu.memory_space<vmem>> -> memref<1x40xi32, #tpu.memory_space<vmem>>
      %dma_start3A_167 = tpu.memref_squeeze %dma_start3A_166 : memref<1x40xi32, #tpu.memory_space<vmem>> -> memref<40xi32, #tpu.memory_space<vmem>>
      %dma_start3A_168 = arith.constant 0 : i32
      %dma_start3A_169 = arith.constant 0 : i32
      %dma_start3A_170 = tpu.memref_slice %arg2[%dma_start3A_168, %dma_start3A_169] : memref<10000x128xf32, #tpu.memory_space<hbm>> -> memref<10000x128xf32, #tpu.memory_space<hbm>>
      tpu.enqueue_indirect_dma source(%dma_start3A_170 : memref<10000x128xf32, #tpu.memory_space<hbm>>) target(%dma_start3A_164 : memref<40x128xf32, #tpu.memory_space<vmem>>) offsets(%dma_start3A_167 : memref<40xi32, #tpu.memory_space<vmem>>) semaphore(%arg17 : memref<!tpu.dma_semaphore, #tpu.memory_space<semaphore_mem>>)
      %dma_start3A_171 = arith.constant 1 : i32
      %dma_start3A_172 = arith.constant 1 : i32
      %dma_start3A_173 = arith.constant 0 : i32
      %dma_start3A_174 = arith.constant 0 : i32
      %dma_start3A_175 = tpu.memref_slice %arg13[%dma_start3A_172, %dma_start3A_173, %dma_start3A_174] : memref<2x40x128xi32, #tpu.memory_space<vmem>> -> memref<1x40x128xi32, #tpu.memory_space<vmem>>
      %dma_start3A_176 = tpu.memref_squeeze %dma_start3A_175 : memref<1x40x128xi32, #tpu.memory_space<vmem>> -> memref<40x128xi32, #tpu.memory_space<vmem>>
      %dma_start3A_177 = arith.constant 0 : i32
      %dma_start3A_178 = tpu.memref_slice %arg11[%dma_start3A_171, %dma_start3A_177] : memref<2x40xi32, #tpu.memory_space<vmem>> -> memref<1x40xi32, #tpu.memory_space<vmem>>
      %dma_start3A_179 = tpu.memref_squeeze %dma_start3A_178 : memref<1x40xi32, #tpu.memory_space<vmem>> -> memref<40xi32, #tpu.memory_space<vmem>>
      %dma_start3A_180 = arith.constant 0 : i32
      %dma_start3A_181 = arith.constant 0 : i32
      %dma_start3A_182 = tpu.memref_slice %arg3[%dma_start3A_180, %dma_start3A_181] : memref<10000x128xi32, #tpu.memory_space<hbm>> -> memref<10000x128xi32, #tpu.memory_space<hbm>>
      tpu.enqueue_indirect_dma source(%dma_start3A_182 : memref<10000x128xi32, #tpu.memory_space<hbm>>) target(%dma_start3A_176 : memref<40x128xi32, #tpu.memory_space<vmem>>) offsets(%dma_start3A_179 : memref<40xi32, #tpu.memory_space<vmem>>) semaphore(%arg17 : memref<!tpu.dma_semaphore, #tpu.memory_space<semaphore_mem>>)
      %dma_start3A_183 = arith.constant 1 : i32
      %dma_start3A_184 = arith.constant 0 : i32
      %dma_start3A_185 = arith.constant 0 : i32
      %dma_start3A_186 = tpu.memref_slice %arg14[%dma_start3A_183, %dma_start3A_184, %dma_start3A_185] : memref<2x40x64xi32, #tpu.memory_space<vmem>> -> memref<1x40x64xi32, #tpu.memory_space<vmem>>
      %dma_start3A_187 = tpu.memref_squeeze %dma_start3A_186 : memref<1x40x64xi32, #tpu.memory_space<vmem>> -> memref<40x64xi32, #tpu.memory_space<vmem>>
      %dma_start3A_188 = arith.constant 0 : i32
      %dma_start3A_189 = tpu.memref_slice %arg4[%mul3A_158, %dma_start3A_188] : memref<320000x64xi32, #tpu.memory_space<hbm>> -> memref<40x64xi32, #tpu.memory_space<hbm>>
      %dma_start3A_190 = arith.constant 0 : i32
      %dma_start3A_191 = arith.constant 0 : i32
      %dma_start3A_192 = tpu.memref_slice %arg14[%dma_start3A_183, %dma_start3A_190, %dma_start3A_191] : memref<2x40x64xi32, #tpu.memory_space<vmem>> -> memref<1x40x64xi32, #tpu.memory_space<vmem>>
      %dma_start3A_193 = tpu.memref_squeeze %dma_start3A_192 : memref<1x40x64xi32, #tpu.memory_space<vmem>> -> memref<40x64xi32, #tpu.memory_space<vmem>>
      %dma_start3A_194 = arith.constant 0 : i32
      %dma_start3A_195 = tpu.memref_slice %arg4[%mul3A_158, %dma_start3A_194] : memref<320000x64xi32, #tpu.memory_space<hbm>> -> memref<40x64xi32, #tpu.memory_space<hbm>>
      tpu.enqueue_dma source(%dma_start3A_195 : memref<40x64xi32, #tpu.memory_space<hbm>>) target(%dma_start3A_193 : memref<40x64xi32, #tpu.memory_space<vmem>>) target_semaphore(%arg17 : memref<!tpu.dma_semaphore, #tpu.memory_space<semaphore_mem>>)
      %mul3A_196 = arith.constant 32 : i32
      %mul3A_197 = arith.muli %mul3A_126, %mul3A_196 : i32
      %add3A_198 = arith.addi %add3A, %mul3A_197 : i32
      %mul3A_199 = arith.constant 40 : i32
      %mul3A_200 = arith.muli %add3A_198, %mul3A_199 : i32
      %dma_wait3A_201 = arith.constant 0 : i32
      %dma_wait3A_202 = arith.constant 0 : i32
      %dma_wait3A_203 = arith.constant 0 : i32
      %dma_wait3A_204 = arith.constant 0 : i32
      %dma_wait3A_205 = tpu.memref_slice %arg12[%dma_wait3A_202, %dma_wait3A_203, %dma_wait3A_204] : memref<2x40x128xf32, #tpu.memory_space<vmem>> -> memref<1x40x128xf32, #tpu.memory_space<vmem>>
      %dma_wait3A_206 = tpu.memref_squeeze %dma_wait3A_205 : memref<1x40x128xf32, #tpu.memory_space<vmem>> -> memref<40x128xf32, #tpu.memory_space<vmem>>
      %dma_wait3A_207 = arith.constant 0 : i32
      %dma_wait3A_208 = tpu.memref_slice %arg10[%dma_wait3A_201, %dma_wait3A_207] : memref<2x40xi32, #tpu.memory_space<vmem>> -> memref<1x40xi32, #tpu.memory_space<vmem>>
      %dma_wait3A_209 = tpu.memref_squeeze %dma_wait3A_208 : memref<1x40xi32, #tpu.memory_space<vmem>> -> memref<40xi32, #tpu.memory_space<vmem>>
      %dma_wait3A_210 = arith.constant 0 : i32
      %dma_wait3A_211 = arith.constant 0 : i32
      %dma_wait3A_212 = tpu.memref_slice %arg2[%dma_wait3A_210, %dma_wait3A_211] : memref<10000x128xf32, #tpu.memory_space<hbm>> -> memref<10000x128xf32, #tpu.memory_space<hbm>>
      tpu.wait_indirect_dma semaphore(%arg17 : memref<!tpu.dma_semaphore, #tpu.memory_space<semaphore_mem>>) src(%dma_wait3A_212 : memref<10000x128xf32, #tpu.memory_space<hbm>>) dst(%dma_wait3A_206 : memref<40x128xf32, #tpu.memory_space<vmem>>)
      %dma_wait3A_213 = arith.constant 0 : i32
      %dma_wait3A_214 = arith.constant 0 : i32
      %dma_wait3A_215 = arith.constant 0 : i32
      %dma_wait3A_216 = arith.constant 0 : i32
      %dma_wait3A_217 = tpu.memref_slice %arg13[%dma_wait3A_214, %dma_wait3A_215, %dma_wait3A_216] : memref<2x40x128xi32, #tpu.memory_space<vmem>> -> memref<1x40x128xi32, #tpu.memory_space<vmem>>
      %dma_wait3A_218 = tpu.memref_squeeze %dma_wait3A_217 : memref<1x40x128xi32, #tpu.memory_space<vmem>> -> memref<40x128xi32, #tpu.memory_space<vmem>>
      %dma_wait3A_219 = arith.constant 0 : i32
      %dma_wait3A_220 = tpu.memref_slice %arg11[%dma_wait3A_213, %dma_wait3A_219] : memref<2x40xi32, #tpu.memory_space<vmem>> -> memref<1x40xi32, #tpu.memory_space<vmem>>
      %dma_wait3A_221 = tpu.memref_squeeze %dma_wait3A_220 : memref<1x40xi32, #tpu.memory_space<vmem>> -> memref<40xi32, #tpu.memory_space<vmem>>
      %dma_wait3A_222 = arith.constant 0 : i32
      %dma_wait3A_223 = arith.constant 0 : i32
      %dma_wait3A_224 = tpu.memref_slice %arg3[%dma_wait3A_222, %dma_wait3A_223] : memref<10000x128xi32, #tpu.memory_space<hbm>> -> memref<10000x128xi32, #tpu.memory_space<hbm>>
      tpu.wait_indirect_dma semaphore(%arg17 : memref<!tpu.dma_semaphore, #tpu.memory_space<semaphore_mem>>) src(%dma_wait3A_224 : memref<10000x128xi32, #tpu.memory_space<hbm>>) dst(%dma_wait3A_218 : memref<40x128xi32, #tpu.memory_space<vmem>>)
      %dma_wait3A_225 = arith.constant 0 : i32
      %dma_wait3A_226 = arith.constant 0 : i32
      %dma_wait3A_227 = arith.constant 0 : i32
      %dma_wait3A_228 = tpu.memref_slice %arg14[%dma_wait3A_225, %dma_wait3A_226, %dma_wait3A_227] : memref<2x40x64xi32, #tpu.memory_space<vmem>> -> memref<1x40x64xi32, #tpu.memory_space<vmem>>
      %dma_wait3A_229 = tpu.memref_squeeze %dma_wait3A_228 : memref<1x40x64xi32, #tpu.memory_space<vmem>> -> memref<40x64xi32, #tpu.memory_space<vmem>>
      %dma_wait3A_230 = arith.constant 0 : i32
      %dma_wait3A_231 = tpu.memref_slice %arg4[%mul3A_200, %dma_wait3A_230] : memref<320000x64xi32, #tpu.memory_space<hbm>> -> memref<40x64xi32, #tpu.memory_space<hbm>>
      %dma_wait3A_232 = arith.constant 0 : i32
      %dma_wait3A_233 = arith.constant 0 : i32
      %dma_wait3A_234 = tpu.memref_slice %arg14[%dma_wait3A_225, %dma_wait3A_232, %dma_wait3A_233] : memref<2x40x64xi32, #tpu.memory_space<vmem>> -> memref<1x40x64xi32, #tpu.memory_space<vmem>>
      %dma_wait3A_235 = tpu.memref_squeeze %dma_wait3A_234 : memref<1x40x64xi32, #tpu.memory_space<vmem>> -> memref<40x64xi32, #tpu.memory_space<vmem>>
      %dma_wait3A_236 = arith.constant 0 : i32
      %dma_wait3A_237 = tpu.memref_slice %arg4[%mul3A_200, %dma_wait3A_236] : memref<320000x64xi32, #tpu.memory_space<hbm>> -> memref<40x64xi32, #tpu.memory_space<hbm>>
      tpu.wait_dma2 semaphore(%arg17 : memref<!tpu.dma_semaphore, #tpu.memory_space<semaphore_mem>>) src(%dma_wait3A_237 : memref<40x64xi32, #tpu.memory_space<hbm>>) dst(%dma_wait3A_235 : memref<40x64xi32, #tpu.memory_space<vmem>>)
      %scan3A_238 = arith.constant 0 : i32
      %scan3A_239 = arith.constant 40 : i32
      %scan3A_240 = arith.addi %scan3A_238, %scan3A_239 : i32
      %scan3A_241 = arith.constant 1 : i32
      scf.for %scan3A_313 = %scan3A_238 to %scan3A_240 step %scan3A_241  : i32 {
        %mul3A_314 = arith.constant 1 : i32
        %mul3A_315 = arith.muli %scan3A_313, %mul3A_314 : i32
        %add3A_316 = arith.constant 0 : i32
        %add3A_317 = arith.addi %add3A_316, %mul3A_315 : i32
        %get3A = arith.constant 0 : i32
        %get3A_318 = arith.index_cast %get3A : i32 to index
        %get3A_319 = arith.index_cast %add3A_317 : i32 to index
        %get3A_320 = arith.constant 0 : index
        %get3A_321 = tpu.vector_load %arg13[%get3A_318, %get3A_319, %get3A_320] {strides = array<i32>} : memref<2x40x128xi32, #tpu.memory_space<vmem>>, vector<16xi32>,
        %bitcast3A = vector.bitcast %get3A_321 : vector<16xi32> to vector<32xbf16>
        %unpack3A = tpu.unpack_subelements %bitcast3A, 0 {pack_format = #tpu.pack_format<interleaved>} : vector<32xbf16> -> vector<16xf32>
        %unpack3A_322 = tpu.unpack_subelements %bitcast3A, 1 {pack_format = #tpu.pack_format<interleaved>} : vector<32xbf16> -> vector<16xf32>
        %get3A_323 = arith.constant 0 : i32
        %get3A_324 = arith.index_cast %get3A_323 : i32 to index
        %get3A_325 = arith.index_cast %add3A_317 : i32 to index
        %get3A_326 = arith.constant 64 : index
        %get3A_327 = tpu.vector_load %arg13[%get3A_324, %get3A_325, %get3A_326] {strides = array<i32>} : memref<2x40x128xi32, #tpu.memory_space<vmem>>, vector<16xi32>,
        %bitcast3A_328 = vector.bitcast %get3A_327 : vector<16xi32> to vector<32xbf16>
        %unpack3A_329 = tpu.unpack_subelements %bitcast3A_328, 0 {pack_format = #tpu.pack_format<interleaved>} : vector<32xbf16> -> vector<16xf32>
        %unpack3A_330 = tpu.unpack_subelements %bitcast3A_328, 1 {pack_format = #tpu.pack_format<interleaved>} : vector<32xbf16> -> vector<16xf32>
        %get3A_331 = arith.constant 0 : i32
        %get3A_332 = arith.index_cast %get3A_331 : i32 to index
        %get3A_333 = arith.index_cast %add3A_317 : i32 to index
        %get3A_334 = arith.constant 0 : index
        %get3A_335 = tpu.vector_load %arg14[%get3A_332, %get3A_333, %get3A_334] {strides = array<i32>} : memref<2x40x64xi32, #tpu.memory_space<vmem>>, vector<16xi32>,
        %bitcast3A_336 = vector.bitcast %get3A_335 : vector<16xi32> to vector<32xbf16>
        %unpack3A_337 = tpu.unpack_subelements %bitcast3A_336, 0 {pack_format = #tpu.pack_format<interleaved>} : vector<32xbf16> -> vector<16xf32>
        %unpack3A_338 = tpu.unpack_subelements %bitcast3A_336, 1 {pack_format = #tpu.pack_format<interleaved>} : vector<32xbf16> -> vector<16xf32>
        %get3A_339 = arith.constant 0 : i32
        %get3A_340 = arith.index_cast %get3A_339 : i32 to index
        %get3A_341 = arith.index_cast %add3A_317 : i32 to index
        %get3A_342 = arith.constant 0 : index
        %get3A_343 = tpu.vector_load %arg12[%get3A_340, %get3A_341, %get3A_342] {strides = array<i32>} : memref<2x40x128xf32, #tpu.memory_space<vmem>>, vector<16xf32>,
        %add3A_344 = arith.addf %get3A_343, %unpack3A : vector<16xf32>
        %add3A_345 = arith.addf %add3A_344, %unpack3A_337 : vector<16xf32>
        %get3A_346 = arith.constant 0 : i32
        %get3A_347 = arith.index_cast %get3A_346 : i32 to index
        %get3A_348 = arith.index_cast %add3A_317 : i32 to index
        %get3A_349 = arith.constant 64 : index
        %get3A_350 = tpu.vector_load %arg12[%get3A_347, %get3A_348, %get3A_349] {strides = array<i32>} : memref<2x40x128xf32, #tpu.memory_space<vmem>>, vector<16xf32>,
        %add3A_351 = arith.addf %get3A_350, %unpack3A_329 : vector<16xf32>
        %add3A_352 = arith.addf %add3A_351, %unpack3A_338 : vector<16xf32>
        %exp3A = math.exp %add3A_345 : vector<16xf32>
        %add3A_353 = arith.constant 1.000000e+00 : f32
        %add3A_354 = vector.broadcast %add3A_353 : f32 to vector<16xf32>
        %add3A_355 = arith.addf %add3A_354, %exp3A : vector<16xf32>
        %div3A = arith.divf %unpack3A_322, %add3A_355 : vector<16xf32>
        %swap3A = arith.index_cast %add3A_317 : i32 to index
        %swap3A_356 = arith.constant 0 : index
        %swap3A_357 = tpu.vector_load %arg15[%swap3A, %swap3A_356] {strides = array<i32>} : memref<40x128xf32, #tpu.memory_space<vmem>>, vector<16xf32>,
        tpu.vector_store %arg15[%swap3A, %swap3A_356], %div3A {strides = array<i32>} : memref<40x128xf32, #tpu.memory_space<vmem>>, vector<16xf32>,
        %exp3A_358 = math.exp %add3A_352 : vector<16xf32>
        %add3A_359 = arith.constant 1.000000e+00 : f32
        %add3A_360 = vector.broadcast %add3A_359 : f32 to vector<16xf32>
        %add3A_361 = arith.addf %add3A_360, %exp3A_358 : vector<16xf32>
        %div3A_362 = arith.divf %unpack3A_330, %add3A_361 : vector<16xf32>
        %swap3A_363 = arith.index_cast %add3A_317 : i32 to index
        %swap3A_364 = arith.constant 64 : index
        %swap3A_365 = tpu.vector_load %arg15[%swap3A_363, %swap3A_364] {strides = array<i32>} : memref<40x128xf32, #tpu.memory_space<vmem>>, vector<16xf32>,
        tpu.vector_store %arg15[%swap3A_363, %swap3A_364], %div3A_362 {strides = array<i32>} : memref<40x128xf32, #tpu.memory_space<vmem>>, vector<16xf32>,
        %get3A_366 = arith.constant 0 : i32
        %get3A_367 = arith.index_cast %get3A_366 : i32 to index
        %get3A_368 = arith.index_cast %add3A_317 : i32 to index
        %get3A_369 = arith.constant 16 : index
        %get3A_370 = tpu.vector_load %arg13[%get3A_367, %get3A_368, %get3A_369] {strides = array<i32>} : memref<2x40x128xi32, #tpu.memory_space<vmem>>, vector<16xi32>,
        %bitcast3A_371 = vector.bitcast %get3A_370 : vector<16xi32> to vector<32xbf16>
        %unpack3A_372 = tpu.unpack_subelements %bitcast3A_371, 0 {pack_format = #tpu.pack_format<interleaved>} : vector<32xbf16> -> vector<16xf32>
        %unpack3A_373 = tpu.unpack_subelements %bitcast3A_371, 1 {pack_format = #tpu.pack_format<interleaved>} : vector<32xbf16> -> vector<16xf32>
        %get3A_374 = arith.constant 0 : i32
        %get3A_375 = arith.index_cast %get3A_374 : i32 to index
        %get3A_376 = arith.index_cast %add3A_317 : i32 to index
        %get3A_377 = arith.constant 80 : index
        %get3A_378 = tpu.vector_load %arg13[%get3A_375, %get3A_376, %get3A_377] {strides = array<i32>} : memref<2x40x128xi32, #tpu.memory_space<vmem>>, vector<16xi32>,
        %bitcast3A_379 = vector.bitcast %get3A_378 : vector<16xi32> to vector<32xbf16>
        %unpack3A_380 = tpu.unpack_subelements %bitcast3A_379, 0 {pack_format = #tpu.pack_format<interleaved>} : vector<32xbf16> -> vector<16xf32>
        %unpack3A_381 = tpu.unpack_subelements %bitcast3A_379, 1 {pack_format = #tpu.pack_format<interleaved>} : vector<32xbf16> -> vector<16xf32>
        %get3A_382 = arith.constant 0 : i32
        %get3A_383 = arith.index_cast %get3A_382 : i32 to index
        %get3A_384 = arith.index_cast %add3A_317 : i32 to index
        %get3A_385 = arith.constant 16 : index
        %get3A_386 = tpu.vector_load %arg14[%get3A_383, %get3A_384, %get3A_385] {strides = array<i32>} : memref<2x40x64xi32, #tpu.memory_space<vmem>>, vector<16xi32>,
        %bitcast3A_387 = vector.bitcast %get3A_386 : vector<16xi32> to vector<32xbf16>
        %unpack3A_388 = tpu.unpack_subelements %bitcast3A_387, 0 {pack_format = #tpu.pack_format<interleaved>} : vector<32xbf16> -> vector<16xf32>
        %unpack3A_389 = tpu.unpack_subelements %bitcast3A_387, 1 {pack_format = #tpu.pack_format<interleaved>} : vector<32xbf16> -> vector<16xf32>
        %get3A_390 = arith.constant 0 : i32
        %get3A_391 = arith.index_cast %get3A_390 : i32 to index
        %get3A_392 = arith.index_cast %add3A_317 : i32 to index
        %get3A_393 = arith.constant 16 : index
        %get3A_394 = tpu.vector_load %arg12[%get3A_391, %get3A_392, %get3A_393] {strides = array<i32>} : memref<2x40x128xf32, #tpu.memory_space<vmem>>, vector<16xf32>,
        %add3A_395 = arith.addf %get3A_394, %unpack3A_372 : vector<16xf32>
        %add3A_396 = arith.addf %add3A_395, %unpack3A_388 : vector<16xf32>
        %get3A_397 = arith.constant 0 : i32
        %get3A_398 = arith.index_cast %get3A_397 : i32 to index
        %get3A_399 = arith.index_cast %add3A_317 : i32 to index
        %get3A_400 = arith.constant 80 : index
        %get3A_401 = tpu.vector_load %arg12[%get3A_398, %get3A_399, %get3A_400] {strides = array<i32>} : memref<2x40x128xf32, #tpu.memory_space<vmem>>, vector<16xf32>,
        %add3A_402 = arith.addf %get3A_401, %unpack3A_380 : vector<16xf32>
        %add3A_403 = arith.addf %add3A_402, %unpack3A_389 : vector<16xf32>
        %exp3A_404 = math.exp %add3A_396 : vector<16xf32>
        %add3A_405 = arith.constant 1.000000e+00 : f32
        %add3A_406 = vector.broadcast %add3A_405 : f32 to vector<16xf32>
        %add3A_407 = arith.addf %add3A_406, %exp3A_404 : vector<16xf32>
        %div3A_408 = arith.divf %unpack3A_373, %add3A_407 : vector<16xf32>
        %swap3A_409 = arith.index_cast %add3A_317 : i32 to index
        %swap3A_410 = arith.constant 16 : index
        %swap3A_411 = tpu.vector_load %arg15[%swap3A_409, %swap3A_410] {strides = array<i32>} : memref<40x128xf32, #tpu.memory_space<vmem>>, vector<16xf32>,
        tpu.vector_store %arg15[%swap3A_409, %swap3A_410], %div3A_408 {strides = array<i32>} : memref<40x128xf32, #tpu.memory_space<vmem>>, vector<16xf32>,
        %exp3A_412 = math.exp %add3A_403 : vector<16xf32>
        %add3A_413 = arith.constant 1.000000e+00 : f32
        %add3A_414 = vector.broadcast %add3A_413 : f32 to vector<16xf32>
        %add3A_415 = arith.addf %add3A_414, %exp3A_412 : vector<16xf32>
        %div3A_416 = arith.divf %unpack3A_381, %add3A_415 : vector<16xf32>
        %swap3A_417 = arith.index_cast %add3A_317 : i32 to index
        %swap3A_418 = arith.constant 80 : index
        %swap3A_419 = tpu.vector_load %arg15[%swap3A_417, %swap3A_418] {strides = array<i32>} : memref<40x128xf32, #tpu.memory_space<vmem>>, vector<16xf32>,
        tpu.vector_store %arg15[%swap3A_417, %swap3A_418], %div3A_416 {strides = array<i32>} : memref<40x128xf32, #tpu.memory_space<vmem>>, vector<16xf32>,
        %get3A_420 = arith.constant 0 : i32
        %get3A_421 = arith.index_cast %get3A_420 : i32 to index
        %get3A_422 = arith.index_cast %add3A_317 : i32 to index
        %get3A_423 = arith.constant 32 : index
        %get3A_424 = tpu.vector_load %arg13[%get3A_421, %get3A_422, %get3A_423] {strides = array<i32>} : memref<2x40x128xi32, #tpu.memory_space<vmem>>, vector<16xi32>,
        %bitcast3A_425 = vector.bitcast %get3A_424 : vector<16xi32> to vector<32xbf16>
        %unpack3A_426 = tpu.unpack_subelements %bitcast3A_425, 0 {pack_format = #tpu.pack_format<interleaved>} : vector<32xbf16> -> vector<16xf32>
        %unpack3A_427 = tpu.unpack_subelements %bitcast3A_425, 1 {pack_format = #tpu.pack_format<interleaved>} : vector<32xbf16> -> vector<16xf32>
        %get3A_428 = arith.constant 0 : i32
        %get3A_429 = arith.index_cast %get3A_428 : i32 to index
        %get3A_430 = arith.index_cast %add3A_317 : i32 to index
        %get3A_431 = arith.constant 96 : index
        %get3A_432 = tpu.vector_load %arg13[%get3A_429, %get3A_430, %get3A_431] {strides = array<i32>} : memref<2x40x128xi32, #tpu.memory_space<vmem>>, vector<16xi32>,
        %bitcast3A_433 = vector.bitcast %get3A_432 : vector<16xi32> to vector<32xbf16>
        %unpack3A_434 = tpu.unpack_subelements %bitcast3A_433, 0 {pack_format = #tpu.pack_format<interleaved>} : vector<32xbf16> -> vector<16xf32>
        %unpack3A_435 = tpu.unpack_subelements %bitcast3A_433, 1 {pack_format = #tpu.pack_format<interleaved>} : vector<32xbf16> -> vector<16xf32>
        %get3A_436 = arith.constant 0 : i32
        %get3A_437 = arith.index_cast %get3A_436 : i32 to index
        %get3A_438 = arith.index_cast %add3A_317 : i32 to index
        %get3A_439 = arith.constant 32 : index
        %get3A_440 = tpu.vector_load %arg14[%get3A_437, %get3A_438, %get3A_439] {strides = array<i32>} : memref<2x40x64xi32, #tpu.memory_space<vmem>>, vector<16xi32>,
        %bitcast3A_441 = vector.bitcast %get3A_440 : vector<16xi32> to vector<32xbf16>
        %unpack3A_442 = tpu.unpack_subelements %bitcast3A_441, 0 {pack_format = #tpu.pack_format<interleaved>} : vector<32xbf16> -> vector<16xf32>
        %unpack3A_443 = tpu.unpack_subelements %bitcast3A_441, 1 {pack_format = #tpu.pack_format<interleaved>} : vector<32xbf16> -> vector<16xf32>
        %get3A_444 = arith.constant 0 : i32
        %get3A_445 = arith.index_cast %get3A_444 : i32 to index
        %get3A_446 = arith.index_cast %add3A_317 : i32 to index
        %get3A_447 = arith.constant 32 : index
        %get3A_448 = tpu.vector_load %arg12[%get3A_445, %get3A_446, %get3A_447] {strides = array<i32>} : memref<2x40x128xf32, #tpu.memory_space<vmem>>, vector<16xf32>,
        %add3A_449 = arith.addf %get3A_448, %unpack3A_426 : vector<16xf32>
        %add3A_450 = arith.addf %add3A_449, %unpack3A_442 : vector<16xf32>
        %get3A_451 = arith.constant 0 : i32
        %get3A_452 = arith.index_cast %get3A_451 : i32 to index
        %get3A_453 = arith.index_cast %add3A_317 : i32 to index
        %get3A_454 = arith.constant 96 : index
        %get3A_455 = tpu.vector_load %arg12[%get3A_452, %get3A_453, %get3A_454] {strides = array<i32>} : memref<2x40x128xf32, #tpu.memory_space<vmem>>, vector<16xf32>,
        %add3A_456 = arith.addf %get3A_455, %unpack3A_434 : vector<16xf32>
        %add3A_457 = arith.addf %add3A_456, %unpack3A_443 : vector<16xf32>
        %exp3A_458 = math.exp %add3A_450 : vector<16xf32>
        %add3A_459 = arith.constant 1.000000e+00 : f32
        %add3A_460 = vector.broadcast %add3A_459 : f32 to vector<16xf32>
        %add3A_461 = arith.addf %add3A_460, %exp3A_458 : vector<16xf32>
        %div3A_462 = arith.divf %unpack3A_427, %add3A_461 : vector<16xf32>
        %swap3A_463 = arith.index_cast %add3A_317 : i32 to index
        %swap3A_464 = arith.constant 32 : index
        %swap3A_465 = tpu.vector_load %arg15[%swap3A_463, %swap3A_464] {strides = array<i32>} : memref<40x128xf32, #tpu.memory_space<vmem>>, vector<16xf32>,
        tpu.vector_store %arg15[%swap3A_463, %swap3A_464], %div3A_462 {strides = array<i32>} : memref<40x128xf32, #tpu.memory_space<vmem>>, vector<16xf32>,
        %exp3A_466 = math.exp %add3A_457 : vector<16xf32>
        %add3A_467 = arith.constant 1.000000e+00 : f32
        %add3A_468 = vector.broadcast %add3A_467 : f32 to vector<16xf32>
        %add3A_469 = arith.addf %add3A_468, %exp3A_466 : vector<16xf32>
        %div3A_470 = arith.divf %unpack3A_435, %add3A_469 : vector<16xf32>
        %swap3A_471 = arith.index_cast %add3A_317 : i32 to index
        %swap3A_472 = arith.constant 96 : index
        %swap3A_473 = tpu.vector_load %arg15[%swap3A_471, %swap3A_472] {strides = array<i32>} : memref<40x128xf32, #tpu.memory_space<vmem>>, vector<16xf32>,
        tpu.vector_store %arg15[%swap3A_471, %swap3A_472], %div3A_470 {strides = array<i32>} : memref<40x128xf32, #tpu.memory_space<vmem>>, vector<16xf32>,
        %get3A_474 = arith.constant 0 : i32
        %get3A_475 = arith.index_cast %get3A_474 : i32 to index
        %get3A_476 = arith.index_cast %add3A_317 : i32 to index
        %get3A_477 = arith.constant 48 : index
        %get3A_478 = tpu.vector_load %arg13[%get3A_475, %get3A_476, %get3A_477] {strides = array<i32>} : memref<2x40x128xi32, #tpu.memory_space<vmem>>, vector<16xi32>,
        %bitcast3A_479 = vector.bitcast %get3A_478 : vector<16xi32> to vector<32xbf16>
        %unpack3A_480 = tpu.unpack_subelements %bitcast3A_479, 0 {pack_format = #tpu.pack_format<interleaved>} : vector<32xbf16> -> vector<16xf32>
        %unpack3A_481 = tpu.unpack_subelements %bitcast3A_479, 1 {pack_format = #tpu.pack_format<interleaved>} : vector<32xbf16> -> vector<16xf32>
        %get3A_482 = arith.constant 0 : i32
        %get3A_483 = arith.index_cast %get3A_482 : i32 to index
        %get3A_484 = arith.index_cast %add3A_317 : i32 to index
        %get3A_485 = arith.constant 112 : index
        %get3A_486 = tpu.vector_load %arg13[%get3A_483, %get3A_484, %get3A_485] {strides = array<i32>} : memref<2x40x128xi32, #tpu.memory_space<vmem>>, vector<16xi32>,
        %bitcast3A_487 = vector.bitcast %get3A_486 : vector<16xi32> to vector<32xbf16>
        %unpack3A_488 = tpu.unpack_subelements %bitcast3A_487, 0 {pack_format = #tpu.pack_format<interleaved>} : vector<32xbf16> -> vector<16xf32>
        %unpack3A_489 = tpu.unpack_subelements %bitcast3A_487, 1 {pack_format = #tpu.pack_format<interleaved>} : vector<32xbf16> -> vector<16xf32>
        %get3A_490 = arith.constant 0 : i32
        %get3A_491 = arith.index_cast %get3A_490 : i32 to index
        %get3A_492 = arith.index_cast %add3A_317 : i32 to index
        %get3A_493 = arith.constant 48 : index
        %get3A_494 = tpu.vector_load %arg14[%get3A_491, %get3A_492, %get3A_493] {strides = array<i32>} : memref<2x40x64xi32, #tpu.memory_space<vmem>>, vector<16xi32>,
        %bitcast3A_495 = vector.bitcast %get3A_494 : vector<16xi32> to vector<32xbf16>
        %unpack3A_496 = tpu.unpack_subelements %bitcast3A_495, 0 {pack_format = #tpu.pack_format<interleaved>} : vector<32xbf16> -> vector<16xf32>
        %unpack3A_497 = tpu.unpack_subelements %bitcast3A_495, 1 {pack_format = #tpu.pack_format<interleaved>} : vector<32xbf16> -> vector<16xf32>
        %get3A_498 = arith.constant 0 : i32
        %get3A_499 = arith.index_cast %get3A_498 : i32 to index
        %get3A_500 = arith.index_cast %add3A_317 : i32 to index
        %get3A_501 = arith.constant 48 : index
        %get3A_502 = tpu.vector_load %arg12[%get3A_499, %get3A_500, %get3A_501] {strides = array<i32>} : memref<2x40x128xf32, #tpu.memory_space<vmem>>, vector<16xf32>,
        %add3A_503 = arith.addf %get3A_502, %unpack3A_480 : vector<16xf32>
        %add3A_504 = arith.addf %add3A_503, %unpack3A_496 : vector<16xf32>
        %get3A_505 = arith.constant 0 : i32
        %get3A_506 = arith.index_cast %get3A_505 : i32 to index
        %get3A_507 = arith.index_cast %add3A_317 : i32 to index
        %get3A_508 = arith.constant 112 : index
        %get3A_509 = tpu.vector_load %arg12[%get3A_506, %get3A_507, %get3A_508] {strides = array<i32>} : memref<2x40x128xf32, #tpu.memory_space<vmem>>, vector<16xf32>,
        %add3A_510 = arith.addf %get3A_509, %unpack3A_488 : vector<16xf32>
        %add3A_511 = arith.addf %add3A_510, %unpack3A_497 : vector<16xf32>
        %exp3A_512 = math.exp %add3A_504 : vector<16xf32>
        %add3A_513 = arith.constant 1.000000e+00 : f32
        %add3A_514 = vector.broadcast %add3A_513 : f32 to vector<16xf32>
        %add3A_515 = arith.addf %add3A_514, %exp3A_512 : vector<16xf32>
        %div3A_516 = arith.divf %unpack3A_481, %add3A_515 : vector<16xf32>
        %swap3A_517 = arith.index_cast %add3A_317 : i32 to index
        %swap3A_518 = arith.constant 48 : index
        %swap3A_519 = tpu.vector_load %arg15[%swap3A_517, %swap3A_518] {strides = array<i32>} : memref<40x128xf32, #tpu.memory_space<vmem>>, vector<16xf32>,
        tpu.vector_store %arg15[%swap3A_517, %swap3A_518], %div3A_516 {strides = array<i32>} : memref<40x128xf32, #tpu.memory_space<vmem>>, vector<16xf32>,
        %exp3A_520 = math.exp %add3A_511 : vector<16xf32>
        %add3A_521 = arith.constant 1.000000e+00 : f32
        %add3A_522 = vector.broadcast %add3A_521 : f32 to vector<16xf32>
        %add3A_523 = arith.addf %add3A_522, %exp3A_520 : vector<16xf32>
        %div3A_524 = arith.divf %unpack3A_489, %add3A_523 : vector<16xf32>
        %swap3A_525 = arith.index_cast %add3A_317 : i32 to index
        %swap3A_526 = arith.constant 112 : index
        %swap3A_527 = tpu.vector_load %arg15[%swap3A_525, %swap3A_526] {strides = array<i32>} : memref<40x128xf32, #tpu.memory_space<vmem>>, vector<16xf32>,
        tpu.vector_store %arg15[%swap3A_525, %swap3A_526], %div3A_524 {strides = array<i32>} : memref<40x128xf32, #tpu.memory_space<vmem>>, vector<16xf32>,
      }
      %scan3A_242 = arith.constant 40 : i32
      %run_scoped3A = arith.constant 0 : i32
      "tpu.region"() ({
        %run_scoped3A_313 = tpu.sem_alloc : memref<!tpu.dma_semaphore, #tpu.memory_space<semaphore_mem>>
        %dma_start3A_314 = arith.constant 0 : i32
        %dma_start3A_315 = tpu.memref_slice %arg10[%run_scoped3A, %dma_start3A_314] : memref<2x40xi32, #tpu.memory_space<vmem>> -> memref<1x40xi32, #tpu.memory_space<vmem>>
        %dma_start3A_316 = tpu.memref_squeeze %dma_start3A_315 : memref<1x40xi32, #tpu.memory_space<vmem>> -> memref<40xi32, #tpu.memory_space<vmem>>
        %dma_start3A_317 = arith.constant 0 : i32
        %dma_start3A_318 = arith.constant 0 : i32
        %dma_start3A_319 = tpu.memref_slice %arg9[%dma_start3A_317, %dma_start3A_318] : memref<10000x128xf32, #tpu.memory_space<vmem_shared>> -> memref<10000x128xf32, #tpu.memory_space<vmem_shared>>
        tpu.enqueue_indirect_dma source(%arg15 : memref<40x128xf32, #tpu.memory_space<vmem>>) target(%dma_start3A_319 : memref<10000x128xf32, #tpu.memory_space<vmem_shared>>) offsets(%dma_start3A_316 : memref<40xi32, #tpu.memory_space<vmem>>) semaphore(%run_scoped3A_313 : memref<!tpu.dma_semaphore, #tpu.memory_space<semaphore_mem>>) {add = true}
        %dma_wait3A_320 = arith.constant 0 : i32
        %dma_wait3A_321 = tpu.memref_slice %arg10[%run_scoped3A, %dma_wait3A_320] : memref<2x40xi32, #tpu.memory_space<vmem>> -> memref<1x40xi32, #tpu.memory_space<vmem>>
        %dma_wait3A_322 = tpu.memref_squeeze %dma_wait3A_321 : memref<1x40xi32, #tpu.memory_space<vmem>> -> memref<40xi32, #tpu.memory_space<vmem>>
        %dma_wait3A_323 = arith.constant 0 : i32
        %dma_wait3A_324 = arith.constant 0 : i32
        %dma_wait3A_325 = tpu.memref_slice %arg9[%dma_wait3A_323, %dma_wait3A_324] : memref<10000x128xf32, #tpu.memory_space<vmem_shared>> -> memref<10000x128xf32, #tpu.memory_space<vmem_shared>>
        tpu.wait_indirect_dma semaphore(%run_scoped3A_313 : memref<!tpu.dma_semaphore, #tpu.memory_space<semaphore_mem>>) src(%arg15 : memref<40x128xf32, #tpu.memory_space<vmem>>) dst(%dma_wait3A_325 : memref<10000x128xf32, #tpu.memory_space<vmem_shared>>)
        tpu.yield
      }) : () -> ()
      %add3A_243 = arith.constant 2 : i32
      %add3A_244 = arith.addi %mul3A_126, %add3A_243 : i32
      %lt3A = arith.constant 250 : i32
      %lt3A_245 = arith.cmpi slt, %add3A_244, %lt3A : i32
      %convert_element_type3A_246 = arith.extui %lt3A_245 : i1 to i32
      %cond3A_247 = arith.constant 0 : i32
      %cond3A_248 = arith.cmpi ne, %convert_element_type3A_246, %cond3A_247 : i32
      scf.if %cond3A_248 {
        %add3A_313 = arith.constant 2 : i32
        %add3A_314 = arith.addi %mul3A_126, %add3A_313 : i32
        %mul3A_315 = arith.constant 32 : i32
        %mul3A_316 = arith.muli %add3A_314, %mul3A_315 : i32
        %add3A_317 = arith.addi %add3A, %mul3A_316 : i32
        %mul3A_318 = arith.constant 40 : i32
        %mul3A_319 = arith.muli %add3A_317, %mul3A_318 : i32
        %dma_start3A_320 = arith.constant 0 : i32
        %dma_start3A_321 = arith.constant 0 : i32
        %dma_start3A_322 = tpu.memref_slice %arg10[%dma_start3A_320, %dma_start3A_321] : memref<2x40xi32, #tpu.memory_space<vmem>> -> memref<1x40xi32, #tpu.memory_space<vmem>>
        %dma_start3A_323 = tpu.memref_squeeze %dma_start3A_322 : memref<1x40xi32, #tpu.memory_space<vmem>> -> memref<40xi32, #tpu.memory_space<vmem>>
        %dma_start3A_324 = tpu.memref_slice %arg6[%mul3A_319] : memref<320000xi32, #tpu.memory_space<hbm>> -> memref<40xi32, #tpu.memory_space<hbm>>
        %dma_start3A_325 = arith.constant 0 : i32
        %dma_start3A_326 = tpu.memref_slice %arg10[%dma_start3A_320, %dma_start3A_325] : memref<2x40xi32, #tpu.memory_space<vmem>> -> memref<1x40xi32, #tpu.memory_space<vmem>>
        %dma_start3A_327 = tpu.memref_squeeze %dma_start3A_326 : memref<1x40xi32, #tpu.memory_space<vmem>> -> memref<40xi32, #tpu.memory_space<vmem>>
        %dma_start3A_328 = tpu.memref_slice %arg6[%mul3A_319] : memref<320000xi32, #tpu.memory_space<hbm>> -> memref<40xi32, #tpu.memory_space<hbm>>
        tpu.enqueue_dma source(%dma_start3A_328 : memref<40xi32, #tpu.memory_space<hbm>>) target(%dma_start3A_327 : memref<40xi32, #tpu.memory_space<vmem>>) target_semaphore(%arg16 : memref<!tpu.dma_semaphore, #tpu.memory_space<semaphore_mem>>)
        %dma_start3A_329 = arith.constant 0 : i32
        %dma_start3A_330 = arith.constant 0 : i32
        %dma_start3A_331 = tpu.memref_slice %arg11[%dma_start3A_329, %dma_start3A_330] : memref<2x40xi32, #tpu.memory_space<vmem>> -> memref<1x40xi32, #tpu.memory_space<vmem>>
        %dma_start3A_332 = tpu.memref_squeeze %dma_start3A_331 : memref<1x40xi32, #tpu.memory_space<vmem>> -> memref<40xi32, #tpu.memory_space<vmem>>
        %dma_start3A_333 = tpu.memref_slice %arg5[%mul3A_319] : memref<320000xi32, #tpu.memory_space<hbm>> -> memref<40xi32, #tpu.memory_space<hbm>>
        %dma_start3A_334 = arith.constant 0 : i32
        %dma_start3A_335 = tpu.memref_slice %arg11[%dma_start3A_329, %dma_start3A_334] : memref<2x40xi32, #tpu.memory_space<vmem>> -> memref<1x40xi32, #tpu.memory_space<vmem>>
        %dma_start3A_336 = tpu.memref_squeeze %dma_start3A_335 : memref<1x40xi32, #tpu.memory_space<vmem>> -> memref<40xi32, #tpu.memory_space<vmem>>
        %dma_start3A_337 = tpu.memref_slice %arg5[%mul3A_319] : memref<320000xi32, #tpu.memory_space<hbm>> -> memref<40xi32, #tpu.memory_space<hbm>>
        tpu.enqueue_dma source(%dma_start3A_337 : memref<40xi32, #tpu.memory_space<hbm>>) target(%dma_start3A_336 : memref<40xi32, #tpu.memory_space<vmem>>) target_semaphore(%arg16 : memref<!tpu.dma_semaphore, #tpu.memory_space<semaphore_mem>>)
      } else {
      }
      %add3A_249 = arith.constant 1 : i32
      %add3A_250 = arith.addi %mul3A_126, %add3A_249 : i32
      %add3A_251 = arith.constant 1 : i32
      %add3A_252 = arith.addi %add3A_250, %add3A_251 : i32
      %lt3A_253 = arith.constant 250 : i32
      %lt3A_254 = arith.cmpi slt, %add3A_252, %lt3A_253 : i32
      %convert_element_type3A_255 = arith.extui %lt3A_254 : i1 to i32
      %cond3A_256 = arith.constant 0 : i32
      %cond3A_257 = arith.cmpi ne, %convert_element_type3A_255, %cond3A_256 : i32
      scf.if %cond3A_257 {
        %add3A_313 = arith.constant 1 : i32
        %add3A_314 = arith.addi %add3A_250, %add3A_313 : i32
        %mul3A_315 = arith.constant 32 : i32
        %mul3A_316 = arith.muli %add3A_314, %mul3A_315 : i32
        %add3A_317 = arith.addi %add3A, %mul3A_316 : i32
        %mul3A_318 = arith.constant 40 : i32
        %mul3A_319 = arith.muli %add3A_317, %mul3A_318 : i32
        %dma_wait3A_320 = arith.constant 0 : i32
        %dma_wait3A_321 = arith.constant 0 : i32
        %dma_wait3A_322 = tpu.memref_slice %arg10[%dma_wait3A_320, %dma_wait3A_321] : memref<2x40xi32, #tpu.memory_space<vmem>> -> memref<1x40xi32, #tpu.memory_space<vmem>>
        %dma_wait3A_323 = tpu.memref_squeeze %dma_wait3A_322 : memref<1x40xi32, #tpu.memory_space<vmem>> -> memref<40xi32, #tpu.memory_space<vmem>>
        %dma_wait3A_324 = tpu.memref_slice %arg6[%mul3A_319] : memref<320000xi32, #tpu.memory_space<hbm>> -> memref<40xi32, #tpu.memory_space<hbm>>
        %dma_wait3A_325 = arith.constant 0 : i32
        %dma_wait3A_326 = tpu.memref_slice %arg10[%dma_wait3A_320, %dma_wait3A_325] : memref<2x40xi32, #tpu.memory_space<vmem>> -> memref<1x40xi32, #tpu.memory_space<vmem>>
        %dma_wait3A_327 = tpu.memref_squeeze %dma_wait3A_326 : memref<1x40xi32, #tpu.memory_space<vmem>> -> memref<40xi32, #tpu.memory_space<vmem>>
        %dma_wait3A_328 = tpu.memref_slice %arg6[%mul3A_319] : memref<320000xi32, #tpu.memory_space<hbm>> -> memref<40xi32, #tpu.memory_space<hbm>>
        tpu.wait_dma2 semaphore(%arg16 : memref<!tpu.dma_semaphore, #tpu.memory_space<semaphore_mem>>) src(%dma_wait3A_328 : memref<40xi32, #tpu.memory_space<hbm>>) dst(%dma_wait3A_327 : memref<40xi32, #tpu.memory_space<vmem>>)
        %dma_wait3A_329 = arith.constant 0 : i32
        %dma_wait3A_330 = arith.constant 0 : i32
        %dma_wait3A_331 = tpu.memref_slice %arg11[%dma_wait3A_329, %dma_wait3A_330] : memref<2x40xi32, #tpu.memory_space<vmem>> -> memref<1x40xi32, #tpu.memory_space<vmem>>
        %dma_wait3A_332 = tpu.memref_squeeze %dma_wait3A_331 : memref<1x40xi32, #tpu.memory_space<vmem>> -> memref<40xi32, #tpu.memory_space<vmem>>
        %dma_wait3A_333 = tpu.memref_slice %arg5[%mul3A_319] : memref<320000xi32, #tpu.memory_space<hbm>> -> memref<40xi32, #tpu.memory_space<hbm>>
        %dma_wait3A_334 = arith.constant 0 : i32
        %dma_wait3A_335 = tpu.memref_slice %arg11[%dma_wait3A_329, %dma_wait3A_334] : memref<2x40xi32, #tpu.memory_space<vmem>> -> memref<1x40xi32, #tpu.memory_space<vmem>>
        %dma_wait3A_336 = tpu.memref_squeeze %dma_wait3A_335 : memref<1x40xi32, #tpu.memory_space<vmem>> -> memref<40xi32, #tpu.memory_space<vmem>>
        %dma_wait3A_337 = tpu.memref_slice %arg5[%mul3A_319] : memref<320000xi32, #tpu.memory_space<hbm>> -> memref<40xi32, #tpu.memory_space<hbm>>
        tpu.wait_dma2 semaphore(%arg16 : memref<!tpu.dma_semaphore, #tpu.memory_space<semaphore_mem>>) src(%dma_wait3A_337 : memref<40xi32, #tpu.memory_space<hbm>>) dst(%dma_wait3A_336 : memref<40xi32, #tpu.memory_space<vmem>>)
        %add3A_338 = arith.constant 1 : i32
        %add3A_339 = arith.addi %add3A_250, %add3A_338 : i32
        %mul3A_340 = arith.constant 32 : i32
        %mul3A_341 = arith.muli %add3A_339, %mul3A_340 : i32
        %add3A_342 = arith.addi %add3A, %mul3A_341 : i32
        %mul3A_343 = arith.constant 40 : i32
        %mul3A_344 = arith.muli %add3A_342, %mul3A_343 : i32
        %dma_start3A_345 = arith.constant 0 : i32
        %dma_start3A_346 = arith.constant 0 : i32
        %dma_start3A_347 = arith.constant 0 : i32
        %dma_start3A_348 = arith.constant 0 : i32
        %dma_start3A_349 = tpu.memref_slice %arg12[%dma_start3A_346, %dma_start3A_347, %dma_start3A_348] : memref<2x40x128xf32, #tpu.memory_space<vmem>> -> memref<1x40x128xf32, #tpu.memory_space<vmem>>
        %dma_start3A_350 = tpu.memref_squeeze %dma_start3A_349 : memref<1x40x128xf32, #tpu.memory_space<vmem>> -> memref<40x128xf32, #tpu.memory_space<vmem>>
        %dma_start3A_351 = arith.constant 0 : i32
        %dma_start3A_352 = tpu.memref_slice %arg10[%dma_start3A_345, %dma_start3A_351] : memref<2x40xi32, #tpu.memory_space<vmem>> -> memref<1x40xi32, #tpu.memory_space<vmem>>
        %dma_start3A_353 = tpu.memref_squeeze %dma_start3A_352 : memref<1x40xi32, #tpu.memory_space<vmem>> -> memref<40xi32, #tpu.memory_space<vmem>>
        %dma_start3A_354 = arith.constant 0 : i32
        %dma_start3A_355 = arith.constant 0 : i32
        %dma_start3A_356 = tpu.memref_slice %arg2[%dma_start3A_354, %dma_start3A_355] : memref<10000x128xf32, #tpu.memory_space<hbm>> -> memref<10000x128xf32, #tpu.memory_space<hbm>>
        tpu.enqueue_indirect_dma source(%dma_start3A_356 : memref<10000x128xf32, #tpu.memory_space<hbm>>) target(%dma_start3A_350 : memref<40x128xf32, #tpu.memory_space<vmem>>) offsets(%dma_start3A_353 : memref<40xi32, #tpu.memory_space<vmem>>) semaphore(%arg17 : memref<!tpu.dma_semaphore, #tpu.memory_space<semaphore_mem>>)
        %dma_start3A_357 = arith.constant 0 : i32
        %dma_start3A_358 = arith.constant 0 : i32
        %dma_start3A_359 = arith.constant 0 : i32
        %dma_start3A_360 = arith.constant 0 : i32
        %dma_start3A_361 = tpu.memref_slice %arg13[%dma_start3A_358, %dma_start3A_359, %dma_start3A_360] : memref<2x40x128xi32, #tpu.memory_space<vmem>> -> memref<1x40x128xi32, #tpu.memory_space<vmem>>
        %dma_start3A_362 = tpu.memref_squeeze %dma_start3A_361 : memref<1x40x128xi32, #tpu.memory_space<vmem>> -> memref<40x128xi32, #tpu.memory_space<vmem>>
        %dma_start3A_363 = arith.constant 0 : i32
        %dma_start3A_364 = tpu.memref_slice %arg11[%dma_start3A_357, %dma_start3A_363] : memref<2x40xi32, #tpu.memory_space<vmem>> -> memref<1x40xi32, #tpu.memory_space<vmem>>
        %dma_start3A_365 = tpu.memref_squeeze %dma_start3A_364 : memref<1x40xi32, #tpu.memory_space<vmem>> -> memref<40xi32, #tpu.memory_space<vmem>>
        %dma_start3A_366 = arith.constant 0 : i32
        %dma_start3A_367 = arith.constant 0 : i32
        %dma_start3A_368 = tpu.memref_slice %arg3[%dma_start3A_366, %dma_start3A_367] : memref<10000x128xi32, #tpu.memory_space<hbm>> -> memref<10000x128xi32, #tpu.memory_space<hbm>>
        tpu.enqueue_indirect_dma source(%dma_start3A_368 : memref<10000x128xi32, #tpu.memory_space<hbm>>) target(%dma_start3A_362 : memref<40x128xi32, #tpu.memory_space<vmem>>) offsets(%dma_start3A_365 : memref<40xi32, #tpu.memory_space<vmem>>) semaphore(%arg17 : memref<!tpu.dma_semaphore, #tpu.memory_space<semaphore_mem>>)
        %dma_start3A_369 = arith.constant 0 : i32
        %dma_start3A_370 = arith.constant 0 : i32
        %dma_start3A_371 = arith.constant 0 : i32
        %dma_start3A_372 = tpu.memref_slice %arg14[%dma_start3A_369, %dma_start3A_370, %dma_start3A_371] : memref<2x40x64xi32, #tpu.memory_space<vmem>> -> memref<1x40x64xi32, #tpu.memory_space<vmem>>
        %dma_start3A_373 = tpu.memref_squeeze %dma_start3A_372 : memref<1x40x64xi32, #tpu.memory_space<vmem>> -> memref<40x64xi32, #tpu.memory_space<vmem>>
        %dma_start3A_374 = arith.constant 0 : i32
        %dma_start3A_375 = tpu.memref_slice %arg4[%mul3A_344, %dma_start3A_374] : memref<320000x64xi32, #tpu.memory_space<hbm>> -> memref<40x64xi32, #tpu.memory_space<hbm>>
        %dma_start3A_376 = arith.constant 0 : i32
        %dma_start3A_377 = arith.constant 0 : i32
        %dma_start3A_378 = tpu.memref_slice %arg14[%dma_start3A_369, %dma_start3A_376, %dma_start3A_377] : memref<2x40x64xi32, #tpu.memory_space<vmem>> -> memref<1x40x64xi32, #tpu.memory_space<vmem>>
        %dma_start3A_379 = tpu.memref_squeeze %dma_start3A_378 : memref<1x40x64xi32, #tpu.memory_space<vmem>> -> memref<40x64xi32, #tpu.memory_space<vmem>>
        %dma_start3A_380 = arith.constant 0 : i32
        %dma_start3A_381 = tpu.memref_slice %arg4[%mul3A_344, %dma_start3A_380] : memref<320000x64xi32, #tpu.memory_space<hbm>> -> memref<40x64xi32, #tpu.memory_space<hbm>>
        tpu.enqueue_dma source(%dma_start3A_381 : memref<40x64xi32, #tpu.memory_space<hbm>>) target(%dma_start3A_379 : memref<40x64xi32, #tpu.memory_space<vmem>>) target_semaphore(%arg17 : memref<!tpu.dma_semaphore, #tpu.memory_space<semaphore_mem>>)
      } else {
      }
      %mul3A_258 = arith.constant 32 : i32
      %mul3A_259 = arith.muli %add3A_250, %mul3A_258 : i32
      %add3A_260 = arith.addi %add3A, %mul3A_259 : i32
      %mul3A_261 = arith.constant 40 : i32
      %mul3A_262 = arith.muli %add3A_260, %mul3A_261 : i32
      %dma_wait3A_263 = arith.constant 1 : i32
      %dma_wait3A_264 = arith.constant 1 : i32
      %dma_wait3A_265 = arith.constant 0 : i32
      %dma_wait3A_266 = arith.constant 0 : i32
      %dma_wait3A_267 = tpu.memref_slice %arg12[%dma_wait3A_264, %dma_wait3A_265, %dma_wait3A_266] : memref<2x40x128xf32, #tpu.memory_space<vmem>> -> memref<1x40x128xf32, #tpu.memory_space<vmem>>
      %dma_wait3A_268 = tpu.memref_squeeze %dma_wait3A_267 : memref<1x40x128xf32, #tpu.memory_space<vmem>> -> memref<40x128xf32, #tpu.memory_space<vmem>>
      %dma_wait3A_269 = arith.constant 0 : i32
      %dma_wait3A_270 = tpu.memref_slice %arg10[%dma_wait3A_263, %dma_wait3A_269] : memref<2x40xi32, #tpu.memory_space<vmem>> -> memref<1x40xi32, #tpu.memory_space<vmem>>
      %dma_wait3A_271 = tpu.memref_squeeze %dma_wait3A_270 : memref<1x40xi32, #tpu.memory_space<vmem>> -> memref<40xi32, #tpu.memory_space<vmem>>
      %dma_wait3A_272 = arith.constant 0 : i32
      %dma_wait3A_273 = arith.constant 0 : i32
      %dma_wait3A_274 = tpu.memref_slice %arg2[%dma_wait3A_272, %dma_wait3A_273] : memref<10000x128xf32, #tpu.memory_space<hbm>> -> memref<10000x128xf32, #tpu.memory_space<hbm>>
      tpu.wait_indirect_dma semaphore(%arg17 : memref<!tpu.dma_semaphore, #tpu.memory_space<semaphore_mem>>) src(%dma_wait3A_274 : memref<10000x128xf32, #tpu.memory_space<hbm>>) dst(%dma_wait3A_268 : memref<40x128xf32, #tpu.memory_space<vmem>>)
      %dma_wait3A_275 = arith.constant 1 : i32
      %dma_wait3A_276 = arith.constant 1 : i32
      %dma_wait3A_277 = arith.constant 0 : i32
      %dma_wait3A_278 = arith.constant 0 : i32
      %dma_wait3A_279 = tpu.memref_slice %arg13[%dma_wait3A_276, %dma_wait3A_277, %dma_wait3A_278] : memref<2x40x128xi32, #tpu.memory_space<vmem>> -> memref<1x40x128xi32, #tpu.memory_space<vmem>>
      %dma_wait3A_280 = tpu.memref_squeeze %dma_wait3A_279 : memref<1x40x128xi32, #tpu.memory_space<vmem>> -> memref<40x128xi32, #tpu.memory_space<vmem>>
      %dma_wait3A_281 = arith.constant 0 : i32
      %dma_wait3A_282 = tpu.memref_slice %arg11[%dma_wait3A_275, %dma_wait3A_281] : memref<2x40xi32, #tpu.memory_space<vmem>> -> memref<1x40xi32, #tpu.memory_space<vmem>>
      %dma_wait3A_283 = tpu.memref_squeeze %dma_wait3A_282 : memref<1x40xi32, #tpu.memory_space<vmem>> -> memref<40xi32, #tpu.memory_space<vmem>>
      %dma_wait3A_284 = arith.constant 0 : i32
      %dma_wait3A_285 = arith.constant 0 : i32
      %dma_wait3A_286 = tpu.memref_slice %arg3[%dma_wait3A_284, %dma_wait3A_285] : memref<10000x128xi32, #tpu.memory_space<hbm>> -> memref<10000x128xi32, #tpu.memory_space<hbm>>
      tpu.wait_indirect_dma semaphore(%arg17 : memref<!tpu.dma_semaphore, #tpu.memory_space<semaphore_mem>>) src(%dma_wait3A_286 : memref<10000x128xi32, #tpu.memory_space<hbm>>) dst(%dma_wait3A_280 : memref<40x128xi32, #tpu.memory_space<vmem>>)
      %dma_wait3A_287 = arith.constant 1 : i32
      %dma_wait3A_288 = arith.constant 0 : i32
      %dma_wait3A_289 = arith.constant 0 : i32
      %dma_wait3A_290 = tpu.memref_slice %arg14[%dma_wait3A_287, %dma_wait3A_288, %dma_wait3A_289] : memref<2x40x64xi32, #tpu.memory_space<vmem>> -> memref<1x40x64xi32, #tpu.memory_space<vmem>>
      %dma_wait3A_291 = tpu.memref_squeeze %dma_wait3A_290 : memref<1x40x64xi32, #tpu.memory_space<vmem>> -> memref<40x64xi32, #tpu.memory_space<vmem>>
      %dma_wait3A_292 = arith.constant 0 : i32
      %dma_wait3A_293 = tpu.memref_slice %arg4[%mul3A_262, %dma_wait3A_292] : memref<320000x64xi32, #tpu.memory_space<hbm>> -> memref<40x64xi32, #tpu.memory_space<hbm>>
      %dma_wait3A_294 = arith.constant 0 : i32
      %dma_wait3A_295 = arith.constant 0 : i32
      %dma_wait3A_296 = tpu.memref_slice %arg14[%dma_wait3A_287, %dma_wait3A_294, %dma_wait3A_295] : memref<2x40x64xi32, #tpu.memory_space<vmem>> -> memref<1x40x64xi32, #tpu.memory_space<vmem>>
      %dma_wait3A_297 = tpu.memref_squeeze %dma_wait3A_296 : memref<1x40x64xi32, #tpu.memory_space<vmem>> -> memref<40x64xi32, #tpu.memory_space<vmem>>
      %dma_wait3A_298 = arith.constant 0 : i32
      %dma_wait3A_299 = tpu.memref_slice %arg4[%mul3A_262, %dma_wait3A_298] : memref<320000x64xi32, #tpu.memory_space<hbm>> -> memref<40x64xi32, #tpu.memory_space<hbm>>
      tpu.wait_dma2 semaphore(%arg17 : memref<!tpu.dma_semaphore, #tpu.memory_space<semaphore_mem>>) src(%dma_wait3A_299 : memref<40x64xi32, #tpu.memory_space<hbm>>) dst(%dma_wait3A_297 : memref<40x64xi32, #tpu.memory_space<vmem>>)
      %scan3A_300 = arith.constant 0 : i32
      %scan3A_301 = arith.constant 40 : i32
      %scan3A_302 = arith.addi %scan3A_300, %scan3A_301 : i32
      %scan3A_303 = arith.constant 1 : i32
      scf.for %scan3A_313 = %scan3A_300 to %scan3A_302 step %scan3A_303  : i32 {
        %mul3A_314 = arith.constant 1 : i32
        %mul3A_315 = arith.muli %scan3A_313, %mul3A_314 : i32
        %add3A_316 = arith.constant 0 : i32
        %add3A_317 = arith.addi %add3A_316, %mul3A_315 : i32
        %get3A = arith.constant 1 : i32
        %get3A_318 = arith.index_cast %get3A : i32 to index
        %get3A_319 = arith.index_cast %add3A_317 : i32 to index
        %get3A_320 = arith.constant 0 : index
        %get3A_321 = tpu.vector_load %arg13[%get3A_318, %get3A_319, %get3A_320] {strides = array<i32>} : memref<2x40x128xi32, #tpu.memory_space<vmem>>, vector<16xi32>,
        %bitcast3A = vector.bitcast %get3A_321 : vector<16xi32> to vector<32xbf16>
        %unpack3A = tpu.unpack_subelements %bitcast3A, 0 {pack_format = #tpu.pack_format<interleaved>} : vector<32xbf16> -> vector<16xf32>
        %unpack3A_322 = tpu.unpack_subelements %bitcast3A, 1 {pack_format = #tpu.pack_format<interleaved>} : vector<32xbf16> -> vector<16xf32>
        %get3A_323 = arith.constant 1 : i32
        %get3A_324 = arith.index_cast %get3A_323 : i32 to index
        %get3A_325 = arith.index_cast %add3A_317 : i32 to index
        %get3A_326 = arith.constant 64 : index
        %get3A_327 = tpu.vector_load %arg13[%get3A_324, %get3A_325, %get3A_326] {strides = array<i32>} : memref<2x40x128xi32, #tpu.memory_space<vmem>>, vector<16xi32>,
        %bitcast3A_328 = vector.bitcast %get3A_327 : vector<16xi32> to vector<32xbf16>
        %unpack3A_329 = tpu.unpack_subelements %bitcast3A_328, 0 {pack_format = #tpu.pack_format<interleaved>} : vector<32xbf16> -> vector<16xf32>
        %unpack3A_330 = tpu.unpack_subelements %bitcast3A_328, 1 {pack_format = #tpu.pack_format<interleaved>} : vector<32xbf16> -> vector<16xf32>
        %get3A_331 = arith.constant 1 : i32
        %get3A_332 = arith.index_cast %get3A_331 : i32 to index
        %get3A_333 = arith.index_cast %add3A_317 : i32 to index
        %get3A_334 = arith.constant 0 : index
        %get3A_335 = tpu.vector_load %arg14[%get3A_332, %get3A_333, %get3A_334] {strides = array<i32>} : memref<2x40x64xi32, #tpu.memory_space<vmem>>, vector<16xi32>,
        %bitcast3A_336 = vector.bitcast %get3A_335 : vector<16xi32> to vector<32xbf16>
        %unpack3A_337 = tpu.unpack_subelements %bitcast3A_336, 0 {pack_format = #tpu.pack_format<interleaved>} : vector<32xbf16> -> vector<16xf32>
        %unpack3A_338 = tpu.unpack_subelements %bitcast3A_336, 1 {pack_format = #tpu.pack_format<interleaved>} : vector<32xbf16> -> vector<16xf32>
        %get3A_339 = arith.constant 1 : i32
        %get3A_340 = arith.index_cast %get3A_339 : i32 to index
        %get3A_341 = arith.index_cast %add3A_317 : i32 to index
        %get3A_342 = arith.constant 0 : index
        %get3A_343 = tpu.vector_load %arg12[%get3A_340, %get3A_341, %get3A_342] {strides = array<i32>} : memref<2x40x128xf32, #tpu.memory_space<vmem>>, vector<16xf32>,
        %add3A_344 = arith.addf %get3A_343, %unpack3A : vector<16xf32>
        %add3A_345 = arith.addf %add3A_344, %unpack3A_337 : vector<16xf32>
        %get3A_346 = arith.constant 1 : i32
        %get3A_347 = arith.index_cast %get3A_346 : i32 to index
        %get3A_348 = arith.index_cast %add3A_317 : i32 to index
        %get3A_349 = arith.constant 64 : index
        %get3A_350 = tpu.vector_load %arg12[%get3A_347, %get3A_348, %get3A_349] {strides = array<i32>} : memref<2x40x128xf32, #tpu.memory_space<vmem>>, vector<16xf32>,
        %add3A_351 = arith.addf %get3A_350, %unpack3A_329 : vector<16xf32>
        %add3A_352 = arith.addf %add3A_351, %unpack3A_338 : vector<16xf32>
        %exp3A = math.exp %add3A_345 : vector<16xf32>
        %add3A_353 = arith.constant 1.000000e+00 : f32
        %add3A_354 = vector.broadcast %add3A_353 : f32 to vector<16xf32>
        %add3A_355 = arith.addf %add3A_354, %exp3A : vector<16xf32>
        %div3A = arith.divf %unpack3A_322, %add3A_355 : vector<16xf32>
        %swap3A = arith.index_cast %add3A_317 : i32 to index
        %swap3A_356 = arith.constant 0 : index
        %swap3A_357 = tpu.vector_load %arg15[%swap3A, %swap3A_356] {strides = array<i32>} : memref<40x128xf32, #tpu.memory_space<vmem>>, vector<16xf32>,
        tpu.vector_store %arg15[%swap3A, %swap3A_356], %div3A {strides = array<i32>} : memref<40x128xf32, #tpu.memory_space<vmem>>, vector<16xf32>,
        %exp3A_358 = math.exp %add3A_352 : vector<16xf32>
        %add3A_359 = arith.constant 1.000000e+00 : f32
        %add3A_360 = vector.broadcast %add3A_359 : f32 to vector<16xf32>
        %add3A_361 = arith.addf %add3A_360, %exp3A_358 : vector<16xf32>
        %div3A_362 = arith.divf %unpack3A_330, %add3A_361 : vector<16xf32>
        %swap3A_363 = arith.index_cast %add3A_317 : i32 to index
        %swap3A_364 = arith.constant 64 : index
        %swap3A_365 = tpu.vector_load %arg15[%swap3A_363, %swap3A_364] {strides = array<i32>} : memref<40x128xf32, #tpu.memory_space<vmem>>, vector<16xf32>,
        tpu.vector_store %arg15[%swap3A_363, %swap3A_364], %div3A_362 {strides = array<i32>} : memref<40x128xf32, #tpu.memory_space<vmem>>, vector<16xf32>,
        %get3A_366 = arith.constant 1 : i32
        %get3A_367 = arith.index_cast %get3A_366 : i32 to index
        %get3A_368 = arith.index_cast %add3A_317 : i32 to index
        %get3A_369 = arith.constant 16 : index
        %get3A_370 = tpu.vector_load %arg13[%get3A_367, %get3A_368, %get3A_369] {strides = array<i32>} : memref<2x40x128xi32, #tpu.memory_space<vmem>>, vector<16xi32>,
        %bitcast3A_371 = vector.bitcast %get3A_370 : vector<16xi32> to vector<32xbf16>
        %unpack3A_372 = tpu.unpack_subelements %bitcast3A_371, 0 {pack_format = #tpu.pack_format<interleaved>} : vector<32xbf16> -> vector<16xf32>
        %unpack3A_373 = tpu.unpack_subelements %bitcast3A_371, 1 {pack_format = #tpu.pack_format<interleaved>} : vector<32xbf16> -> vector<16xf32>
        %get3A_374 = arith.constant 1 : i32
        %get3A_375 = arith.index_cast %get3A_374 : i32 to index
        %get3A_376 = arith.index_cast %add3A_317 : i32 to index
        %get3A_377 = arith.constant 80 : index
        %get3A_378 = tpu.vector_load %arg13[%get3A_375, %get3A_376, %get3A_377] {strides = array<i32>} : memref<2x40x128xi32, #tpu.memory_space<vmem>>, vector<16xi32>,
        %bitcast3A_379 = vector.bitcast %get3A_378 : vector<16xi32> to vector<32xbf16>
        %unpack3A_380 = tpu.unpack_subelements %bitcast3A_379, 0 {pack_format = #tpu.pack_format<interleaved>} : vector<32xbf16> -> vector<16xf32>
        %unpack3A_381 = tpu.unpack_subelements %bitcast3A_379, 1 {pack_format = #tpu.pack_format<interleaved>} : vector<32xbf16> -> vector<16xf32>
        %get3A_382 = arith.constant 1 : i32
        %get3A_383 = arith.index_cast %get3A_382 : i32 to index
        %get3A_384 = arith.index_cast %add3A_317 : i32 to index
        %get3A_385 = arith.constant 16 : index
        %get3A_386 = tpu.vector_load %arg14[%get3A_383, %get3A_384, %get3A_385] {strides = array<i32>} : memref<2x40x64xi32, #tpu.memory_space<vmem>>, vector<16xi32>,
        %bitcast3A_387 = vector.bitcast %get3A_386 : vector<16xi32> to vector<32xbf16>
        %unpack3A_388 = tpu.unpack_subelements %bitcast3A_387, 0 {pack_format = #tpu.pack_format<interleaved>} : vector<32xbf16> -> vector<16xf32>
        %unpack3A_389 = tpu.unpack_subelements %bitcast3A_387, 1 {pack_format = #tpu.pack_format<interleaved>} : vector<32xbf16> -> vector<16xf32>
        %get3A_390 = arith.constant 1 : i32
        %get3A_391 = arith.index_cast %get3A_390 : i32 to index
        %get3A_392 = arith.index_cast %add3A_317 : i32 to index
        %get3A_393 = arith.constant 16 : index
        %get3A_394 = tpu.vector_load %arg12[%get3A_391, %get3A_392, %get3A_393] {strides = array<i32>} : memref<2x40x128xf32, #tpu.memory_space<vmem>>, vector<16xf32>,
        %add3A_395 = arith.addf %get3A_394, %unpack3A_372 : vector<16xf32>
        %add3A_396 = arith.addf %add3A_395, %unpack3A_388 : vector<16xf32>
        %get3A_397 = arith.constant 1 : i32
        %get3A_398 = arith.index_cast %get3A_397 : i32 to index
        %get3A_399 = arith.index_cast %add3A_317 : i32 to index
        %get3A_400 = arith.constant 80 : index
        %get3A_401 = tpu.vector_load %arg12[%get3A_398, %get3A_399, %get3A_400] {strides = array<i32>} : memref<2x40x128xf32, #tpu.memory_space<vmem>>, vector<16xf32>,
        %add3A_402 = arith.addf %get3A_401, %unpack3A_380 : vector<16xf32>
        %add3A_403 = arith.addf %add3A_402, %unpack3A_389 : vector<16xf32>
        %exp3A_404 = math.exp %add3A_396 : vector<16xf32>
        %add3A_405 = arith.constant 1.000000e+00 : f32
        %add3A_406 = vector.broadcast %add3A_405 : f32 to vector<16xf32>
        %add3A_407 = arith.addf %add3A_406, %exp3A_404 : vector<16xf32>
        %div3A_408 = arith.divf %unpack3A_373, %add3A_407 : vector<16xf32>
        %swap3A_409 = arith.index_cast %add3A_317 : i32 to index
        %swap3A_410 = arith.constant 16 : index
        %swap3A_411 = tpu.vector_load %arg15[%swap3A_409, %swap3A_410] {strides = array<i32>} : memref<40x128xf32, #tpu.memory_space<vmem>>, vector<16xf32>,
        tpu.vector_store %arg15[%swap3A_409, %swap3A_410], %div3A_408 {strides = array<i32>} : memref<40x128xf32, #tpu.memory_space<vmem>>, vector<16xf32>,
        %exp3A_412 = math.exp %add3A_403 : vector<16xf32>
        %add3A_413 = arith.constant 1.000000e+00 : f32
        %add3A_414 = vector.broadcast %add3A_413 : f32 to vector<16xf32>
        %add3A_415 = arith.addf %add3A_414, %exp3A_412 : vector<16xf32>
        %div3A_416 = arith.divf %unpack3A_381, %add3A_415 : vector<16xf32>
        %swap3A_417 = arith.index_cast %add3A_317 : i32 to index
        %swap3A_418 = arith.constant 80 : index
        %swap3A_419 = tpu.vector_load %arg15[%swap3A_417, %swap3A_418] {strides = array<i32>} : memref<40x128xf32, #tpu.memory_space<vmem>>, vector<16xf32>,
        tpu.vector_store %arg15[%swap3A_417, %swap3A_418], %div3A_416 {strides = array<i32>} : memref<40x128xf32, #tpu.memory_space<vmem>>, vector<16xf32>,
        %get3A_420 = arith.constant 1 : i32
        %get3A_421 = arith.index_cast %get3A_420 : i32 to index
        %get3A_422 = arith.index_cast %add3A_317 : i32 to index
        %get3A_423 = arith.constant 32 : index
        %get3A_424 = tpu.vector_load %arg13[%get3A_421, %get3A_422, %get3A_423] {strides = array<i32>} : memref<2x40x128xi32, #tpu.memory_space<vmem>>, vector<16xi32>,
        %bitcast3A_425 = vector.bitcast %get3A_424 : vector<16xi32> to vector<32xbf16>
        %unpack3A_426 = tpu.unpack_subelements %bitcast3A_425, 0 {pack_format = #tpu.pack_format<interleaved>} : vector<32xbf16> -> vector<16xf32>
        %unpack3A_427 = tpu.unpack_subelements %bitcast3A_425, 1 {pack_format = #tpu.pack_format<interleaved>} : vector<32xbf16> -> vector<16xf32>
        %get3A_428 = arith.constant 1 : i32
        %get3A_429 = arith.index_cast %get3A_428 : i32 to index
        %get3A_430 = arith.index_cast %add3A_317 : i32 to index
        %get3A_431 = arith.constant 96 : index
        %get3A_432 = tpu.vector_load %arg13[%get3A_429, %get3A_430, %get3A_431] {strides = array<i32>} : memref<2x40x128xi32, #tpu.memory_space<vmem>>, vector<16xi32>,
        %bitcast3A_433 = vector.bitcast %get3A_432 : vector<16xi32> to vector<32xbf16>
        %unpack3A_434 = tpu.unpack_subelements %bitcast3A_433, 0 {pack_format = #tpu.pack_format<interleaved>} : vector<32xbf16> -> vector<16xf32>
        %unpack3A_435 = tpu.unpack_subelements %bitcast3A_433, 1 {pack_format = #tpu.pack_format<interleaved>} : vector<32xbf16> -> vector<16xf32>
        %get3A_436 = arith.constant 1 : i32
        %get3A_437 = arith.index_cast %get3A_436 : i32 to index
        %get3A_438 = arith.index_cast %add3A_317 : i32 to index
        %get3A_439 = arith.constant 32 : index
        %get3A_440 = tpu.vector_load %arg14[%get3A_437, %get3A_438, %get3A_439] {strides = array<i32>} : memref<2x40x64xi32, #tpu.memory_space<vmem>>, vector<16xi32>,
        %bitcast3A_441 = vector.bitcast %get3A_440 : vector<16xi32> to vector<32xbf16>
        %unpack3A_442 = tpu.unpack_subelements %bitcast3A_441, 0 {pack_format = #tpu.pack_format<interleaved>} : vector<32xbf16> -> vector<16xf32>
        %unpack3A_443 = tpu.unpack_subelements %bitcast3A_441, 1 {pack_format = #tpu.pack_format<interleaved>} : vector<32xbf16> -> vector<16xf32>
        %get3A_444 = arith.constant 1 : i32
        %get3A_445 = arith.index_cast %get3A_444 : i32 to index
        %get3A_446 = arith.index_cast %add3A_317 : i32 to index
        %get3A_447 = arith.constant 32 : index
        %get3A_448 = tpu.vector_load %arg12[%get3A_445, %get3A_446, %get3A_447] {strides = array<i32>} : memref<2x40x128xf32, #tpu.memory_space<vmem>>, vector<16xf32>,
        %add3A_449 = arith.addf %get3A_448, %unpack3A_426 : vector<16xf32>
        %add3A_450 = arith.addf %add3A_449, %unpack3A_442 : vector<16xf32>
        %get3A_451 = arith.constant 1 : i32
        %get3A_452 = arith.index_cast %get3A_451 : i32 to index
        %get3A_453 = arith.index_cast %add3A_317 : i32 to index
        %get3A_454 = arith.constant 96 : index
        %get3A_455 = tpu.vector_load %arg12[%get3A_452, %get3A_453, %get3A_454] {strides = array<i32>} : memref<2x40x128xf32, #tpu.memory_space<vmem>>, vector<16xf32>,
        %add3A_456 = arith.addf %get3A_455, %unpack3A_434 : vector<16xf32>
        %add3A_457 = arith.addf %add3A_456, %unpack3A_443 : vector<16xf32>
        %exp3A_458 = math.exp %add3A_450 : vector<16xf32>
        %add3A_459 = arith.constant 1.000000e+00 : f32
        %add3A_460 = vector.broadcast %add3A_459 : f32 to vector<16xf32>
        %add3A_461 = arith.addf %add3A_460, %exp3A_458 : vector<16xf32>
        %div3A_462 = arith.divf %unpack3A_427, %add3A_461 : vector<16xf32>
        %swap3A_463 = arith.index_cast %add3A_317 : i32 to index
        %swap3A_464 = arith.constant 32 : index
        %swap3A_465 = tpu.vector_load %arg15[%swap3A_463, %swap3A_464] {strides = array<i32>} : memref<40x128xf32, #tpu.memory_space<vmem>>, vector<16xf32>,
        tpu.vector_store %arg15[%swap3A_463, %swap3A_464], %div3A_462 {strides = array<i32>} : memref<40x128xf32, #tpu.memory_space<vmem>>, vector<16xf32>,
        %exp3A_466 = math.exp %add3A_457 : vector<16xf32>
        %add3A_467 = arith.constant 1.000000e+00 : f32
        %add3A_468 = vector.broadcast %add3A_467 : f32 to vector<16xf32>
        %add3A_469 = arith.addf %add3A_468, %exp3A_466 : vector<16xf32>
        %div3A_470 = arith.divf %unpack3A_435, %add3A_469 : vector<16xf32>
        %swap3A_471 = arith.index_cast %add3A_317 : i32 to index
        %swap3A_472 = arith.constant 96 : index
        %swap3A_473 = tpu.vector_load %arg15[%swap3A_471, %swap3A_472] {strides = array<i32>} : memref<40x128xf32, #tpu.memory_space<vmem>>, vector<16xf32>,
        tpu.vector_store %arg15[%swap3A_471, %swap3A_472], %div3A_470 {strides = array<i32>} : memref<40x128xf32, #tpu.memory_space<vmem>>, vector<16xf32>,
        %get3A_474 = arith.constant 1 : i32
        %get3A_475 = arith.index_cast %get3A_474 : i32 to index
        %get3A_476 = arith.index_cast %add3A_317 : i32 to index
        %get3A_477 = arith.constant 48 : index
        %get3A_478 = tpu.vector_load %arg13[%get3A_475, %get3A_476, %get3A_477] {strides = array<i32>} : memref<2x40x128xi32, #tpu.memory_space<vmem>>, vector<16xi32>,
        %bitcast3A_479 = vector.bitcast %get3A_478 : vector<16xi32> to vector<32xbf16>
        %unpack3A_480 = tpu.unpack_subelements %bitcast3A_479, 0 {pack_format = #tpu.pack_format<interleaved>} : vector<32xbf16> -> vector<16xf32>
        %unpack3A_481 = tpu.unpack_subelements %bitcast3A_479, 1 {pack_format = #tpu.pack_format<interleaved>} : vector<32xbf16> -> vector<16xf32>
        %get3A_482 = arith.constant 1 : i32
        %get3A_483 = arith.index_cast %get3A_482 : i32 to index
        %get3A_484 = arith.index_cast %add3A_317 : i32 to index
        %get3A_485 = arith.constant 112 : index
        %get3A_486 = tpu.vector_load %arg13[%get3A_483, %get3A_484, %get3A_485] {strides = array<i32>} : memref<2x40x128xi32, #tpu.memory_space<vmem>>, vector<16xi32>,
        %bitcast3A_487 = vector.bitcast %get3A_486 : vector<16xi32> to vector<32xbf16>
        %unpack3A_488 = tpu.unpack_subelements %bitcast3A_487, 0 {pack_format = #tpu.pack_format<interleaved>} : vector<32xbf16> -> vector<16xf32>
        %unpack3A_489 = tpu.unpack_subelements %bitcast3A_487, 1 {pack_format = #tpu.pack_format<interleaved>} : vector<32xbf16> -> vector<16xf32>
        %get3A_490 = arith.constant 1 : i32
        %get3A_491 = arith.index_cast %get3A_490 : i32 to index
        %get3A_492 = arith.index_cast %add3A_317 : i32 to index
        %get3A_493 = arith.constant 48 : index
        %get3A_494 = tpu.vector_load %arg14[%get3A_491, %get3A_492, %get3A_493] {strides = array<i32>} : memref<2x40x64xi32, #tpu.memory_space<vmem>>, vector<16xi32>,
        %bitcast3A_495 = vector.bitcast %get3A_494 : vector<16xi32> to vector<32xbf16>
        %unpack3A_496 = tpu.unpack_subelements %bitcast3A_495, 0 {pack_format = #tpu.pack_format<interleaved>} : vector<32xbf16> -> vector<16xf32>
        %unpack3A_497 = tpu.unpack_subelements %bitcast3A_495, 1 {pack_format = #tpu.pack_format<interleaved>} : vector<32xbf16> -> vector<16xf32>
        %get3A_498 = arith.constant 1 : i32
        %get3A_499 = arith.index_cast %get3A_498 : i32 to index
        %get3A_500 = arith.index_cast %add3A_317 : i32 to index
        %get3A_501 = arith.constant 48 : index
        %get3A_502 = tpu.vector_load %arg12[%get3A_499, %get3A_500, %get3A_501] {strides = array<i32>} : memref<2x40x128xf32, #tpu.memory_space<vmem>>, vector<16xf32>,
        %add3A_503 = arith.addf %get3A_502, %unpack3A_480 : vector<16xf32>
        %add3A_504 = arith.addf %add3A_503, %unpack3A_496 : vector<16xf32>
        %get3A_505 = arith.constant 1 : i32
        %get3A_506 = arith.index_cast %get3A_505 : i32 to index
        %get3A_507 = arith.index_cast %add3A_317 : i32 to index
        %get3A_508 = arith.constant 112 : index
        %get3A_509 = tpu.vector_load %arg12[%get3A_506, %get3A_507, %get3A_508] {strides = array<i32>} : memref<2x40x128xf32, #tpu.memory_space<vmem>>, vector<16xf32>,
        %add3A_510 = arith.addf %get3A_509, %unpack3A_488 : vector<16xf32>
        %add3A_511 = arith.addf %add3A_510, %unpack3A_497 : vector<16xf32>
        %exp3A_512 = math.exp %add3A_504 : vector<16xf32>
        %add3A_513 = arith.constant 1.000000e+00 : f32
        %add3A_514 = vector.broadcast %add3A_513 : f32 to vector<16xf32>
        %add3A_515 = arith.addf %add3A_514, %exp3A_512 : vector<16xf32>
        %div3A_516 = arith.divf %unpack3A_481, %add3A_515 : vector<16xf32>
        %swap3A_517 = arith.index_cast %add3A_317 : i32 to index
        %swap3A_518 = arith.constant 48 : index
        %swap3A_519 = tpu.vector_load %arg15[%swap3A_517, %swap3A_518] {strides = array<i32>} : memref<40x128xf32, #tpu.memory_space<vmem>>, vector<16xf32>,
        tpu.vector_store %arg15[%swap3A_517, %swap3A_518], %div3A_516 {strides = array<i32>} : memref<40x128xf32, #tpu.memory_space<vmem>>, vector<16xf32>,
        %exp3A_520 = math.exp %add3A_511 : vector<16xf32>
        %add3A_521 = arith.constant 1.000000e+00 : f32
        %add3A_522 = vector.broadcast %add3A_521 : f32 to vector<16xf32>
        %add3A_523 = arith.addf %add3A_522, %exp3A_520 : vector<16xf32>
        %div3A_524 = arith.divf %unpack3A_489, %add3A_523 : vector<16xf32>
        %swap3A_525 = arith.index_cast %add3A_317 : i32 to index
        %swap3A_526 = arith.constant 112 : index
        %swap3A_527 = tpu.vector_load %arg15[%swap3A_525, %swap3A_526] {strides = array<i32>} : memref<40x128xf32, #tpu.memory_space<vmem>>, vector<16xf32>,
        tpu.vector_store %arg15[%swap3A_525, %swap3A_526], %div3A_524 {strides = array<i32>} : memref<40x128xf32, #tpu.memory_space<vmem>>, vector<16xf32>,
      }
      %scan3A_304 = arith.constant 40 : i32
      %run_scoped3A_305 = arith.constant 1 : i32
      "tpu.region"() ({
        %run_scoped3A_313 = tpu.sem_alloc : memref<!tpu.dma_semaphore, #tpu.memory_space<semaphore_mem>>
        %dma_start3A_314 = arith.constant 0 : i32
        %dma_start3A_315 = tpu.memref_slice %arg10[%run_scoped3A_305, %dma_start3A_314] : memref<2x40xi32, #tpu.memory_space<vmem>> -> memref<1x40xi32, #tpu.memory_space<vmem>>
        %dma_start3A_316 = tpu.memref_squeeze %dma_start3A_315 : memref<1x40xi32, #tpu.memory_space<vmem>> -> memref<40xi32, #tpu.memory_space<vmem>>
        %dma_start3A_317 = arith.constant 0 : i32
        %dma_start3A_318 = arith.constant 0 : i32
        %dma_start3A_319 = tpu.memref_slice %arg9[%dma_start3A_317, %dma_start3A_318] : memref<10000x128xf32, #tpu.memory_space<vmem_shared>> -> memref<10000x128xf32, #tpu.memory_space<vmem_shared>>
        tpu.enqueue_indirect_dma source(%arg15 : memref<40x128xf32, #tpu.memory_space<vmem>>) target(%dma_start3A_319 : memref<10000x128xf32, #tpu.memory_space<vmem_shared>>) offsets(%dma_start3A_316 : memref<40xi32, #tpu.memory_space<vmem>>) semaphore(%run_scoped3A_313 : memref<!tpu.dma_semaphore, #tpu.memory_space<semaphore_mem>>) {add = true}
        %dma_wait3A_320 = arith.constant 0 : i32
        %dma_wait3A_321 = tpu.memref_slice %arg10[%run_scoped3A_305, %dma_wait3A_320] : memref<2x40xi32, #tpu.memory_space<vmem>> -> memref<1x40xi32, #tpu.memory_space<vmem>>
        %dma_wait3A_322 = tpu.memref_squeeze %dma_wait3A_321 : memref<1x40xi32, #tpu.memory_space<vmem>> -> memref<40xi32, #tpu.memory_space<vmem>>
        %dma_wait3A_323 = arith.constant 0 : i32
        %dma_wait3A_324 = arith.constant 0 : i32
        %dma_wait3A_325 = tpu.memref_slice %arg9[%dma_wait3A_323, %dma_wait3A_324] : memref<10000x128xf32, #tpu.memory_space<vmem_shared>> -> memref<10000x128xf32, #tpu.memory_space<vmem_shared>>
        tpu.wait_indirect_dma semaphore(%run_scoped3A_313 : memref<!tpu.dma_semaphore, #tpu.memory_space<semaphore_mem>>) src(%arg15 : memref<40x128xf32, #tpu.memory_space<vmem>>) dst(%dma_wait3A_325 : memref<10000x128xf32, #tpu.memory_space<vmem_shared>>)
        tpu.yield
      }) : () -> ()
      %add3A_306 = arith.constant 2 : i32
      %add3A_307 = arith.addi %add3A_250, %add3A_306 : i32
      %lt3A_308 = arith.constant 250 : i32
      %lt3A_309 = arith.cmpi slt, %add3A_307, %lt3A_308 : i32
      %convert_element_type3A_310 = arith.extui %lt3A_309 : i1 to i32
      %cond3A_311 = arith.constant 0 : i32
      %cond3A_312 = arith.cmpi ne, %convert_element_type3A_310, %cond3A_311 : i32
      scf.if %cond3A_312 {
        %add3A_313 = arith.constant 2 : i32
        %add3A_314 = arith.addi %add3A_250, %add3A_313 : i32
        %mul3A_315 = arith.constant 32 : i32
        %mul3A_316 = arith.muli %add3A_314, %mul3A_315 : i32
        %add3A_317 = arith.addi %add3A, %mul3A_316 : i32
        %mul3A_318 = arith.constant 40 : i32
        %mul3A_319 = arith.muli %add3A_317, %mul3A_318 : i32
        %dma_start3A_320 = arith.constant 1 : i32
        %dma_start3A_321 = arith.constant 0 : i32
        %dma_start3A_322 = tpu.memref_slice %arg10[%dma_start3A_320, %dma_start3A_321] : memref<2x40xi32, #tpu.memory_space<vmem>> -> memref<1x40xi32, #tpu.memory_space<vmem>>
        %dma_start3A_323 = tpu.memref_squeeze %dma_start3A_322 : memref<1x40xi32, #tpu.memory_space<vmem>> -> memref<40xi32, #tpu.memory_space<vmem>>
        %dma_start3A_324 = tpu.memref_slice %arg6[%mul3A_319] : memref<320000xi32, #tpu.memory_space<hbm>> -> memref<40xi32, #tpu.memory_space<hbm>>
        %dma_start3A_325 = arith.constant 0 : i32
        %dma_start3A_326 = tpu.memref_slice %arg10[%dma_start3A_320, %dma_start3A_325] : memref<2x40xi32, #tpu.memory_space<vmem>> -> memref<1x40xi32, #tpu.memory_space<vmem>>
        %dma_start3A_327 = tpu.memref_squeeze %dma_start3A_326 : memref<1x40xi32, #tpu.memory_space<vmem>> -> memref<40xi32, #tpu.memory_space<vmem>>
        %dma_start3A_328 = tpu.memref_slice %arg6[%mul3A_319] : memref<320000xi32, #tpu.memory_space<hbm>> -> memref<40xi32, #tpu.memory_space<hbm>>
        tpu.enqueue_dma source(%dma_start3A_328 : memref<40xi32, #tpu.memory_space<hbm>>) target(%dma_start3A_327 : memref<40xi32, #tpu.memory_space<vmem>>) target_semaphore(%arg16 : memref<!tpu.dma_semaphore, #tpu.memory_space<semaphore_mem>>)
        %dma_start3A_329 = arith.constant 1 : i32
        %dma_start3A_330 = arith.constant 0 : i32
        %dma_start3A_331 = tpu.memref_slice %arg11[%dma_start3A_329, %dma_start3A_330] : memref<2x40xi32, #tpu.memory_space<vmem>> -> memref<1x40xi32, #tpu.memory_space<vmem>>
        %dma_start3A_332 = tpu.memref_squeeze %dma_start3A_331 : memref<1x40xi32, #tpu.memory_space<vmem>> -> memref<40xi32, #tpu.memory_space<vmem>>
        %dma_start3A_333 = tpu.memref_slice %arg5[%mul3A_319] : memref<320000xi32, #tpu.memory_space<hbm>> -> memref<40xi32, #tpu.memory_space<hbm>>
        %dma_start3A_334 = arith.constant 0 : i32
        %dma_start3A_335 = tpu.memref_slice %arg11[%dma_start3A_329, %dma_start3A_334] : memref<2x40xi32, #tpu.memory_space<vmem>> -> memref<1x40xi32, #tpu.memory_space<vmem>>
        %dma_start3A_336 = tpu.memref_squeeze %dma_start3A_335 : memref<1x40xi32, #tpu.memory_space<vmem>> -> memref<40xi32, #tpu.memory_space<vmem>>
        %dma_start3A_337 = tpu.memref_slice %arg5[%mul3A_319] : memref<320000xi32, #tpu.memory_space<hbm>> -> memref<40xi32, #tpu.memory_space<hbm>>
        tpu.enqueue_dma source(%dma_start3A_337 : memref<40xi32, #tpu.memory_space<hbm>>) target(%dma_start3A_336 : memref<40xi32, #tpu.memory_space<vmem>>) target_semaphore(%arg16 : memref<!tpu.dma_semaphore, #tpu.memory_space<semaphore_mem>>)
      } else {
      }
    }
    %scan3A_113 = arith.constant 125 : i32
    %barrier3A_114 = arith.constant 0 : index
    tpu.barrier barrier_id(%barrier3A_114)
    "tpu.region"() ({
      %run_scoped3A = tpu.sem_alloc : memref<!tpu.dma_semaphore, #tpu.memory_space<semaphore_mem>>
      %dma_start3A_120 = arith.constant 0 : i32
      %dma_start3A_121 = tpu.memref_slice %arg8[%arg0, %mul3A_2, %dma_start3A_120] : memref<2x10000x128xf32, #tpu.memory_space<hbm>> -> memref<1x624x128xf32, #tpu.memory_space<hbm>>
      %dma_start3A_122 = tpu.memref_squeeze %dma_start3A_121 : memref<1x624x128xf32, #tpu.memory_space<hbm>> -> memref<624x128xf32, #tpu.memory_space<hbm>>
      %dma_start3A_123 = arith.constant 0 : i32
      %dma_start3A_124 = tpu.memref_slice %arg9[%mul3A_2, %dma_start3A_123] : memref<10000x128xf32, #tpu.memory_space<vmem_shared>> -> memref<624x128xf32, #tpu.memory_space<vmem_shared>>
      tpu.enqueue_dma source(%dma_start3A_124 : memref<624x128xf32, #tpu.memory_space<vmem_shared>>) target(%dma_start3A_122 : memref<624x128xf32, #tpu.memory_space<hbm>>) target_semaphore(%run_scoped3A : memref<!tpu.dma_semaphore, #tpu.memory_space<semaphore_mem>>)
      %dma_wait3A_125 = arith.constant 0 : i32
      %dma_wait3A_126 = tpu.memref_slice %arg8[%arg0, %mul3A_2, %dma_wait3A_125] : memref<2x10000x128xf32, #tpu.memory_space<hbm>> -> memref<1x624x128xf32, #tpu.memory_space<hbm>>
      %dma_wait3A_127 = tpu.memref_squeeze %dma_wait3A_126 : memref<1x624x128xf32, #tpu.memory_space<hbm>> -> memref<624x128xf32, #tpu.memory_space<hbm>>
      %dma_wait3A_128 = arith.constant 0 : i32
      %dma_wait3A_129 = tpu.memref_slice %arg9[%mul3A_2, %dma_wait3A_128] : memref<10000x128xf32, #tpu.memory_space<vmem_shared>> -> memref<624x128xf32, #tpu.memory_space<vmem_shared>>
      tpu.wait_dma2 semaphore(%run_scoped3A : memref<!tpu.dma_semaphore, #tpu.memory_space<semaphore_mem>>) src(%dma_wait3A_129 : memref<624x128xf32, #tpu.memory_space<vmem_shared>>) dst(%dma_wait3A_127 : memref<624x128xf32, #tpu.memory_space<hbm>>)
      tpu.yield
    }) : () -> ()
    %eq3A_115 = arith.constant 15 : i32
    %eq3A_116 = arith.cmpi eq, %arg1, %eq3A_115 : i32
    %convert_element_type3A_117 = arith.extui %eq3A_116 : i1 to i32
    %cond3A_118 = arith.constant 0 : i32
    %cond3A_119 = arith.cmpi ne, %convert_element_type3A_117, %cond3A_118 : i32
    scf.if %cond3A_119 {
      "tpu.region"() ({
        %run_scoped3A = tpu.sem_alloc : memref<!tpu.dma_semaphore, #tpu.memory_space<semaphore_mem>>
        %dma_start3A_120 = arith.constant 9984 : i32
        %dma_start3A_121 = arith.constant 0 : i32
        %dma_start3A_122 = tpu.memref_slice %arg8[%arg0, %dma_start3A_120, %dma_start3A_121] : memref<2x10000x128xf32, #tpu.memory_space<hbm>> -> memref<1x16x128xf32, #tpu.memory_space<hbm>>
        %dma_start3A_123 = tpu.memref_squeeze %dma_start3A_122 : memref<1x16x128xf32, #tpu.memory_space<hbm>> -> memref<16x128xf32, #tpu.memory_space<hbm>>
        %dma_start3A_124 = arith.constant 9984 : i32
        %dma_start3A_125 = arith.constant 0 : i32
        %dma_start3A_126 = tpu.memref_slice %arg9[%dma_start3A_124, %dma_start3A_125] : memref<10000x128xf32, #tpu.memory_space<vmem_shared>> -> memref<16x128xf32, #tpu.memory_space<vmem_shared>>
        tpu.enqueue_dma source(%dma_start3A_126 : memref<16x128xf32, #tpu.memory_space<vmem_shared>>) target(%dma_start3A_123 : memref<16x128xf32, #tpu.memory_space<hbm>>) target_semaphore(%run_scoped3A : memref<!tpu.dma_semaphore, #tpu.memory_space<semaphore_mem>>)
        %dma_wait3A_127 = arith.constant 9984 : i32
        %dma_wait3A_128 = arith.constant 0 : i32
        %dma_wait3A_129 = tpu.memref_slice %arg8[%arg0, %dma_wait3A_127, %dma_wait3A_128] : memref<2x10000x128xf32, #tpu.memory_space<hbm>> -> memref<1x16x128xf32, #tpu.memory_space<hbm>>
        %dma_wait3A_130 = tpu.memref_squeeze %dma_wait3A_129 : memref<1x16x128xf32, #tpu.memory_space<hbm>> -> memref<16x128xf32, #tpu.memory_space<hbm>>
        %dma_wait3A_131 = arith.constant 9984 : i32
        %dma_wait3A_132 = arith.constant 0 : i32
        %dma_wait3A_133 = tpu.memref_slice %arg9[%dma_wait3A_131, %dma_wait3A_132] : memref<10000x128xf32, #tpu.memory_space<vmem_shared>> -> memref<16x128xf32, #tpu.memory_space<vmem_shared>>
        tpu.wait_dma2 semaphore(%run_scoped3A : memref<!tpu.dma_semaphore, #tpu.memory_space<semaphore_mem>>) src(%dma_wait3A_133 : memref<16x128xf32, #tpu.memory_space<vmem_shared>>) dst(%dma_wait3A_130 : memref<16x128xf32, #tpu.memory_space<hbm>>)
        tpu.yield
      }) : () -> ()
    } else {
    }
    return
  }
}

module attributes {stable_mosaic.version = 14 : i64} {
  func.func @_proj_body(%arg0: i32, %arg1: memref<2000x128xf32, #tpu.memory_space<vmem>>, %arg2: memref<128x512xf32, #tpu.memory_space<vmem>>, %arg3: memref<1x512xf32, #tpu.memory_space<vmem>>, %arg4: memref<2000x128xf32, #tpu.memory_space<vmem>>, %arg5: memref<2000x128xi32, #tpu.memory_space<vmem>>, %arg6: memref<2000x128xf32, #tpu.memory_space<vmem>>) attributes {dimension_semantics = [#tpu.dimension_semantics<arbitrary>], iteration_bounds = array<i64: 5>, scalar_prefetch = 0 : i64, scratch_operands = 0 : i64, tpu.core_type = #tpu.core_type<tc>, window_params = [{transform_indices = @transform_0, window_bounds = array<i64: 2000, 128>}, {pipeline_mode = #tpu.pipeline_mode<synchronous>, transform_indices = @transform_1, window_bounds = array<i64: 128, 512>}, {pipeline_mode = #tpu.pipeline_mode<synchronous>, transform_indices = @transform_2, window_bounds = array<i64: 1, 512>}, {transform_indices = @transform_3, window_bounds = array<i64: 2000, 128>}, {transform_indices = @transform_4, window_bounds = array<i64: 2000, 128>}, {transform_indices = @transform_5, window_bounds = array<i64: 2000, 128>}]} {
    %get3A = arith.constant 0 : index
    %get3A_0 = arith.constant 0 : index
    %get3A_1 = vector.load %arg1[%get3A, %get3A_0] : memref<2000x128xf32, #tpu.memory_space<vmem>>, vector<2000x128xf32>
    %get3A_2 = arith.constant 0 : index
    %get3A_3 = arith.constant 0 : index
    %get3A_4 = vector.load %arg2[%get3A_2, %get3A_3] : memref<128x512xf32, #tpu.memory_space<vmem>>, vector<128x512xf32>
    %dot_general3A = arith.constant dense<0.000000e+00> : vector<2000x512xf32>
    %dot_general3A_5 = tpu.matmul %get3A_1, %get3A_4, %dot_general3A {dimension_numbers = #tpu.dot_dimension_numbers<[1], [0], [0], [1], [0, 0, 1, 1], [], []>, transpose_lhs_hint = false} : vector<2000x128xf32>, vector<128x512xf32>, vector<2000x512xf32> -> vector<2000x512xf32>
    %get3A_6 = arith.constant 0 : index
    %get3A_7 = arith.constant 0 : index
    %get3A_8 = vector.load %arg3[%get3A_6, %get3A_7] : memref<1x512xf32, #tpu.memory_space<vmem>>, vector<1x512xf32>
    %add3A = vector.broadcast %get3A_8 : vector<1x512xf32> to vector<2000x512xf32>
    %add3A_9 = arith.addf %dot_general3A_5, %add3A : vector<2000x512xf32>
    %slice3A = vector.extract_strided_slice %add3A_9 {offsets = [0, 0], sizes = [2000, 128], strides = [1, 1]} : vector<2000x512xf32> to vector<2000x128xf32>
    %swap3A = arith.constant 0 : index
    %swap3A_10 = arith.constant 0 : index
    %swap3A_11 = vector.load %arg4[%swap3A, %swap3A_10] : memref<2000x128xf32, #tpu.memory_space<vmem>>, vector<2000x128xf32>
    tpu.vector_store %arg4[%swap3A, %swap3A_10], %slice3A {strides = array<i32>} : memref<2000x128xf32, #tpu.memory_space<vmem>>, vector<2000x128xf32>,
    %slice3A_12 = vector.extract_strided_slice %add3A_9 {offsets = [0, 128], sizes = [2000, 128], strides = [1, 1]} : vector<2000x512xf32> to vector<2000x128xf32>
    %slice3A_13 = vector.extract_strided_slice %add3A_9 {offsets = [0, 256], sizes = [2000, 128], strides = [1, 1]} : vector<2000x512xf32> to vector<2000x128xf32>
    %convert_element_type3A = arith.truncf %slice3A_12 : vector<2000x128xf32> to vector<2000x128xbf16>
    %bitcast_convert_type3A = tpu.bitcast %convert_element_type3A : vector<2000x128xbf16> -> vector<2000x128xi16>
    %convert_element_type3A_14 = arith.extui %bitcast_convert_type3A : vector<2000x128xi16> to vector<2000x128xi32>
    %convert_element_type3A_15 = arith.truncf %slice3A_13 : vector<2000x128xf32> to vector<2000x128xbf16>
    %bitcast_convert_type3A_16 = tpu.bitcast %convert_element_type3A_15 : vector<2000x128xbf16> -> vector<2000x128xi16>
    %convert_element_type3A_17 = arith.extui %bitcast_convert_type3A_16 : vector<2000x128xi16> to vector<2000x128xi32>
    %shift_left3A = arith.constant 16 : i32
    %shift_left3A_18 = vector.broadcast %shift_left3A : i32 to vector<2000x128xi32>
    %shift_left3A_19 = arith.shli %convert_element_type3A_17, %shift_left3A_18 : vector<2000x128xi32>
    %or3A = arith.ori %convert_element_type3A_14, %shift_left3A_19 : vector<2000x128xi32>
    %bitcast_convert_type3A_20 = tpu.bitcast %or3A : vector<2000x128xi32> -> vector<2000x128xi32>
    %swap3A_21 = arith.constant 0 : index
    %swap3A_22 = arith.constant 0 : index
    %swap3A_23 = vector.load %arg5[%swap3A_21, %swap3A_22] : memref<2000x128xi32, #tpu.memory_space<vmem>>, vector<2000x128xi32>
    tpu.vector_store %arg5[%swap3A_21, %swap3A_22], %bitcast_convert_type3A_20 {strides = array<i32>} : memref<2000x128xi32, #tpu.memory_space<vmem>>, vector<2000x128xi32>,
    %slice3A_24 = vector.extract_strided_slice %add3A_9 {offsets = [0, 384], sizes = [2000, 128], strides = [1, 1]} : vector<2000x512xf32> to vector<2000x128xf32>
    %swap3A_25 = arith.constant 0 : index
    %swap3A_26 = arith.constant 0 : index
    %swap3A_27 = vector.load %arg6[%swap3A_25, %swap3A_26] : memref<2000x128xf32, #tpu.memory_space<vmem>>, vector<2000x128xf32>
    tpu.vector_store %arg6[%swap3A_25, %swap3A_26], %slice3A_24 {strides = array<i32>} : memref<2000x128xf32, #tpu.memory_space<vmem>>, vector<2000x128xf32>,
    return
  }
  func.func @transform_0(%arg0: i32) -> (i32, i32) {
    %c0_i32 = arith.constant 0 : i32
    %c0_i32_0 = arith.constant 0 : i32
    return %arg0, %c0_i32 : i32, i32
  }
  func.func @transform_1(%arg0: i32) -> (i32, i32) {
    %c0_i32 = arith.constant 0 : i32
    %c0_i32_0 = arith.constant 0 : i32
    %c0_i32_1 = arith.constant 0 : i32
    return %c0_i32, %c0_i32_0 : i32, i32
  }
  func.func @transform_2(%arg0: i32) -> (i32, i32) {
    %c0_i32 = arith.constant 0 : i32
    %c0_i32_0 = arith.constant 0 : i32
    %c0_i32_1 = arith.constant 0 : i32
    return %c0_i32, %c0_i32_0 : i32, i32
  }
  func.func @transform_3(%arg0: i32) -> (i32, i32) {
    %c0_i32 = arith.constant 0 : i32
    %c0_i32_0 = arith.constant 0 : i32
    return %arg0, %c0_i32 : i32, i32
  }
  func.func @transform_4(%arg0: i32) -> (i32, i32) {
    %c0_i32 = arith.constant 0 : i32
    %c0_i32_0 = arith.constant 0 : i32
    return %arg0, %c0_i32 : i32, i32
  }
  func.func @transform_5(%arg0: i32) -> (i32, i32) {
    %c0_i32 = arith.constant 0 : i32
    %c0_i32_0 = arith.constant 0 : i32
    return %arg0, %c0_i32 : i32, i32
  }
}

module attributes {stable_mosaic.version = 14 : i64} {
  func.func @_edge_body(%arg0: i32, %arg1: memref<16x12800xf32, #tpu.memory_space<vmem>>, %arg2: memref<16x128xf32, #tpu.memory_space<vmem>>, %arg3: memref<1x128xf32, #tpu.memory_space<vmem>>, %arg4: memref<12800x64xi32, #tpu.memory_space<vmem>>) attributes {dimension_semantics = [#tpu.dimension_semantics<arbitrary>], iteration_bounds = array<i64: 25>, scalar_prefetch = 0 : i64, scratch_operands = 0 : i64, tpu.core_type = #tpu.core_type<tc>, window_params = [{transform_indices = @transform_0, window_bounds = array<i64: 16, 12800>}, {pipeline_mode = #tpu.pipeline_mode<synchronous>, transform_indices = @transform_1, window_bounds = array<i64: 16, 128>}, {pipeline_mode = #tpu.pipeline_mode<synchronous>, transform_indices = @transform_2, window_bounds = array<i64: 1, 128>}, {transform_indices = @transform_3, window_bounds = array<i64: 12800, 64>}]} {
    %get3A = arith.constant 0 : index
    %get3A_0 = arith.constant 0 : index
    %get3A_1 = vector.load %arg1[%get3A, %get3A_0] : memref<16x12800xf32, #tpu.memory_space<vmem>>, vector<16x12800xf32>
    %get3A_2 = arith.constant 0 : index
    %get3A_3 = arith.constant 0 : index
    %get3A_4 = vector.load %arg2[%get3A_2, %get3A_3] : memref<16x128xf32, #tpu.memory_space<vmem>>, vector<16x128xf32>
    %dot_general3A = arith.constant dense<0.000000e+00> : vector<12800x128xf32>
    %dot_general3A_5 = tpu.matmul %get3A_1, %get3A_4, %dot_general3A {dimension_numbers = #tpu.dot_dimension_numbers<[0], [0], [1], [1], [0, 1, 1, 1], [], []>, transpose_lhs_hint = false} : vector<16x12800xf32>, vector<16x128xf32>, vector<12800x128xf32> -> vector<12800x128xf32>
    %get3A_6 = arith.constant 0 : index
    %get3A_7 = arith.constant 0 : index
    %get3A_8 = vector.load %arg3[%get3A_6, %get3A_7] : memref<1x128xf32, #tpu.memory_space<vmem>>, vector<1x128xf32>
    %add3A = vector.broadcast %get3A_8 : vector<1x128xf32> to vector<12800x128xf32>
    %add3A_9 = arith.addf %dot_general3A_5, %add3A : vector<12800x128xf32>
    %slice3A = vector.extract_strided_slice %add3A_9 {offsets = [0, 0], sizes = [12800, 64], strides = [1, 1]} : vector<12800x128xf32> to vector<12800x64xf32>
    %slice3A_10 = vector.extract_strided_slice %add3A_9 {offsets = [0, 64], sizes = [12800, 64], strides = [1, 1]} : vector<12800x128xf32> to vector<12800x64xf32>
    %convert_element_type3A = arith.truncf %slice3A : vector<12800x64xf32> to vector<12800x64xbf16>
    %bitcast_convert_type3A = tpu.bitcast %convert_element_type3A : vector<12800x64xbf16> -> vector<12800x64xi16>
    %convert_element_type3A_11 = arith.extui %bitcast_convert_type3A : vector<12800x64xi16> to vector<12800x64xi32>
    %convert_element_type3A_12 = arith.truncf %slice3A_10 : vector<12800x64xf32> to vector<12800x64xbf16>
    %bitcast_convert_type3A_13 = tpu.bitcast %convert_element_type3A_12 : vector<12800x64xbf16> -> vector<12800x64xi16>
    %convert_element_type3A_14 = arith.extui %bitcast_convert_type3A_13 : vector<12800x64xi16> to vector<12800x64xi32>
    %shift_left3A = arith.constant 16 : i32
    %shift_left3A_15 = vector.broadcast %shift_left3A : i32 to vector<12800x64xi32>
    %shift_left3A_16 = arith.shli %convert_element_type3A_14, %shift_left3A_15 : vector<12800x64xi32>
    %or3A = arith.ori %convert_element_type3A_11, %shift_left3A_16 : vector<12800x64xi32>
    %bitcast_convert_type3A_17 = tpu.bitcast %or3A : vector<12800x64xi32> -> vector<12800x64xi32>
    %swap3A = arith.constant 0 : index
    %swap3A_18 = arith.constant 0 : index
    %swap3A_19 = vector.load %arg4[%swap3A, %swap3A_18] : memref<12800x64xi32, #tpu.memory_space<vmem>>, vector<12800x64xi32>
    tpu.vector_store %arg4[%swap3A, %swap3A_18], %bitcast_convert_type3A_17 {strides = array<i32>} : memref<12800x64xi32, #tpu.memory_space<vmem>>, vector<12800x64xi32>,
    return
  }
  func.func @transform_0(%arg0: i32) -> (i32, i32) {
    %c0_i32 = arith.constant 0 : i32
    %c0_i32_0 = arith.constant 0 : i32
    return %c0_i32, %arg0 : i32, i32
  }
  func.func @transform_1(%arg0: i32) -> (i32, i32) {
    %c0_i32 = arith.constant 0 : i32
    %c0_i32_0 = arith.constant 0 : i32
    %c0_i32_1 = arith.constant 0 : i32
    return %c0_i32, %c0_i32_0 : i32, i32
  }
  func.func @transform_2(%arg0: i32) -> (i32, i32) {
    %c0_i32 = arith.constant 0 : i32
    %c0_i32_0 = arith.constant 0 : i32
    %c0_i32_1 = arith.constant 0 : i32
    return %c0_i32, %c0_i32_0 : i32, i32
  }
  func.func @transform_3(%arg0: i32) -> (i32, i32) {
    %c0_i32 = arith.constant 0 : i32
    %c0_i32_0 = arith.constant 0 : i32
    return %arg0, %c0_i32 : i32, i32
  }
}

module attributes {stable_mosaic.version = 14 : i64} {
  func.func @_proj_fused_body(%arg0: i32, %arg1: memref<1x2000x128xf32, #tpu.memory_space<vmem>>, %arg2: memref<1x2000x128xf32, #tpu.memory_space<vmem>>, %arg3: memref<2000x128xf32, #tpu.memory_space<vmem>>, %arg4: memref<128x512xf32, #tpu.memory_space<vmem>>, %arg5: memref<1x512xf32, #tpu.memory_space<vmem>>, %arg6: memref<2000x128xf32, #tpu.memory_space<vmem>>, %arg7: memref<2000x128xi32, #tpu.memory_space<vmem>>, %arg8: memref<2000x128xf32, #tpu.memory_space<vmem>>) attributes {dimension_semantics = [#tpu.dimension_semantics<arbitrary>], iteration_bounds = array<i64: 5>, scalar_prefetch = 0 : i64, scratch_operands = 0 : i64, tpu.core_type = #tpu.core_type<tc>, window_params = [{transform_indices = @transform_0, window_bounds = array<i64: 1, 2000, 128>}, {transform_indices = @transform_1, window_bounds = array<i64: 1, 2000, 128>}, {transform_indices = @transform_2, window_bounds = array<i64: 2000, 128>}, {pipeline_mode = #tpu.pipeline_mode<synchronous>, transform_indices = @transform_3, window_bounds = array<i64: 128, 512>}, {pipeline_mode = #tpu.pipeline_mode<synchronous>, transform_indices = @transform_4, window_bounds = array<i64: 1, 512>}, {transform_indices = @transform_5, window_bounds = array<i64: 2000, 128>}, {transform_indices = @transform_6, window_bounds = array<i64: 2000, 128>}, {transform_indices = @transform_7, window_bounds = array<i64: 2000, 128>}]} {
    %get3A = arith.constant 0 : index
    %get3A_0 = arith.constant 0 : index
    %get3A_1 = arith.constant 0 : index
    %get3A_2 = vector.load %arg1[%get3A, %get3A_0, %get3A_1] : memref<1x2000x128xf32, #tpu.memory_space<vmem>>, vector<1x2000x128xf32>
    %get3A_3 = vector.shape_cast %get3A_2 : vector<1x2000x128xf32> to vector<2000x128xf32>
    %get3A_4 = arith.constant 0 : index
    %get3A_5 = arith.constant 0 : index
    %get3A_6 = arith.constant 0 : index
    %get3A_7 = vector.load %arg2[%get3A_4, %get3A_5, %get3A_6] : memref<1x2000x128xf32, #tpu.memory_space<vmem>>, vector<1x2000x128xf32>
    %get3A_8 = vector.shape_cast %get3A_7 : vector<1x2000x128xf32> to vector<2000x128xf32>
    %add3A = arith.addf %get3A_3, %get3A_8 : vector<2000x128xf32>
    %get3A_9 = arith.constant 0 : index
    %get3A_10 = arith.constant 0 : index
    %get3A_11 = vector.load %arg3[%get3A_9, %get3A_10] : memref<2000x128xf32, #tpu.memory_space<vmem>>, vector<2000x128xf32>
    %add3A_12 = arith.addf %add3A, %get3A_11 : vector<2000x128xf32>
    %max3A = arith.constant 0.000000e+00 : f32
    %max3A_13 = vector.broadcast %max3A : f32 to vector<2000x128xf32>
    %max3A_14 = arith.maximumf %add3A_12, %max3A_13 : vector<2000x128xf32>
    %get3A_15 = arith.constant 0 : index
    %get3A_16 = arith.constant 0 : index
    %get3A_17 = vector.load %arg4[%get3A_15, %get3A_16] : memref<128x512xf32, #tpu.memory_space<vmem>>, vector<128x512xf32>
    %dot_general3A = arith.constant dense<0.000000e+00> : vector<2000x512xf32>
    %dot_general3A_18 = tpu.matmul %max3A_14, %get3A_17, %dot_general3A {dimension_numbers = #tpu.dot_dimension_numbers<[1], [0], [0], [1], [0, 0, 1, 1], [], []>, transpose_lhs_hint = false} : vector<2000x128xf32>, vector<128x512xf32>, vector<2000x512xf32> -> vector<2000x512xf32>
    %get3A_19 = arith.constant 0 : index
    %get3A_20 = arith.constant 0 : index
    %get3A_21 = vector.load %arg5[%get3A_19, %get3A_20] : memref<1x512xf32, #tpu.memory_space<vmem>>, vector<1x512xf32>
    %add3A_22 = vector.broadcast %get3A_21 : vector<1x512xf32> to vector<2000x512xf32>
    %add3A_23 = arith.addf %dot_general3A_18, %add3A_22 : vector<2000x512xf32>
    %slice3A = vector.extract_strided_slice %add3A_23 {offsets = [0, 0], sizes = [2000, 128], strides = [1, 1]} : vector<2000x512xf32> to vector<2000x128xf32>
    %swap3A = arith.constant 0 : index
    %swap3A_24 = arith.constant 0 : index
    %swap3A_25 = vector.load %arg6[%swap3A, %swap3A_24] : memref<2000x128xf32, #tpu.memory_space<vmem>>, vector<2000x128xf32>
    tpu.vector_store %arg6[%swap3A, %swap3A_24], %slice3A {strides = array<i32>} : memref<2000x128xf32, #tpu.memory_space<vmem>>, vector<2000x128xf32>,
    %slice3A_26 = vector.extract_strided_slice %add3A_23 {offsets = [0, 128], sizes = [2000, 128], strides = [1, 1]} : vector<2000x512xf32> to vector<2000x128xf32>
    %slice3A_27 = vector.extract_strided_slice %add3A_23 {offsets = [0, 256], sizes = [2000, 128], strides = [1, 1]} : vector<2000x512xf32> to vector<2000x128xf32>
    %convert_element_type3A = arith.truncf %slice3A_26 : vector<2000x128xf32> to vector<2000x128xbf16>
    %bitcast_convert_type3A = tpu.bitcast %convert_element_type3A : vector<2000x128xbf16> -> vector<2000x128xi16>
    %convert_element_type3A_28 = arith.extui %bitcast_convert_type3A : vector<2000x128xi16> to vector<2000x128xi32>
    %convert_element_type3A_29 = arith.truncf %slice3A_27 : vector<2000x128xf32> to vector<2000x128xbf16>
    %bitcast_convert_type3A_30 = tpu.bitcast %convert_element_type3A_29 : vector<2000x128xbf16> -> vector<2000x128xi16>
    %convert_element_type3A_31 = arith.extui %bitcast_convert_type3A_30 : vector<2000x128xi16> to vector<2000x128xi32>
    %shift_left3A = arith.constant 16 : i32
    %shift_left3A_32 = vector.broadcast %shift_left3A : i32 to vector<2000x128xi32>
    %shift_left3A_33 = arith.shli %convert_element_type3A_31, %shift_left3A_32 : vector<2000x128xi32>
    %or3A = arith.ori %convert_element_type3A_28, %shift_left3A_33 : vector<2000x128xi32>
    %bitcast_convert_type3A_34 = tpu.bitcast %or3A : vector<2000x128xi32> -> vector<2000x128xi32>
    %swap3A_35 = arith.constant 0 : index
    %swap3A_36 = arith.constant 0 : index
    %swap3A_37 = vector.load %arg7[%swap3A_35, %swap3A_36] : memref<2000x128xi32, #tpu.memory_space<vmem>>, vector<2000x128xi32>
    tpu.vector_store %arg7[%swap3A_35, %swap3A_36], %bitcast_convert_type3A_34 {strides = array<i32>} : memref<2000x128xi32, #tpu.memory_space<vmem>>, vector<2000x128xi32>,
    %slice3A_38 = vector.extract_strided_slice %add3A_23 {offsets = [0, 384], sizes = [2000, 128], strides = [1, 1]} : vector<2000x512xf32> to vector<2000x128xf32>
    %swap3A_39 = arith.constant 0 : index
    %swap3A_40 = arith.constant 0 : index
    %swap3A_41 = vector.load %arg8[%swap3A_39, %swap3A_40] : memref<2000x128xf32, #tpu.memory_space<vmem>>, vector<2000x128xf32>
    tpu.vector_store %arg8[%swap3A_39, %swap3A_40], %slice3A_38 {strides = array<i32>} : memref<2000x128xf32, #tpu.memory_space<vmem>>, vector<2000x128xf32>,
    return
  }
  func.func @transform_0(%arg0: i32) -> (i32, i32, i32) {
    %c0_i32 = arith.constant 0 : i32
    %c0_i32_0 = arith.constant 0 : i32
    %c0_i32_1 = arith.constant 0 : i32
    return %c0_i32, %arg0, %c0_i32_0 : i32, i32, i32
  }
  func.func @transform_1(%arg0: i32) -> (i32, i32, i32) {
    %c1_i32 = arith.constant 1 : i32
    %c0_i32 = arith.constant 0 : i32
    %c0_i32_0 = arith.constant 0 : i32
    return %c1_i32, %arg0, %c0_i32 : i32, i32, i32
  }
  func.func @transform_2(%arg0: i32) -> (i32, i32) {
    %c0_i32 = arith.constant 0 : i32
    %c0_i32_0 = arith.constant 0 : i32
    return %arg0, %c0_i32 : i32, i32
  }
  func.func @transform_3(%arg0: i32) -> (i32, i32) {
    %c0_i32 = arith.constant 0 : i32
    %c0_i32_0 = arith.constant 0 : i32
    %c0_i32_1 = arith.constant 0 : i32
    return %c0_i32, %c0_i32_0 : i32, i32
  }
  func.func @transform_4(%arg0: i32) -> (i32, i32) {
    %c0_i32 = arith.constant 0 : i32
    %c0_i32_0 = arith.constant 0 : i32
    %c0_i32_1 = arith.constant 0 : i32
    return %c0_i32, %c0_i32_0 : i32, i32
  }
  func.func @transform_5(%arg0: i32) -> (i32, i32) {
    %c0_i32 = arith.constant 0 : i32
    %c0_i32_0 = arith.constant 0 : i32
    return %arg0, %c0_i32 : i32, i32
  }
  func.func @transform_6(%arg0: i32) -> (i32, i32) {
    %c0_i32 = arith.constant 0 : i32
    %c0_i32_0 = arith.constant 0 : i32
    return %arg0, %c0_i32 : i32, i32
  }
  func.func @transform_7(%arg0: i32) -> (i32, i32) {
    %c0_i32 = arith.constant 0 : i32
    %c0_i32_0 = arith.constant 0 : i32
    return %arg0, %c0_i32 : i32, i32
  }
}

module attributes {stable_mosaic.version = 14 : i64} {
  func.func @_head_body(%arg0: i32, %arg1: memref<1x2000x128xf32, #tpu.memory_space<vmem>>, %arg2: memref<1x2000x128xf32, #tpu.memory_space<vmem>>, %arg3: memref<2000x128xf32, #tpu.memory_space<vmem>>, %arg4: memref<1x1x2000xi32, #tpu.memory_space<vmem>>, %arg5: memref<128x64xf32, #tpu.memory_space<vmem>>, %arg6: memref<1x64xf32, #tpu.memory_space<vmem>>, %arg7: memref<64x1xf32, #tpu.memory_space<vmem>>, %arg8: memref<1x1xf32, #tpu.memory_space<vmem>>, %arg9: memref<128x1xf32, #tpu.memory_space<vmem>>, %arg10: memref<128x128xf32, #tpu.memory_space<vmem>>) attributes {dimension_semantics = [#tpu.dimension_semantics<arbitrary>], iteration_bounds = array<i64: 5>, scalar_prefetch = 0 : i64, scratch_operands = 1 : i64, tpu.core_type = #tpu.core_type<tc>, window_params = [{transform_indices = @transform_0, window_bounds = array<i64: 1, 2000, 128>}, {transform_indices = @transform_1, window_bounds = array<i64: 1, 2000, 128>}, {transform_indices = @transform_2, window_bounds = array<i64: 2000, 128>}, {transform_indices = @transform_3, window_bounds = array<i64: 1, 1, 2000>}, {pipeline_mode = #tpu.pipeline_mode<synchronous>, transform_indices = @transform_4, window_bounds = array<i64: 128, 64>}, {pipeline_mode = #tpu.pipeline_mode<synchronous>, transform_indices = @transform_5, window_bounds = array<i64: 1, 64>}, {pipeline_mode = #tpu.pipeline_mode<synchronous>, transform_indices = @transform_6, window_bounds = array<i64: 64, 1>}, {pipeline_mode = #tpu.pipeline_mode<synchronous>, transform_indices = @transform_7, window_bounds = array<i64: 1, 1>}, {pipeline_mode = #tpu.pipeline_mode<synchronous>, transform_indices = @transform_8, window_bounds = array<i64: 128, 1>}]} {
    %eq3A = arith.constant 0 : i32
    %eq3A_0 = arith.cmpi eq, %arg0, %eq3A : i32
    %convert_element_type3A = arith.extui %eq3A_0 : i1 to i32
    %cond3A = arith.constant 0 : i32
    %cond3A_1 = arith.cmpi ne, %convert_element_type3A, %cond3A : i32
    scf.if %cond3A_1 {
      %broadcast_in_dim3A_36 = arith.constant 0.000000e+00 : f32
      %broadcast_in_dim3A_37 = vector.broadcast %broadcast_in_dim3A_36 : f32 to vector<128x128xf32>
      %swap3A_38 = arith.constant 0 : index
      %swap3A_39 = arith.constant 0 : index
      %swap3A_40 = vector.load %arg10[%swap3A_38, %swap3A_39] : memref<128x128xf32, #tpu.memory_space<vmem>>, vector<128x128xf32>
      tpu.vector_store %arg10[%swap3A_38, %swap3A_39], %broadcast_in_dim3A_37 {strides = array<i32>} : memref<128x128xf32, #tpu.memory_space<vmem>>, vector<128x128xf32>,
    } else {
    }
    %get3A = arith.constant 0 : index
    %get3A_2 = arith.constant 0 : index
    %get3A_3 = arith.constant 0 : index
    %get3A_4 = vector.load %arg1[%get3A, %get3A_2, %get3A_3] : memref<1x2000x128xf32, #tpu.memory_space<vmem>>, vector<1x2000x128xf32>
    %get3A_5 = vector.shape_cast %get3A_4 : vector<1x2000x128xf32> to vector<2000x128xf32>
    %get3A_6 = arith.constant 0 : index
    %get3A_7 = arith.constant 0 : index
    %get3A_8 = arith.constant 0 : index
    %get3A_9 = vector.load %arg2[%get3A_6, %get3A_7, %get3A_8] : memref<1x2000x128xf32, #tpu.memory_space<vmem>>, vector<1x2000x128xf32>
    %get3A_10 = vector.shape_cast %get3A_9 : vector<1x2000x128xf32> to vector<2000x128xf32>
    %add3A = arith.addf %get3A_5, %get3A_10 : vector<2000x128xf32>
    %get3A_11 = arith.constant 0 : index
    %get3A_12 = arith.constant 0 : index
    %get3A_13 = vector.load %arg3[%get3A_11, %get3A_12] : memref<2000x128xf32, #tpu.memory_space<vmem>>, vector<2000x128xf32>
    %add3A_14 = arith.addf %add3A, %get3A_13 : vector<2000x128xf32>
    %get3A_15 = arith.constant 0 : index
    %get3A_16 = arith.constant 0 : index
    %get3A_17 = arith.constant 0 : index
    %get3A_18 = vector.load %arg4[%get3A_15, %get3A_16, %get3A_17] : memref<1x1x2000xi32, #tpu.memory_space<vmem>>, vector<1x1x2000xi32>
    %get3A_19 = vector.shape_cast %get3A_18 : vector<1x1x2000xi32> to vector<2000xi32>
    %iota3A = tpu.iota {dimensions = array<i32: 0>} : vector<128x2000xi32>
    %broadcast_in_dim3A = vector.shape_cast %get3A_19 : vector<2000xi32> to vector<1x2000xi32>
    %eq3A_20 = vector.broadcast %broadcast_in_dim3A : vector<1x2000xi32> to vector<128x2000xi32>
    %eq3A_21 = arith.cmpi eq, %eq3A_20, %iota3A : vector<128x2000xi32>
    %convert_element_type3A_22 = arith.extui %eq3A_21 : vector<128x2000xi1> to vector<128x2000xi32>
    %convert_element_type3A_23 = arith.sitofp %convert_element_type3A_22 : vector<128x2000xi32> to vector<128x2000xf32>
    %get3A_24 = arith.constant 0 : index
    %get3A_25 = arith.constant 0 : index
    %get3A_26 = vector.load %arg10[%get3A_24, %get3A_25] : memref<128x128xf32, #tpu.memory_space<vmem>>, vector<128x128xf32>
    %dot_general3A = arith.constant dense<0.000000e+00> : vector<128x128xf32>
    %dot_general3A_27 = tpu.matmul %convert_element_type3A_23, %add3A_14, %dot_general3A {dimension_numbers = #tpu.dot_dimension_numbers<[1], [0], [0], [1], [0, 0, 1, 1], [], []>, transpose_lhs_hint = false} : vector<128x2000xf32>, vector<2000x128xf32>, vector<128x128xf32> -> vector<128x128xf32>
    %add3A_28 = arith.addf %get3A_26, %dot_general3A_27 : vector<128x128xf32>
    %swap3A = arith.constant 0 : index
    %swap3A_29 = arith.constant 0 : index
    %swap3A_30 = vector.load %arg10[%swap3A, %swap3A_29] : memref<128x128xf32, #tpu.memory_space<vmem>>, vector<128x128xf32>
    tpu.vector_store %arg10[%swap3A, %swap3A_29], %add3A_28 {strides = array<i32>} : memref<128x128xf32, #tpu.memory_space<vmem>>, vector<128x128xf32>,
    %eq3A_31 = arith.constant 4 : i32
    %eq3A_32 = arith.cmpi eq, %arg0, %eq3A_31 : i32
    %convert_element_type3A_33 = arith.extui %eq3A_32 : i1 to i32
    %cond3A_34 = arith.constant 0 : i32
    %cond3A_35 = arith.cmpi ne, %convert_element_type3A_33, %cond3A_34 : i32
    scf.if %cond3A_35 {
      %get3A_36 = arith.constant 0 : index
      %get3A_37 = arith.constant 0 : index
      %get3A_38 = vector.load %arg10[%get3A_36, %get3A_37] : memref<128x128xf32, #tpu.memory_space<vmem>>, vector<128x128xf32>
      %get3A_39 = arith.constant 0 : index
      %get3A_40 = arith.constant 0 : index
      %get3A_41 = vector.load %arg5[%get3A_39, %get3A_40] : memref<128x64xf32, #tpu.memory_space<vmem>>, vector<128x64xf32>
      %dot_general3A_42 = arith.constant dense<0.000000e+00> : vector<128x64xf32>
      %dot_general3A_43 = tpu.matmul %get3A_38, %get3A_41, %dot_general3A_42 {dimension_numbers = #tpu.dot_dimension_numbers<[1], [0], [0], [1], [0, 0, 1, 1], [], []>, transpose_lhs_hint = false} : vector<128x128xf32>, vector<128x64xf32>, vector<128x64xf32> -> vector<128x64xf32>
      %get3A_44 = arith.constant 0 : index
      %get3A_45 = arith.constant 0 : index
      %get3A_46 = vector.load %arg6[%get3A_44, %get3A_45] : memref<1x64xf32, #tpu.memory_space<vmem>>, vector<1x64xf32>
      %add3A_47 = vector.broadcast %get3A_46 : vector<1x64xf32> to vector<128x64xf32>
      %add3A_48 = arith.addf %dot_general3A_43, %add3A_47 : vector<128x64xf32>
      %max3A = arith.constant 0.000000e+00 : f32
      %max3A_49 = vector.broadcast %max3A : f32 to vector<128x64xf32>
      %max3A_50 = arith.maximumf %add3A_48, %max3A_49 : vector<128x64xf32>
      %get3A_51 = arith.constant 0 : index
      %get3A_52 = arith.constant 0 : index
      %get3A_53 = vector.load %arg7[%get3A_51, %get3A_52] : memref<64x1xf32, #tpu.memory_space<vmem>>, vector<64x1xf32>
      %dot_general3A_54 = arith.constant dense<0.000000e+00> : vector<128x1xf32>
      %dot_general3A_55 = tpu.matmul %max3A_50, %get3A_53, %dot_general3A_54 {dimension_numbers = #tpu.dot_dimension_numbers<[1], [0], [0], [1], [0, 0, 1, 1], [], []>, transpose_lhs_hint = false} : vector<128x64xf32>, vector<64x1xf32>, vector<128x1xf32> -> vector<128x1xf32>
      %get3A_56 = arith.constant 0 : index
      %get3A_57 = arith.constant 0 : index
      %get3A_58 = vector.load %arg8[%get3A_56, %get3A_57] : memref<1x1xf32, #tpu.memory_space<vmem>>, vector<1x1xf32>
      %add3A_59 = vector.broadcast %get3A_58 : vector<1x1xf32> to vector<128x1xf32>
      %add3A_60 = arith.addf %dot_general3A_55, %add3A_59 : vector<128x1xf32>
      %logistic3A = arith.negf %add3A_60 : vector<128x1xf32>
      %logistic3A_61 = math.exp %logistic3A : vector<128x1xf32>
      %logistic3A_62 = arith.constant 1.000000e+00 : f32
      %logistic3A_63 = vector.broadcast %logistic3A_62 : f32 to vector<128x1xf32>
      %logistic3A_64 = arith.addf %logistic3A_63, %logistic3A_61 : vector<128x1xf32>
      %logistic3A_65 = arith.divf %logistic3A_63, %logistic3A_64 : vector<128x1xf32>
      %swap3A_66 = arith.constant 0 : index
      %swap3A_67 = arith.constant 0 : index
      %swap3A_68 = vector.load %arg9[%swap3A_66, %swap3A_67] : memref<128x1xf32, #tpu.memory_space<vmem>>, vector<128x1xf32>
      tpu.vector_store %arg9[%swap3A_66, %swap3A_67], %logistic3A_65 {strides = array<i32>} : memref<128x1xf32, #tpu.memory_space<vmem>>, vector<128x1xf32>,
    } else {
    }
    return
  }
  func.func @transform_0(%arg0: i32) -> (i32, i32, i32) {
    %c0_i32 = arith.constant 0 : i32
    %c0_i32_0 = arith.constant 0 : i32
    %c0_i32_1 = arith.constant 0 : i32
    return %c0_i32, %arg0, %c0_i32_0 : i32, i32, i32
  }
  func.func @transform_1(%arg0: i32) -> (i32, i32, i32) {
    %c1_i32 = arith.constant 1 : i32
    %c0_i32 = arith.constant 0 : i32
    %c0_i32_0 = arith.constant 0 : i32
    return %c1_i32, %arg0, %c0_i32 : i32, i32, i32
  }
  func.func @transform_2(%arg0: i32) -> (i32, i32) {
    %c0_i32 = arith.constant 0 : i32
    %c0_i32_0 = arith.constant 0 : i32
    return %arg0, %c0_i32 : i32, i32
  }
  func.func @transform_3(%arg0: i32) -> (i32, i32, i32) {
    %c0_i32 = arith.constant 0 : i32
    %c0_i32_0 = arith.constant 0 : i32
    %c0_i32_1 = arith.constant 0 : i32
    return %arg0, %c0_i32, %c0_i32_0 : i32, i32, i32
  }
  func.func @transform_4(%arg0: i32) -> (i32, i32) {
    %c0_i32 = arith.constant 0 : i32
    %c0_i32_0 = arith.constant 0 : i32
    %c0_i32_1 = arith.constant 0 : i32
    return %c0_i32, %c0_i32_0 : i32, i32
  }
  func.func @transform_5(%arg0: i32) -> (i32, i32) {
    %c0_i32 = arith.constant 0 : i32
    %c0_i32_0 = arith.constant 0 : i32
    %c0_i32_1 = arith.constant 0 : i32
    return %c0_i32, %c0_i32_0 : i32, i32
  }
  func.func @transform_6(%arg0: i32) -> (i32, i32) {
    %c0_i32 = arith.constant 0 : i32
    %c0_i32_0 = arith.constant 0 : i32
    %c0_i32_1 = arith.constant 0 : i32
    return %c0_i32, %c0_i32_0 : i32, i32
  }
  func.func @transform_7(%arg0: i32) -> (i32, i32) {
    %c0_i32 = arith.constant 0 : i32
    %c0_i32_0 = arith.constant 0 : i32
    %c0_i32_1 = arith.constant 0 : i32
    return %c0_i32, %c0_i32_0 : i32, i32
  }
  func.func @transform_8(%arg0: i32) -> (i32, i32) {
    %c0_i32 = arith.constant 0 : i32
    %c0_i32_0 = arith.constant 0 : i32
    %c0_i32_1 = arith.constant 0 : i32
    return %c0_i32, %c0_i32_0 : i32, i32
  }
}

</mosaic_0001>

<sc_bundles>
// kernel: kernel.12.cloned.1.call-start
scs
__scs_entry_jumppad:
0x0: {  	(pc) =	sbr.rel $0x88, $3  }
0x1: {  	(tag) =	ssettag $0x0;
	lr =	simm.s32 $0x1  }
0x2: {  	[smem:$0x3F7B] =	sst lr;
	_ =	strace $0xD0000000  }
0x3: {  	_ = 	snop  }
0x4: {  	_ = 	snop  }
0x5: {  	_ = 	snop  }
0x6: {  	_ = 	snop  }
0x7: {  	_ = 	snop  }
__scs_overlays_trampoline_lowered:
0x8: {  	[smem:$0x3F8A] =	sst s0  }
0x9: {  	[smem:$0x3F8B] =	sst s1  }
0xa: {  	[smem:$0x3F8C] =	sst s2  }
0xb: {  	[smem:$0x3F8D] =	sst s3  }
0xc: {  	[smem:$0x3F8E] =	sst s4  }
0xd: {  	[smem:$0x3F8F] =	sst s5  }
0xe: {  	[smem:$0x3F90] =	sst s6  }
0xf: {  	[smem:$0x3F91] =	sst s7  }
0x10: {  	[smem:$0x3F92] =	sst s8  }
0x11: {  	[smem:$0x3F93] =	sst s9;
	s0 =	simm.s32 @!p0 $0x0  }
0x12: {  	s1 =	sld [smem:$0x3F79];
	s0 =	simm.s32 @p0 $0x1  }
0x13: {  	[smem:$0x3F94] =	sst s0;
	s0 =	simm.s32 @!p1 $0x0  }
0x14: {  	s2 =	sld [smem:$0x3F78];
	s0 =	simm.s32 @p1 $0x1  }
0x15: {  	[smem:$0x3F95] =	sst s0;
	s0 =	simm.s32 @!p2 $0x0  }
0x16: {  	s3 =	sld [smem:$0x3FDB];
	s0 =	simm.s32 @p2 $0x1  }
0x17: {  	s4 =	simm.s32 $0x1BF5;
	[smem:$0x3F97] =	sst s0  }
0x18: {  	s0 =	sld [smem:$0x3F7A];
	_ =	swait.ge [sflag:s4], $0x0  }
0x19: {  	s7 =	sld [smem:$0x3F7B]  }
0x1a: {  	s8 =	sadd.s32 $0xFFFFE003, lr  }
0x1b: {  	s9 =	sadd.s32 $0xFFFFFEF7, lr;
	s5 =	simm.s32 $0xFFFFFFFF;
	p2 =	slt.u32 s8, $0xFFFFF086  }
0x1c: {  	p1 =	slt.u32 s9, $0xF7A;
	s5 =	simm.s32 @!p2 $0x0  }
0x1d: {  	s5 =	simm.s32 @p1 $0x1;
	p0 =	seq.s32 s7, s2  }
0x1e: {  	s7 =	smul.u32 @!p0 $0xF7A, s2;
	p2 =	seq.s32 @!p0 s5, $0x0  }
0x1f: {  	s9 =	smul.u32 $0xF7A, s1;
	s8 =	simm.s32 @!p0 $0x1BF5;
	p2 =	por !p2, p0  }
0x20: {  	[sflag:s8] =	ssyncset.s32 @!p0 $0xFFFFF086;
	s6 =	sadd.s32 @!p0 s3, s7;
	s7 =	simm.s32 @!p0 $0x108  }
0x21: {  	s3 =	sadd.s32 s3, s9;
	s6 =	sadd.s32 @!p0 $0x88, s6;
	s7 =	simm.s32 @p2 $0x1082  }
0x22: {  	[simem:s7], [sflag:s8] =	dma.local @!p0 [hbm:s6], $0xF7A  }
0x23: {  	s9 =	sor.u32 $0xD0000000, s2;
	s6 =	simm.s32 $0x108;
	_ =	swait.ge @!p0 [sflag:s8], $0x0  }
0x24: {  	s3 =	sadd.s32 $0x88, s3;
	s6 =	simm.s32 @!p1 $0x1082;
	[sflag:s4] =	ssyncset.s32 $0xFFFFF086  }
0x25: {  	[simem:s6], [sflag:s4] =	dma.local [hbm:s3], $0xF7A  }
0x26: {  	[smem:$0x3F7B] =	sst s1;
	(tag) =	ssettag s2;
	_ =	strace s9  }
0x27: {  	s1 =	sld [smem:$0x3F8B]  }
0x28: {  	s2 =	sld [smem:$0x3F8C]  }
0x29: {  	s4 =	sld [smem:$0x3F8E]  }
0x2a: {  	p0 =	seq.s32 s5, $0x0;
	s5 =	sld [smem:$0x3F8F]  }
0x2b: {  	s6 =	sld [smem:$0x3F90]  }
0x2c: {  	s7 =	sld [smem:$0x3F91]  }
0x2d: {  	s3 =	simm.s32 $0x108;
	s8 =	sld [smem:$0x3F92]  }
0x2e: {  	s3 =	simm.s32 @!p0 $0x1082;
	s9 =	sld [smem:$0x3F93]  }
0x2f: {  	lr =	sadd.s32 s0, s3;
	s0 =	sld [smem:$0x3F8A]  }
0x30: {  	s3 =	sld [smem:$0x3F8D]  }
0x31: {  	[smem:$0x3F96] =	sst s10  }
0x32: {  	s10 =	sld [smem:$0x3F94];
	_ =	sdelay $0x3  }
0x33: {  	p0 =	seq.s32 s10, $0x1;
	s10 =	sld [smem:$0x3F96];
	_ =	sdelay $0x3  }
0x34: {  	[smem:$0x3F96] =	sst s10  }
0x35: {  	s10 =	sld [smem:$0x3F95];
	_ =	sdelay $0x3  }
0x36: {  	p1 =	seq.s32 s10, $0x1;
	s10 =	sld [smem:$0x3F96];
	_ =	sdelay $0x3  }
0x37: {  	[smem:$0x3F96] =	sst s10  }
0x38: {  	s10 =	sld [smem:$0x3F97]  }
0x39: {  	_ = 	snop;
	(pc) =	sbr.ind lr, $3  }
0x3a: {  	_ = 	snop  }
0x3b: {  	_ = 	snop  }
0x3c: {  	p2 =	seq.s32 s10, $0x1;
	s10 =	sld [smem:$0x3F96]  }
0x3d: {  	_ =	shalt  }
0x3e: {  	_ =	shalt  }
0x3f: {  	_ =	shalt  }
0x40: {  	_ =	shalt  }
0x41: {  	_ =	shalt  }
0x42: {  	_ =	shalt  }
0x43: {  	_ =	shalt  }
0x44: {  	_ =	shalt  }
0x45: {  	_ =	shalt  }
0x46: {  	_ =	shalt  }
0x47: {  	_ =	shalt  }
0x48: {  	_ =	shalt  }
0x49: {  	_ =	shalt  }
0x4a: {  	_ =	shalt  }
0x4b: {  	_ =	shalt  }
0x4c: {  	_ =	shalt  }
0x4d: {  	_ =	shalt  }
0x4e: {  	_ =	shalt  }
0x4f: {  	_ =	shalt  }
0x50: {  	_ =	shalt  }
0x51: {  	_ =	shalt  }
0x52: {  	_ =	shalt  }
0x53: {  	_ =	shalt  }
0x54: {  	_ =	shalt  }
0x55: {  	_ =	shalt  }
0x56: {  	_ =	shalt  }
0x57: {  	_ =	shalt  }
0x58: {  	_ =	shalt  }
0x59: {  	_ =	shalt  }
0x5a: {  	_ =	shalt  }
0x5b: {  	_ =	shalt  }
0x5c: {  	_ =	shalt  }
0x5d: {  	_ =	shalt  }
0x5e: {  	_ =	shalt  }
0x5f: {  	_ =	shalt  }
0x60: {  	_ =	shalt  }
0x61: {  	_ =	shalt  }
0x62: {  	_ =	shalt  }
0x63: {  	_ =	shalt  }
0x64: {  	_ =	shalt  }
0x65: {  	_ =	shalt  }
0x66: {  	_ =	shalt  }
0x67: {  	_ =	shalt  }
0x68: {  	_ =	shalt  }
0x69: {  	_ =	shalt  }
0x6a: {  	_ =	shalt  }
0x6b: {  	_ =	shalt  }
0x6c: {  	_ =	shalt  }
0x6d: {  	_ =	shalt  }
0x6e: {  	_ =	shalt  }
0x6f: {  	_ =	shalt  }
0x70: {  	_ =	shalt  }
0x71: {  	_ =	shalt  }
0x72: {  	_ =	shalt  }
0x73: {  	_ =	shalt  }
0x74: {  	_ =	shalt  }
0x75: {  	_ =	shalt  }
0x76: {  	_ =	shalt  }
0x77: {  	_ =	shalt  }
0x78: {  	_ =	shalt  }
0x79: {  	_ =	shalt  }
0x7a: {  	_ =	shalt  }
0x7b: {  	_ =	shalt  }
0x7c: {  	_ =	shalt  }
0x7d: {  	_ =	shalt  }
0x7e: {  	_ =	shalt  }
0x7f: {  	_ =	shalt  }
0x80: {  	_ =	shalt  }
0x81: {  	_ =	shalt  }
0x82: {  	_ =	shalt  }
0x83: {  	_ =	shalt  }
0x84: {  	_ =	shalt  }
0x85: {  	_ =	shalt  }
0x86: {  	_ =	shalt  }
0x87: {  	_ =	shalt  }
.Lfunc_end0:
.L_simem_size_0:
called_computation_lowered:
.L_overlay_start_0:
0x88: {  	s2 =	sld [smem:$0x3FD9]  }
0x89: {  	s3 =	sld [smem:$0x3FFE];
	_ =	sdelay $0x1  }
0x8a: {  	s1 =	srdreg.scid  }
0x8b: {  	s0 =	sand.u32 $0x1, s1  }
0x8c: {  	s16 =	sshll.u32 s0, $0xA;
	s2 =	sadd.s32 s3, s2  }
0x8d: {  	s2 =	sadd.s32 s2, s16  }
0x8e: {  	[smem:$0x3FA2] =	sst s2  }
0x8f: {  	_ = 	snop  }
0x90: {  	(tm) =	ssettm $0x1  }
0x91: {  	s17 =	sld [smem:$0x3FFB];
	_ =	sdelay $0x3  }
0x92: {  	_ =	strace s17  }
0x93: {  	s2 =	sld [smem:$0x3FFC];
	_ =	sdelay $0x3  }
0x94: {  	_ =	strace s2  }
0x95: {  	s2 =	sld [smem:$0x3FFD];
	_ =	sdelay $0x3  }
0x96: {  	_ =	strace s2  }
0x97: {  	_ =	strace $0x8FFFFFFF  }
0x98: {  	s18 =	sld [smem:$0x3FDB];
	_ =	sdelay $0x1  }
0x99: {  	s19 =	simm.s32 $_scs_section_size  }
0x9a: {  	s4 =	simm.s32 $_size__tile_overlayer_lowered;
	s5 =	simm.s32 $_tile_overlayer_lowered  }
0x9b: {  	s22 =	simm.s32 $0x1BFF;
	s21 =	sshll.u32 s5, $0x1;
	s2 =	sadd.s32 s19, s18  }
0x9c: {  	s6 =	simm.s32 $0x0;
	s20 =	sshll.u32 s4, $0x1;
	s4 =	sadd.s32 s21, s2  }
0x9d: {  	[timem:s6], [sflag:s22] =	dma.local [hbm:s4], s20  }
0x9e: {  	_ =	swait.ge [sflag:s22], s20  }
0x9f: {  	s3 =	ssub.s32 $0x0, s20;
	[sflag:s22] =	ssyncset.done $0x0  }
0xa0: {  	[sflag:s22] =	ssyncadd.s32 s3;
	_ =	sdelay $0x1  }
0xa1: {  	s23 =	simm.s32 $0x1B8B  }
0xa2: {  	_ =	swait.ge [sflag:s23], $0x1  }
0xa3: {  	[sflag:s23] =	ssyncset.done $0x0  }
0xa4: {  	s25 =	simm.s32 $0x1B8E;
	s24 =	sld [smem:$0x3FFE];
	[sflag:s23] =	ssyncadd.s32 $0xFFFFFFFF  }
0xa5: {  	s26 =	simm.s32 $execute0_lowered;
	[smem:$0x3FD2] =	sst s25  }
0xa6: {  	s4 =	sshll.u32 s26, $0x1;
	_ =	strace $0x80000046;
	[dreg:$0x1] =	wrdreg $0xFFFFFFFF  }
0xa7: {  	s28 =	simm.s32 $_size_execute0_lowered;
	s2 =	sadd.s32 s2, s4;
	[dreg:$0x0] =	wrdreg $0x0  }
0xa8: {  	s4 =	sshll.u32 s28, $0x1;
	[dreg:$0x2] =	wrdreg s2  }
0xa9: {  	[dreg:$0x3] =	wrdreg s4  }
0xaa: {  	[dreg:$0x4] =	wrdreg $0xC0  }
0xab: {  	_ =	task [dreg:s6], $0x5FFFF  }
0xac: {  	[dreg:$0x1] =	wrdreg $0xFFFFFFFF  }
0xad: {  	[dreg:$0x0] =	wrdreg $0x60  }
0xae: {  	[dreg:$0x2] =	wrdreg s24  }
0xaf: {  	[dreg:$0x3] =	wrdreg $0x0  }
0xb0: {  	[dreg:$0x4] =	wrdreg $0x9  }
0xb1: {  	_ =	task.clear_ibuf [dreg:s6], $0x5FFFF;
	_ =	strace $0x90000046  }
0xb2: {  	s29 =	simm.s32 $0x9;
	_ =	strace $0x80000048  }
0xb3: {  	_ =	swait.ge [sflag:s29], $0x1  }
0xb4: {  	[sflag:s29] =	ssyncadd.s32 $0xFFFFFFFF  }
0xb5: {  	_ =	strace $0x90000048  }
0xb6: {  	_ =	sfence  }
0xb7: {  	s30 =	sld [smem:$0x0];
	_ =	sdelay $0x2  }
0xb8: {  	s31 =	sshll.u32 s1, $0xD;
	s1 =	sshrl.u32 s1, $0x2  }
0xb9: {  	s3 =	sand.u32 $0x4000, s31;
	s1 =	sadd.s32 s1, s30  }
0xba: {  	s0 =	sor.u32 s3, s0;
	s1 =	sshll.u32 s1, $0x11  }
0xbb: {  	s0 =	sor.u32 s1, s0  }
0xbc: {  	s0 =	sadd.s32 $0x8F2B, s0  }
0xbd: {  	[sflag:s0] =	ssyncadd.remote.s32 $0x1  }
0xbe: {  	_ =	sfence.sel $0xFFFF  }
0xbf: {  	[dreg:$0x0] =	wrdreg $0xFFFFFFFF;
	(pc) =	sbr.abs _section_cstart, $3  }
0xc0: {  	[dreg:$0x1] =	wrdreg $0xFFFFFFFF  }
0xc1: {  	_ =	task.clear_ibuf [dreg:s6], $0x2FFFF;
	_ =	strace $0x9FFFFFFF  }
0xc2: {  	(tm) =	ssettm $0x7FFFFFFF  }
0xc3: {  	_ =	shalt  }
tec
execute0_lowered:
.L_overlay_start_1:
0x0: {  	(tag) =	ssettag $0x1  }
0x1: {  	s0 =	rddreg [dreg:$0x0]  }
0x2: {  	s2 =	rddreg [dreg:$0x1];
	s3 =	simm.s32 $0x0  }
0x3: {  	s17 =	stileid.u32;
	s10 =	srdreg.scid;
	s28 =	simm.s32 $0x13880  }
0x4: {  	s30 =	simm.s32 $0x13900;
	s31 =	simm.s32 $0x13A00;
	[smem:$0x7FF] =	sst s3  }
0x5: {  	s4 =	sadd.s32 $0x1AA00, s0;
	s1 =	smul.u32 $0x13800, s17;
	s5 =	sadd.s32 $0x41C00, s0  }
0x6: {  	s6 =	sadd.s32 $0x90000, s0;
	s7 =	sadd.s32 $0x10C00, s0;
	s8 =	sadd.s32 $0x6E00, s0  }
0x7: {  	s10 =	sand.u32 $0x1, s10;
	s12 =	smul.u32 $0x4E000, s17;
	s13 =	sadd.s32 $0x599200, s0  }
0x8: {  	s25 =	sshll.u32 s17, $0x1;
	s29 =	sshll.u32 s17, $0x6;
	s19 =	sadd.s32 $0x599000, s0  }
0x9: {  	p0 =	sne.s32 s17, $0xF;
	_ =	strace $0x80000047;
	s14 =	ssub.s32 $0x2, s10  }
0xa: {  	s18 =	sor.u32 $0x1C03, s29;
	[dreg:$0x7] =	wrdreg s19;
	s9 =	sshrl.u32 s1, $0x3  }
0xb: {  	s15 =	sshrl.u32 s14, $0x1;
	s12 =	sshrl.u32 s12, $0x2;
	[dreg:$0x5] =	wrdreg s18  }
0xc: {  	s11 =	sadd.s32 s9, s0;
	s9 =	sor.u32 s10, s25;
	s10 =	smul.u32 $0x138800, s10  }
0xd: {  	s14 =	ssub.s32 s14, s15;
	s12 =	sadd.s32 s12, s2;
	s26 =	smul.u32 $0x5, s9  }
0xe: {  	s15 =	simm.s32 $0x1B280;
	[dreg:$0x3] =	wrdreg s12;
	s16 =	smul.u32 $0x28, s9  }
0xf: {  	s11 =	sadd.s32 $0x572000, s11;
	s12 =	sadd.s32 $0x138000, s2;
	s23 =	smul.u32 $0x280, s9  }
0x10: {  	s29 =	smax.u32 s14, $0x1;
	s14 =	simm.s32 $0x2;
	[dreg:$0x4] =	wrdreg s11  }
0x11: {  	[dreg:$0x6] =	wrdreg s12;
	s1 =	sadd.s32 s1, s10;
	s10 =	sshrl.u32 s10, $0x3  }
0x12: {  	[dreg:$0xf] =	wrdreg s29;
	s20 =	sadd.s32 s8, s26;
	s21 =	sshrl.u32 s16, $0x3  }
0x13: {  	s22 =	sadd.s32 s7, s26;
	s25 =	sadd.s32 s6, s23;
	s1 =	sshrl.u32 s1, $0x3  }
0x14: {  	s26 =	sadd.s32 s13, s10;
	s10 =	simm.s32 $0x14E80;
	[dreg:$0x8] =	wrdreg s20  }
0x15: {  	s16 =	simm.s32 $0x0;
	[dreg:$0x9] =	wrdreg s22;
	s11 =	sadd.s32 $0xA0, s21  }
0x16: {  	[dreg:$0xc] =	wrdreg s25;
	s20 =	sor.u32 $0x40, s9;
	s1 =	sadd.s32 s13, s1  }
.Ltmp0:
0x17: {  	s22 =	sor.u32 $0x60, s9;
	s25 =	sadd.s32 $0x95000, s0;
	(pc) =	sbr.rel .LBB2_1-.Ltmp0, $4  }
0x18: {  	s0 =	simm.s32 $0x1;
	s24 =	sadd.s32 s8, s11;
	[dreg:$0xd] =	wrdreg s1  }
0x19: {  	s13 =	simm.s32 $0x19E80;
	s11 =	sadd.s32 s7, s11;
	[dreg:$0xa] =	wrdreg s24  }
0x1a: {  	s1 =	sadd.s32 $0x27000, s26;
	s26 =	simm.s32 $0x3;
	[dreg:$0xb] =	wrdreg s11  }
0x1b: {  	[dreg:$0xe] =	wrdreg s1;
	s1 =	simm.s32 $0x28;
	s11 =	simm.s32 $0x17680  }
.LBB2_8:
0x1c: {  	[bflag:$0x0] =	sbarrier.arrive $0xFFFF  }
0x1d: {  	s18 =	rddreg [dreg:$0x5]  }
0x1e: {  	s12 =	rddreg [dreg:$0xd]  }
0x1f: {  	s17 =	rddreg [dreg:$0x10]  }
0x20: {  	[hbm:s12], [sflag:s18] =	dma.local [spmem:s17], $0x2700  }
0x21: {  	_ =	swait.ge [sflag:s26], $0x2700  }
0x22: {  	[sflag:s26] =	ssyncset.done $0x0;
	s12 =	rddreg [dreg:$0xe]  }
0x23: {  	s17 =	rddreg [dreg:$0x11];
	[sflag:s26] =	ssyncadd.s32 $0xFFFFD900  }
0x24: {  	[hbm:s12], [sflag:s18] =	dma.local @!p0 [spmem:s17], $0x100  }
0x25: {  	s12 =	simm.s32 @!p0 $0x3  }
0x26: {  	_ =	swait.ge @!p0 [sflag:s12], $0x100  }
0x27: {  	s16 =	sadd.s32 $0x1, s16;
	s29 =	rddreg [dreg:$0xf]  }
0x28: {  	p1 =	sne.s32 s16, s29  }
.Ltmp1:
0x29: {  	_ = 	snop;
	(pc) =	sbr.rel @!p1 .LBB2_9-.Ltmp1, $3  }
0x2a: {  	_ =	sdelay $0x1  }
0x2b: {  	[sflag:s12] =	ssyncset.done @!p0 $0x0  }
0x2c: {  	[sflag:s12] =	ssyncadd.s32 @!p0 $0xFFFFFF00  }
.LBB2_1:
0x2d: {  	s12 =	rddreg [dreg:$0x3]  }
0x2e: {  	s21 =	rddreg [dreg:$0x4];
	s17 =	sshrl.u32 s12, $0x3  }
0x2f: {  	[dreg:$0x10] =	wrdreg s17  }
0x30: {  	[spmem:s17], [sflag:s18] =	dma.local [hbm:s21], $0x2700  }
0x31: {  	_ =	swait.ge [sflag:s26], $0x2700  }
0x32: {  	s12 =	rddreg [dreg:$0x6]  }
0x33: {  	[sflag:s26] =	ssyncset.done $0x0;
	s17 =	sshrl.u32 @!p0 s12, $0x3;
	s12 =	rddreg [dreg:$0x7]  }
0x34: {  	[sflag:s26] =	ssyncadd.s32 $0xFFFFD900;
	[dreg:$0x11] =	wrdreg s17  }
0x35: {  	[spmem:s17], [sflag:s18] =	dma.local @!p0 [hbm:s12], $0x100  }
0x36: {  	s17 =	simm.s32 @!p0 $0x3  }
0x37: {  	_ =	swait.ge @!p0 [sflag:s17], $0x100  }
0x38: {  	[sflag:s17] =	ssyncset.done @!p0 $0x0  }
0x39: {  	[sflag:s17] =	ssyncadd.s32 @!p0 $0xFFFFFF00  }
0x3a: {  	[bflag:$0x0] =	sbarrier.arrive $0xFFFF  }
0x3b: {  	s23 =	rddreg [dreg:$0x8]  }
0x3c: {  	[tilespmem:s28], [sflag:$0x1] =	stream.linear.gather [hbm4b:s23+s3], $0x28, $0x38;
	[tilespmem:$0x1C680] =	vst v63  }
0x3d: {  	s29 =	simm.s32 $0x13980;
	s24 =	rddreg [dreg:$0x9]  }
0x3e: {  	[tilespmem:s29], [sflag:$0x1] =	stream.linear.gather [hbm4b:s24+s3], $0x28, $0x38;
	[tilespmem:$0x1C680] =	vst v63  }
0x3f: {  	s18 =	rddreg [dreg:$0xa]  }
0x40: {  	[tilespmem:s30], [sflag:$0x1] =	stream.linear.gather [hbm4b:s18+s3], $0x28, $0x38;
	[tilespmem:$0x1C680] =	vst v63  }
0x41: {  	s19 =	rddreg [dreg:$0xb]  }
0x42: {  	[tilespmem:s31], [sflag:$0x1] =	stream.linear.gather [hbm4b:s19+s3], $0x28, $0x38;
	[tilespmem:$0x1C680] =	vst v63  }
0x43: {  	_ =	swait.ge [sflag:s0], $0x28  }
0x44: {  	[sflag:s0] =	ssyncset.done $0x0  }
0x45: {  	[sflag:s0] =	ssyncadd.s32 $0xFFFFFFD8  }
0x46: {  	_ =	swait.ge [sflag:s0], $0x28  }
0x47: {  	[sflag:s0] =	ssyncset.done $0x0  }
0x48: {  	s21 =	simm.s32 $0x13A80;
	[sflag:s0] =	ssyncadd.s32 $0xFFFFFFD8  }
0x49: {  	[tilespmem:s21], [sflag:$0x2] =	stream.indirect.gather [hbm4b:s4+s1], $0x80, s28, s1, $0xb8;
	[tilespmem:$0x1C680] =	vst v63  }
0x4a: {  	s23 =	simm.s32 $0x16280  }
0x4b: {  	[tilespmem:s23], [sflag:$0x2] =	stream.indirect.gather [hbm4b:s5+s1], $0x80, s29, s1, $0xb8;
	[tilespmem:$0x1C680] =	vst v63  }
0x4c: {  	s18 =	simm.s32 $0x0;
	s24 =	rddreg [dreg:$0xc];
	s29 =	simm.s32 $0x18A80  }
0x4d: {  	[tilespmem:s29], [sflag:$0x2] =	stream.linear.gather [hbm4b:s24+s3], $0x1400, $0x38;
	[tilespmem:$0x1C680] =	vst v63  }
.LBB2_2:
0x4e: {  	_ =	swait.ge [sflag:s0], $0x28  }
0x4f: {  	[sflag:s0] =	ssyncset.done $0x0  }
0x50: {  	[sflag:s0] =	ssyncadd.s32 $0xFFFFFFD8  }
0x51: {  	_ =	swait.ge [sflag:s0], $0x28  }
0x52: {  	s19 =	sshll.u32 s18, $0x6;
	[sflag:s0] =	ssyncset.done $0x0  }
0x53: {  	s17 =	sor.u32 s9, s19;
	[sflag:s0] =	ssyncadd.s32 $0xFFFFFFD8  }
0x54: {  	[tilespmem:s10], [sflag:$0x2] =	stream.indirect.gather [hbm4b:s4+s1], $0x80, s30, s1, $0xb8;
	[tilespmem:$0x1C680] =	vst v63  }
0x55: {  	s17 =	smul.u32 $0x280, s17  }
0x56: {  	[tilespmem:s11], [sflag:$0x2] =	stream.indirect.gather [hbm4b:s5+s1], $0x80, s31, s1, $0xb8;
	[tilespmem:$0x1C680] =	vst v63  }
0x57: {  	s21 =	simm.s32 $0x0;
	s17 =	sadd.s32 s25, s17  }
0x58: {  	[tilespmem:s13], [sflag:$0x2] =	stream.linear.gather [hbm4b:s17+s21], $0x1400, $0x38;
	[tilespmem:$0x1C680] =	vst v63  }
0x59: {  	_ =	swait.ge [sflag:s14], $0x1400  }
0x5a: {  	[sflag:s14] =	ssyncset.done $0x0  }
0x5b: {  	[sflag:s14] =	ssyncadd.s32 $0xFFFFEC00  }
0x5c: {  	_ =	swait.ge [sflag:s14], $0x1400  }
0x5d: {  	[sflag:s14] =	ssyncset.done $0x0  }
0x5e: {  	[sflag:s14] =	ssyncadd.s32 $0xFFFFEC00  }
0x5f: {  	_ =	swait.ge [sflag:s14], $0x1400  }
0x60: {  	[sflag:s14] =	ssyncset.done $0x0  }
0x61: {  	s21 =	simm.s32 $0x0;
	[sflag:s14] =	ssyncadd.s32 $0xFFFFEC00  }
0x62: {  	v2 =	vld [tilespmem:s21+$0x18AA0]  }
0x63: {  	v4 =	vld [tilespmem:s21+$0x13AC0]  }
0x64: {  	v7 =	vld [tilespmem:s21+$0x13AE0]  }
0x65: {  	v8 =	vld [tilespmem:s21+$0x13A90]  }
0x66: {  	v9 =	vld [tilespmem:s21+$0x18A80]  }
0x67: {  	v12 =	vld [tilespmem:s21+$0x18AB0]  }
0x68: {  	v15 =	vld [tilespmem:s21+$0x162A0]  }
0x69: {  	v3 =	vld [tilespmem:s21+$0x162F0]  }
0x6a: {  	v10 =	vld [tilespmem:s21+$0x13AF0]  }
0x6b: {  	v11 =	vld [tilespmem:s21+$0x13AA0]  }
0x6c: {  	v0 =	vld [tilespmem:s21+$0x16280]  }
0x6d: {  	v6 =	vld [tilespmem:s21+$0x162E0]  }
0x6e: {  	v1 =	vld [tilespmem:s21+$0x162C0];
	v14 =	vunpack.i.l.bf16.f32 v3  }
0x6f: {  	v5 =	vld [tilespmem:s21+$0x16290];
	v16 =	vunpack.i.l.bf16.f32 v15;
	v14 =	vadd.f32 v10, v14  }
0x70: {  	v13 =	vld [tilespmem:s21+$0x18A90];
	v17 =	vunpack.i.u.bf16.f32 v12;
	v16 =	vadd.f32 v11, v16  }
0x71: {  	v19 =	vunpack.i.l.bf16.f32 v2;
	v10 =	vld [tilespmem:s21+$0x162D0];
	v14 =	vadd.f32 v14, v17  }
0x72: {  	s23 =	simm.s32 $0x80;
	v18 =	vld [tilespmem:s21+$0x13AD0];
	v17 =	vunpack.i.l.bf16.f32 v6;
	v16 =	vadd.f32 v16, v19  }
0x73: {  	v21 =	vld [tilespmem:s23+$0x18AA0];
	v7 =	vadd.f32 v7, v17;
	v14 =	vmul.f32 $1.442695020e+00, v14  }
0x74: {  	v23 =	vld [tilespmem:s23+$0x13A90];
	v2 =	vunpack.i.u.bf16.f32 v2;
	v20 =	vunpack.i.l.bf16.f32 v5;
	v16 =	vmul.f32 $1.442695020e+00, v16  }
0x75: {  	v24 =	vld [tilespmem:s23+$0x18AB0];
	v2 =	vadd.f32 v7, v2;
	v7 =	vadd.f32 v8, v20;
	(erf) = vpow2.f32 v14  }
0x76: {  	v11 =	vld [tilespmem:s21+$0x162B0];
	v8 =	vunpack.i.l.bf16.f32 v13;
	v14 =	vunpack.i.l.bf16.f32 v10;
	(erf) = vpow2.f32 v16  }
0x77: {  	v26 =	vld [tilespmem:s23+$0x18A90];
	v14 =	vadd.f32 v18, v14;
	v7 =	vadd.f32 v7, v8  }
0x78: {  	v17 =	vld [tilespmem:s21+$0x13A80];
	v2 =	vmul.f32 $1.442695020e+00, v2;
	v8 =	vunpack.i.u.bf16.f32 v13  }
0x79: {  	v22 =	vunpack.i.l.bf16.f32 v1;
	v19 =	vld [tilespmem:s21+$0x13AB0];
	v8 =	vadd.f32 v14, v8;
	v7 =	vmul.f32 $1.442695020e+00, v7  }
0x7a: {  	v4 =	vadd.f32 v4, v22;
	v18 =	vld [tilespmem:s23+$0x18A80];
	v13 =	vunpack.i.u.bf16.f32 v9;
	(erf) = vpow2.f32 v2  }
0x7b: {  	v32 =	vld [tilespmem:s23+$0x13AF0];
	v8 =	vmul.f32 $1.442695020e+00, v8;
	(erf) = vpow2.f32 v7;
	v7 =	vunpack.i.l.bf16.f32 v11  }
0x7c: {  	v13 =	vadd.f32 v4, v13;
	v4 =	vld [tilespmem:s23+$0x162C0];
	v14 =	vunpack.i.l.bf16.f32 v0  }
0x7d: {  	v25 =	vunpack.i.l.bf16.f32 v12;
	v31 =	vunpack.i.l.bf16.f32 v26;
	v16 =	vld [tilespmem:s23+$0x13AC0];
	v14 =	vadd.f32 v17, v14  }
0x7e: {  	v9 =	vunpack.i.l.bf16.f32 v9;
	v2 =	vld [tilespmem:s23+$0x16280];
	v17 =	vmul.f32 $1.442695020e+00, v13;
	v19 =	vadd.f32 v19, v7;
	v7 =	vpop (erf)  }
0x7f: {  	v12 =	vld [tilespmem:s23+$0x16290];
	v27 =	vunpack.i.u.bf16.f32 v18;
	v9 =	vadd.f32 v14, v9;
	(erf) = vpow2.f32 v8;
	v8 =	vpop (erf)  }
0x80: {  	v14 =	vunpack.i.l.bf16.f32 v18;
	v30 =	vadd.f32 $1.000000000e+00, v7;
	v7 =	vld [tilespmem:s23+$0x162D0];
	v18 =	vadd.f32 $1.000000000e+00, v8  }
0x81: {  	v33 =	vunpack.i.u.bf16.f32 v24;
	v26 =	vunpack.i.u.bf16.f32 v26;
	v22 =	vunpack.i.l.bf16.f32 v4;
	v8 =	vld [tilespmem:s23+$0x162F0]  }
0x82: {  	(erf) = vpow2.f32 v17;
	v17 =	vunpack.i.u.bf16.f32 v15;
	v15 =	vld [tilespmem:s23+$0x162E0];
	v19 =	vadd.f32 v19, v25  }
0x83: {  	v34 =	vld [tilespmem:s23+$0x13AD0];
	v28 =	vunpack.i.l.bf16.f32 v2;
	v9 =	vmul.f32 $1.442695020e+00, v9;
	v16 =	vadd.f32 v16, v22  }
0x84: {  	v13 =	vld [tilespmem:s23+$0x162A0];
	v22 =	vunpack.i.u.bf16.f32 v21;
	v19 =	vmul.f32 $1.442695020e+00, v19;
	(erf) = vrcp.f32 v18;
	v18 =	vpop (erf)  }
0x85: {  	v36 =	vld [tilespmem:s23+$0x13AA0];
	(erf) = vpow2.f32 v9;
	v37 =	vunpack.i.l.bf16.f32 v7;
	v29 =	vadd.f32 $1.000000000e+00, v18  }
0x86: {  	v20 =	vld [tilespmem:s23+$0x13AE0];
	v18 =	vadd.f32 v16, v27;
	v27 =	vunpack.i.l.bf16.f32 v12;
	v25 =	vunpack.i.l.bf16.f32 v8  }
0x87: {  	v9 =	vld [tilespmem:s23+$0x162B0];
	v16 =	vunpack.i.l.bf16.f32 v24;
	v24 =	vunpack.i.l.bf16.f32 v15;
	v25 =	vadd.f32 v32, v25  }
0x88: {  	v39 =	vld [tilespmem:s23+$0x13AB0];
	v35 =	vpop (erf);
	v38 =	vadd.f32 v23, v27;
	v27 =	vadd.f32 v34, v37;
	(erf) = vrcp.f32 v29  }
0x89: {  	v35 =	vadd.f32 $1.000000000e+00, v35;
	v23 =	vld [tilespmem:s23+$0x13A80];
	v29 =	vunpack.i.l.bf16.f32 v13;
	(erf) = vpow2.f32 v19  }
0x8a: {  	v19 =	vunpack.i.l.bf16.f32 v21;
	v21 =	vadd.f32 v36, v29;
	v29 =	vadd.f32 v25, v33  }
0x8b: {  	v20 =	vadd.f32 v20, v24;
	v26 =	vadd.f32 v27, v26;
	v25 =	vpop (erf);
	(erf) = vrcp.f32 v35  }
0x8c: {  	v62 =	vunpack.i.l.bf16.f32 v9;
	v63 =	vadd.f32 v21, v19;
	v29 =	vmul.f32 $1.442695020e+00, v29;
	v27 =	vpop (erf)  }
0x8d: {  	v19 =	vadd.f32 v39, v62;
	v21 =	vadd.f32 v38, v31;
	(erf) = vrcp.f32 v30;
	v24 =	vpop (erf)  }
0x8e: {  	s24 =	simm.s32 $0x400;
	v26 =	vmul.f32 $1.442695020e+00, v26;
	v23 =	vadd.f32 v23, v28;
	v30 =	vmul.f32 $1.442695020e+00, v63;
	v28 =	vpop (erf)  }
.LBB2_3:
0x8f: {  	s17 =	sshra.s32 s24, $0x2;
	p1 =	sne.s32 s24, $0x4E00;
	s24 =	sadd.s32 $0x200, s24;
	v22 =	vadd.f32 v20, v22;
	(erf) = vpow2.f32 v29;
	v31 =	vadd.f32 $1.000000000e+00, v27  }
0x90: {  	v25 =	vadd.f32 $1.000000000e+00, v25;
	v20 =	vld [tilespmem:s17+$0x18AA0];
	v29 =	vmul.f32 $1.442695020e+00, v21;
	(erf) = vpow2.f32 v30  }
0x91: {  	v32 =	vunpack.i.u.bf16.f32 v6;
	v30 =	vld [tilespmem:s17+$0x13AC0];
	v22 =	vmul.f32 $1.442695020e+00, v22;
	(erf) = vrcp.f32 v31;
	v27 =	vpop (erf)  }
0x92: {  	v28 =	vadd.f32 $1.000000000e+00, v28;
	v33 =	vmul.f32 v24, v17;
	v21 =	vld [tilespmem:s17+$0x13AE0];
	(erf) = vrcp.f32 v25;
	v24 =	vpop (erf)  }
0x93: {  	v6 =	vmovc v15;
	v31 =	vld [tilespmem:s17+$0x13A90];
	(erf) = vpow2.f32 v22;
	v22 =	vmul.f32 v27, v32;
	v24 =	vadd.f32 $1.000000000e+00, v24  }
0x94: {  	v25 =	vunpack.i.u.bf16.f32 v5;
	v5 =	vmov v12;
	v15 =	vld [tilespmem:s17+$0x18A80];
	[tilespmem:s21+$0x1B2A0] =	vst v33;
	(erf) = vrcp.f32 v28;
	v17 =	vpop (erf)  }
0x95: {  	v27 =	vunpack.i.u.bf16.f32 v0;
	v0 =	vmovc v2;
	v12 =	vmul.f32 v17, v25;
	[tilespmem:s21+$0x1B2E0] =	vst v22;
	(erf) = vrcp.f32 v24;
	v2 =	vld [tilespmem:s17+$0x16280]  }
0x96: {  	v17 =	vmul.f32 $1.442695020e+00, v18;
	v25 =	vunpack.i.u.bf16.f32 v3;
	v24 =	vld [tilespmem:s17+$0x18AB0];
	(erf) = vpow2.f32 v29;
	v18 =	vpop (erf)  }
0x97: {  	v22 =	vunpack.i.u.bf16.f32 v1;
	v1 =	vmovc v4;
	v3 =	vmovc v8;
	(erf) = vpow2.f32 v26;
	[tilespmem:s21+$0x1B290] =	vst v12;
	v12 =	vmul.f32 v18, v25;
	v4 =	vld [tilespmem:s17+$0x162C0]  }
0x98: {  	v10 =	vunpack.i.u.bf16.f32 v10;
	v11 =	vunpack.i.u.bf16.f32 v11;
	v26 =	vld [tilespmem:s17+$0x162A0];
	(erf) = vpow2.f32 v17;
	v18 =	vpop (erf)  }
0x99: {  	v23 =	vadd.f32 v23, v14;
	v25 =	vunpack.i.u.bf16.f32 v15;
	v28 =	vld [tilespmem:s17+$0x18A90];
	v14 =	vunpack.i.l.bf16.f32 v15;
	v8 =	vpop (erf);
	[tilespmem:s21+$0x1B2F0] =	vst v12  }
0x9a: {  	v17 =	vunpack.i.u.bf16.f32 v13;
	v32 =	vunpack.i.l.bf16.f32 v2;
	v12 =	vld [tilespmem:s17+$0x16290];
	v34 =	vadd.f32 $1.000000000e+00, v8;
	v15 =	vpop (erf)  }
0x9b: {  	v23 =	vmul.f32 $1.442695020e+00, v23;
	v33 =	vadd.f32 $1.000000000e+00, v18;
	v8 =	vld [tilespmem:s17+$0x162F0];
	v18 =	vmul.f32 v15, v22;
	v22 =	vpop (erf)  }
0x9c: {  	v29 =	vunpack.i.l.bf16.f32 v4;
	v15 =	vld [tilespmem:s17+$0x162E0];
	(erf) = vrcp.f32 v34;
	v13 =	vpop (erf);
	v38 =	vmul.f32 v22, v10  }
0x9d: {  	v22 =	vunpack.i.u.bf16.f32 v20;
	v29 =	vadd.f32 v30, v29;
	v30 =	vld [tilespmem:s17+$0x162D0];
	v34 =	vadd.f32 $1.000000000e+00, v13;
	[tilespmem:s21+$0x1B2C0] =	vst v18;
	v13 =	vpop (erf)  }
0x9e: {  	v36 =	vunpack.i.u.bf16.f32 v24;
	v35 =	vunpack.i.l.bf16.f32 v28;
	v37 =	vld [tilespmem:s17+$0x13AF0];
	v13 =	vmul.f32 v13, v27;
	[tilespmem:s21+$0x1B2D0] =	vst v38;
	v10 =	vpop (erf)  }
0x9f: {  	v18 =	vadd.f32 v29, v25;
	v29 =	vunpack.i.l.bf16.f32 v12;
	v38 =	vld [tilespmem:s17+$0x13AD0];
	v27 =	vpop (erf);
	v43 =	vmul.f32 v10, v11  }
0xa0: {  	v44 =	vadd.f32 v19, v16;
	v16 =	vunpack.i.l.bf16.f32 v24;
	v39 =	vld [tilespmem:s17+$0x13AA0];
	(erf) = vpow2.f32 v23;
	v25 =	vpop (erf);
	[tilespmem:s21+$0x1B280] =	vst v13  }
0xa1: {  	v24 =	vunpack.i.l.bf16.f32 v8;
	v40 =	vadd.f32 $1.000000000e+00, v27;
	v19 =	vunpack.i.l.bf16.f32 v15;
	v23 =	vld [tilespmem:s17+$0x162B0];
	v27 =	vpop (erf);
	[tilespmem:s21+$0x1B2B0] =	vst v43;
	s21 =	smov.u32 s23;
	s23 =	smov.u32 s17  }
0xa2: {  	v10 =	vmovc v7;
	v31 =	vadd.f32 v31, v29;
	v29 =	vmul.f32 $1.442695020e+00, v44;
	v41 =	vunpack.i.l.bf16.f32 v30;
	v42 =	vld [tilespmem:s23+$0x13AB0];
	v13 =	vmovc v26  }
0xa3: {  	v28 =	vunpack.i.u.bf16.f32 v28;
	v11 =	vmovc v9;
	v7 =	vmovc v30;
	v26 =	vld [tilespmem:s23+$0x13A80];
	v37 =	vadd.f32 v37, v24;
	(erf) = vrcp.f32 v34  }
0xa4: {  	v30 =	vunpack.i.l.bf16.f32 v13;
	v38 =	vadd.f32 v38, v41;
	(erf) = vpow2.f32 v29  }
.Ltmp2:
0xa5: {  	v20 =	vunpack.i.l.bf16.f32 v20;
	v29 =	vadd.f32 v39, v30;
	v30 =	vadd.f32 v37, v36;
	v24 =	vpop (erf);
	(pc) =	sbr.rel @p1 .LBB2_3-.Ltmp2, $4  }
0xa6: {  	v37 =	vadd.f32 v38, v28;
	v34 =	vunpack.i.l.bf16.f32 v23;
	(erf) = vrcp.f32 v40;
	v9 =	vmovc v23  }
0xa7: {  	v36 =	vadd.f32 v29, v20;
	v20 =	vadd.f32 v21, v19;
	v29 =	vmul.f32 $1.442695020e+00, v30  }
0xa8: {  	v19 =	vadd.f32 v42, v34;
	v23 =	vadd.f32 v26, v32;
	(erf) = vrcp.f32 v33  }
0xa9: {  	v21 =	vadd.f32 v31, v35;
	v26 =	vmul.f32 $1.442695020e+00, v37;
	v30 =	vmul.f32 $1.442695020e+00, v36;
	v28 =	vpop (erf)  }
0xaa: {  	v20 =	vadd.f32 v20, v22;
	_ =	sdelay $0x1  }
0xab: {  	(erf) = vpow2.f32 v29;
	v22 =	vadd.f32 $1.000000000e+00, v27;
	v20 =	vmul.f32 $1.442695020e+00, v20  }
0xac: {  	v25 =	vadd.f32 $1.000000000e+00, v25;
	(erf) = vpow2.f32 v30  }
0xad: {  	(erf) = vrcp.f32 v22  }
0xae: {  	(erf) = vrcp.f32 v25  }
0xaf: {  	(erf) = vpow2.f32 v20;
	v20 =	vpop (erf)  }
0xb0: {  	v25 =	vadd.f32 $1.000000000e+00, v28;
	v22 =	vpop (erf)  }
0xb1: {  	v22 =	vadd.f32 $1.000000000e+00, v22  }
0xb2: {  	v27 =	vpop (erf)  }
0xb3: {  	v21 =	vmul.f32 $1.442695020e+00, v21;
	(erf) = vrcp.f32 v25;
	v28 =	vpop (erf)  }
0xb4: {  	v25 =	vpop (erf);
	(erf) = vrcp.f32 v22  }
0xb5: {  	v18 =	vmul.f32 $1.442695020e+00, v18;
	v14 =	vadd.f32 v23, v14;
	(erf) = vpow2.f32 v21;
	v22 =	vpop (erf)  }
0xb6: {  	(erf) = vpow2.f32 v26;
	v22 =	vadd.f32 $1.000000000e+00, v22  }
0xb7: {  	v16 =	vadd.f32 v19, v16;
	v14 =	vmul.f32 $1.442695020e+00, v14;
	v21 =	vpop (erf);
	(erf) = vpow2.f32 v18  }
0xb8: {  	v23 =	vpop (erf);
	(erf) = vrcp.f32 v22  }
0xb9: {  	v18 =	vpop (erf);
	(erf) = vpow2.f32 v14;
	v14 =	vmul.f32 $1.442695020e+00, v16  }
0xba: {  	v18 =	vadd.f32 $1.000000000e+00, v18;
	_ =	sdelay $0x1  }
0xbb: {  	(erf) = vrcp.f32 v18  }
0xbc: {  	(erf) = vpow2.f32 v14;
	v14 =	vpop (erf)  }
0xbd: {  	v16 =	vpop (erf)  }
0xbe: {  	v18 =	vpop (erf)  }
0xbf: {  	v6 =	vunpack.i.u.bf16.f32 v6;
	v18 =	vadd.f32 $1.000000000e+00, v18  }
0xc0: {  	v6 =	vmul.f32 v20, v6;
	v20 =	vadd.f32 $1.000000000e+00, v25;
	v19 =	vpop (erf)  }
0xc1: {  	v17 =	vmul.f32 v24, v17;
	v5 =	vunpack.i.u.bf16.f32 v5;
	v22 =	vpop (erf);
	(erf) = vrcp.f32 v18  }
0xc2: {  	v3 =	vunpack.i.u.bf16.f32 v3;
	v5 =	vmul.f32 v27, v5;
	v24 =	vpop (erf);
	(erf) = vrcp.f32 v20  }
0xc3: {  	v1 =	vunpack.i.u.bf16.f32 v1;
	v0 =	vunpack.i.u.bf16.f32 v0;
	[tilespmem:s21+$0x1B2A0] =	vst v17;
	v22 =	vadd.f32 $1.000000000e+00, v22;
	v18 =	vpop (erf)  }
0xc4: {  	v3 =	vmul.f32 v28, v3;
	[tilespmem:s21+$0x1B290] =	vst v5;
	v5 =	vunpack.i.u.bf16.f32 v10;
	v19 =	vadd.f32 $1.000000000e+00, v19;
	v20 =	vpop (erf)  }
0xc5: {  	[tilespmem:s21+$0x1B2E0] =	vst v6;
	v1 =	vmul.f32 v21, v1;
	(erf) = vrcp.f32 v22;
	v17 =	vadd.f32 $1.000000000e+00, v18;
	v18 =	vpop (erf)  }
0xc6: {  	[tilespmem:s21+$0x1B2F0] =	vst v3;
	v3 =	vmul.f32 v23, v5;
	(erf) = vrcp.f32 v19;
	v6 =	vadd.f32 $1.000000000e+00, v18  }
0xc7: {  	v5 =	vunpack.i.u.bf16.f32 v11;
	[tilespmem:s21+$0x1B2C0] =	vst v1;
	v0 =	vmul.f32 v14, v0;
	(erf) = vrcp.f32 v17  }
0xc8: {  	v1 =	vunpack.i.u.bf16.f32 v13;
	[tilespmem:s21+$0x1B2D0] =	vst v3;
	v3 =	vmul.f32 v16, v5;
	(erf) = vrcp.f32 v6  }
0xc9: {  	[tilespmem:s21+$0x1B280] =	vst v0;
	v1 =	vmul.f32 v24, v1  }
0xca: {  	[tilespmem:s21+$0x1B2B0] =	vst v3;
	v3 =	vunpack.i.u.bf16.f32 v12;
	v5 =	vpop (erf)  }
0xcb: {  	v0 =	vunpack.i.u.bf16.f32 v15;
	[tilespmem:s23+$0x1B2A0] =	vst v1;
	v1 =	vmul.f32 v5, v3;
	v3 =	vunpack.i.u.bf16.f32 v8;
	v5 =	vpop (erf)  }
0xcc: {  	v0 =	vmul.f32 v20, v0;
	v3 =	vmul.f32 v5, v3;
	_ =	sdelay $0x1  }
0xcd: {  	v2 =	vunpack.i.u.bf16.f32 v2;
	[tilespmem:s23+$0x1B2E0] =	vst v0;
	v0 =	vunpack.i.u.bf16.f32 v4;
	v4 =	vpop (erf)  }
0xce: {  	[tilespmem:s23+$0x1B290] =	vst v1;
	v1 =	vunpack.i.u.bf16.f32 v7;
	v0 =	vmul.f32 v4, v0;
	v4 =	vpop (erf)  }
0xcf: {  	[tilespmem:s23+$0x1B2F0] =	vst v3;
	v1 =	vmul.f32 v4, v1;
	v3 =	vpop (erf)  }
0xd0: {  	v4 =	vunpack.i.u.bf16.f32 v9;
	[tilespmem:s23+$0x1B2C0] =	vst v0;
	v0 =	vmul.f32 v3, v2;
	v2 =	vpop (erf)  }
0xd1: {  	[tilespmem:s23+$0x1B2D0] =	vst v1;
	v1 =	vmul.f32 v2, v4  }
0xd2: {  	p1 =	seq.s32 s18, $0x7C;
	[tilespmem:s23+$0x1B280] =	vst v0  }
0xd3: {  	s17 =	sadd.s32 @!p1 s20, s19;
	[tilespmem:s23+$0x1B2B0] =	vst v1  }
0xd4: {  	[spmem:s2] =	stream.indirect.scatter.add.f32 [tilespmem:s15], [sflag:$0x3], $0x80, s28, s1, $0xb8;
	[tilespmem:$0x1C680] =	vst v63  }
0xd5: {  	s21 =	smul.u32 @!p1 $0x5, s17;
	_ =	swait.ge [sflag:s26], $0x1400  }
0xd6: {  	s24 =	simm.s32 @!p1 $0x0;
	[sflag:s26] =	ssyncset.done $0x0  }
0xd7: {  	s29 =	simm.s32 @!p1 $0x13880;
	s23 =	sadd.s32 @!p1 s8, s21;
	[sflag:s26] =	ssyncadd.s32 $0xFFFFEC00  }
0xd8: {  	[tilespmem:s29], [sflag:$0x1] =	stream.linear.gather @!p1 [hbm4b:s23+s24], $0x28, $0x38;
	[tilespmem:$0x1C680] =	vst v63  }
0xd9: {  	s21 =	sadd.s32 @!p1 s7, s21;
	s23 =	simm.s32 @!p1 $0x13980  }
0xda: {  	[tilespmem:s23], [sflag:$0x1] =	stream.linear.gather @!p1 [hbm4b:s21+s24], $0x28, $0x38;
	[tilespmem:$0x1C680] =	vst v63  }
0xdb: {  	s21 =	simm.s32 @!p1 $0x1  }
0xdc: {  	_ =	swait.ge @!p1 [sflag:s21], $0x28  }
0xdd: {  	[sflag:s21] =	ssyncset.done @!p1 $0x0  }
0xde: {  	[sflag:s21] =	ssyncadd.s32 @!p1 $0xFFFFFFD8  }
0xdf: {  	_ =	swait.ge @!p1 [sflag:s21], $0x28  }
0xe0: {  	[sflag:s21] =	ssyncset.done @!p1 $0x0  }
0xe1: {  	s12 =	simm.s32 @!p1 $0x13A80;
	[sflag:s21] =	ssyncadd.s32 @!p1 $0xFFFFFFD8;
	s21 =	simm.s32 @!p1 $0x28  }
0xe2: {  	[tilespmem:s12], [sflag:$0x2] =	stream.indirect.gather @!p1 [hbm4b:s4+s21], $0x80, s29, s21, $0xb8;
	[tilespmem:$0x1C680] =	vst v63  }
0xe3: {  	s17 =	smul.u32 @!p1 $0x280, s17;
	s12 =	simm.s32 @!p1 $0x16280  }
0xe4: {  	[tilespmem:s12], [sflag:$0x2] =	stream.indirect.gather @!p1 [hbm4b:s5+s21], $0x80, s23, s21, $0xb8;
	[tilespmem:$0x1C680] =	vst v63  }
0xe5: {  	s12 =	sadd.s32 @!p1 s6, s17;
	s17 =	simm.s32 @!p1 $0x18A80  }
0xe6: {  	[tilespmem:s17], [sflag:$0x2] =	stream.linear.gather @!p1 [hbm4b:s12+s24], $0x1400, $0x38;
	[tilespmem:$0x1C680] =	vst v63  }
0xe7: {  	_ =	swait.ge [sflag:s14], $0x1400  }
0xe8: {  	[sflag:s14] =	ssyncset.done $0x0  }
0xe9: {  	[sflag:s14] =	ssyncadd.s32 $0xFFFFEC00  }
0xea: {  	_ =	swait.ge [sflag:s14], $0x1400  }
0xeb: {  	[sflag:s14] =	ssyncset.done $0x0  }
0xec: {  	[sflag:s14] =	ssyncadd.s32 $0xFFFFEC00  }
0xed: {  	_ =	swait.ge [sflag:s14], $0x1400  }
0xee: {  	[sflag:s14] =	ssyncset.done $0x0  }
0xef: {  	s21 =	simm.s32 $0x0;
	[sflag:s14] =	ssyncadd.s32 $0xFFFFEC00  }
0xf0: {  	v2 =	vld [tilespmem:s21+$0x19EA0]  }
0xf1: {  	v4 =	vld [tilespmem:s21+$0x14EC0]  }
0xf2: {  	v7 =	vld [tilespmem:s21+$0x14EE0]  }
0xf3: {  	v8 =	vld [tilespmem:s21+$0x14E90]  }
0xf4: {  	v9 =	vld [tilespmem:s21+$0x19E80]  }
0xf5: {  	v12 =	vld [tilespmem:s21+$0x19EB0]  }
0xf6: {  	v15 =	vld [tilespmem:s21+$0x176A0]  }
0xf7: {  	v3 =	vld [tilespmem:s21+$0x176F0]  }
0xf8: {  	v10 =	vld [tilespmem:s21+$0x14EF0]  }
0xf9: {  	v11 =	vld [tilespmem:s21+$0x14EA0]  }
0xfa: {  	v0 =	vld [tilespmem:s21+$0x17680]  }
0xfb: {  	v6 =	vld [tilespmem:s21+$0x176E0]  }
0xfc: {  	v1 =	vld [tilespmem:s21+$0x176C0];
	v14 =	vunpack.i.l.bf16.f32 v3  }
0xfd: {  	v5 =	vld [tilespmem:s21+$0x17690];
	v16 =	vunpack.i.l.bf16.f32 v15;
	v14 =	vadd.f32 v10, v14  }
0xfe: {  	v13 =	vld [tilespmem:s21+$0x19E90];
	v17 =	vunpack.i.u.bf16.f32 v12;
	v16 =	vadd.f32 v11, v16  }
0xff: {  	v19 =	vunpack.i.l.bf16.f32 v2;
	v10 =	vld [tilespmem:s21+$0x176D0];
	v14 =	vadd.f32 v14, v17  }
0x100: {  	s23 =	simm.s32 $0x80;
	v18 =	vld [tilespmem:s21+$0x14ED0];
	v17 =	vunpack.i.l.bf16.f32 v6;
	v16 =	vadd.f32 v16, v19  }
0x101: {  	v21 =	vld [tilespmem:s23+$0x19EA0];
	v7 =	vadd.f32 v7, v17;
	v14 =	vmul.f32 $1.442695020e+00, v14  }
0x102: {  	v23 =	vld [tilespmem:s23+$0x14E90];
	v2 =	vunpack.i.u.bf16.f32 v2;
	v20 =	vunpack.i.l.bf16.f32 v5;
	v16 =	vmul.f32 $1.442695020e+00, v16  }
0x103: {  	v24 =	vld [tilespmem:s23+$0x19EB0];
	v2 =	vadd.f32 v7, v2;
	v7 =	vadd.f32 v8, v20;
	(erf) = vpow2.f32 v14  }
0x104: {  	v11 =	vld [tilespmem:s21+$0x176B0];
	v8 =	vunpack.i.l.bf16.f32 v13;
	v14 =	vunpack.i.l.bf16.f32 v10;
	(erf) = vpow2.f32 v16  }
0x105: {  	v26 =	vld [tilespmem:s23+$0x19E90];
	v14 =	vadd.f32 v18, v14;
	v7 =	vadd.f32 v7, v8  }
0x106: {  	v17 =	vld [tilespmem:s21+$0x14E80];
	v2 =	vmul.f32 $1.442695020e+00, v2;
	v8 =	vunpack.i.u.bf16.f32 v13  }
0x107: {  	v22 =	vunpack.i.l.bf16.f32 v1;
	v19 =	vld [tilespmem:s21+$0x14EB0];
	v8 =	vadd.f32 v14, v8;
	v7 =	vmul.f32 $1.442695020e+00, v7  }
0x108: {  	v4 =	vadd.f32 v4, v22;
	v18 =	vld [tilespmem:s23+$0x19E80];
	v13 =	vunpack.i.u.bf16.f32 v9;
	(erf) = vpow2.f32 v2  }
0x109: {  	v32 =	vld [tilespmem:s23+$0x14EF0];
	v8 =	vmul.f32 $1.442695020e+00, v8;
	(erf) = vpow2.f32 v7;
	v7 =	vunpack.i.l.bf16.f32 v11  }
0x10a: {  	v13 =	vadd.f32 v4, v13;
	v4 =	vld [tilespmem:s23+$0x176C0];
	v14 =	vunpack.i.l.bf16.f32 v0  }
0x10b: {  	v25 =	vunpack.i.l.bf16.f32 v12;
	v31 =	vunpack.i.l.bf16.f32 v26;
	v16 =	vld [tilespmem:s23+$0x14EC0];
	v14 =	vadd.f32 v17, v14  }
0x10c: {  	v9 =	vunpack.i.l.bf16.f32 v9;
	v2 =	vld [tilespmem:s23+$0x17680];
	v17 =	vmul.f32 $1.442695020e+00, v13;
	v19 =	vadd.f32 v19, v7;
	v7 =	vpop (erf)  }
0x10d: {  	v12 =	vld [tilespmem:s23+$0x17690];
	v27 =	vunpack.i.u.bf16.f32 v18;
	v9 =	vadd.f32 v14, v9;
	(erf) = vpow2.f32 v8;
	v8 =	vpop (erf)  }
0x10e: {  	v14 =	vunpack.i.l.bf16.f32 v18;
	v30 =	vadd.f32 $1.000000000e+00, v7;
	v7 =	vld [tilespmem:s23+$0x176D0];
	v18 =	vadd.f32 $1.000000000e+00, v8  }
0x10f: {  	v33 =	vunpack.i.u.bf16.f32 v24;
	v26 =	vunpack.i.u.bf16.f32 v26;
	v22 =	vunpack.i.l.bf16.f32 v4;
	v8 =	vld [tilespmem:s23+$0x176F0]  }
0x110: {  	v19 =	vadd.f32 v19, v25;
	(erf) = vpow2.f32 v17;
	v17 =	vunpack.i.u.bf16.f32 v15;
	v15 =	vld [tilespmem:s23+$0x176E0]  }
0x111: {  	v34 =	vld [tilespmem:s23+$0x14ED0];
	v28 =	vunpack.i.l.bf16.f32 v2;
	v9 =	vmul.f32 $1.442695020e+00, v9;
	v16 =	vadd.f32 v16, v22  }
0x112: {  	v13 =	vld [tilespmem:s23+$0x176A0];
	v22 =	vunpack.i.u.bf16.f32 v21;
	v19 =	vmul.f32 $1.442695020e+00, v19;
	(erf) = vrcp.f32 v18;
	v18 =	vpop (erf)  }
0x113: {  	v36 =	vld [tilespmem:s23+$0x14EA0];
	(erf) = vpow2.f32 v9;
	v37 =	vunpack.i.l.bf16.f32 v7;
	v29 =	vadd.f32 $1.000000000e+00, v18  }
0x114: {  	v20 =	vld [tilespmem:s23+$0x14EE0];
	v18 =	vadd.f32 v16, v27;
	v27 =	vunpack.i.l.bf16.f32 v12;
	v25 =	vunpack.i.l.bf16.f32 v8  }
0x115: {  	v9 =	vld [tilespmem:s23+$0x176B0];
	v16 =	vunpack.i.l.bf16.f32 v24;
	v24 =	vunpack.i.l.bf16.f32 v15;
	v25 =	vadd.f32 v32, v25  }
0x116: {  	v39 =	vld [tilespmem:s23+$0x14EB0];
	v35 =	vpop (erf);
	v38 =	vadd.f32 v23, v27;
	v27 =	vadd.f32 v34, v37;
	(erf) = vrcp.f32 v29  }
0x117: {  	v35 =	vadd.f32 $1.000000000e+00, v35;
	v23 =	vld [tilespmem:s23+$0x14E80];
	v29 =	vunpack.i.l.bf16.f32 v13;
	(erf) = vpow2.f32 v19  }
0x118: {  	v19 =	vunpack.i.l.bf16.f32 v21;
	v21 =	vadd.f32 v36, v29;
	v29 =	vadd.f32 v25, v33  }
0x119: {  	v20 =	vadd.f32 v20, v24;
	v26 =	vadd.f32 v27, v26;
	v25 =	vpop (erf);
	(erf) = vrcp.f32 v35  }
0x11a: {  	v62 =	vunpack.i.l.bf16.f32 v9;
	v63 =	vadd.f32 v21, v19;
	v29 =	vmul.f32 $1.442695020e+00, v29;
	v27 =	vpop (erf)  }
0x11b: {  	v19 =	vadd.f32 v39, v62;
	v21 =	vadd.f32 v38, v31;
	(erf) = vrcp.f32 v30;
	v24 =	vpop (erf)  }
0x11c: {  	s24 =	simm.s32 $0x400;
	v26 =	vmul.f32 $1.442695020e+00, v26;
	v23 =	vadd.f32 v23, v28;
	v30 =	vmul.f32 $1.442695020e+00, v63;
	v28 =	vpop (erf)  }
.LBB2_5:
0x11d: {  	s17 =	sshra.s32 s24, $0x2;
	p2 =	sne.s32 s24, $0x4E00;
	s24 =	sadd.s32 $0x200, s24;
	v22 =	vadd.f32 v20, v22;
	(erf) = vpow2.f32 v29;
	v31 =	vadd.f32 $1.000000000e+00, v27  }
0x11e: {  	v25 =	vadd.f32 $1.000000000e+00, v25;
	v20 =	vld [tilespmem:s17+$0x19EA0];
	v29 =	vmul.f32 $1.442695020e+00, v21;
	(erf) = vpow2.f32 v30  }
0x11f: {  	v32 =	vunpack.i.u.bf16.f32 v6;
	v30 =	vld [tilespmem:s17+$0x14EC0];
	v22 =	vmul.f32 $1.442695020e+00, v22;
	(erf) = vrcp.f32 v31;
	v27 =	vpop (erf)  }
0x120: {  	v28 =	vadd.f32 $1.000000000e+00, v28;
	v33 =	vmul.f32 v24, v17;
	v21 =	vld [tilespmem:s17+$0x14EE0];
	(erf) = vrcp.f32 v25;
	v24 =	vpop (erf)  }
0x121: {  	v6 =	vmovc v15;
	v31 =	vld [tilespmem:s17+$0x14E90];
	(erf) = vpow2.f32 v22;
	v22 =	vmul.f32 v27, v32;
	v24 =	vadd.f32 $1.000000000e+00, v24  }
0x122: {  	v25 =	vunpack.i.u.bf16.f32 v5;
	v5 =	vmov v12;
	v15 =	vld [tilespmem:s17+$0x19E80];
	[tilespmem:s21+$0x1B2A0] =	vst v33;
	(erf) = vrcp.f32 v28;
	v17 =	vpop (erf)  }
0x123: {  	v27 =	vunpack.i.u.bf16.f32 v0;
	v0 =	vmovc v2;
	v12 =	vmul.f32 v17, v25;
	[tilespmem:s21+$0x1B2E0] =	vst v22;
	(erf) = vrcp.f32 v24;
	v2 =	vld [tilespmem:s17+$0x17680]  }
0x124: {  	v17 =	vmul.f32 $1.442695020e+00, v18;
	v25 =	vunpack.i.u.bf16.f32 v3;
	v24 =	vld [tilespmem:s17+$0x19EB0];
	(erf) = vpow2.f32 v29;
	v18 =	vpop (erf)  }
0x125: {  	v22 =	vunpack.i.u.bf16.f32 v1;
	v1 =	vmovc v4;
	v3 =	vmovc v8;
	(erf) = vpow2.f32 v26;
	[tilespmem:s21+$0x1B290] =	vst v12;
	v12 =	vmul.f32 v18, v25;
	v4 =	vld [tilespmem:s17+$0x176C0]  }
0x126: {  	v10 =	vunpack.i.u.bf16.f32 v10;
	v11 =	vunpack.i.u.bf16.f32 v11;
	v26 =	vld [tilespmem:s17+$0x176A0];
	(erf) = vpow2.f32 v17;
	v18 =	vpop (erf)  }
0x127: {  	v23 =	vadd.f32 v23, v14;
	v25 =	vunpack.i.u.bf16.f32 v15;
	v28 =	vld [tilespmem:s17+$0x19E90];
	v14 =	vunpack.i.l.bf16.f32 v15;
	v8 =	vpop (erf);
	[tilespmem:s21+$0x1B2F0] =	vst v12  }
0x128: {  	v17 =	vunpack.i.u.bf16.f32 v13;
	v32 =	vunpack.i.l.bf16.f32 v2;
	v12 =	vld [tilespmem:s17+$0x17690];
	v34 =	vadd.f32 $1.000000000e+00, v8;
	v15 =	vpop (erf)  }
0x129: {  	v23 =	vmul.f32 $1.442695020e+00, v23;
	v33 =	vadd.f32 $1.000000000e+00, v18;
	v8 =	vld [tilespmem:s17+$0x176F0];
	v18 =	vmul.f32 v15, v22;
	v22 =	vpop (erf)  }
0x12a: {  	v29 =	vunpack.i.l.bf16.f32 v4;
	v15 =	vld [tilespmem:s17+$0x176E0];
	(erf) = vrcp.f32 v34;
	v13 =	vpop (erf);
	v38 =	vmul.f32 v22, v10  }
0x12b: {  	v22 =	vunpack.i.u.bf16.f32 v20;
	v29 =	vadd.f32 v30, v29;
	v30 =	vld [tilespmem:s17+$0x176D0];
	v34 =	vadd.f32 $1.000000000e+00, v13;
	[tilespmem:s21+$0x1B2C0] =	vst v18;
	v13 =	vpop (erf)  }
0x12c: {  	v36 =	vunpack.i.u.bf16.f32 v24;
	v35 =	vunpack.i.l.bf16.f32 v28;
	v37 =	vld [tilespmem:s17+$0x14EF0];
	v13 =	vmul.f32 v13, v27;
	[tilespmem:s21+$0x1B2D0] =	vst v38;
	v10 =	vpop (erf)  }
0x12d: {  	v18 =	vadd.f32 v29, v25;
	v29 =	vunpack.i.l.bf16.f32 v12;
	v38 =	vld [tilespmem:s17+$0x14ED0];
	v27 =	vpop (erf);
	v43 =	vmul.f32 v10, v11  }
0x12e: {  	v44 =	vadd.f32 v19, v16;
	v16 =	vunpack.i.l.bf16.f32 v24;
	v39 =	vld [tilespmem:s17+$0x14EA0];
	(erf) = vpow2.f32 v23;
	v25 =	vpop (erf);
	[tilespmem:s21+$0x1B280] =	vst v13  }
0x12f: {  	v24 =	vunpack.i.l.bf16.f32 v8;
	v40 =	vadd.f32 $1.000000000e+00, v27;
	v19 =	vunpack.i.l.bf16.f32 v15;
	v23 =	vld [tilespmem:s17+$0x176B0];
	v27 =	vpop (erf);
	[tilespmem:s21+$0x1B2B0] =	vst v43;
	s21 =	smov.u32 s23;
	s23 =	smov.u32 s17  }
0x130: {  	v10 =	vmovc v7;
	v31 =	vadd.f32 v31, v29;
	v29 =	vmul.f32 $1.442695020e+00, v44;
	v41 =	vunpack.i.l.bf16.f32 v30;
	v42 =	vld [tilespmem:s23+$0x14EB0];
	v13 =	vmovc v26  }
0x131: {  	v28 =	vunpack.i.u.bf16.f32 v28;
	v11 =	vmovc v9;
	v7 =	vmovc v30;
	v26 =	vld [tilespmem:s23+$0x14E80];
	v37 =	vadd.f32 v37, v24;
	(erf) = vrcp.f32 v34  }
0x132: {  	v30 =	vunpack.i.l.bf16.f32 v13;
	v38 =	vadd.f32 v38, v41;
	(erf) = vpow2.f32 v29  }
.Ltmp3:
0x133: {  	v20 =	vunpack.i.l.bf16.f32 v20;
	v29 =	vadd.f32 v39, v30;
	v30 =	vadd.f32 v37, v36;
	v24 =	vpop (erf);
	(pc) =	sbr.rel @p2 .LBB2_5-.Ltmp3, $4  }
0x134: {  	v37 =	vadd.f32 v38, v28;
	v34 =	vunpack.i.l.bf16.f32 v23;
	(erf) = vrcp.f32 v40;
	v9 =	vmovc v23  }
0x135: {  	v36 =	vadd.f32 v29, v20;
	v20 =	vadd.f32 v21, v19;
	v29 =	vmul.f32 $1.442695020e+00, v30  }
0x136: {  	v19 =	vadd.f32 v42, v34;
	v23 =	vadd.f32 v26, v32;
	(erf) = vrcp.f32 v33  }
0x137: {  	v21 =	vadd.f32 v31, v35;
	v26 =	vmul.f32 $1.442695020e+00, v37;
	v30 =	vmul.f32 $1.442695020e+00, v36;
	v28 =	vpop (erf)  }
0x138: {  	v20 =	vadd.f32 v20, v22;
	(erf) = vpow2.f32 v29;
	v55 =	vadd.f32 $1.000000000e+00, v27  }
0x139: {  	v25 =	vadd.f32 $1.000000000e+00, v25;
	(erf) = vpow2.f32 v30  }
0x13a: {  	v20 =	vmul.f32 $1.442695020e+00, v20;
	(erf) = vrcp.f32 v55  }
0x13b: {  	(erf) = vrcp.f32 v25  }
0x13c: {  	(erf) = vpow2.f32 v20  }
0x13d: {  	v56 =	vpop (erf)  }
0x13e: {  	v57 =	vpop (erf)  }
0x13f: {  	v58 =	vadd.f32 $1.000000000e+00, v28;
	v59 =	vpop (erf)  }
0x140: {  	v22 =	vadd.f32 $1.000000000e+00, v57;
	v60 =	vpop (erf)  }
0x141: {  	v21 =	vmul.f32 $1.442695020e+00, v21;
	(erf) = vrcp.f32 v58;
	v61 =	vpop (erf)  }
0x142: {  	(erf) = vrcp.f32 v22;
	v62 =	vpop (erf)  }
0x143: {  	v18 =	vmul.f32 $1.442695020e+00, v18;
	v14 =	vadd.f32 v23, v14;
	(erf) = vpow2.f32 v21;
	v63 =	vpop (erf)  }
0x144: {  	(erf) = vpow2.f32 v26;
	v22 =	vadd.f32 $1.000000000e+00, v62;
	v29 =	vpop (erf)  }
0x145: {  	v16 =	vadd.f32 v19, v16;
	v14 =	vmul.f32 $1.442695020e+00, v14;
	(erf) = vpow2.f32 v18;
	v30 =	vpop (erf)  }
0x146: {  	(erf) = vrcp.f32 v22;
	v18 =	vadd.f32 $1.000000000e+00, v30  }
0x147: {  	v31 =	vmul.f32 $1.442695020e+00, v16;
	(erf) = vpow2.f32 v14  }
0x148: {  	(erf) = vrcp.f32 v18  }
0x149: {  	(erf) = vpow2.f32 v31  }
0x14a: {  	v32 =	vpop (erf)  }
0x14b: {  	v33 =	vpop (erf)  }
0x14c: {  	v34 =	vpop (erf)  }
0x14d: {  	v35 =	vpop (erf)  }
0x14e: {  	v6 =	vunpack.i.u.bf16.f32 v6;
	v17 =	vmul.f32 v24, v17;
	v18 =	vadd.f32 $1.000000000e+00, v34;
	v36 =	vpop (erf)  }
0x14f: {  	v5 =	vunpack.i.u.bf16.f32 v5;
	v3 =	vunpack.i.u.bf16.f32 v3;
	v37 =	vadd.f32 $1.000000000e+00, v61;
	v38 =	vpop (erf)  }
0x150: {  	v1 =	vunpack.i.u.bf16.f32 v1;
	(erf) = vrcp.f32 v18;
	v22 =	vadd.f32 $1.000000000e+00, v36;
	v39 =	vpop (erf)  }
0x151: {  	v6 =	vmul.f32 v56, v6;
	v19 =	vadd.f32 $1.000000000e+00, v35;
	(erf) = vrcp.f32 v37;
	v40 =	vpop (erf)  }
0x152: {  	[tilespmem:s21+$0x1B2A0] =	vst v17;
	v5 =	vmul.f32 v59, v5;
	(erf) = vrcp.f32 v22;
	v41 =	vadd.f32 $1.000000000e+00, v39;
	v42 =	vpop (erf)  }
0x153: {  	[tilespmem:s21+$0x1B2E0] =	vst v6;
	v3 =	vmul.f32 v60, v3;
	(erf) = vrcp.f32 v19;
	v43 =	vadd.f32 $1.000000000e+00, v42  }
0x154: {  	v44 =	vunpack.i.u.bf16.f32 v10;
	[tilespmem:s21+$0x1B290] =	vst v5;
	v1 =	vmul.f32 v63, v1;
	(erf) = vrcp.f32 v41  }
0x155: {  	v0 =	vunpack.i.u.bf16.f32 v0;
	[tilespmem:s21+$0x1B2F0] =	vst v3;
	v45 =	vmul.f32 v29, v44;
	(erf) = vrcp.f32 v43  }
0x156: {  	v46 =	vunpack.i.u.bf16.f32 v11;
	[tilespmem:s21+$0x1B2C0] =	vst v1;
	v0 =	vmul.f32 v32, v0  }
0x157: {  	v47 =	vunpack.i.u.bf16.f32 v13;
	[tilespmem:s21+$0x1B2D0] =	vst v45;
	v48 =	vmul.f32 v33, v46  }
0x158: {  	v49 =	vunpack.i.u.bf16.f32 v15;
	[tilespmem:s21+$0x1B280] =	vst v0;
	v1 =	vmul.f32 v38, v47  }
0x159: {  	v50 =	vunpack.i.u.bf16.f32 v12;
	[tilespmem:s21+$0x1B2B0] =	vst v48;
	v0 =	vmul.f32 v40, v49;
	v51 =	vpop (erf)  }
0x15a: {  	v53 =	vunpack.i.u.bf16.f32 v8;
	[tilespmem:s23+$0x1B2A0] =	vst v1;
	v52 =	vmul.f32 v51, v50;
	v54 =	vpop (erf)  }
0x15b: {  	v55 =	vunpack.i.u.bf16.f32 v4;
	[tilespmem:s23+$0x1B2E0] =	vst v0;
	v3 =	vmul.f32 v54, v53;
	v56 =	vpop (erf)  }
0x15c: {  	v57 =	vunpack.i.u.bf16.f32 v7;
	[tilespmem:s23+$0x1B290] =	vst v52;
	v0 =	vmul.f32 v56, v55;
	v58 =	vpop (erf)  }
0x15d: {  	v2 =	vunpack.i.u.bf16.f32 v2;
	[tilespmem:s23+$0x1B2F0] =	vst v3;
	v1 =	vmul.f32 v58, v57;
	v59 =	vpop (erf)  }
0x15e: {  	v60 =	vunpack.i.u.bf16.f32 v9;
	[tilespmem:s23+$0x1B2C0] =	vst v0;
	v61 =	vmul.f32 v59, v2;
	v62 =	vpop (erf)  }
0x15f: {  	[tilespmem:s23+$0x1B2D0] =	vst v1;
	v63 =	vmul.f32 v62, v60  }
0x160: {  	[tilespmem:s23+$0x1B280] =	vst v61  }
.Ltmp4:
0x161: {  	[tilespmem:s23+$0x1B2B0] =	vst v63;
	(pc) =	sbr.rel @p1 .LBB2_8-.Ltmp4, $4  }
0x162: {  	[spmem:s2] =	stream.indirect.scatter.add.f32 [tilespmem:s15], [sflag:$0x3], $0x80, s30, s1, $0xb8;
	[tilespmem:$0x1C680] =	vst v63  }
0x163: {  	_ =	swait.ge [sflag:s26], $0x1400  }
0x164: {  	[sflag:s26] =	ssyncset.done $0x0  }
0x165: {  	[sflag:s26] =	ssyncadd.s32 $0xFFFFEC00  }
0x166: {  	s12 =	sadd.s32 s22, s19  }
0x167: {  	s12 =	smul.u32 $0x5, s12  }
.Ltmp5:
0x168: {  	_ = 	snop;
	(pc) =	sbr.rel .LBB2_2-.Ltmp5, $4  }
0x169: {  	s17 =	sadd.s32 s8, s12  }
0x16a: {  	[tilespmem:s30], [sflag:$0x1] =	stream.linear.gather [hbm4b:s17+s3], $0x28, $0x38;
	[tilespmem:$0x1C680] =	vst v63  }
0x16b: {  	s18 =	sadd.s32 $0x1, s18;
	s12 =	sadd.s32 s7, s12  }
0x16c: {  	[tilespmem:s31], [sflag:$0x1] =	stream.linear.gather [hbm4b:s12+s3], $0x28, $0x38;
	[tilespmem:$0x1C680] =	vst v63  }
.LBB2_9:
0x16d: {  	_ =	sfence.sel $0x180000  }
0x16e: {  	[bflag:$0x0] =	sbarrier.arrive $0xFFFF  }
0x16f: {  	_ =	strace $0x90000047  }
0x170: {  	s0 =	stileid.u32;
	[bflag:$0x2] =	sbarrier.arrive $0xFFFF  }
0x171: {  	p0 =	sne.s32 s0, $0x0;
	s0 =	rddreg [dreg:$0x2]  }
0x172: {  	s0 =	sadd.s32 @!p0 $0x100000, s0  }
0x173: {  	[sflag:s0] =	ssyncadd.tile.s32 @!p0 $0x1;
	_ =	shalt  }
.Lfunc_end2:
_tile_overlayer_lowered:
.L_overlay_start_2:
0x174: {  	(tag) =	ssettag $0x2  }
0x175: {  	s0 =	rddreg [dreg:$0x0];
	s2 =	stileid.u32  }
0x176: {  	s1 =	rddreg [dreg:$0x1];
	p0 =	sne.s32 s2, $0x0  }
0x177: {  	s3 =	rddreg [dreg:$0x2];
	[bflag:$0x3] =	sbarrier.arrive $0xFFFF;
	s2 =	simm.s32 @!p0 $0x1C03  }
0x178: {  	[timem:s3], [sflag:s2] =	dma.local @!p0 [hbm:s0], s1  }
0x179: {  	s0 =	simm.s32 @!p0 $0x3  }
0x17a: {  	_ =	swait.ge @!p0 [sflag:s0], s1  }
0x17b: {  	s1 =	ssub.s32 @!p0 $0x0, s1;
	[sflag:s0] =	ssyncset.done @!p0 $0x0  }
0x17c: {  	[sflag:s0] =	ssyncadd.s32 @!p0 s1  }
0x17d: {  	[bflag:$0x3] =	sbarrier.arrive $0xFFFF  }
0x17e: {  	_ =	shalt  }

// kernel: kernel.15.cloned.1.call-start
scs
__scs_entry_jumppad:
0x0: {  	(pc) =	sbr.rel $0x88, $3  }
0x1: {  	(tag) =	ssettag $0x0;
	lr =	simm.s32 $0x1  }
0x2: {  	[smem:$0x3F7B] =	sst lr;
	_ =	strace $0xD0000000  }
0x3: {  	_ = 	snop  }
0x4: {  	_ = 	snop  }
0x5: {  	_ = 	snop  }
0x6: {  	_ = 	snop  }
0x7: {  	_ = 	snop  }
__scs_overlays_trampoline_lowered:
0x8: {  	[smem:$0x3F8A] =	sst s0  }
0x9: {  	[smem:$0x3F8B] =	sst s1  }
0xa: {  	[smem:$0x3F8C] =	sst s2  }
0xb: {  	[smem:$0x3F8D] =	sst s3  }
0xc: {  	[smem:$0x3F8E] =	sst s4  }
0xd: {  	[smem:$0x3F8F] =	sst s5  }
0xe: {  	[smem:$0x3F90] =	sst s6  }
0xf: {  	[smem:$0x3F91] =	sst s7  }
0x10: {  	[smem:$0x3F92] =	sst s8  }
0x11: {  	[smem:$0x3F93] =	sst s9;
	s0 =	simm.s32 @!p0 $0x0  }
0x12: {  	s1 =	sld [smem:$0x3F79];
	s0 =	simm.s32 @p0 $0x1  }
0x13: {  	[smem:$0x3F94] =	sst s0;
	s0 =	simm.s32 @!p1 $0x0  }
0x14: {  	s2 =	sld [smem:$0x3F78];
	s0 =	simm.s32 @p1 $0x1  }
0x15: {  	[smem:$0x3F95] =	sst s0;
	s0 =	simm.s32 @!p2 $0x0  }
0x16: {  	s3 =	sld [smem:$0x3FDB];
	s0 =	simm.s32 @p2 $0x1  }
0x17: {  	s4 =	simm.s32 $0x1BF5;
	[smem:$0x3F97] =	sst s0  }
0x18: {  	s0 =	sld [smem:$0x3F7A];
	_ =	swait.ge [sflag:s4], $0x0  }
0x19: {  	s7 =	sld [smem:$0x3F7B]  }
0x1a: {  	s8 =	sadd.s32 $0xFFFFE003, lr  }
0x1b: {  	s9 =	sadd.s32 $0xFFFFFEF7, lr;
	s5 =	simm.s32 $0xFFFFFFFF;
	p2 =	slt.u32 s8, $0xFFFFF086  }
0x1c: {  	p1 =	slt.u32 s9, $0xF7A;
	s5 =	simm.s32 @!p2 $0x0  }
0x1d: {  	s5 =	simm.s32 @p1 $0x1;
	p0 =	seq.s32 s7, s2  }
0x1e: {  	s7 =	smul.u32 @!p0 $0xF7A, s2;
	p2 =	seq.s32 @!p0 s5, $0x0  }
0x1f: {  	s9 =	smul.u32 $0xF7A, s1;
	s8 =	simm.s32 @!p0 $0x1BF5;
	p2 =	por !p2, p0  }
0x20: {  	[sflag:s8] =	ssyncset.s32 @!p0 $0xFFFFF086;
	s6 =	sadd.s32 @!p0 s3, s7;
	s7 =	simm.s32 @!p0 $0x108  }
0x21: {  	s3 =	sadd.s32 s3, s9;
	s6 =	sadd.s32 @!p0 $0x88, s6;
	s7 =	simm.s32 @p2 $0x1082  }
0x22: {  	[simem:s7], [sflag:s8] =	dma.local @!p0 [hbm:s6], $0xF7A  }
0x23: {  	s9 =	sor.u32 $0xD0000000, s2;
	s6 =	simm.s32 $0x108;
	_ =	swait.ge @!p0 [sflag:s8], $0x0  }
0x24: {  	s3 =	sadd.s32 $0x88, s3;
	s6 =	simm.s32 @!p1 $0x1082;
	[sflag:s4] =	ssyncset.s32 $0xFFFFF086  }
0x25: {  	[simem:s6], [sflag:s4] =	dma.local [hbm:s3], $0xF7A  }
0x26: {  	[smem:$0x3F7B] =	sst s1;
	(tag) =	ssettag s2;
	_ =	strace s9  }
0x27: {  	s1 =	sld [smem:$0x3F8B]  }
0x28: {  	s2 =	sld [smem:$0x3F8C]  }
0x29: {  	s4 =	sld [smem:$0x3F8E]  }
0x2a: {  	p0 =	seq.s32 s5, $0x0;
	s5 =	sld [smem:$0x3F8F]  }
0x2b: {  	s6 =	sld [smem:$0x3F90]  }
0x2c: {  	s7 =	sld [smem:$0x3F91]  }
0x2d: {  	s3 =	simm.s32 $0x108;
	s8 =	sld [smem:$0x3F92]  }
0x2e: {  	s3 =	simm.s32 @!p0 $0x1082;
	s9 =	sld [smem:$0x3F93]  }
0x2f: {  	lr =	sadd.s32 s0, s3;
	s0 =	sld [smem:$0x3F8A]  }
0x30: {  	s3 =	sld [smem:$0x3F8D]  }
0x31: {  	[smem:$0x3F96] =	sst s10  }
0x32: {  	s10 =	sld [smem:$0x3F94];
	_ =	sdelay $0x3  }
0x33: {  	p0 =	seq.s32 s10, $0x1;
	s10 =	sld [smem:$0x3F96];
	_ =	sdelay $0x3  }
0x34: {  	[smem:$0x3F96] =	sst s10  }
0x35: {  	s10 =	sld [smem:$0x3F95];
	_ =	sdelay $0x3  }
0x36: {  	p1 =	seq.s32 s10, $0x1;
	s10 =	sld [smem:$0x3F96];
	_ =	sdelay $0x3  }
0x37: {  	[smem:$0x3F96] =	sst s10  }
0x38: {  	s10 =	sld [smem:$0x3F97]  }
0x39: {  	_ = 	snop;
	(pc) =	sbr.ind lr, $3  }
0x3a: {  	_ = 	snop  }
0x3b: {  	_ = 	snop  }
0x3c: {  	p2 =	seq.s32 s10, $0x1;
	s10 =	sld [smem:$0x3F96]  }
0x3d: {  	_ =	shalt  }
0x3e: {  	_ =	shalt  }
0x3f: {  	_ =	shalt  }
0x40: {  	_ =	shalt  }
0x41: {  	_ =	shalt  }
0x42: {  	_ =	shalt  }
0x43: {  	_ =	shalt  }
0x44: {  	_ =	shalt  }
0x45: {  	_ =	shalt  }
0x46: {  	_ =	shalt  }
0x47: {  	_ =	shalt  }
0x48: {  	_ =	shalt  }
0x49: {  	_ =	shalt  }
0x4a: {  	_ =	shalt  }
0x4b: {  	_ =	shalt  }
0x4c: {  	_ =	shalt  }
0x4d: {  	_ =	shalt  }
0x4e: {  	_ =	shalt  }
0x4f: {  	_ =	shalt  }
0x50: {  	_ =	shalt  }
0x51: {  	_ =	shalt  }
0x52: {  	_ =	shalt  }
0x53: {  	_ =	shalt  }
0x54: {  	_ =	shalt  }
0x55: {  	_ =	shalt  }
0x56: {  	_ =	shalt  }
0x57: {  	_ =	shalt  }
0x58: {  	_ =	shalt  }
0x59: {  	_ =	shalt  }
0x5a: {  	_ =	shalt  }
0x5b: {  	_ =	shalt  }
0x5c: {  	_ =	shalt  }
0x5d: {  	_ =	shalt  }
0x5e: {  	_ =	shalt  }
0x5f: {  	_ =	shalt  }
0x60: {  	_ =	shalt  }
0x61: {  	_ =	shalt  }
0x62: {  	_ =	shalt  }
0x63: {  	_ =	shalt  }
0x64: {  	_ =	shalt  }
0x65: {  	_ =	shalt  }
0x66: {  	_ =	shalt  }
0x67: {  	_ =	shalt  }
0x68: {  	_ =	shalt  }
0x69: {  	_ =	shalt  }
0x6a: {  	_ =	shalt  }
0x6b: {  	_ =	shalt  }
0x6c: {  	_ =	shalt  }
0x6d: {  	_ =	shalt  }
0x6e: {  	_ =	shalt  }
0x6f: {  	_ =	shalt  }
0x70: {  	_ =	shalt  }
0x71: {  	_ =	shalt  }
0x72: {  	_ =	shalt  }
0x73: {  	_ =	shalt  }
0x74: {  	_ =	shalt  }
0x75: {  	_ =	shalt  }
0x76: {  	_ =	shalt  }
0x77: {  	_ =	shalt  }
0x78: {  	_ =	shalt  }
0x79: {  	_ =	shalt  }
0x7a: {  	_ =	shalt  }
0x7b: {  	_ =	shalt  }
0x7c: {  	_ =	shalt  }
0x7d: {  	_ =	shalt  }
0x7e: {  	_ =	shalt  }
0x7f: {  	_ =	shalt  }
0x80: {  	_ =	shalt  }
0x81: {  	_ =	shalt  }
0x82: {  	_ =	shalt  }
0x83: {  	_ =	shalt  }
0x84: {  	_ =	shalt  }
0x85: {  	_ =	shalt  }
0x86: {  	_ =	shalt  }
0x87: {  	_ =	shalt  }
.Lfunc_end0:
.L_simem_size_0:
called_computation.1_lowered:
.L_overlay_start_0:
0x88: {  	s2 =	sld [smem:$0x3FD9]  }
0x89: {  	s3 =	sld [smem:$0x3FFE];
	_ =	sdelay $0x1  }
0x8a: {  	s1 =	srdreg.scid  }
0x8b: {  	s0 =	sand.u32 $0x1, s1  }
0x8c: {  	s16 =	sshll.u32 s0, $0xA;
	s2 =	sadd.s32 s3, s2  }
0x8d: {  	s2 =	sadd.s32 s2, s16  }
0x8e: {  	[smem:$0x3FA2] =	sst s2  }
0x8f: {  	_ = 	snop  }
0x90: {  	(tm) =	ssettm $0x1  }
0x91: {  	s17 =	sld [smem:$0x3FFB];
	_ =	sdelay $0x3  }
0x92: {  	_ =	strace s17  }
0x93: {  	s2 =	sld [smem:$0x3FFC];
	_ =	sdelay $0x3  }
0x94: {  	_ =	strace s2  }
0x95: {  	s2 =	sld [smem:$0x3FFD];
	_ =	sdelay $0x3  }
0x96: {  	_ =	strace s2  }
0x97: {  	_ =	strace $0x8FFFFFFF  }
0x98: {  	s18 =	sld [smem:$0x3FDB];
	_ =	sdelay $0x1  }
0x99: {  	s19 =	simm.s32 $_scs_section_size  }
0x9a: {  	s4 =	simm.s32 $_size__tile_overlayer_lowered;
	s5 =	simm.s32 $_tile_overlayer_lowered  }
0x9b: {  	s22 =	simm.s32 $0x1BFF;
	s21 =	sshll.u32 s5, $0x1;
	s2 =	sadd.s32 s19, s18  }
0x9c: {  	s6 =	simm.s32 $0x0;
	s20 =	sshll.u32 s4, $0x1;
	s4 =	sadd.s32 s21, s2  }
0x9d: {  	[timem:s6], [sflag:s22] =	dma.local [hbm:s4], s20  }
0x9e: {  	_ =	swait.ge [sflag:s22], s20  }
0x9f: {  	s3 =	ssub.s32 $0x0, s20;
	[sflag:s22] =	ssyncset.done $0x0  }
0xa0: {  	[sflag:s22] =	ssyncadd.s32 s3;
	_ =	sdelay $0x1  }
0xa1: {  	s23 =	simm.s32 $0x1B8B  }
0xa2: {  	_ =	swait.ge [sflag:s23], $0x1  }
0xa3: {  	[sflag:s23] =	ssyncset.done $0x0  }
0xa4: {  	s25 =	simm.s32 $0x1B8E;
	s24 =	sld [smem:$0x3FFE];
	[sflag:s23] =	ssyncadd.s32 $0xFFFFFFFF  }
0xa5: {  	s26 =	simm.s32 $execute0_lowered;
	[smem:$0x3FD2] =	sst s25  }
0xa6: {  	s4 =	sshll.u32 s26, $0x1;
	_ =	strace $0x80000049;
	[dreg:$0x1] =	wrdreg $0xFFFFFFFF  }
0xa7: {  	s28 =	simm.s32 $_size_execute0_lowered;
	s2 =	sadd.s32 s2, s4;
	[dreg:$0x0] =	wrdreg $0x0  }
0xa8: {  	s4 =	sshll.u32 s28, $0x1;
	[dreg:$0x2] =	wrdreg s2  }
0xa9: {  	[dreg:$0x3] =	wrdreg s4  }
0xaa: {  	[dreg:$0x4] =	wrdreg $0xC0  }
0xab: {  	_ =	task [dreg:s6], $0x5FFFF  }
0xac: {  	[dreg:$0x1] =	wrdreg $0xFFFFFFFF  }
0xad: {  	[dreg:$0x0] =	wrdreg $0x60  }
0xae: {  	[dreg:$0x2] =	wrdreg s24  }
0xaf: {  	[dreg:$0x3] =	wrdreg $0x0  }
0xb0: {  	[dreg:$0x4] =	wrdreg $0x9  }
0xb1: {  	_ =	task.clear_ibuf [dreg:s6], $0x5FFFF;
	_ =	strace $0x90000049  }
0xb2: {  	s29 =	simm.s32 $0x9;
	_ =	strace $0x8000004B  }
0xb3: {  	_ =	swait.ge [sflag:s29], $0x1  }
0xb4: {  	[sflag:s29] =	ssyncadd.s32 $0xFFFFFFFF  }
0xb5: {  	_ =	strace $0x9000004B  }
0xb6: {  	_ =	sfence  }
0xb7: {  	s30 =	sld [smem:$0x0];
	_ =	sdelay $0x2  }
0xb8: {  	s31 =	sshll.u32 s1, $0xD;
	s1 =	sshrl.u32 s1, $0x2  }
0xb9: {  	s3 =	sand.u32 $0x4000, s31;
	s1 =	sadd.s32 s1, s30  }
0xba: {  	s0 =	sor.u32 s3, s0;
	s1 =	sshll.u32 s1, $0x11  }
0xbb: {  	s0 =	sor.u32 s1, s0  }
0xbc: {  	s0 =	sadd.s32 $0x8F2B, s0  }
0xbd: {  	[sflag:s0] =	ssyncadd.remote.s32 $0x1  }
0xbe: {  	_ =	sfence.sel $0xFFFF  }
0xbf: {  	[dreg:$0x0] =	wrdreg $0xFFFFFFFF;
	(pc) =	sbr.abs _section_cstart, $3  }
0xc0: {  	[dreg:$0x1] =	wrdreg $0xFFFFFFFF  }
0xc1: {  	_ =	task.clear_ibuf [dreg:s6], $0x2FFFF;
	_ =	strace $0x9FFFFFFF  }
0xc2: {  	(tm) =	ssettm $0x7FFFFFFF  }
0xc3: {  	_ =	shalt  }
tec
execute0_lowered:
.L_overlay_start_1:
0x0: {  	(tag) =	ssettag $0x1  }
0x1: {  	s0 =	rddreg [dreg:$0x0]  }
0x2: {  	s1 =	rddreg [dreg:$0x1];
	s3 =	simm.s32 $0x0  }
0x3: {  	s17 =	stileid.u32;
	s10 =	srdreg.scid;
	s28 =	simm.s32 $0x13880  }
0x4: {  	s30 =	simm.s32 $0x13900;
	s31 =	simm.s32 $0x13A00;
	[smem:$0x7FF] =	sst s3  }
0x5: {  	s4 =	sadd.s32 $0x599200, s0;
	s2 =	smul.u32 $0x13800, s17;
	s5 =	sadd.s32 $0x1AA00, s0  }
0x6: {  	s6 =	sadd.s32 $0x5E7400, s0;
	s7 =	sadd.s32 $0x10C00, s0;
	s8 =	sadd.s32 $0x6E00, s0  }
0x7: {  	s10 =	sand.u32 $0x1, s10;
	s12 =	smul.u32 $0x4E000, s17;
	s13 =	sadd.s32 $0x68E00, s0  }
0x8: {  	s25 =	sshll.u32 s17, $0x1;
	s29 =	sshll.u32 s17, $0x6;
	s19 =	sadd.s32 $0x599000, s0  }
0x9: {  	p0 =	sne.s32 s17, $0xF;
	_ =	strace $0x8000004A;
	s14 =	ssub.s32 $0x2, s10  }
0xa: {  	s18 =	sor.u32 $0x1C03, s29;
	[dreg:$0x7] =	wrdreg s19;
	s9 =	sshrl.u32 s2, $0x3  }
0xb: {  	s15 =	sshrl.u32 s14, $0x1;
	s12 =	sshrl.u32 s12, $0x2;
	[dreg:$0x5] =	wrdreg s18  }
0xc: {  	s11 =	sadd.s32 s9, s0;
	s9 =	sor.u32 s10, s25;
	s10 =	smul.u32 $0x138800, s10  }
0xd: {  	s14 =	ssub.s32 s14, s15;
	s12 =	sadd.s32 s12, s1;
	s26 =	smul.u32 $0x5, s9  }
0xe: {  	s15 =	simm.s32 $0x1B280;
	[dreg:$0x3] =	wrdreg s12;
	s16 =	smul.u32 $0x28, s9  }
0xf: {  	s11 =	sadd.s32 $0x572000, s11;
	s12 =	sadd.s32 $0x138000, s1;
	s23 =	smul.u32 $0x280, s9  }
0x10: {  	s29 =	smax.u32 s14, $0x1;
	s14 =	simm.s32 $0x2;
	[dreg:$0x4] =	wrdreg s11  }
0x11: {  	[dreg:$0x6] =	wrdreg s12;
	s2 =	sadd.s32 s2, s10;
	s10 =	sshrl.u32 s10, $0x3  }
0x12: {  	[dreg:$0xf] =	wrdreg s29;
	s20 =	sadd.s32 s8, s26;
	s21 =	sshrl.u32 s16, $0x3  }
0x13: {  	s22 =	sadd.s32 s7, s26;
	s25 =	sadd.s32 s6, s23;
	s2 =	sshrl.u32 s2, $0x3  }
0x14: {  	s26 =	sadd.s32 s13, s10;
	s10 =	simm.s32 $0x14E80;
	[dreg:$0x8] =	wrdreg s20  }
0x15: {  	s16 =	simm.s32 $0x0;
	[dreg:$0x9] =	wrdreg s22;
	s11 =	sadd.s32 $0xA0, s21  }
0x16: {  	[dreg:$0xc] =	wrdreg s25;
	s20 =	sor.u32 $0x40, s9;
	s2 =	sadd.s32 s13, s2  }
.Ltmp0:
0x17: {  	s22 =	sor.u32 $0x60, s9;
	s25 =	sadd.s32 $0x5EC400, s0;
	(pc) =	sbr.rel .LBB2_1-.Ltmp0, $4  }
0x18: {  	s0 =	simm.s32 $0x1;
	s24 =	sadd.s32 s8, s11;
	[dreg:$0xd] =	wrdreg s2  }
0x19: {  	s13 =	simm.s32 $0x19E80;
	s11 =	sadd.s32 s7, s11;
	[dreg:$0xa] =	wrdreg s24  }
0x1a: {  	s2 =	sadd.s32 $0x27000, s26;
	s26 =	simm.s32 $0x3;
	[dreg:$0xb] =	wrdreg s11  }
0x1b: {  	[dreg:$0xe] =	wrdreg s2;
	s2 =	simm.s32 $0x28;
	s11 =	simm.s32 $0x17680  }
.LBB2_8:
0x1c: {  	[bflag:$0x0] =	sbarrier.arrive $0xFFFF  }
0x1d: {  	s18 =	rddreg [dreg:$0x5]  }
0x1e: {  	s12 =	rddreg [dreg:$0xd]  }
0x1f: {  	s17 =	rddreg [dreg:$0x10]  }
0x20: {  	[hbm:s12], [sflag:s18] =	dma.local [spmem:s17], $0x2700  }
0x21: {  	_ =	swait.ge [sflag:s26], $0x2700  }
0x22: {  	[sflag:s26] =	ssyncset.done $0x0;
	s12 =	rddreg [dreg:$0xe]  }
0x23: {  	s17 =	rddreg [dreg:$0x11];
	[sflag:s26] =	ssyncadd.s32 $0xFFFFD900  }
0x24: {  	[hbm:s12], [sflag:s18] =	dma.local @!p0 [spmem:s17], $0x100  }
0x25: {  	s12 =	simm.s32 @!p0 $0x3  }
0x26: {  	_ =	swait.ge @!p0 [sflag:s12], $0x100  }
0x27: {  	s16 =	sadd.s32 $0x1, s16;
	s29 =	rddreg [dreg:$0xf]  }
0x28: {  	p1 =	sne.s32 s16, s29  }
.Ltmp1:
0x29: {  	_ = 	snop;
	(pc) =	sbr.rel @!p1 .LBB2_9-.Ltmp1, $3  }
0x2a: {  	_ =	sdelay $0x1  }
0x2b: {  	[sflag:s12] =	ssyncset.done @!p0 $0x0  }
0x2c: {  	[sflag:s12] =	ssyncadd.s32 @!p0 $0xFFFFFF00  }
.LBB2_1:
0x2d: {  	s12 =	rddreg [dreg:$0x3]  }
0x2e: {  	s21 =	rddreg [dreg:$0x4];
	s17 =	sshrl.u32 s12, $0x3  }
0x2f: {  	[dreg:$0x10] =	wrdreg s17  }
0x30: {  	[spmem:s17], [sflag:s18] =	dma.local [hbm:s21], $0x2700  }
0x31: {  	_ =	swait.ge [sflag:s26], $0x2700  }
0x32: {  	s12 =	rddreg [dreg:$0x6]  }
0x33: {  	[sflag:s26] =	ssyncset.done $0x0;
	s17 =	sshrl.u32 @!p0 s12, $0x3;
	s12 =	rddreg [dreg:$0x7]  }
0x34: {  	[sflag:s26] =	ssyncadd.s32 $0xFFFFD900;
	[dreg:$0x11] =	wrdreg s17  }
0x35: {  	[spmem:s17], [sflag:s18] =	dma.local @!p0 [hbm:s12], $0x100  }
0x36: {  	s17 =	simm.s32 @!p0 $0x3  }
0x37: {  	_ =	swait.ge @!p0 [sflag:s17], $0x100  }
0x38: {  	[sflag:s17] =	ssyncset.done @!p0 $0x0  }
0x39: {  	[sflag:s17] =	ssyncadd.s32 @!p0 $0xFFFFFF00  }
0x3a: {  	[bflag:$0x0] =	sbarrier.arrive $0xFFFF  }
0x3b: {  	s23 =	rddreg [dreg:$0x8]  }
0x3c: {  	[tilespmem:s28], [sflag:$0x1] =	stream.linear.gather [hbm4b:s23+s3], $0x28, $0x38;
	[tilespmem:$0x1C680] =	vst v63  }
0x3d: {  	s29 =	simm.s32 $0x13980;
	s24 =	rddreg [dreg:$0x9]  }
0x3e: {  	[tilespmem:s29], [sflag:$0x1] =	stream.linear.gather [hbm4b:s24+s3], $0x28, $0x38;
	[tilespmem:$0x1C680] =	vst v63  }
0x3f: {  	s18 =	rddreg [dreg:$0xa]  }
0x40: {  	[tilespmem:s30], [sflag:$0x1] =	stream.linear.gather [hbm4b:s18+s3], $0x28, $0x38;
	[tilespmem:$0x1C680] =	vst v63  }
0x41: {  	s19 =	rddreg [dreg:$0xb]  }
0x42: {  	[tilespmem:s31], [sflag:$0x1] =	stream.linear.gather [hbm4b:s19+s3], $0x28, $0x38;
	[tilespmem:$0x1C680] =	vst v63  }
0x43: {  	_ =	swait.ge [sflag:s0], $0x28  }
0x44: {  	[sflag:s0] =	ssyncset.done $0x0  }
0x45: {  	[sflag:s0] =	ssyncadd.s32 $0xFFFFFFD8  }
0x46: {  	_ =	swait.ge [sflag:s0], $0x28  }
0x47: {  	[sflag:s0] =	ssyncset.done $0x0  }
0x48: {  	s21 =	simm.s32 $0x13A80;
	[sflag:s0] =	ssyncadd.s32 $0xFFFFFFD8  }
0x49: {  	[tilespmem:s21], [sflag:$0x2] =	stream.indirect.gather [hbm4b:s4+s2], $0x80, s28, s2, $0xb8;
	[tilespmem:$0x1C680] =	vst v63  }
0x4a: {  	s23 =	simm.s32 $0x16280  }
0x4b: {  	[tilespmem:s23], [sflag:$0x2] =	stream.indirect.gather [hbm4b:s5+s2], $0x80, s29, s2, $0xb8;
	[tilespmem:$0x1C680] =	vst v63  }
0x4c: {  	s18 =	simm.s32 $0x0;
	s24 =	rddreg [dreg:$0xc];
	s29 =	simm.s32 $0x18A80  }
0x4d: {  	[tilespmem:s29], [sflag:$0x2] =	stream.linear.gather [hbm4b:s24+s3], $0x1400, $0x38;
	[tilespmem:$0x1C680] =	vst v63  }
.LBB2_2:
0x4e: {  	_ =	swait.ge [sflag:s0], $0x28  }
0x4f: {  	[sflag:s0] =	ssyncset.done $0x0  }
0x50: {  	[sflag:s0] =	ssyncadd.s32 $0xFFFFFFD8  }
0x51: {  	_ =	swait.ge [sflag:s0], $0x28  }
0x52: {  	s19 =	sshll.u32 s18, $0x6;
	[sflag:s0] =	ssyncset.done $0x0  }
0x53: {  	s17 =	sor.u32 s9, s19;
	[sflag:s0] =	ssyncadd.s32 $0xFFFFFFD8  }
0x54: {  	[tilespmem:s10], [sflag:$0x2] =	stream.indirect.gather [hbm4b:s4+s2], $0x80, s30, s2, $0xb8;
	[tilespmem:$0x1C680] =	vst v63  }
0x55: {  	s17 =	smul.u32 $0x280, s17  }
0x56: {  	[tilespmem:s11], [sflag:$0x2] =	stream.indirect.gather [hbm4b:s5+s2], $0x80, s31, s2, $0xb8;
	[tilespmem:$0x1C680] =	vst v63  }
0x57: {  	s21 =	simm.s32 $0x0;
	s17 =	sadd.s32 s25, s17  }
0x58: {  	[tilespmem:s13], [sflag:$0x2] =	stream.linear.gather [hbm4b:s17+s21], $0x1400, $0x38;
	[tilespmem:$0x1C680] =	vst v63  }
0x59: {  	_ =	swait.ge [sflag:s14], $0x1400  }
0x5a: {  	[sflag:s14] =	ssyncset.done $0x0  }
0x5b: {  	[sflag:s14] =	ssyncadd.s32 $0xFFFFEC00  }
0x5c: {  	_ =	swait.ge [sflag:s14], $0x1400  }
0x5d: {  	[sflag:s14] =	ssyncset.done $0x0  }
0x5e: {  	[sflag:s14] =	ssyncadd.s32 $0xFFFFEC00  }
0x5f: {  	_ =	swait.ge [sflag:s14], $0x1400  }
0x60: {  	[sflag:s14] =	ssyncset.done $0x0  }
0x61: {  	s21 =	simm.s32 $0x0;
	[sflag:s14] =	ssyncadd.s32 $0xFFFFEC00  }
0x62: {  	v2 =	vld [tilespmem:s21+$0x18AA0]  }
0x63: {  	v4 =	vld [tilespmem:s21+$0x13AC0]  }
0x64: {  	v7 =	vld [tilespmem:s21+$0x13AE0]  }
0x65: {  	v8 =	vld [tilespmem:s21+$0x13A90]  }
0x66: {  	v9 =	vld [tilespmem:s21+$0x18A80]  }
0x67: {  	v12 =	vld [tilespmem:s21+$0x18AB0]  }
0x68: {  	v15 =	vld [tilespmem:s21+$0x162A0]  }
0x69: {  	v3 =	vld [tilespmem:s21+$0x162F0]  }
0x6a: {  	v10 =	vld [tilespmem:s21+$0x13AF0]  }
0x6b: {  	v11 =	vld [tilespmem:s21+$0x13AA0]  }
0x6c: {  	v0 =	vld [tilespmem:s21+$0x16280]  }
0x6d: {  	v6 =	vld [tilespmem:s21+$0x162E0]  }
0x6e: {  	v1 =	vld [tilespmem:s21+$0x162C0];
	v14 =	vunpack.i.l.bf16.f32 v3  }
0x6f: {  	v5 =	vld [tilespmem:s21+$0x16290];
	v16 =	vunpack.i.l.bf16.f32 v15;
	v14 =	vadd.f32 v10, v14  }
0x70: {  	v13 =	vld [tilespmem:s21+$0x18A90];
	v17 =	vunpack.i.u.bf16.f32 v12;
	v16 =	vadd.f32 v11, v16  }
0x71: {  	v19 =	vunpack.i.l.bf16.f32 v2;
	v10 =	vld [tilespmem:s21+$0x162D0];
	v14 =	vadd.f32 v14, v17  }
0x72: {  	s23 =	simm.s32 $0x80;
	v18 =	vld [tilespmem:s21+$0x13AD0];
	v17 =	vunpack.i.l.bf16.f32 v6;
	v16 =	vadd.f32 v16, v19  }
0x73: {  	v21 =	vld [tilespmem:s23+$0x18AA0];
	v7 =	vadd.f32 v7, v17;
	v14 =	vmul.f32 $1.442695020e+00, v14  }
0x74: {  	v23 =	vld [tilespmem:s23+$0x13A90];
	v2 =	vunpack.i.u.bf16.f32 v2;
	v20 =	vunpack.i.l.bf16.f32 v5;
	v16 =	vmul.f32 $1.442695020e+00, v16  }
0x75: {  	v24 =	vld [tilespmem:s23+$0x18AB0];
	v2 =	vadd.f32 v7, v2;
	v7 =	vadd.f32 v8, v20;
	(erf) = vpow2.f32 v14  }
0x76: {  	v11 =	vld [tilespmem:s21+$0x162B0];
	v8 =	vunpack.i.l.bf16.f32 v13;
	v14 =	vunpack.i.l.bf16.f32 v10;
	(erf) = vpow2.f32 v16  }
0x77: {  	v26 =	vld [tilespmem:s23+$0x18A90];
	v14 =	vadd.f32 v18, v14;
	v7 =	vadd.f32 v7, v8  }
0x78: {  	v17 =	vld [tilespmem:s21+$0x13A80];
	v2 =	vmul.f32 $1.442695020e+00, v2;
	v8 =	vunpack.i.u.bf16.f32 v13  }
0x79: {  	v22 =	vunpack.i.l.bf16.f32 v1;
	v19 =	vld [tilespmem:s21+$0x13AB0];
	v8 =	vadd.f32 v14, v8;
	v7 =	vmul.f32 $1.442695020e+00, v7  }
0x7a: {  	v4 =	vadd.f32 v4, v22;
	v18 =	vld [tilespmem:s23+$0x18A80];
	v13 =	vunpack.i.u.bf16.f32 v9;
	(erf) = vpow2.f32 v2  }
0x7b: {  	v32 =	vld [tilespmem:s23+$0x13AF0];
	v8 =	vmul.f32 $1.442695020e+00, v8;
	(erf) = vpow2.f32 v7;
	v7 =	vunpack.i.l.bf16.f32 v11  }
0x7c: {  	v13 =	vadd.f32 v4, v13;
	v4 =	vld [tilespmem:s23+$0x162C0];
	v14 =	vunpack.i.l.bf16.f32 v0  }
0x7d: {  	v25 =	vunpack.i.l.bf16.f32 v12;
	v31 =	vunpack.i.l.bf16.f32 v26;
	v16 =	vld [tilespmem:s23+$0x13AC0];
	v14 =	vadd.f32 v17, v14  }
0x7e: {  	v9 =	vunpack.i.l.bf16.f32 v9;
	v2 =	vld [tilespmem:s23+$0x16280];
	v17 =	vmul.f32 $1.442695020e+00, v13;
	v19 =	vadd.f32 v19, v7;
	v7 =	vpop (erf)  }
0x7f: {  	v12 =	vld [tilespmem:s23+$0x16290];
	v27 =	vunpack.i.u.bf16.f32 v18;
	v9 =	vadd.f32 v14, v9;
	(erf) = vpow2.f32 v8;
	v8 =	vpop (erf)  }
0x80: {  	v14 =	vunpack.i.l.bf16.f32 v18;
	v30 =	vadd.f32 $1.000000000e+00, v7;
	v7 =	vld [tilespmem:s23+$0x162D0];
	v18 =	vadd.f32 $1.000000000e+00, v8  }
0x81: {  	v33 =	vunpack.i.u.bf16.f32 v24;
	v26 =	vunpack.i.u.bf16.f32 v26;
	v22 =	vunpack.i.l.bf16.f32 v4;
	v8 =	vld [tilespmem:s23+$0x162F0]  }
0x82: {  	(erf) = vpow2.f32 v17;
	v17 =	vunpack.i.u.bf16.f32 v15;
	v15 =	vld [tilespmem:s23+$0x162E0];
	v19 =	vadd.f32 v19, v25  }
0x83: {  	v34 =	vld [tilespmem:s23+$0x13AD0];
	v28 =	vunpack.i.l.bf16.f32 v2;
	v9 =	vmul.f32 $1.442695020e+00, v9;
	v16 =	vadd.f32 v16, v22  }
0x84: {  	v13 =	vld [tilespmem:s23+$0x162A0];
	v22 =	vunpack.i.u.bf16.f32 v21;
	v19 =	vmul.f32 $1.442695020e+00, v19;
	(erf) = vrcp.f32 v18;
	v18 =	vpop (erf)  }
0x85: {  	v36 =	vld [tilespmem:s23+$0x13AA0];
	(erf) = vpow2.f32 v9;
	v37 =	vunpack.i.l.bf16.f32 v7;
	v29 =	vadd.f32 $1.000000000e+00, v18  }
0x86: {  	v20 =	vld [tilespmem:s23+$0x13AE0];
	v18 =	vadd.f32 v16, v27;
	v27 =	vunpack.i.l.bf16.f32 v12;
	v25 =	vunpack.i.l.bf16.f32 v8  }
0x87: {  	v9 =	vld [tilespmem:s23+$0x162B0];
	v16 =	vunpack.i.l.bf16.f32 v24;
	v24 =	vunpack.i.l.bf16.f32 v15;
	v25 =	vadd.f32 v32, v25  }
0x88: {  	v39 =	vld [tilespmem:s23+$0x13AB0];
	v35 =	vpop (erf);
	v38 =	vadd.f32 v23, v27;
	v27 =	vadd.f32 v34, v37;
	(erf) = vrcp.f32 v29  }
0x89: {  	v35 =	vadd.f32 $1.000000000e+00, v35;
	v23 =	vld [tilespmem:s23+$0x13A80];
	v29 =	vunpack.i.l.bf16.f32 v13;
	(erf) = vpow2.f32 v19  }
0x8a: {  	v19 =	vunpack.i.l.bf16.f32 v21;
	v21 =	vadd.f32 v36, v29;
	v29 =	vadd.f32 v25, v33  }
0x8b: {  	v20 =	vadd.f32 v20, v24;
	v26 =	vadd.f32 v27, v26;
	v25 =	vpop (erf);
	(erf) = vrcp.f32 v35  }
0x8c: {  	v62 =	vunpack.i.l.bf16.f32 v9;
	v63 =	vadd.f32 v21, v19;
	v29 =	vmul.f32 $1.442695020e+00, v29;
	v27 =	vpop (erf)  }
0x8d: {  	v19 =	vadd.f32 v39, v62;
	v21 =	vadd.f32 v38, v31;
	(erf) = vrcp.f32 v30;
	v24 =	vpop (erf)  }
0x8e: {  	s24 =	simm.s32 $0x400;
	v26 =	vmul.f32 $1.442695020e+00, v26;
	v23 =	vadd.f32 v23, v28;
	v30 =	vmul.f32 $1.442695020e+00, v63;
	v28 =	vpop (erf)  }
.LBB2_3:
0x8f: {  	s17 =	sshra.s32 s24, $0x2;
	p1 =	sne.s32 s24, $0x4E00;
	s24 =	sadd.s32 $0x200, s24;
	v22 =	vadd.f32 v20, v22;
	(erf) = vpow2.f32 v29;
	v31 =	vadd.f32 $1.000000000e+00, v27  }
0x90: {  	v25 =	vadd.f32 $1.000000000e+00, v25;
	v20 =	vld [tilespmem:s17+$0x18AA0];
	v29 =	vmul.f32 $1.442695020e+00, v21;
	(erf) = vpow2.f32 v30  }
0x91: {  	v32 =	vunpack.i.u.bf16.f32 v6;
	v30 =	vld [tilespmem:s17+$0x13AC0];
	v22 =	vmul.f32 $1.442695020e+00, v22;
	(erf) = vrcp.f32 v31;
	v27 =	vpop (erf)  }
0x92: {  	v28 =	vadd.f32 $1.000000000e+00, v28;
	v33 =	vmul.f32 v24, v17;
	v21 =	vld [tilespmem:s17+$0x13AE0];
	(erf) = vrcp.f32 v25;
	v24 =	vpop (erf)  }
0x93: {  	v6 =	vmovc v15;
	v31 =	vld [tilespmem:s17+$0x13A90];
	(erf) = vpow2.f32 v22;
	v22 =	vmul.f32 v27, v32;
	v24 =	vadd.f32 $1.000000000e+00, v24  }
0x94: {  	v25 =	vunpack.i.u.bf16.f32 v5;
	v5 =	vmov v12;
	v15 =	vld [tilespmem:s17+$0x18A80];
	[tilespmem:s21+$0x1B2A0] =	vst v33;
	(erf) = vrcp.f32 v28;
	v17 =	vpop (erf)  }
0x95: {  	v27 =	vunpack.i.u.bf16.f32 v0;
	v0 =	vmovc v2;
	v12 =	vmul.f32 v17, v25;
	[tilespmem:s21+$0x1B2E0] =	vst v22;
	(erf) = vrcp.f32 v24;
	v2 =	vld [tilespmem:s17+$0x16280]  }
0x96: {  	v17 =	vmul.f32 $1.442695020e+00, v18;
	v25 =	vunpack.i.u.bf16.f32 v3;
	v24 =	vld [tilespmem:s17+$0x18AB0];
	(erf) = vpow2.f32 v29;
	v18 =	vpop (erf)  }
0x97: {  	v22 =	vunpack.i.u.bf16.f32 v1;
	v1 =	vmovc v4;
	v3 =	vmovc v8;
	(erf) = vpow2.f32 v26;
	[tilespmem:s21+$0x1B290] =	vst v12;
	v12 =	vmul.f32 v18, v25;
	v4 =	vld [tilespmem:s17+$0x162C0]  }
0x98: {  	v10 =	vunpack.i.u.bf16.f32 v10;
	v11 =	vunpack.i.u.bf16.f32 v11;
	v26 =	vld [tilespmem:s17+$0x162A0];
	(erf) = vpow2.f32 v17;
	v18 =	vpop (erf)  }
0x99: {  	v23 =	vadd.f32 v23, v14;
	v25 =	vunpack.i.u.bf16.f32 v15;
	v28 =	vld [tilespmem:s17+$0x18A90];
	v14 =	vunpack.i.l.bf16.f32 v15;
	v8 =	vpop (erf);
	[tilespmem:s21+$0x1B2F0] =	vst v12  }
0x9a: {  	v17 =	vunpack.i.u.bf16.f32 v13;
	v32 =	vunpack.i.l.bf16.f32 v2;
	v12 =	vld [tilespmem:s17+$0x16290];
	v34 =	vadd.f32 $1.000000000e+00, v8;
	v15 =	vpop (erf)  }
0x9b: {  	v23 =	vmul.f32 $1.442695020e+00, v23;
	v33 =	vadd.f32 $1.000000000e+00, v18;
	v8 =	vld [tilespmem:s17+$0x162F0];
	v18 =	vmul.f32 v15, v22;
	v22 =	vpop (erf)  }
0x9c: {  	v29 =	vunpack.i.l.bf16.f32 v4;
	v15 =	vld [tilespmem:s17+$0x162E0];
	(erf) = vrcp.f32 v34;
	v13 =	vpop (erf);
	v38 =	vmul.f32 v22, v10  }
0x9d: {  	v22 =	vunpack.i.u.bf16.f32 v20;
	v29 =	vadd.f32 v30, v29;
	v30 =	vld [tilespmem:s17+$0x162D0];
	v34 =	vadd.f32 $1.000000000e+00, v13;
	[tilespmem:s21+$0x1B2C0] =	vst v18;
	v13 =	vpop (erf)  }
0x9e: {  	v36 =	vunpack.i.u.bf16.f32 v24;
	v35 =	vunpack.i.l.bf16.f32 v28;
	v37 =	vld [tilespmem:s17+$0x13AF0];
	v13 =	vmul.f32 v13, v27;
	[tilespmem:s21+$0x1B2D0] =	vst v38;
	v10 =	vpop (erf)  }
0x9f: {  	v18 =	vadd.f32 v29, v25;
	v29 =	vunpack.i.l.bf16.f32 v12;
	v38 =	vld [tilespmem:s17+$0x13AD0];
	v27 =	vpop (erf);
	v43 =	vmul.f32 v10, v11  }
0xa0: {  	v44 =	vadd.f32 v19, v16;
	v16 =	vunpack.i.l.bf16.f32 v24;
	v39 =	vld [tilespmem:s17+$0x13AA0];
	(erf) = vpow2.f32 v23;
	v25 =	vpop (erf);
	[tilespmem:s21+$0x1B280] =	vst v13  }
0xa1: {  	v24 =	vunpack.i.l.bf16.f32 v8;
	v40 =	vadd.f32 $1.000000000e+00, v27;
	v19 =	vunpack.i.l.bf16.f32 v15;
	v23 =	vld [tilespmem:s17+$0x162B0];
	v27 =	vpop (erf);
	[tilespmem:s21+$0x1B2B0] =	vst v43;
	s21 =	smov.u32 s23;
	s23 =	smov.u32 s17  }
0xa2: {  	v10 =	vmovc v7;
	v31 =	vadd.f32 v31, v29;
	v29 =	vmul.f32 $1.442695020e+00, v44;
	v41 =	vunpack.i.l.bf16.f32 v30;
	v42 =	vld [tilespmem:s23+$0x13AB0];
	v13 =	vmovc v26  }
0xa3: {  	v28 =	vunpack.i.u.bf16.f32 v28;
	v11 =	vmovc v9;
	v7 =	vmovc v30;
	v26 =	vld [tilespmem:s23+$0x13A80];
	v37 =	vadd.f32 v37, v24;
	(erf) = vrcp.f32 v34  }
0xa4: {  	v30 =	vunpack.i.l.bf16.f32 v13;
	v38 =	vadd.f32 v38, v41;
	(erf) = vpow2.f32 v29  }
.Ltmp2:
0xa5: {  	v20 =	vunpack.i.l.bf16.f32 v20;
	v29 =	vadd.f32 v39, v30;
	v30 =	vadd.f32 v37, v36;
	v24 =	vpop (erf);
	(pc) =	sbr.rel @p1 .LBB2_3-.Ltmp2, $4  }
0xa6: {  	v37 =	vadd.f32 v38, v28;
	v34 =	vunpack.i.l.bf16.f32 v23;
	(erf) = vrcp.f32 v40;
	v9 =	vmovc v23  }
0xa7: {  	v36 =	vadd.f32 v29, v20;
	v20 =	vadd.f32 v21, v19;
	v29 =	vmul.f32 $1.442695020e+00, v30  }
0xa8: {  	v19 =	vadd.f32 v42, v34;
	v23 =	vadd.f32 v26, v32;
	(erf) = vrcp.f32 v33  }
0xa9: {  	v21 =	vadd.f32 v31, v35;
	v26 =	vmul.f32 $1.442695020e+00, v37;
	v30 =	vmul.f32 $1.442695020e+00, v36;
	v28 =	vpop (erf)  }
0xaa: {  	v20 =	vadd.f32 v20, v22;
	_ =	sdelay $0x1  }
0xab: {  	(erf) = vpow2.f32 v29;
	v22 =	vadd.f32 $1.000000000e+00, v27;
	v20 =	vmul.f32 $1.442695020e+00, v20  }
0xac: {  	v25 =	vadd.f32 $1.000000000e+00, v25;
	(erf) = vpow2.f32 v30  }
0xad: {  	(erf) = vrcp.f32 v22  }
0xae: {  	(erf) = vrcp.f32 v25  }
0xaf: {  	(erf) = vpow2.f32 v20;
	v20 =	vpop (erf)  }
0xb0: {  	v25 =	vadd.f32 $1.000000000e+00, v28;
	v22 =	vpop (erf)  }
0xb1: {  	v22 =	vadd.f32 $1.000000000e+00, v22  }
0xb2: {  	v27 =	vpop (erf)  }
0xb3: {  	v21 =	vmul.f32 $1.442695020e+00, v21;
	(erf) = vrcp.f32 v25;
	v28 =	vpop (erf)  }
0xb4: {  	v25 =	vpop (erf);
	(erf) = vrcp.f32 v22  }
0xb5: {  	v18 =	vmul.f32 $1.442695020e+00, v18;
	v14 =	vadd.f32 v23, v14;
	(erf) = vpow2.f32 v21;
	v22 =	vpop (erf)  }
0xb6: {  	(erf) = vpow2.f32 v26;
	v22 =	vadd.f32 $1.000000000e+00, v22  }
0xb7: {  	v16 =	vadd.f32 v19, v16;
	v14 =	vmul.f32 $1.442695020e+00, v14;
	v21 =	vpop (erf);
	(erf) = vpow2.f32 v18  }
0xb8: {  	v23 =	vpop (erf);
	(erf) = vrcp.f32 v22  }
0xb9: {  	v18 =	vpop (erf);
	(erf) = vpow2.f32 v14;
	v14 =	vmul.f32 $1.442695020e+00, v16  }
0xba: {  	v18 =	vadd.f32 $1.000000000e+00, v18;
	_ =	sdelay $0x1  }
0xbb: {  	(erf) = vrcp.f32 v18  }
0xbc: {  	(erf) = vpow2.f32 v14;
	v14 =	vpop (erf)  }
0xbd: {  	v16 =	vpop (erf)  }
0xbe: {  	v18 =	vpop (erf)  }
0xbf: {  	v6 =	vunpack.i.u.bf16.f32 v6;
	v18 =	vadd.f32 $1.000000000e+00, v18  }
0xc0: {  	v6 =	vmul.f32 v20, v6;
	v20 =	vadd.f32 $1.000000000e+00, v25;
	v19 =	vpop (erf)  }
0xc1: {  	v17 =	vmul.f32 v24, v17;
	v5 =	vunpack.i.u.bf16.f32 v5;
	v22 =	vpop (erf);
	(erf) = vrcp.f32 v18  }
0xc2: {  	v3 =	vunpack.i.u.bf16.f32 v3;
	v5 =	vmul.f32 v27, v5;
	v24 =	vpop (erf);
	(erf) = vrcp.f32 v20  }
0xc3: {  	v1 =	vunpack.i.u.bf16.f32 v1;
	v0 =	vunpack.i.u.bf16.f32 v0;
	[tilespmem:s21+$0x1B2A0] =	vst v17;
	v22 =	vadd.f32 $1.000000000e+00, v22;
	v18 =	vpop (erf)  }
0xc4: {  	v3 =	vmul.f32 v28, v3;
	[tilespmem:s21+$0x1B290] =	vst v5;
	v5 =	vunpack.i.u.bf16.f32 v10;
	v19 =	vadd.f32 $1.000000000e+00, v19;
	v20 =	vpop (erf)  }
0xc5: {  	[tilespmem:s21+$0x1B2E0] =	vst v6;
	v1 =	vmul.f32 v21, v1;
	(erf) = vrcp.f32 v22;
	v17 =	vadd.f32 $1.000000000e+00, v18;
	v18 =	vpop (erf)  }
0xc6: {  	[tilespmem:s21+$0x1B2F0] =	vst v3;
	v3 =	vmul.f32 v23, v5;
	(erf) = vrcp.f32 v19;
	v6 =	vadd.f32 $1.000000000e+00, v18  }
0xc7: {  	v5 =	vunpack.i.u.bf16.f32 v11;
	[tilespmem:s21+$0x1B2C0] =	vst v1;
	v0 =	vmul.f32 v14, v0;
	(erf) = vrcp.f32 v17  }
0xc8: {  	v1 =	vunpack.i.u.bf16.f32 v13;
	[tilespmem:s21+$0x1B2D0] =	vst v3;
	v3 =	vmul.f32 v16, v5;
	(erf) = vrcp.f32 v6  }
0xc9: {  	[tilespmem:s21+$0x1B280] =	vst v0;
	v1 =	vmul.f32 v24, v1  }
0xca: {  	[tilespmem:s21+$0x1B2B0] =	vst v3;
	v3 =	vunpack.i.u.bf16.f32 v12;
	v5 =	vpop (erf)  }
0xcb: {  	v0 =	vunpack.i.u.bf16.f32 v15;
	[tilespmem:s23+$0x1B2A0] =	vst v1;
	v1 =	vmul.f32 v5, v3;
	v3 =	vunpack.i.u.bf16.f32 v8;
	v5 =	vpop (erf)  }
0xcc: {  	v0 =	vmul.f32 v20, v0;
	v3 =	vmul.f32 v5, v3;
	_ =	sdelay $0x1  }
0xcd: {  	v2 =	vunpack.i.u.bf16.f32 v2;
	[tilespmem:s23+$0x1B2E0] =	vst v0;
	v0 =	vunpack.i.u.bf16.f32 v4;
	v4 =	vpop (erf)  }
0xce: {  	[tilespmem:s23+$0x1B290] =	vst v1;
	v1 =	vunpack.i.u.bf16.f32 v7;
	v0 =	vmul.f32 v4, v0;
	v4 =	vpop (erf)  }
0xcf: {  	[tilespmem:s23+$0x1B2F0] =	vst v3;
	v1 =	vmul.f32 v4, v1;
	v3 =	vpop (erf)  }
0xd0: {  	v4 =	vunpack.i.u.bf16.f32 v9;
	[tilespmem:s23+$0x1B2C0] =	vst v0;
	v0 =	vmul.f32 v3, v2;
	v2 =	vpop (erf)  }
0xd1: {  	[tilespmem:s23+$0x1B2D0] =	vst v1;
	v1 =	vmul.f32 v2, v4  }
0xd2: {  	p1 =	seq.s32 s18, $0x7C;
	[tilespmem:s23+$0x1B280] =	vst v0  }
0xd3: {  	s17 =	sadd.s32 @!p1 s20, s19;
	[tilespmem:s23+$0x1B2B0] =	vst v1  }
0xd4: {  	[spmem:s1] =	stream.indirect.scatter.add.f32 [tilespmem:s15], [sflag:$0x3], $0x80, s28, s2, $0xb8;
	[tilespmem:$0x1C680] =	vst v63  }
0xd5: {  	s21 =	smul.u32 @!p1 $0x5, s17;
	_ =	swait.ge [sflag:s26], $0x1400  }
0xd6: {  	s24 =	simm.s32 @!p1 $0x0;
	[sflag:s26] =	ssyncset.done $0x0  }
0xd7: {  	s29 =	simm.s32 @!p1 $0x13880;
	s23 =	sadd.s32 @!p1 s8, s21;
	[sflag:s26] =	ssyncadd.s32 $0xFFFFEC00  }
0xd8: {  	[tilespmem:s29], [sflag:$0x1] =	stream.linear.gather @!p1 [hbm4b:s23+s24], $0x28, $0x38;
	[tilespmem:$0x1C680] =	vst v63  }
0xd9: {  	s21 =	sadd.s32 @!p1 s7, s21;
	s23 =	simm.s32 @!p1 $0x13980  }
0xda: {  	[tilespmem:s23], [sflag:$0x1] =	stream.linear.gather @!p1 [hbm4b:s21+s24], $0x28, $0x38;
	[tilespmem:$0x1C680] =	vst v63  }
0xdb: {  	s21 =	simm.s32 @!p1 $0x1  }
0xdc: {  	_ =	swait.ge @!p1 [sflag:s21], $0x28  }
0xdd: {  	[sflag:s21] =	ssyncset.done @!p1 $0x0  }
0xde: {  	[sflag:s21] =	ssyncadd.s32 @!p1 $0xFFFFFFD8  }
0xdf: {  	_ =	swait.ge @!p1 [sflag:s21], $0x28  }
0xe0: {  	[sflag:s21] =	ssyncset.done @!p1 $0x0  }
0xe1: {  	s12 =	simm.s32 @!p1 $0x13A80;
	[sflag:s21] =	ssyncadd.s32 @!p1 $0xFFFFFFD8;
	s21 =	simm.s32 @!p1 $0x28  }
0xe2: {  	[tilespmem:s12], [sflag:$0x2] =	stream.indirect.gather @!p1 [hbm4b:s4+s21], $0x80, s29, s21, $0xb8;
	[tilespmem:$0x1C680] =	vst v63  }
0xe3: {  	s17 =	smul.u32 @!p1 $0x280, s17;
	s12 =	simm.s32 @!p1 $0x16280  }
0xe4: {  	[tilespmem:s12], [sflag:$0x2] =	stream.indirect.gather @!p1 [hbm4b:s5+s21], $0x80, s23, s21, $0xb8;
	[tilespmem:$0x1C680] =	vst v63  }
0xe5: {  	s12 =	sadd.s32 @!p1 s6, s17;
	s17 =	simm.s32 @!p1 $0x18A80  }
0xe6: {  	[tilespmem:s17], [sflag:$0x2] =	stream.linear.gather @!p1 [hbm4b:s12+s24], $0x1400, $0x38;
	[tilespmem:$0x1C680] =	vst v63  }
0xe7: {  	_ =	swait.ge [sflag:s14], $0x1400  }
0xe8: {  	[sflag:s14] =	ssyncset.done $0x0  }
0xe9: {  	[sflag:s14] =	ssyncadd.s32 $0xFFFFEC00  }
0xea: {  	_ =	swait.ge [sflag:s14], $0x1400  }
0xeb: {  	[sflag:s14] =	ssyncset.done $0x0  }
0xec: {  	[sflag:s14] =	ssyncadd.s32 $0xFFFFEC00  }
0xed: {  	_ =	swait.ge [sflag:s14], $0x1400  }
0xee: {  	[sflag:s14] =	ssyncset.done $0x0  }
0xef: {  	s21 =	simm.s32 $0x0;
	[sflag:s14] =	ssyncadd.s32 $0xFFFFEC00  }
0xf0: {  	v2 =	vld [tilespmem:s21+$0x19EA0]  }
0xf1: {  	v4 =	vld [tilespmem:s21+$0x14EC0]  }
0xf2: {  	v7 =	vld [tilespmem:s21+$0x14EE0]  }
0xf3: {  	v8 =	vld [tilespmem:s21+$0x14E90]  }
0xf4: {  	v9 =	vld [tilespmem:s21+$0x19E80]  }
0xf5: {  	v12 =	vld [tilespmem:s21+$0x19EB0]  }
0xf6: {  	v15 =	vld [tilespmem:s21+$0x176A0]  }
0xf7: {  	v3 =	vld [tilespmem:s21+$0x176F0]  }
0xf8: {  	v10 =	vld [tilespmem:s21+$0x14EF0]  }
0xf9: {  	v11 =	vld [tilespmem:s21+$0x14EA0]  }
0xfa: {  	v0 =	vld [tilespmem:s21+$0x17680]  }
0xfb: {  	v6 =	vld [tilespmem:s21+$0x176E0]  }
0xfc: {  	v1 =	vld [tilespmem:s21+$0x176C0];
	v14 =	vunpack.i.l.bf16.f32 v3  }
0xfd: {  	v5 =	vld [tilespmem:s21+$0x17690];
	v16 =	vunpack.i.l.bf16.f32 v15;
	v14 =	vadd.f32 v10, v14  }
0xfe: {  	v13 =	vld [tilespmem:s21+$0x19E90];
	v17 =	vunpack.i.u.bf16.f32 v12;
	v16 =	vadd.f32 v11, v16  }
0xff: {  	v19 =	vunpack.i.l.bf16.f32 v2;
	v10 =	vld [tilespmem:s21+$0x176D0];
	v14 =	vadd.f32 v14, v17  }
0x100: {  	s23 =	simm.s32 $0x80;
	v18 =	vld [tilespmem:s21+$0x14ED0];
	v17 =	vunpack.i.l.bf16.f32 v6;
	v16 =	vadd.f32 v16, v19  }
0x101: {  	v21 =	vld [tilespmem:s23+$0x19EA0];
	v7 =	vadd.f32 v7, v17;
	v14 =	vmul.f32 $1.442695020e+00, v14  }
0x102: {  	v23 =	vld [tilespmem:s23+$0x14E90];
	v2 =	vunpack.i.u.bf16.f32 v2;
	v20 =	vunpack.i.l.bf16.f32 v5;
	v16 =	vmul.f32 $1.442695020e+00, v16  }
0x103: {  	v24 =	vld [tilespmem:s23+$0x19EB0];
	v2 =	vadd.f32 v7, v2;
	v7 =	vadd.f32 v8, v20;
	(erf) = vpow2.f32 v14  }
0x104: {  	v11 =	vld [tilespmem:s21+$0x176B0];
	v8 =	vunpack.i.l.bf16.f32 v13;
	v14 =	vunpack.i.l.bf16.f32 v10;
	(erf) = vpow2.f32 v16  }
0x105: {  	v26 =	vld [tilespmem:s23+$0x19E90];
	v14 =	vadd.f32 v18, v14;
	v7 =	vadd.f32 v7, v8  }
0x106: {  	v17 =	vld [tilespmem:s21+$0x14E80];
	v2 =	vmul.f32 $1.442695020e+00, v2;
	v8 =	vunpack.i.u.bf16.f32 v13  }
0x107: {  	v22 =	vunpack.i.l.bf16.f32 v1;
	v19 =	vld [tilespmem:s21+$0x14EB0];
	v8 =	vadd.f32 v14, v8;
	v7 =	vmul.f32 $1.442695020e+00, v7  }
0x108: {  	v4 =	vadd.f32 v4, v22;
	v18 =	vld [tilespmem:s23+$0x19E80];
	v13 =	vunpack.i.u.bf16.f32 v9;
	(erf) = vpow2.f32 v2  }
0x109: {  	v32 =	vld [tilespmem:s23+$0x14EF0];
	v8 =	vmul.f32 $1.442695020e+00, v8;
	(erf) = vpow2.f32 v7;
	v7 =	vunpack.i.l.bf16.f32 v11  }
0x10a: {  	v13 =	vadd.f32 v4, v13;
	v4 =	vld [tilespmem:s23+$0x176C0];
	v14 =	vunpack.i.l.bf16.f32 v0  }
0x10b: {  	v25 =	vunpack.i.l.bf16.f32 v12;
	v31 =	vunpack.i.l.bf16.f32 v26;
	v16 =	vld [tilespmem:s23+$0x14EC0];
	v14 =	vadd.f32 v17, v14  }
0x10c: {  	v9 =	vunpack.i.l.bf16.f32 v9;
	v2 =	vld [tilespmem:s23+$0x17680];
	v17 =	vmul.f32 $1.442695020e+00, v13;
	v19 =	vadd.f32 v19, v7;
	v7 =	vpop (erf)  }
0x10d: {  	v12 =	vld [tilespmem:s23+$0x17690];
	v27 =	vunpack.i.u.bf16.f32 v18;
	v9 =	vadd.f32 v14, v9;
	(erf) = vpow2.f32 v8;
	v8 =	vpop (erf)  }
0x10e: {  	v14 =	vunpack.i.l.bf16.f32 v18;
	v30 =	vadd.f32 $1.000000000e+00, v7;
	v7 =	vld [tilespmem:s23+$0x176D0];
	v18 =	vadd.f32 $1.000000000e+00, v8  }
0x10f: {  	v33 =	vunpack.i.u.bf16.f32 v24;
	v26 =	vunpack.i.u.bf16.f32 v26;
	v22 =	vunpack.i.l.bf16.f32 v4;
	v8 =	vld [tilespmem:s23+$0x176F0]  }
0x110: {  	v19 =	vadd.f32 v19, v25;
	(erf) = vpow2.f32 v17;
	v17 =	vunpack.i.u.bf16.f32 v15;
	v15 =	vld [tilespmem:s23+$0x176E0]  }
0x111: {  	v34 =	vld [tilespmem:s23+$0x14ED0];
	v28 =	vunpack.i.l.bf16.f32 v2;
	v9 =	vmul.f32 $1.442695020e+00, v9;
	v16 =	vadd.f32 v16, v22  }
0x112: {  	v13 =	vld [tilespmem:s23+$0x176A0];
	v22 =	vunpack.i.u.bf16.f32 v21;
	v19 =	vmul.f32 $1.442695020e+00, v19;
	(erf) = vrcp.f32 v18;
	v18 =	vpop (erf)  }
0x113: {  	v36 =	vld [tilespmem:s23+$0x14EA0];
	(erf) = vpow2.f32 v9;
	v37 =	vunpack.i.l.bf16.f32 v7;
	v29 =	vadd.f32 $1.000000000e+00, v18  }
0x114: {  	v20 =	vld [tilespmem:s23+$0x14EE0];
	v18 =	vadd.f32 v16, v27;
	v27 =	vunpack.i.l.bf16.f32 v12;
	v25 =	vunpack.i.l.bf16.f32 v8  }
0x115: {  	v9 =	vld [tilespmem:s23+$0x176B0];
	v16 =	vunpack.i.l.bf16.f32 v24;
	v24 =	vunpack.i.l.bf16.f32 v15;
	v25 =	vadd.f32 v32, v25  }
0x116: {  	v39 =	vld [tilespmem:s23+$0x14EB0];
	v35 =	vpop (erf);
	v38 =	vadd.f32 v23, v27;
	v27 =	vadd.f32 v34, v37;
	(erf) = vrcp.f32 v29  }
0x117: {  	v35 =	vadd.f32 $1.000000000e+00, v35;
	v23 =	vld [tilespmem:s23+$0x14E80];
	v29 =	vunpack.i.l.bf16.f32 v13;
	(erf) = vpow2.f32 v19  }
0x118: {  	v19 =	vunpack.i.l.bf16.f32 v21;
	v21 =	vadd.f32 v36, v29;
	v29 =	vadd.f32 v25, v33  }
0x119: {  	v20 =	vadd.f32 v20, v24;
	v26 =	vadd.f32 v27, v26;
	v25 =	vpop (erf);
	(erf) = vrcp.f32 v35  }
0x11a: {  	v62 =	vunpack.i.l.bf16.f32 v9;
	v63 =	vadd.f32 v21, v19;
	v29 =	vmul.f32 $1.442695020e+00, v29;
	v27 =	vpop (erf)  }
0x11b: {  	v19 =	vadd.f32 v39, v62;
	v21 =	vadd.f32 v38, v31;
	(erf) = vrcp.f32 v30;
	v24 =	vpop (erf)  }
0x11c: {  	s24 =	simm.s32 $0x400;
	v26 =	vmul.f32 $1.442695020e+00, v26;
	v23 =	vadd.f32 v23, v28;
	v30 =	vmul.f32 $1.442695020e+00, v63;
	v28 =	vpop (erf)  }
.LBB2_5:
0x11d: {  	s17 =	sshra.s32 s24, $0x2;
	p2 =	sne.s32 s24, $0x4E00;
	s24 =	sadd.s32 $0x200, s24;
	v22 =	vadd.f32 v20, v22;
	(erf) = vpow2.f32 v29;
	v31 =	vadd.f32 $1.000000000e+00, v27  }
0x11e: {  	v25 =	vadd.f32 $1.000000000e+00, v25;
	v20 =	vld [tilespmem:s17+$0x19EA0];
	v29 =	vmul.f32 $1.442695020e+00, v21;
	(erf) = vpow2.f32 v30  }
0x11f: {  	v32 =	vunpack.i.u.bf16.f32 v6;
	v30 =	vld [tilespmem:s17+$0x14EC0];
	v22 =	vmul.f32 $1.442695020e+00, v22;
	(erf) = vrcp.f32 v31;
	v27 =	vpop (erf)  }
0x120: {  	v28 =	vadd.f32 $1.000000000e+00, v28;
	v33 =	vmul.f32 v24, v17;
	v21 =	vld [tilespmem:s17+$0x14EE0];
	(erf) = vrcp.f32 v25;
	v24 =	vpop (erf)  }
0x121: {  	v6 =	vmovc v15;
	v31 =	vld [tilespmem:s17+$0x14E90];
	(erf) = vpow2.f32 v22;
	v22 =	vmul.f32 v27, v32;
	v24 =	vadd.f32 $1.000000000e+00, v24  }
0x122: {  	v25 =	vunpack.i.u.bf16.f32 v5;
	v5 =	vmov v12;
	v15 =	vld [tilespmem:s17+$0x19E80];
	[tilespmem:s21+$0x1B2A0] =	vst v33;
	(erf) = vrcp.f32 v28;
	v17 =	vpop (erf)  }
0x123: {  	v27 =	vunpack.i.u.bf16.f32 v0;
	v0 =	vmovc v2;
	v12 =	vmul.f32 v17, v25;
	[tilespmem:s21+$0x1B2E0] =	vst v22;
	(erf) = vrcp.f32 v24;
	v2 =	vld [tilespmem:s17+$0x17680]  }
0x124: {  	v17 =	vmul.f32 $1.442695020e+00, v18;
	v25 =	vunpack.i.u.bf16.f32 v3;
	v24 =	vld [tilespmem:s17+$0x19EB0];
	(erf) = vpow2.f32 v29;
	v18 =	vpop (erf)  }
0x125: {  	v22 =	vunpack.i.u.bf16.f32 v1;
	v1 =	vmovc v4;
	v3 =	vmovc v8;
	(erf) = vpow2.f32 v26;
	[tilespmem:s21+$0x1B290] =	vst v12;
	v12 =	vmul.f32 v18, v25;
	v4 =	vld [tilespmem:s17+$0x176C0]  }
0x126: {  	v10 =	vunpack.i.u.bf16.f32 v10;
	v11 =	vunpack.i.u.bf16.f32 v11;
	v26 =	vld [tilespmem:s17+$0x176A0];
	(erf) = vpow2.f32 v17;
	v18 =	vpop (erf)  }
0x127: {  	v23 =	vadd.f32 v23, v14;
	v25 =	vunpack.i.u.bf16.f32 v15;
	v28 =	vld [tilespmem:s17+$0x19E90];
	v14 =	vunpack.i.l.bf16.f32 v15;
	v8 =	vpop (erf);
	[tilespmem:s21+$0x1B2F0] =	vst v12  }
0x128: {  	v17 =	vunpack.i.u.bf16.f32 v13;
	v32 =	vunpack.i.l.bf16.f32 v2;
	v12 =	vld [tilespmem:s17+$0x17690];
	v34 =	vadd.f32 $1.000000000e+00, v8;
	v15 =	vpop (erf)  }
0x129: {  	v23 =	vmul.f32 $1.442695020e+00, v23;
	v33 =	vadd.f32 $1.000000000e+00, v18;
	v8 =	vld [tilespmem:s17+$0x176F0];
	v18 =	vmul.f32 v15, v22;
	v22 =	vpop (erf)  }
0x12a: {  	v29 =	vunpack.i.l.bf16.f32 v4;
	v15 =	vld [tilespmem:s17+$0x176E0];
	(erf) = vrcp.f32 v34;
	v13 =	vpop (erf);
	v38 =	vmul.f32 v22, v10  }
0x12b: {  	v22 =	vunpack.i.u.bf16.f32 v20;
	v29 =	vadd.f32 v30, v29;
	v30 =	vld [tilespmem:s17+$0x176D0];
	v34 =	vadd.f32 $1.000000000e+00, v13;
	[tilespmem:s21+$0x1B2C0] =	vst v18;
	v13 =	vpop (erf)  }
0x12c: {  	v36 =	vunpack.i.u.bf16.f32 v24;
	v35 =	vunpack.i.l.bf16.f32 v28;
	v37 =	vld [tilespmem:s17+$0x14EF0];
	v13 =	vmul.f32 v13, v27;
	[tilespmem:s21+$0x1B2D0] =	vst v38;
	v10 =	vpop (erf)  }
0x12d: {  	v18 =	vadd.f32 v29, v25;
	v29 =	vunpack.i.l.bf16.f32 v12;
	v38 =	vld [tilespmem:s17+$0x14ED0];
	v27 =	vpop (erf);
	v43 =	vmul.f32 v10, v11  }
0x12e: {  	v44 =	vadd.f32 v19, v16;
	v16 =	vunpack.i.l.bf16.f32 v24;
	v39 =	vld [tilespmem:s17+$0x14EA0];
	(erf) = vpow2.f32 v23;
	v25 =	vpop (erf);
	[tilespmem:s21+$0x1B280] =	vst v13  }
0x12f: {  	v24 =	vunpack.i.l.bf16.f32 v8;
	v40 =	vadd.f32 $1.000000000e+00, v27;
	v19 =	vunpack.i.l.bf16.f32 v15;
	v23 =	vld [tilespmem:s17+$0x176B0];
	v27 =	vpop (erf);
	[tilespmem:s21+$0x1B2B0] =	vst v43;
	s21 =	smov.u32 s23;
	s23 =	smov.u32 s17  }
0x130: {  	v10 =	vmovc v7;
	v31 =	vadd.f32 v31, v29;
	v29 =	vmul.f32 $1.442695020e+00, v44;
	v41 =	vunpack.i.l.bf16.f32 v30;
	v42 =	vld [tilespmem:s23+$0x14EB0];
	v13 =	vmovc v26  }
0x131: {  	v28 =	vunpack.i.u.bf16.f32 v28;
	v11 =	vmovc v9;
	v7 =	vmovc v30;
	v26 =	vld [tilespmem:s23+$0x14E80];
	v37 =	vadd.f32 v37, v24;
	(erf) = vrcp.f32 v34  }
0x132: {  	v30 =	vunpack.i.l.bf16.f32 v13;
	v38 =	vadd.f32 v38, v41;
	(erf) = vpow2.f32 v29  }
.Ltmp3:
0x133: {  	v20 =	vunpack.i.l.bf16.f32 v20;
	v29 =	vadd.f32 v39, v30;
	v30 =	vadd.f32 v37, v36;
	v24 =	vpop (erf);
	(pc) =	sbr.rel @p2 .LBB2_5-.Ltmp3, $4  }
0x134: {  	v37 =	vadd.f32 v38, v28;
	v34 =	vunpack.i.l.bf16.f32 v23;
	(erf) = vrcp.f32 v40;
	v9 =	vmovc v23  }
0x135: {  	v36 =	vadd.f32 v29, v20;
	v20 =	vadd.f32 v21, v19;
	v29 =	vmul.f32 $1.442695020e+00, v30  }
0x136: {  	v19 =	vadd.f32 v42, v34;
	v23 =	vadd.f32 v26, v32;
	(erf) = vrcp.f32 v33  }
0x137: {  	v21 =	vadd.f32 v31, v35;
	v26 =	vmul.f32 $1.442695020e+00, v37;
	v30 =	vmul.f32 $1.442695020e+00, v36;
	v28 =	vpop (erf)  }
0x138: {  	v20 =	vadd.f32 v20, v22;
	(erf) = vpow2.f32 v29;
	v55 =	vadd.f32 $1.000000000e+00, v27  }
0x139: {  	v25 =	vadd.f32 $1.000000000e+00, v25;
	(erf) = vpow2.f32 v30  }
0x13a: {  	v20 =	vmul.f32 $1.442695020e+00, v20;
	(erf) = vrcp.f32 v55  }
0x13b: {  	(erf) = vrcp.f32 v25  }
0x13c: {  	(erf) = vpow2.f32 v20  }
0x13d: {  	v56 =	vpop (erf)  }
0x13e: {  	v57 =	vpop (erf)  }
0x13f: {  	v58 =	vadd.f32 $1.000000000e+00, v28;
	v59 =	vpop (erf)  }
0x140: {  	v22 =	vadd.f32 $1.000000000e+00, v57;
	v60 =	vpop (erf)  }
0x141: {  	v21 =	vmul.f32 $1.442695020e+00, v21;
	(erf) = vrcp.f32 v58;
	v61 =	vpop (erf)  }
0x142: {  	(erf) = vrcp.f32 v22;
	v62 =	vpop (erf)  }
0x143: {  	v18 =	vmul.f32 $1.442695020e+00, v18;
	v14 =	vadd.f32 v23, v14;
	(erf) = vpow2.f32 v21;
	v63 =	vpop (erf)  }
0x144: {  	(erf) = vpow2.f32 v26;
	v22 =	vadd.f32 $1.000000000e+00, v62;
	v29 =	vpop (erf)  }
0x145: {  	v16 =	vadd.f32 v19, v16;
	v14 =	vmul.f32 $1.442695020e+00, v14;
	(erf) = vpow2.f32 v18;
	v30 =	vpop (erf)  }
0x146: {  	(erf) = vrcp.f32 v22;
	v18 =	vadd.f32 $1.000000000e+00, v30  }
0x147: {  	v31 =	vmul.f32 $1.442695020e+00, v16;
	(erf) = vpow2.f32 v14  }
0x148: {  	(erf) = vrcp.f32 v18  }
0x149: {  	(erf) = vpow2.f32 v31  }
0x14a: {  	v32 =	vpop (erf)  }
0x14b: {  	v33 =	vpop (erf)  }
0x14c: {  	v34 =	vpop (erf)  }
0x14d: {  	v35 =	vpop (erf)  }
0x14e: {  	v6 =	vunpack.i.u.bf16.f32 v6;
	v17 =	vmul.f32 v24, v17;
	v18 =	vadd.f32 $1.000000000e+00, v34;
	v36 =	vpop (erf)  }
0x14f: {  	v5 =	vunpack.i.u.bf16.f32 v5;
	v3 =	vunpack.i.u.bf16.f32 v3;
	v37 =	vadd.f32 $1.000000000e+00, v61;
	v38 =	vpop (erf)  }
0x150: {  	v1 =	vunpack.i.u.bf16.f32 v1;
	(erf) = vrcp.f32 v18;
	v22 =	vadd.f32 $1.000000000e+00, v36;
	v39 =	vpop (erf)  }
0x151: {  	v6 =	vmul.f32 v56, v6;
	v19 =	vadd.f32 $1.000000000e+00, v35;
	(erf) = vrcp.f32 v37;
	v40 =	vpop (erf)  }
0x152: {  	[tilespmem:s21+$0x1B2A0] =	vst v17;
	v5 =	vmul.f32 v59, v5;
	(erf) = vrcp.f32 v22;
	v41 =	vadd.f32 $1.000000000e+00, v39;
	v42 =	vpop (erf)  }
0x153: {  	[tilespmem:s21+$0x1B2E0] =	vst v6;
	v3 =	vmul.f32 v60, v3;
	(erf) = vrcp.f32 v19;
	v43 =	vadd.f32 $1.000000000e+00, v42  }
0x154: {  	v44 =	vunpack.i.u.bf16.f32 v10;
	[tilespmem:s21+$0x1B290] =	vst v5;
	v1 =	vmul.f32 v63, v1;
	(erf) = vrcp.f32 v41  }
0x155: {  	v0 =	vunpack.i.u.bf16.f32 v0;
	[tilespmem:s21+$0x1B2F0] =	vst v3;
	v45 =	vmul.f32 v29, v44;
	(erf) = vrcp.f32 v43  }
0x156: {  	v46 =	vunpack.i.u.bf16.f32 v11;
	[tilespmem:s21+$0x1B2C0] =	vst v1;
	v0 =	vmul.f32 v32, v0  }
0x157: {  	v47 =	vunpack.i.u.bf16.f32 v13;
	[tilespmem:s21+$0x1B2D0] =	vst v45;
	v48 =	vmul.f32 v33, v46  }
0x158: {  	v49 =	vunpack.i.u.bf16.f32 v15;
	[tilespmem:s21+$0x1B280] =	vst v0;
	v1 =	vmul.f32 v38, v47  }
0x159: {  	v50 =	vunpack.i.u.bf16.f32 v12;
	[tilespmem:s21+$0x1B2B0] =	vst v48;
	v0 =	vmul.f32 v40, v49;
	v51 =	vpop (erf)  }
0x15a: {  	v53 =	vunpack.i.u.bf16.f32 v8;
	[tilespmem:s23+$0x1B2A0] =	vst v1;
	v52 =	vmul.f32 v51, v50;
	v54 =	vpop (erf)  }
0x15b: {  	v55 =	vunpack.i.u.bf16.f32 v4;
	[tilespmem:s23+$0x1B2E0] =	vst v0;
	v3 =	vmul.f32 v54, v53;
	v56 =	vpop (erf)  }
0x15c: {  	v57 =	vunpack.i.u.bf16.f32 v7;
	[tilespmem:s23+$0x1B290] =	vst v52;
	v0 =	vmul.f32 v56, v55;
	v58 =	vpop (erf)  }
0x15d: {  	v2 =	vunpack.i.u.bf16.f32 v2;
	[tilespmem:s23+$0x1B2F0] =	vst v3;
	v1 =	vmul.f32 v58, v57;
	v59 =	vpop (erf)  }
0x15e: {  	v60 =	vunpack.i.u.bf16.f32 v9;
	[tilespmem:s23+$0x1B2C0] =	vst v0;
	v61 =	vmul.f32 v59, v2;
	v62 =	vpop (erf)  }
0x15f: {  	[tilespmem:s23+$0x1B2D0] =	vst v1;
	v63 =	vmul.f32 v62, v60  }
0x160: {  	[tilespmem:s23+$0x1B280] =	vst v61  }
.Ltmp4:
0x161: {  	[tilespmem:s23+$0x1B2B0] =	vst v63;
	(pc) =	sbr.rel @p1 .LBB2_8-.Ltmp4, $4  }
0x162: {  	[spmem:s1] =	stream.indirect.scatter.add.f32 [tilespmem:s15], [sflag:$0x3], $0x80, s30, s2, $0xb8;
	[tilespmem:$0x1C680] =	vst v63  }
0x163: {  	_ =	swait.ge [sflag:s26], $0x1400  }
0x164: {  	[sflag:s26] =	ssyncset.done $0x0  }
0x165: {  	[sflag:s26] =	ssyncadd.s32 $0xFFFFEC00  }
0x166: {  	s12 =	sadd.s32 s22, s19  }
0x167: {  	s12 =	smul.u32 $0x5, s12  }
.Ltmp5:
0x168: {  	_ = 	snop;
	(pc) =	sbr.rel .LBB2_2-.Ltmp5, $4  }
0x169: {  	s17 =	sadd.s32 s8, s12  }
0x16a: {  	[tilespmem:s30], [sflag:$0x1] =	stream.linear.gather [hbm4b:s17+s3], $0x28, $0x38;
	[tilespmem:$0x1C680] =	vst v63  }
0x16b: {  	s18 =	sadd.s32 $0x1, s18;
	s12 =	sadd.s32 s7, s12  }
0x16c: {  	[tilespmem:s31], [sflag:$0x1] =	stream.linear.gather [hbm4b:s12+s3], $0x28, $0x38;
	[tilespmem:$0x1C680] =	vst v63  }
.LBB2_9:
0x16d: {  	_ =	sfence.sel $0x180000  }
0x16e: {  	[bflag:$0x0] =	sbarrier.arrive $0xFFFF  }
0x16f: {  	_ =	strace $0x9000004A  }
0x170: {  	s0 =	stileid.u32;
	[bflag:$0x2] =	sbarrier.arrive $0xFFFF  }
0x171: {  	p0 =	sne.s32 s0, $0x0;
	s0 =	rddreg [dreg:$0x2]  }
0x172: {  	s0 =	sadd.s32 @!p0 $0x100000, s0  }
0x173: {  	[sflag:s0] =	ssyncadd.tile.s32 @!p0 $0x1;
	_ =	shalt  }
.Lfunc_end2:
_tile_overlayer_lowered:
.L_overlay_start_2:
0x174: {  	(tag) =	ssettag $0x2  }
0x175: {  	s0 =	rddreg [dreg:$0x0];
	s2 =	stileid.u32  }
0x176: {  	s1 =	rddreg [dreg:$0x1];
	p0 =	sne.s32 s2, $0x0  }
0x177: {  	s3 =	rddreg [dreg:$0x2];
	[bflag:$0x3] =	sbarrier.arrive $0xFFFF;
	s2 =	simm.s32 @!p0 $0x1C03  }
0x178: {  	[timem:s3], [sflag:s2] =	dma.local @!p0 [hbm:s0], s1  }
0x179: {  	s0 =	simm.s32 @!p0 $0x3  }
0x17a: {  	_ =	swait.ge @!p0 [sflag:s0], s1  }
0x17b: {  	s1 =	ssub.s32 @!p0 $0x0, s1;
	[sflag:s0] =	ssyncset.done @!p0 $0x0  }
0x17c: {  	[sflag:s0] =	ssyncadd.s32 @!p0 s1  }
0x17d: {  	[bflag:$0x3] =	sbarrier.arrive $0xFFFF  }
0x17e: {  	_ =	shalt  }

// kernel: kernel.18.cloned.1.call-start
scs
__scs_entry_jumppad:
0x0: {  	(pc) =	sbr.rel $0x88, $3  }
0x1: {  	(tag) =	ssettag $0x0;
	lr =	simm.s32 $0x1  }
0x2: {  	[smem:$0x3F7B] =	sst lr;
	_ =	strace $0xD0000000  }
0x3: {  	_ = 	snop  }
0x4: {  	_ = 	snop  }
0x5: {  	_ = 	snop  }
0x6: {  	_ = 	snop  }
0x7: {  	_ = 	snop  }
__scs_overlays_trampoline_lowered:
0x8: {  	[smem:$0x3F8A] =	sst s0  }
0x9: {  	[smem:$0x3F8B] =	sst s1  }
0xa: {  	[smem:$0x3F8C] =	sst s2  }
0xb: {  	[smem:$0x3F8D] =	sst s3  }
0xc: {  	[smem:$0x3F8E] =	sst s4  }
0xd: {  	[smem:$0x3F8F] =	sst s5  }
0xe: {  	[smem:$0x3F90] =	sst s6  }
0xf: {  	[smem:$0x3F91] =	sst s7  }
0x10: {  	[smem:$0x3F92] =	sst s8  }
0x11: {  	[smem:$0x3F93] =	sst s9;
	s0 =	simm.s32 @!p0 $0x0  }
0x12: {  	s1 =	sld [smem:$0x3F79];
	s0 =	simm.s32 @p0 $0x1  }
0x13: {  	[smem:$0x3F94] =	sst s0;
	s0 =	simm.s32 @!p1 $0x0  }
0x14: {  	s2 =	sld [smem:$0x3F78];
	s0 =	simm.s32 @p1 $0x1  }
0x15: {  	[smem:$0x3F95] =	sst s0;
	s0 =	simm.s32 @!p2 $0x0  }
0x16: {  	s3 =	sld [smem:$0x3FDB];
	s0 =	simm.s32 @p2 $0x1  }
0x17: {  	s4 =	simm.s32 $0x1BF5;
	[smem:$0x3F97] =	sst s0  }
0x18: {  	s0 =	sld [smem:$0x3F7A];
	_ =	swait.ge [sflag:s4], $0x0  }
0x19: {  	s7 =	sld [smem:$0x3F7B]  }
0x1a: {  	s8 =	sadd.s32 $0xFFFFE003, lr  }
0x1b: {  	s9 =	sadd.s32 $0xFFFFFEF7, lr;
	s5 =	simm.s32 $0xFFFFFFFF;
	p2 =	slt.u32 s8, $0xFFFFF086  }
0x1c: {  	p1 =	slt.u32 s9, $0xF7A;
	s5 =	simm.s32 @!p2 $0x0  }
0x1d: {  	s5 =	simm.s32 @p1 $0x1;
	p0 =	seq.s32 s7, s2  }
0x1e: {  	s7 =	smul.u32 @!p0 $0xF7A, s2;
	p2 =	seq.s32 @!p0 s5, $0x0  }
0x1f: {  	s9 =	smul.u32 $0xF7A, s1;
	s8 =	simm.s32 @!p0 $0x1BF5;
	p2 =	por !p2, p0  }
0x20: {  	[sflag:s8] =	ssyncset.s32 @!p0 $0xFFFFF086;
	s6 =	sadd.s32 @!p0 s3, s7;
	s7 =	simm.s32 @!p0 $0x108  }
0x21: {  	s3 =	sadd.s32 s3, s9;
	s6 =	sadd.s32 @!p0 $0x88, s6;
	s7 =	simm.s32 @p2 $0x1082  }
0x22: {  	[simem:s7], [sflag:s8] =	dma.local @!p0 [hbm:s6], $0xF7A  }
0x23: {  	s9 =	sor.u32 $0xD0000000, s2;
	s6 =	simm.s32 $0x108;
	_ =	swait.ge @!p0 [sflag:s8], $0x0  }
0x24: {  	s3 =	sadd.s32 $0x88, s3;
	s6 =	simm.s32 @!p1 $0x1082;
	[sflag:s4] =	ssyncset.s32 $0xFFFFF086  }
0x25: {  	[simem:s6], [sflag:s4] =	dma.local [hbm:s3], $0xF7A  }
0x26: {  	[smem:$0x3F7B] =	sst s1;
	(tag) =	ssettag s2;
	_ =	strace s9  }
0x27: {  	s1 =	sld [smem:$0x3F8B]  }
0x28: {  	s2 =	sld [smem:$0x3F8C]  }
0x29: {  	s4 =	sld [smem:$0x3F8E]  }
0x2a: {  	p0 =	seq.s32 s5, $0x0;
	s5 =	sld [smem:$0x3F8F]  }
0x2b: {  	s6 =	sld [smem:$0x3F90]  }
0x2c: {  	s7 =	sld [smem:$0x3F91]  }
0x2d: {  	s3 =	simm.s32 $0x108;
	s8 =	sld [smem:$0x3F92]  }
0x2e: {  	s3 =	simm.s32 @!p0 $0x1082;
	s9 =	sld [smem:$0x3F93]  }
0x2f: {  	lr =	sadd.s32 s0, s3;
	s0 =	sld [smem:$0x3F8A]  }
0x30: {  	s3 =	sld [smem:$0x3F8D]  }
0x31: {  	[smem:$0x3F96] =	sst s10  }
0x32: {  	s10 =	sld [smem:$0x3F94];
	_ =	sdelay $0x3  }
0x33: {  	p0 =	seq.s32 s10, $0x1;
	s10 =	sld [smem:$0x3F96];
	_ =	sdelay $0x3  }
0x34: {  	[smem:$0x3F96] =	sst s10  }
0x35: {  	s10 =	sld [smem:$0x3F95];
	_ =	sdelay $0x3  }
0x36: {  	p1 =	seq.s32 s10, $0x1;
	s10 =	sld [smem:$0x3F96];
	_ =	sdelay $0x3  }
0x37: {  	[smem:$0x3F96] =	sst s10  }
0x38: {  	s10 =	sld [smem:$0x3F97]  }
0x39: {  	_ = 	snop;
	(pc) =	sbr.ind lr, $3  }
0x3a: {  	_ = 	snop  }
0x3b: {  	_ = 	snop  }
0x3c: {  	p2 =	seq.s32 s10, $0x1;
	s10 =	sld [smem:$0x3F96]  }
0x3d: {  	_ =	shalt  }
0x3e: {  	_ =	shalt  }
0x3f: {  	_ =	shalt  }
0x40: {  	_ =	shalt  }
0x41: {  	_ =	shalt  }
0x42: {  	_ =	shalt  }
0x43: {  	_ =	shalt  }
0x44: {  	_ =	shalt  }
0x45: {  	_ =	shalt  }
0x46: {  	_ =	shalt  }
0x47: {  	_ =	shalt  }
0x48: {  	_ =	shalt  }
0x49: {  	_ =	shalt  }
0x4a: {  	_ =	shalt  }
0x4b: {  	_ =	shalt  }
0x4c: {  	_ =	shalt  }
0x4d: {  	_ =	shalt  }
0x4e: {  	_ =	shalt  }
0x4f: {  	_ =	shalt  }
0x50: {  	_ =	shalt  }
0x51: {  	_ =	shalt  }
0x52: {  	_ =	shalt  }
0x53: {  	_ =	shalt  }
0x54: {  	_ =	shalt  }
0x55: {  	_ =	shalt  }
0x56: {  	_ =	shalt  }
0x57: {  	_ =	shalt  }
0x58: {  	_ =	shalt  }
0x59: {  	_ =	shalt  }
0x5a: {  	_ =	shalt  }
0x5b: {  	_ =	shalt  }
0x5c: {  	_ =	shalt  }
0x5d: {  	_ =	shalt  }
0x5e: {  	_ =	shalt  }
0x5f: {  	_ =	shalt  }
0x60: {  	_ =	shalt  }
0x61: {  	_ =	shalt  }
0x62: {  	_ =	shalt  }
0x63: {  	_ =	shalt  }
0x64: {  	_ =	shalt  }
0x65: {  	_ =	shalt  }
0x66: {  	_ =	shalt  }
0x67: {  	_ =	shalt  }
0x68: {  	_ =	shalt  }
0x69: {  	_ =	shalt  }
0x6a: {  	_ =	shalt  }
0x6b: {  	_ =	shalt  }
0x6c: {  	_ =	shalt  }
0x6d: {  	_ =	shalt  }
0x6e: {  	_ =	shalt  }
0x6f: {  	_ =	shalt  }
0x70: {  	_ =	shalt  }
0x71: {  	_ =	shalt  }
0x72: {  	_ =	shalt  }
0x73: {  	_ =	shalt  }
0x74: {  	_ =	shalt  }
0x75: {  	_ =	shalt  }
0x76: {  	_ =	shalt  }
0x77: {  	_ =	shalt  }
0x78: {  	_ =	shalt  }
0x79: {  	_ =	shalt  }
0x7a: {  	_ =	shalt  }
0x7b: {  	_ =	shalt  }
0x7c: {  	_ =	shalt  }
0x7d: {  	_ =	shalt  }
0x7e: {  	_ =	shalt  }
0x7f: {  	_ =	shalt  }
0x80: {  	_ =	shalt  }
0x81: {  	_ =	shalt  }
0x82: {  	_ =	shalt  }
0x83: {  	_ =	shalt  }
0x84: {  	_ =	shalt  }
0x85: {  	_ =	shalt  }
0x86: {  	_ =	shalt  }
0x87: {  	_ =	shalt  }
.Lfunc_end0:
.L_simem_size_0:
called_computation.2_lowered:
.L_overlay_start_0:
0x88: {  	s2 =	sld [smem:$0x3FD9]  }
0x89: {  	s3 =	sld [smem:$0x3FFE];
	_ =	sdelay $0x1  }
0x8a: {  	s1 =	srdreg.scid  }
0x8b: {  	s0 =	sand.u32 $0x1, s1  }
0x8c: {  	s16 =	sshll.u32 s0, $0xA;
	s2 =	sadd.s32 s3, s2  }
0x8d: {  	s2 =	sadd.s32 s2, s16  }
0x8e: {  	[smem:$0x3FA2] =	sst s2  }
0x8f: {  	_ = 	snop  }
0x90: {  	(tm) =	ssettm $0x1  }
0x91: {  	s17 =	sld [smem:$0x3FFB];
	_ =	sdelay $0x3  }
0x92: {  	_ =	strace s17  }
0x93: {  	s2 =	sld [smem:$0x3FFC];
	_ =	sdelay $0x3  }
0x94: {  	_ =	strace s2  }
0x95: {  	s2 =	sld [smem:$0x3FFD];
	_ =	sdelay $0x3  }
0x96: {  	_ =	strace s2  }
0x97: {  	_ =	strace $0x8FFFFFFF  }
0x98: {  	s18 =	sld [smem:$0x3FDB];
	_ =	sdelay $0x1  }
0x99: {  	s19 =	simm.s32 $_scs_section_size  }
0x9a: {  	s4 =	simm.s32 $_size__tile_overlayer_lowered;
	s5 =	simm.s32 $_tile_overlayer_lowered  }
0x9b: {  	s22 =	simm.s32 $0x1BFF;
	s21 =	sshll.u32 s5, $0x1;
	s2 =	sadd.s32 s19, s18  }
0x9c: {  	s6 =	simm.s32 $0x0;
	s20 =	sshll.u32 s4, $0x1;
	s4 =	sadd.s32 s21, s2  }
0x9d: {  	[timem:s6], [sflag:s22] =	dma.local [hbm:s4], s20  }
0x9e: {  	_ =	swait.ge [sflag:s22], s20  }
0x9f: {  	s3 =	ssub.s32 $0x0, s20;
	[sflag:s22] =	ssyncset.done $0x0  }
0xa0: {  	[sflag:s22] =	ssyncadd.s32 s3;
	_ =	sdelay $0x1  }
0xa1: {  	s23 =	simm.s32 $0x1B8B  }
0xa2: {  	_ =	swait.ge [sflag:s23], $0x1  }
0xa3: {  	[sflag:s23] =	ssyncset.done $0x0  }
0xa4: {  	s25 =	simm.s32 $0x1B8E;
	s24 =	sld [smem:$0x3FFE];
	[sflag:s23] =	ssyncadd.s32 $0xFFFFFFFF  }
0xa5: {  	s26 =	simm.s32 $execute0_lowered;
	[smem:$0x3FD2] =	sst s25  }
0xa6: {  	s4 =	sshll.u32 s26, $0x1;
	_ =	strace $0x8000004C;
	[dreg:$0x1] =	wrdreg $0xFFFFFFFF  }
0xa7: {  	s28 =	simm.s32 $_size_execute0_lowered;
	s2 =	sadd.s32 s2, s4;
	[dreg:$0x0] =	wrdreg $0x0  }
0xa8: {  	s4 =	sshll.u32 s28, $0x1;
	[dreg:$0x2] =	wrdreg s2  }
0xa9: {  	[dreg:$0x3] =	wrdreg s4  }
0xaa: {  	[dreg:$0x4] =	wrdreg $0xC0  }
0xab: {  	_ =	task [dreg:s6], $0x5FFFF  }
0xac: {  	[dreg:$0x1] =	wrdreg $0xFFFFFFFF  }
0xad: {  	[dreg:$0x0] =	wrdreg $0x60  }
0xae: {  	[dreg:$0x2] =	wrdreg s24  }
0xaf: {  	[dreg:$0x3] =	wrdreg $0x0  }
0xb0: {  	[dreg:$0x4] =	wrdreg $0x9  }
0xb1: {  	_ =	task.clear_ibuf [dreg:s6], $0x5FFFF;
	_ =	strace $0x9000004C  }
0xb2: {  	s29 =	simm.s32 $0x9;
	_ =	strace $0x8000004E  }
0xb3: {  	_ =	swait.ge [sflag:s29], $0x1  }
0xb4: {  	[sflag:s29] =	ssyncadd.s32 $0xFFFFFFFF  }
0xb5: {  	_ =	strace $0x9000004E  }
0xb6: {  	_ =	sfence  }
0xb7: {  	s30 =	sld [smem:$0x0];
	_ =	sdelay $0x2  }
0xb8: {  	s31 =	sshll.u32 s1, $0xD;
	s1 =	sshrl.u32 s1, $0x2  }
0xb9: {  	s3 =	sand.u32 $0x4000, s31;
	s1 =	sadd.s32 s1, s30  }
0xba: {  	s0 =	sor.u32 s3, s0;
	s1 =	sshll.u32 s1, $0x11  }
0xbb: {  	s0 =	sor.u32 s1, s0  }
0xbc: {  	s0 =	sadd.s32 $0x8F2B, s0  }
0xbd: {  	[sflag:s0] =	ssyncadd.remote.s32 $0x1  }
0xbe: {  	_ =	sfence.sel $0xFFFF  }
0xbf: {  	[dreg:$0x0] =	wrdreg $0xFFFFFFFF;
	(pc) =	sbr.abs _section_cstart, $3  }
0xc0: {  	[dreg:$0x1] =	wrdreg $0xFFFFFFFF  }
0xc1: {  	_ =	task.clear_ibuf [dreg:s6], $0x2FFFF;
	_ =	strace $0x9FFFFFFF  }
0xc2: {  	(tm) =	ssettm $0x7FFFFFFF  }
0xc3: {  	_ =	shalt  }
tec
execute0_lowered:
.L_overlay_start_1:
0x0: {  	(tag) =	ssettag $0x1  }
0x1: {  	s0 =	rddreg [dreg:$0x0]  }
0x2: {  	s1 =	rddreg [dreg:$0x1];
	s3 =	simm.s32 $0x0  }
0x3: {  	s17 =	stileid.u32;
	s10 =	srdreg.scid;
	s28 =	simm.s32 $0x13880  }
0x4: {  	s30 =	simm.s32 $0x13900;
	s31 =	simm.s32 $0x13A00;
	s4 =	sadd.s32 $0x599200, s0  }
0x5: {  	[smem:$0x7FF] =	sst s3;
	s5 =	sadd.s32 $0x5C0400, s0;
	s2 =	smul.u32 $0x13800, s17  }
0x6: {  	s6 =	sadd.s32 $0xAC9400, s0;
	s7 =	sadd.s32 $0x10C00, s0;
	s8 =	sadd.s32 $0x6E00, s0  }
0x7: {  	s10 =	sand.u32 $0x1, s10;
	s12 =	smul.u32 $0x4E000, s17;
	s13 =	sadd.s32 $0x60E800, s0  }
0x8: {  	s25 =	sshll.u32 s17, $0x1;
	s29 =	sshll.u32 s17, $0x6;
	s19 =	sadd.s32 $0x599000, s0  }
0x9: {  	p0 =	sne.s32 s17, $0xF;
	_ =	strace $0x8000004D;
	s14 =	ssub.s32 $0x2, s10  }
0xa: {  	s18 =	sor.u32 $0x1C03, s29;
	[dreg:$0x7] =	wrdreg s19;
	s9 =	sshrl.u32 s2, $0x3  }
0xb: {  	s15 =	sshrl.u32 s14, $0x1;
	s12 =	sshrl.u32 s12, $0x2;
	[dreg:$0x5] =	wrdreg s18  }
0xc: {  	s11 =	sadd.s32 s9, s0;
	s9 =	sor.u32 s10, s25;
	s10 =	smul.u32 $0x138800, s10  }
0xd: {  	s14 =	ssub.s32 s14, s15;
	s12 =	sadd.s32 s12, s1;
	s26 =	smul.u32 $0x5, s9  }
0xe: {  	s15 =	simm.s32 $0x1B280;
	[dreg:$0x3] =	wrdreg s12;
	s16 =	smul.u32 $0x28, s9  }
0xf: {  	s11 =	sadd.s32 $0x572000, s11;
	s12 =	sadd.s32 $0x138000, s1;
	s23 =	smul.u32 $0x280, s9  }
0x10: {  	s29 =	smax.u32 s14, $0x1;
	s14 =	simm.s32 $0x2;
	[dreg:$0x4] =	wrdreg s11  }
0x11: {  	[dreg:$0x6] =	wrdreg s12;
	s2 =	sadd.s32 s2, s10;
	s10 =	sshrl.u32 s10, $0x3  }
0x12: {  	[dreg:$0xf] =	wrdreg s29;
	s20 =	sadd.s32 s8, s26;
	s21 =	sshrl.u32 s16, $0x3  }
0x13: {  	s22 =	sadd.s32 s7, s26;
	s25 =	sadd.s32 s6, s23;
	s2 =	sshrl.u32 s2, $0x3  }
0x14: {  	s26 =	sadd.s32 s13, s10;
	s10 =	simm.s32 $0x14E80;
	[dreg:$0x8] =	wrdreg s20  }
0x15: {  	s16 =	simm.s32 $0x0;
	[dreg:$0x9] =	wrdreg s22;
	s11 =	sadd.s32 $0xA0, s21  }
0x16: {  	[dreg:$0xc] =	wrdreg s25;
	s20 =	sor.u32 $0x40, s9;
	s2 =	sadd.s32 s13, s2  }
.Ltmp0:
0x17: {  	s22 =	sor.u32 $0x60, s9;
	s25 =	sadd.s32 $0xACE400, s0;
	(pc) =	sbr.rel .LBB2_1-.Ltmp0, $4  }
0x18: {  	s0 =	simm.s32 $0x1;
	s24 =	sadd.s32 s8, s11;
	[dreg:$0xd] =	wrdreg s2  }
0x19: {  	s13 =	simm.s32 $0x19E80;
	s11 =	sadd.s32 s7, s11;
	[dreg:$0xa] =	wrdreg s24  }
0x1a: {  	s2 =	sadd.s32 $0x27000, s26;
	s26 =	simm.s32 $0x3;
	[dreg:$0xb] =	wrdreg s11  }
0x1b: {  	[dreg:$0xe] =	wrdreg s2;
	s2 =	simm.s32 $0x28;
	s11 =	simm.s32 $0x17680  }
.LBB2_8:
0x1c: {  	[bflag:$0x0] =	sbarrier.arrive $0xFFFF  }
0x1d: {  	s18 =	rddreg [dreg:$0x5]  }
0x1e: {  	s12 =	rddreg [dreg:$0xd]  }
0x1f: {  	s17 =	rddreg [dreg:$0x10]  }
0x20: {  	[hbm:s12], [sflag:s18] =	dma.local [spmem:s17], $0x2700  }
0x21: {  	_ =	swait.ge [sflag:s26], $0x2700  }
0x22: {  	[sflag:s26] =	ssyncset.done $0x0;
	s12 =	rddreg [dreg:$0xe]  }
0x23: {  	s17 =	rddreg [dreg:$0x11];
	[sflag:s26] =	ssyncadd.s32 $0xFFFFD900  }
0x24: {  	[hbm:s12], [sflag:s18] =	dma.local @!p0 [spmem:s17], $0x100  }
0x25: {  	s12 =	simm.s32 @!p0 $0x3  }
0x26: {  	_ =	swait.ge @!p0 [sflag:s12], $0x100  }
0x27: {  	s16 =	sadd.s32 $0x1, s16;
	s29 =	rddreg [dreg:$0xf]  }
0x28: {  	p1 =	sne.s32 s16, s29  }
.Ltmp1:
0x29: {  	_ = 	snop;
	(pc) =	sbr.rel @!p1 .LBB2_9-.Ltmp1, $3  }
0x2a: {  	_ =	sdelay $0x1  }
0x2b: {  	[sflag:s12] =	ssyncset.done @!p0 $0x0  }
0x2c: {  	[sflag:s12] =	ssyncadd.s32 @!p0 $0xFFFFFF00  }
.LBB2_1:
0x2d: {  	s12 =	rddreg [dreg:$0x3]  }
0x2e: {  	s21 =	rddreg [dreg:$0x4];
	s17 =	sshrl.u32 s12, $0x3  }
0x2f: {  	[dreg:$0x10] =	wrdreg s17  }
0x30: {  	[spmem:s17], [sflag:s18] =	dma.local [hbm:s21], $0x2700  }
0x31: {  	_ =	swait.ge [sflag:s26], $0x2700  }
0x32: {  	s12 =	rddreg [dreg:$0x6]  }
0x33: {  	[sflag:s26] =	ssyncset.done $0x0;
	s17 =	sshrl.u32 @!p0 s12, $0x3;
	s12 =	rddreg [dreg:$0x7]  }
0x34: {  	[sflag:s26] =	ssyncadd.s32 $0xFFFFD900;
	[dreg:$0x11] =	wrdreg s17  }
0x35: {  	[spmem:s17], [sflag:s18] =	dma.local @!p0 [hbm:s12], $0x100  }
0x36: {  	s17 =	simm.s32 @!p0 $0x3  }
0x37: {  	_ =	swait.ge @!p0 [sflag:s17], $0x100  }
0x38: {  	[sflag:s17] =	ssyncset.done @!p0 $0x0  }
0x39: {  	[sflag:s17] =	ssyncadd.s32 @!p0 $0xFFFFFF00  }
0x3a: {  	[bflag:$0x0] =	sbarrier.arrive $0xFFFF  }
0x3b: {  	s23 =	rddreg [dreg:$0x8]  }
0x3c: {  	[tilespmem:s28], [sflag:$0x1] =	stream.linear.gather [hbm4b:s23+s3], $0x28, $0x38;
	[tilespmem:$0x1C680] =	vst v63  }
0x3d: {  	s29 =	simm.s32 $0x13980;
	s24 =	rddreg [dreg:$0x9]  }
0x3e: {  	[tilespmem:s29], [sflag:$0x1] =	stream.linear.gather [hbm4b:s24+s3], $0x28, $0x38;
	[tilespmem:$0x1C680] =	vst v63  }
0x3f: {  	s18 =	rddreg [dreg:$0xa]  }
0x40: {  	[tilespmem:s30], [sflag:$0x1] =	stream.linear.gather [hbm4b:s18+s3], $0x28, $0x38;
	[tilespmem:$0x1C680] =	vst v63  }
0x41: {  	s19 =	rddreg [dreg:$0xb]  }
0x42: {  	[tilespmem:s31], [sflag:$0x1] =	stream.linear.gather [hbm4b:s19+s3], $0x28, $0x38;
	[tilespmem:$0x1C680] =	vst v63  }
0x43: {  	_ =	swait.ge [sflag:s0], $0x28  }
0x44: {  	[sflag:s0] =	ssyncset.done $0x0  }
0x45: {  	[sflag:s0] =	ssyncadd.s32 $0xFFFFFFD8  }
0x46: {  	_ =	swait.ge [sflag:s0], $0x28  }
0x47: {  	[sflag:s0] =	ssyncset.done $0x0  }
0x48: {  	s21 =	simm.s32 $0x13A80;
	[sflag:s0] =	ssyncadd.s32 $0xFFFFFFD8  }
0x49: {  	[tilespmem:s21], [sflag:$0x2] =	stream.indirect.gather [hbm4b:s4+s2], $0x80, s28, s2, $0xb8;
	[tilespmem:$0x1C680] =	vst v63  }
0x4a: {  	s23 =	simm.s32 $0x16280  }
0x4b: {  	[tilespmem:s23], [sflag:$0x2] =	stream.indirect.gather [hbm4b:s5+s2], $0x80, s29, s2, $0xb8;
	[tilespmem:$0x1C680] =	vst v63  }
0x4c: {  	s18 =	simm.s32 $0x0;
	s24 =	rddreg [dreg:$0xc];
	s29 =	simm.s32 $0x18A80  }
0x4d: {  	[tilespmem:s29], [sflag:$0x2] =	stream.linear.gather [hbm4b:s24+s3], $0x1400, $0x38;
	[tilespmem:$0x1C680] =	vst v63  }
.LBB2_2:
0x4e: {  	_ =	swait.ge [sflag:s0], $0x28  }
0x4f: {  	[sflag:s0] =	ssyncset.done $0x0  }
0x50: {  	[sflag:s0] =	ssyncadd.s32 $0xFFFFFFD8  }
0x51: {  	_ =	swait.ge [sflag:s0], $0x28  }
0x52: {  	s19 =	sshll.u32 s18, $0x6;
	[sflag:s0] =	ssyncset.done $0x0  }
0x53: {  	s17 =	sor.u32 s9, s19;
	[sflag:s0] =	ssyncadd.s32 $0xFFFFFFD8  }
0x54: {  	[tilespmem:s10], [sflag:$0x2] =	stream.indirect.gather [hbm4b:s4+s2], $0x80, s30, s2, $0xb8;
	[tilespmem:$0x1C680] =	vst v63  }
0x55: {  	s17 =	smul.u32 $0x280, s17  }
0x56: {  	[tilespmem:s11], [sflag:$0x2] =	stream.indirect.gather [hbm4b:s5+s2], $0x80, s31, s2, $0xb8;
	[tilespmem:$0x1C680] =	vst v63  }
0x57: {  	s21 =	simm.s32 $0x0;
	s17 =	sadd.s32 s25, s17  }
0x58: {  	[tilespmem:s13], [sflag:$0x2] =	stream.linear.gather [hbm4b:s17+s21], $0x1400, $0x38;
	[tilespmem:$0x1C680] =	vst v63  }
0x59: {  	_ =	swait.ge [sflag:s14], $0x1400  }
0x5a: {  	[sflag:s14] =	ssyncset.done $0x0  }
0x5b: {  	[sflag:s14] =	ssyncadd.s32 $0xFFFFEC00  }
0x5c: {  	_ =	swait.ge [sflag:s14], $0x1400  }
0x5d: {  	[sflag:s14] =	ssyncset.done $0x0  }
0x5e: {  	[sflag:s14] =	ssyncadd.s32 $0xFFFFEC00  }
0x5f: {  	_ =	swait.ge [sflag:s14], $0x1400  }
0x60: {  	[sflag:s14] =	ssyncset.done $0x0  }
0x61: {  	s21 =	simm.s32 $0x0;
	[sflag:s14] =	ssyncadd.s32 $0xFFFFEC00  }
0x62: {  	v2 =	vld [tilespmem:s21+$0x18AA0]  }
0x63: {  	v4 =	vld [tilespmem:s21+$0x13AC0]  }
0x64: {  	v7 =	vld [tilespmem:s21+$0x13AE0]  }
0x65: {  	v8 =	vld [tilespmem:s21+$0x13A90]  }
0x66: {  	v9 =	vld [tilespmem:s21+$0x18A80]  }
0x67: {  	v12 =	vld [tilespmem:s21+$0x18AB0]  }
0x68: {  	v15 =	vld [tilespmem:s21+$0x162A0]  }
0x69: {  	v3 =	vld [tilespmem:s21+$0x162F0]  }
0x6a: {  	v10 =	vld [tilespmem:s21+$0x13AF0]  }
0x6b: {  	v11 =	vld [tilespmem:s21+$0x13AA0]  }
0x6c: {  	v0 =	vld [tilespmem:s21+$0x16280]  }
0x6d: {  	v6 =	vld [tilespmem:s21+$0x162E0]  }
0x6e: {  	v1 =	vld [tilespmem:s21+$0x162C0];
	v14 =	vunpack.i.l.bf16.f32 v3  }
0x6f: {  	v5 =	vld [tilespmem:s21+$0x16290];
	v16 =	vunpack.i.l.bf16.f32 v15;
	v14 =	vadd.f32 v10, v14  }
0x70: {  	v13 =	vld [tilespmem:s21+$0x18A90];
	v17 =	vunpack.i.u.bf16.f32 v12;
	v16 =	vadd.f32 v11, v16  }
0x71: {  	v19 =	vunpack.i.l.bf16.f32 v2;
	v10 =	vld [tilespmem:s21+$0x162D0];
	v14 =	vadd.f32 v14, v17  }
0x72: {  	s23 =	simm.s32 $0x80;
	v18 =	vld [tilespmem:s21+$0x13AD0];
	v17 =	vunpack.i.l.bf16.f32 v6;
	v16 =	vadd.f32 v16, v19  }
0x73: {  	v21 =	vld [tilespmem:s23+$0x18AA0];
	v7 =	vadd.f32 v7, v17;
	v14 =	vmul.f32 $1.442695020e+00, v14  }
0x74: {  	v23 =	vld [tilespmem:s23+$0x13A90];
	v2 =	vunpack.i.u.bf16.f32 v2;
	v20 =	vunpack.i.l.bf16.f32 v5;
	v16 =	vmul.f32 $1.442695020e+00, v16  }
0x75: {  	v24 =	vld [tilespmem:s23+$0x18AB0];
	v2 =	vadd.f32 v7, v2;
	v7 =	vadd.f32 v8, v20;
	(erf) = vpow2.f32 v14  }
0x76: {  	v11 =	vld [tilespmem:s21+$0x162B0];
	v8 =	vunpack.i.l.bf16.f32 v13;
	v14 =	vunpack.i.l.bf16.f32 v10;
	(erf) = vpow2.f32 v16  }
0x77: {  	v26 =	vld [tilespmem:s23+$0x18A90];
	v14 =	vadd.f32 v18, v14;
	v7 =	vadd.f32 v7, v8  }
0x78: {  	v17 =	vld [tilespmem:s21+$0x13A80];
	v2 =	vmul.f32 $1.442695020e+00, v2;
	v8 =	vunpack.i.u.bf16.f32 v13  }
0x79: {  	v22 =	vunpack.i.l.bf16.f32 v1;
	v19 =	vld [tilespmem:s21+$0x13AB0];
	v8 =	vadd.f32 v14, v8;
	v7 =	vmul.f32 $1.442695020e+00, v7  }
0x7a: {  	v4 =	vadd.f32 v4, v22;
	v18 =	vld [tilespmem:s23+$0x18A80];
	v13 =	vunpack.i.u.bf16.f32 v9;
	(erf) = vpow2.f32 v2  }
0x7b: {  	v32 =	vld [tilespmem:s23+$0x13AF0];
	v8 =	vmul.f32 $1.442695020e+00, v8;
	(erf) = vpow2.f32 v7;
	v7 =	vunpack.i.l.bf16.f32 v11  }
0x7c: {  	v13 =	vadd.f32 v4, v13;
	v4 =	vld [tilespmem:s23+$0x162C0];
	v14 =	vunpack.i.l.bf16.f32 v0  }
0x7d: {  	v25 =	vunpack.i.l.bf16.f32 v12;
	v31 =	vunpack.i.l.bf16.f32 v26;
	v16 =	vld [tilespmem:s23+$0x13AC0];
	v14 =	vadd.f32 v17, v14  }
0x7e: {  	v9 =	vunpack.i.l.bf16.f32 v9;
	v2 =	vld [tilespmem:s23+$0x16280];
	v17 =	vmul.f32 $1.442695020e+00, v13;
	v19 =	vadd.f32 v19, v7;
	v7 =	vpop (erf)  }
0x7f: {  	v12 =	vld [tilespmem:s23+$0x16290];
	v27 =	vunpack.i.u.bf16.f32 v18;
	v9 =	vadd.f32 v14, v9;
	(erf) = vpow2.f32 v8;
	v8 =	vpop (erf)  }
0x80: {  	v14 =	vunpack.i.l.bf16.f32 v18;
	v30 =	vadd.f32 $1.000000000e+00, v7;
	v7 =	vld [tilespmem:s23+$0x162D0];
	v18 =	vadd.f32 $1.000000000e+00, v8  }
0x81: {  	v33 =	vunpack.i.u.bf16.f32 v24;
	v26 =	vunpack.i.u.bf16.f32 v26;
	v22 =	vunpack.i.l.bf16.f32 v4;
	v8 =	vld [tilespmem:s23+$0x162F0]  }
0x82: {  	(erf) = vpow2.f32 v17;
	v17 =	vunpack.i.u.bf16.f32 v15;
	v15 =	vld [tilespmem:s23+$0x162E0];
	v19 =	vadd.f32 v19, v25  }
0x83: {  	v34 =	vld [tilespmem:s23+$0x13AD0];
	v28 =	vunpack.i.l.bf16.f32 v2;
	v9 =	vmul.f32 $1.442695020e+00, v9;
	v16 =	vadd.f32 v16, v22  }
0x84: {  	v13 =	vld [tilespmem:s23+$0x162A0];
	v22 =	vunpack.i.u.bf16.f32 v21;
	v19 =	vmul.f32 $1.442695020e+00, v19;
	(erf) = vrcp.f32 v18;
	v18 =	vpop (erf)  }
0x85: {  	v36 =	vld [tilespmem:s23+$0x13AA0];
	(erf) = vpow2.f32 v9;
	v37 =	vunpack.i.l.bf16.f32 v7;
	v29 =	vadd.f32 $1.000000000e+00, v18  }
0x86: {  	v20 =	vld [tilespmem:s23+$0x13AE0];
	v18 =	vadd.f32 v16, v27;
	v27 =	vunpack.i.l.bf16.f32 v12;
	v25 =	vunpack.i.l.bf16.f32 v8  }
0x87: {  	v9 =	vld [tilespmem:s23+$0x162B0];
	v16 =	vunpack.i.l.bf16.f32 v24;
	v24 =	vunpack.i.l.bf16.f32 v15;
	v25 =	vadd.f32 v32, v25  }
0x88: {  	v39 =	vld [tilespmem:s23+$0x13AB0];
	v35 =	vpop (erf);
	v38 =	vadd.f32 v23, v27;
	v27 =	vadd.f32 v34, v37;
	(erf) = vrcp.f32 v29  }
0x89: {  	v35 =	vadd.f32 $1.000000000e+00, v35;
	v23 =	vld [tilespmem:s23+$0x13A80];
	v29 =	vunpack.i.l.bf16.f32 v13;
	(erf) = vpow2.f32 v19  }
0x8a: {  	v19 =	vunpack.i.l.bf16.f32 v21;
	v21 =	vadd.f32 v36, v29;
	v29 =	vadd.f32 v25, v33  }
0x8b: {  	v20 =	vadd.f32 v20, v24;
	v26 =	vadd.f32 v27, v26;
	v25 =	vpop (erf);
	(erf) = vrcp.f32 v35  }
0x8c: {  	v62 =	vunpack.i.l.bf16.f32 v9;
	v63 =	vadd.f32 v21, v19;
	v29 =	vmul.f32 $1.442695020e+00, v29;
	v27 =	vpop (erf)  }
0x8d: {  	v19 =	vadd.f32 v39, v62;
	v21 =	vadd.f32 v38, v31;
	(erf) = vrcp.f32 v30;
	v24 =	vpop (erf)  }
0x8e: {  	s24 =	simm.s32 $0x400;
	v26 =	vmul.f32 $1.442695020e+00, v26;
	v23 =	vadd.f32 v23, v28;
	v30 =	vmul.f32 $1.442695020e+00, v63;
	v28 =	vpop (erf)  }
.LBB2_3:
0x8f: {  	s17 =	sshra.s32 s24, $0x2;
	p1 =	sne.s32 s24, $0x4E00;
	s24 =	sadd.s32 $0x200, s24;
	v22 =	vadd.f32 v20, v22;
	(erf) = vpow2.f32 v29;
	v31 =	vadd.f32 $1.000000000e+00, v27  }
0x90: {  	v25 =	vadd.f32 $1.000000000e+00, v25;
	v20 =	vld [tilespmem:s17+$0x18AA0];
	v29 =	vmul.f32 $1.442695020e+00, v21;
	(erf) = vpow2.f32 v30  }
0x91: {  	v32 =	vunpack.i.u.bf16.f32 v6;
	v30 =	vld [tilespmem:s17+$0x13AC0];
	v22 =	vmul.f32 $1.442695020e+00, v22;
	(erf) = vrcp.f32 v31;
	v27 =	vpop (erf)  }
0x92: {  	v28 =	vadd.f32 $1.000000000e+00, v28;
	v33 =	vmul.f32 v24, v17;
	v21 =	vld [tilespmem:s17+$0x13AE0];
	(erf) = vrcp.f32 v25;
	v24 =	vpop (erf)  }
0x93: {  	v6 =	vmovc v15;
	v31 =	vld [tilespmem:s17+$0x13A90];
	(erf) = vpow2.f32 v22;
	v22 =	vmul.f32 v27, v32;
	v24 =	vadd.f32 $1.000000000e+00, v24  }
0x94: {  	v25 =	vunpack.i.u.bf16.f32 v5;
	v5 =	vmov v12;
	v15 =	vld [tilespmem:s17+$0x18A80];
	[tilespmem:s21+$0x1B2A0] =	vst v33;
	(erf) = vrcp.f32 v28;
	v17 =	vpop (erf)  }
0x95: {  	v27 =	vunpack.i.u.bf16.f32 v0;
	v0 =	vmovc v2;
	v12 =	vmul.f32 v17, v25;
	[tilespmem:s21+$0x1B2E0] =	vst v22;
	(erf) = vrcp.f32 v24;
	v2 =	vld [tilespmem:s17+$0x16280]  }
0x96: {  	v17 =	vmul.f32 $1.442695020e+00, v18;
	v25 =	vunpack.i.u.bf16.f32 v3;
	v24 =	vld [tilespmem:s17+$0x18AB0];
	(erf) = vpow2.f32 v29;
	v18 =	vpop (erf)  }
0x97: {  	v22 =	vunpack.i.u.bf16.f32 v1;
	v1 =	vmovc v4;
	v3 =	vmovc v8;
	(erf) = vpow2.f32 v26;
	[tilespmem:s21+$0x1B290] =	vst v12;
	v12 =	vmul.f32 v18, v25;
	v4 =	vld [tilespmem:s17+$0x162C0]  }
0x98: {  	v10 =	vunpack.i.u.bf16.f32 v10;
	v11 =	vunpack.i.u.bf16.f32 v11;
	v26 =	vld [tilespmem:s17+$0x162A0];
	(erf) = vpow2.f32 v17;
	v18 =	vpop (erf)  }
0x99: {  	v23 =	vadd.f32 v23, v14;
	v25 =	vunpack.i.u.bf16.f32 v15;
	v28 =	vld [tilespmem:s17+$0x18A90];
	v14 =	vunpack.i.l.bf16.f32 v15;
	v8 =	vpop (erf);
	[tilespmem:s21+$0x1B2F0] =	vst v12  }
0x9a: {  	v17 =	vunpack.i.u.bf16.f32 v13;
	v32 =	vunpack.i.l.bf16.f32 v2;
	v12 =	vld [tilespmem:s17+$0x16290];
	v34 =	vadd.f32 $1.000000000e+00, v8;
	v15 =	vpop (erf)  }
0x9b: {  	v23 =	vmul.f32 $1.442695020e+00, v23;
	v33 =	vadd.f32 $1.000000000e+00, v18;
	v8 =	vld [tilespmem:s17+$0x162F0];
	v18 =	vmul.f32 v15, v22;
	v22 =	vpop (erf)  }
0x9c: {  	v29 =	vunpack.i.l.bf16.f32 v4;
	v15 =	vld [tilespmem:s17+$0x162E0];
	(erf) = vrcp.f32 v34;
	v13 =	vpop (erf);
	v38 =	vmul.f32 v22, v10  }
0x9d: {  	v22 =	vunpack.i.u.bf16.f32 v20;
	v29 =	vadd.f32 v30, v29;
	v30 =	vld [tilespmem:s17+$0x162D0];
	v34 =	vadd.f32 $1.000000000e+00, v13;
	[tilespmem:s21+$0x1B2C0] =	vst v18;
	v13 =	vpop (erf)  }
0x9e: {  	v36 =	vunpack.i.u.bf16.f32 v24;
	v35 =	vunpack.i.l.bf16.f32 v28;
	v37 =	vld [tilespmem:s17+$0x13AF0];
	v13 =	vmul.f32 v13, v27;
	[tilespmem:s21+$0x1B2D0] =	vst v38;
	v10 =	vpop (erf)  }
0x9f: {  	v18 =	vadd.f32 v29, v25;
	v29 =	vunpack.i.l.bf16.f32 v12;
	v38 =	vld [tilespmem:s17+$0x13AD0];
	v27 =	vpop (erf);
	v43 =	vmul.f32 v10, v11  }
0xa0: {  	v44 =	vadd.f32 v19, v16;
	v16 =	vunpack.i.l.bf16.f32 v24;
	v39 =	vld [tilespmem:s17+$0x13AA0];
	(erf) = vpow2.f32 v23;
	v25 =	vpop (erf);
	[tilespmem:s21+$0x1B280] =	vst v13  }
0xa1: {  	v24 =	vunpack.i.l.bf16.f32 v8;
	v40 =	vadd.f32 $1.000000000e+00, v27;
	v19 =	vunpack.i.l.bf16.f32 v15;
	v23 =	vld [tilespmem:s17+$0x162B0];
	v27 =	vpop (erf);
	[tilespmem:s21+$0x1B2B0] =	vst v43;
	s21 =	smov.u32 s23;
	s23 =	smov.u32 s17  }
0xa2: {  	v10 =	vmovc v7;
	v31 =	vadd.f32 v31, v29;
	v29 =	vmul.f32 $1.442695020e+00, v44;
	v41 =	vunpack.i.l.bf16.f32 v30;
	v42 =	vld [tilespmem:s23+$0x13AB0];
	v13 =	vmovc v26  }
0xa3: {  	v28 =	vunpack.i.u.bf16.f32 v28;
	v11 =	vmovc v9;
	v7 =	vmovc v30;
	v26 =	vld [tilespmem:s23+$0x13A80];
	v37 =	vadd.f32 v37, v24;
	(erf) = vrcp.f32 v34  }
0xa4: {  	v30 =	vunpack.i.l.bf16.f32 v13;
	v38 =	vadd.f32 v38, v41;
	(erf) = vpow2.f32 v29  }
.Ltmp2:
0xa5: {  	v20 =	vunpack.i.l.bf16.f32 v20;
	v29 =	vadd.f32 v39, v30;
	v30 =	vadd.f32 v37, v36;
	v24 =	vpop (erf);
	(pc) =	sbr.rel @p1 .LBB2_3-.Ltmp2, $4  }
0xa6: {  	v37 =	vadd.f32 v38, v28;
	v34 =	vunpack.i.l.bf16.f32 v23;
	(erf) = vrcp.f32 v40;
	v9 =	vmovc v23  }
0xa7: {  	v36 =	vadd.f32 v29, v20;
	v20 =	vadd.f32 v21, v19;
	v29 =	vmul.f32 $1.442695020e+00, v30  }
0xa8: {  	v19 =	vadd.f32 v42, v34;
	v23 =	vadd.f32 v26, v32;
	(erf) = vrcp.f32 v33  }
0xa9: {  	v21 =	vadd.f32 v31, v35;
	v26 =	vmul.f32 $1.442695020e+00, v37;
	v30 =	vmul.f32 $1.442695020e+00, v36;
	v28 =	vpop (erf)  }
0xaa: {  	v20 =	vadd.f32 v20, v22;
	_ =	sdelay $0x1  }
0xab: {  	(erf) = vpow2.f32 v29;
	v22 =	vadd.f32 $1.000000000e+00, v27;
	v20 =	vmul.f32 $1.442695020e+00, v20  }
0xac: {  	v25 =	vadd.f32 $1.000000000e+00, v25;
	(erf) = vpow2.f32 v30  }
0xad: {  	(erf) = vrcp.f32 v22  }
0xae: {  	(erf) = vrcp.f32 v25  }
0xaf: {  	(erf) = vpow2.f32 v20;
	v20 =	vpop (erf)  }
0xb0: {  	v25 =	vadd.f32 $1.000000000e+00, v28;
	v22 =	vpop (erf)  }
0xb1: {  	v22 =	vadd.f32 $1.000000000e+00, v22  }
0xb2: {  	v27 =	vpop (erf)  }
0xb3: {  	v21 =	vmul.f32 $1.442695020e+00, v21;
	(erf) = vrcp.f32 v25;
	v28 =	vpop (erf)  }
0xb4: {  	v25 =	vpop (erf);
	(erf) = vrcp.f32 v22  }
0xb5: {  	v18 =	vmul.f32 $1.442695020e+00, v18;
	v14 =	vadd.f32 v23, v14;
	(erf) = vpow2.f32 v21;
	v22 =	vpop (erf)  }
0xb6: {  	(erf) = vpow2.f32 v26;
	v22 =	vadd.f32 $1.000000000e+00, v22  }
0xb7: {  	v16 =	vadd.f32 v19, v16;
	v14 =	vmul.f32 $1.442695020e+00, v14;
	v21 =	vpop (erf);
	(erf) = vpow2.f32 v18  }
0xb8: {  	v23 =	vpop (erf);
	(erf) = vrcp.f32 v22  }
0xb9: {  	v18 =	vpop (erf);
	(erf) = vpow2.f32 v14;
	v14 =	vmul.f32 $1.442695020e+00, v16  }
0xba: {  	v18 =	vadd.f32 $1.000000000e+00, v18;
	_ =	sdelay $0x1  }
0xbb: {  	(erf) = vrcp.f32 v18  }
0xbc: {  	(erf) = vpow2.f32 v14;
	v14 =	vpop (erf)  }
0xbd: {  	v16 =	vpop (erf)  }
0xbe: {  	v18 =	vpop (erf)  }
0xbf: {  	v6 =	vunpack.i.u.bf16.f32 v6;
	v18 =	vadd.f32 $1.000000000e+00, v18  }
0xc0: {  	v6 =	vmul.f32 v20, v6;
	v20 =	vadd.f32 $1.000000000e+00, v25;
	v19 =	vpop (erf)  }
0xc1: {  	v17 =	vmul.f32 v24, v17;
	v5 =	vunpack.i.u.bf16.f32 v5;
	v22 =	vpop (erf);
	(erf) = vrcp.f32 v18  }
0xc2: {  	v3 =	vunpack.i.u.bf16.f32 v3;
	v5 =	vmul.f32 v27, v5;
	v24 =	vpop (erf);
	(erf) = vrcp.f32 v20  }
0xc3: {  	v1 =	vunpack.i.u.bf16.f32 v1;
	v0 =	vunpack.i.u.bf16.f32 v0;
	[tilespmem:s21+$0x1B2A0] =	vst v17;
	v22 =	vadd.f32 $1.000000000e+00, v22;
	v18 =	vpop (erf)  }
0xc4: {  	v3 =	vmul.f32 v28, v3;
	[tilespmem:s21+$0x1B290] =	vst v5;
	v5 =	vunpack.i.u.bf16.f32 v10;
	v19 =	vadd.f32 $1.000000000e+00, v19;
	v20 =	vpop (erf)  }
0xc5: {  	[tilespmem:s21+$0x1B2E0] =	vst v6;
	v1 =	vmul.f32 v21, v1;
	(erf) = vrcp.f32 v22;
	v17 =	vadd.f32 $1.000000000e+00, v18;
	v18 =	vpop (erf)  }
0xc6: {  	[tilespmem:s21+$0x1B2F0] =	vst v3;
	v3 =	vmul.f32 v23, v5;
	(erf) = vrcp.f32 v19;
	v6 =	vadd.f32 $1.000000000e+00, v18  }
0xc7: {  	v5 =	vunpack.i.u.bf16.f32 v11;
	[tilespmem:s21+$0x1B2C0] =	vst v1;
	v0 =	vmul.f32 v14, v0;
	(erf) = vrcp.f32 v17  }
0xc8: {  	v1 =	vunpack.i.u.bf16.f32 v13;
	[tilespmem:s21+$0x1B2D0] =	vst v3;
	v3 =	vmul.f32 v16, v5;
	(erf) = vrcp.f32 v6  }
0xc9: {  	[tilespmem:s21+$0x1B280] =	vst v0;
	v1 =	vmul.f32 v24, v1  }
0xca: {  	[tilespmem:s21+$0x1B2B0] =	vst v3;
	v3 =	vunpack.i.u.bf16.f32 v12;
	v5 =	vpop (erf)  }
0xcb: {  	v0 =	vunpack.i.u.bf16.f32 v15;
	[tilespmem:s23+$0x1B2A0] =	vst v1;
	v1 =	vmul.f32 v5, v3;
	v3 =	vunpack.i.u.bf16.f32 v8;
	v5 =	vpop (erf)  }
0xcc: {  	v0 =	vmul.f32 v20, v0;
	v3 =	vmul.f32 v5, v3;
	_ =	sdelay $0x1  }
0xcd: {  	v2 =	vunpack.i.u.bf16.f32 v2;
	[tilespmem:s23+$0x1B2E0] =	vst v0;
	v0 =	vunpack.i.u.bf16.f32 v4;
	v4 =	vpop (erf)  }
0xce: {  	[tilespmem:s23+$0x1B290] =	vst v1;
	v1 =	vunpack.i.u.bf16.f32 v7;
	v0 =	vmul.f32 v4, v0;
	v4 =	vpop (erf)  }
0xcf: {  	[tilespmem:s23+$0x1B2F0] =	vst v3;
	v1 =	vmul.f32 v4, v1;
	v3 =	vpop (erf)  }
0xd0: {  	v4 =	vunpack.i.u.bf16.f32 v9;
	[tilespmem:s23+$0x1B2C0] =	vst v0;
	v0 =	vmul.f32 v3, v2;
	v2 =	vpop (erf)  }
0xd1: {  	[tilespmem:s23+$0x1B2D0] =	vst v1;
	v1 =	vmul.f32 v2, v4  }
0xd2: {  	p1 =	seq.s32 s18, $0x7C;
	[tilespmem:s23+$0x1B280] =	vst v0  }
0xd3: {  	s17 =	sadd.s32 @!p1 s20, s19;
	[tilespmem:s23+$0x1B2B0] =	vst v1  }
0xd4: {  	[spmem:s1] =	stream.indirect.scatter.add.f32 [tilespmem:s15], [sflag:$0x3], $0x80, s28, s2, $0xb8;
	[tilespmem:$0x1C680] =	vst v63  }
0xd5: {  	s21 =	smul.u32 @!p1 $0x5, s17;
	_ =	swait.ge [sflag:s26], $0x1400  }
0xd6: {  	s24 =	simm.s32 @!p1 $0x0;
	[sflag:s26] =	ssyncset.done $0x0  }
0xd7: {  	s29 =	simm.s32 @!p1 $0x13880;
	s23 =	sadd.s32 @!p1 s8, s21;
	[sflag:s26] =	ssyncadd.s32 $0xFFFFEC00  }
0xd8: {  	[tilespmem:s29], [sflag:$0x1] =	stream.linear.gather @!p1 [hbm4b:s23+s24], $0x28, $0x38;
	[tilespmem:$0x1C680] =	vst v63  }
0xd9: {  	s21 =	sadd.s32 @!p1 s7, s21;
	s23 =	simm.s32 @!p1 $0x13980  }
0xda: {  	[tilespmem:s23], [sflag:$0x1] =	stream.linear.gather @!p1 [hbm4b:s21+s24], $0x28, $0x38;
	[tilespmem:$0x1C680] =	vst v63  }
0xdb: {  	s21 =	simm.s32 @!p1 $0x1  }
0xdc: {  	_ =	swait.ge @!p1 [sflag:s21], $0x28  }
0xdd: {  	[sflag:s21] =	ssyncset.done @!p1 $0x0  }
0xde: {  	[sflag:s21] =	ssyncadd.s32 @!p1 $0xFFFFFFD8  }
0xdf: {  	_ =	swait.ge @!p1 [sflag:s21], $0x28  }
0xe0: {  	[sflag:s21] =	ssyncset.done @!p1 $0x0  }
0xe1: {  	s12 =	simm.s32 @!p1 $0x13A80;
	[sflag:s21] =	ssyncadd.s32 @!p1 $0xFFFFFFD8;
	s21 =	simm.s32 @!p1 $0x28  }
0xe2: {  	[tilespmem:s12], [sflag:$0x2] =	stream.indirect.gather @!p1 [hbm4b:s4+s21], $0x80, s29, s21, $0xb8;
	[tilespmem:$0x1C680] =	vst v63  }
0xe3: {  	s17 =	smul.u32 @!p1 $0x280, s17;
	s12 =	simm.s32 @!p1 $0x16280  }
0xe4: {  	[tilespmem:s12], [sflag:$0x2] =	stream.indirect.gather @!p1 [hbm4b:s5+s21], $0x80, s23, s21, $0xb8;
	[tilespmem:$0x1C680] =	vst v63  }
0xe5: {  	s12 =	sadd.s32 @!p1 s6, s17;
	s17 =	simm.s32 @!p1 $0x18A80  }
0xe6: {  	[tilespmem:s17], [sflag:$0x2] =	stream.linear.gather @!p1 [hbm4b:s12+s24], $0x1400, $0x38;
	[tilespmem:$0x1C680] =	vst v63  }
0xe7: {  	_ =	swait.ge [sflag:s14], $0x1400  }
0xe8: {  	[sflag:s14] =	ssyncset.done $0x0  }
0xe9: {  	[sflag:s14] =	ssyncadd.s32 $0xFFFFEC00  }
0xea: {  	_ =	swait.ge [sflag:s14], $0x1400  }
0xeb: {  	[sflag:s14] =	ssyncset.done $0x0  }
0xec: {  	[sflag:s14] =	ssyncadd.s32 $0xFFFFEC00  }
0xed: {  	_ =	swait.ge [sflag:s14], $0x1400  }
0xee: {  	[sflag:s14] =	ssyncset.done $0x0  }
0xef: {  	s21 =	simm.s32 $0x0;
	[sflag:s14] =	ssyncadd.s32 $0xFFFFEC00  }
0xf0: {  	v2 =	vld [tilespmem:s21+$0x19EA0]  }
0xf1: {  	v4 =	vld [tilespmem:s21+$0x14EC0]  }
0xf2: {  	v7 =	vld [tilespmem:s21+$0x14EE0]  }
0xf3: {  	v8 =	vld [tilespmem:s21+$0x14E90]  }
0xf4: {  	v9 =	vld [tilespmem:s21+$0x19E80]  }
0xf5: {  	v12 =	vld [tilespmem:s21+$0x19EB0]  }
0xf6: {  	v15 =	vld [tilespmem:s21+$0x176A0]  }
0xf7: {  	v3 =	vld [tilespmem:s21+$0x176F0]  }
0xf8: {  	v10 =	vld [tilespmem:s21+$0x14EF0]  }
0xf9: {  	v11 =	vld [tilespmem:s21+$0x14EA0]  }
0xfa: {  	v0 =	vld [tilespmem:s21+$0x17680]  }
0xfb: {  	v6 =	vld [tilespmem:s21+$0x176E0]  }
0xfc: {  	v1 =	vld [tilespmem:s21+$0x176C0];
	v14 =	vunpack.i.l.bf16.f32 v3  }
0xfd: {  	v5 =	vld [tilespmem:s21+$0x17690];
	v16 =	vunpack.i.l.bf16.f32 v15;
	v14 =	vadd.f32 v10, v14  }
0xfe: {  	v13 =	vld [tilespmem:s21+$0x19E90];
	v17 =	vunpack.i.u.bf16.f32 v12;
	v16 =	vadd.f32 v11, v16  }
0xff: {  	v19 =	vunpack.i.l.bf16.f32 v2;
	v10 =	vld [tilespmem:s21+$0x176D0];
	v14 =	vadd.f32 v14, v17  }
0x100: {  	s23 =	simm.s32 $0x80;
	v18 =	vld [tilespmem:s21+$0x14ED0];
	v17 =	vunpack.i.l.bf16.f32 v6;
	v16 =	vadd.f32 v16, v19  }
0x101: {  	v21 =	vld [tilespmem:s23+$0x19EA0];
	v7 =	vadd.f32 v7, v17;
	v14 =	vmul.f32 $1.442695020e+00, v14  }
0x102: {  	v23 =	vld [tilespmem:s23+$0x14E90];
	v2 =	vunpack.i.u.bf16.f32 v2;
	v20 =	vunpack.i.l.bf16.f32 v5;
	v16 =	vmul.f32 $1.442695020e+00, v16  }
0x103: {  	v24 =	vld [tilespmem:s23+$0x19EB0];
	v2 =	vadd.f32 v7, v2;
	v7 =	vadd.f32 v8, v20;
	(erf) = vpow2.f32 v14  }
0x104: {  	v11 =	vld [tilespmem:s21+$0x176B0];
	v8 =	vunpack.i.l.bf16.f32 v13;
	v14 =	vunpack.i.l.bf16.f32 v10;
	(erf) = vpow2.f32 v16  }
0x105: {  	v26 =	vld [tilespmem:s23+$0x19E90];
	v14 =	vadd.f32 v18, v14;
	v7 =	vadd.f32 v7, v8  }
0x106: {  	v17 =	vld [tilespmem:s21+$0x14E80];
	v2 =	vmul.f32 $1.442695020e+00, v2;
	v8 =	vunpack.i.u.bf16.f32 v13  }
0x107: {  	v22 =	vunpack.i.l.bf16.f32 v1;
	v19 =	vld [tilespmem:s21+$0x14EB0];
	v8 =	vadd.f32 v14, v8;
	v7 =	vmul.f32 $1.442695020e+00, v7  }
0x108: {  	v4 =	vadd.f32 v4, v22;
	v18 =	vld [tilespmem:s23+$0x19E80];
	v13 =	vunpack.i.u.bf16.f32 v9;
	(erf) = vpow2.f32 v2  }
0x109: {  	v32 =	vld [tilespmem:s23+$0x14EF0];
	v8 =	vmul.f32 $1.442695020e+00, v8;
	(erf) = vpow2.f32 v7;
	v7 =	vunpack.i.l.bf16.f32 v11  }
0x10a: {  	v13 =	vadd.f32 v4, v13;
	v4 =	vld [tilespmem:s23+$0x176C0];
	v14 =	vunpack.i.l.bf16.f32 v0  }
0x10b: {  	v25 =	vunpack.i.l.bf16.f32 v12;
	v31 =	vunpack.i.l.bf16.f32 v26;
	v16 =	vld [tilespmem:s23+$0x14EC0];
	v14 =	vadd.f32 v17, v14  }
0x10c: {  	v9 =	vunpack.i.l.bf16.f32 v9;
	v2 =	vld [tilespmem:s23+$0x17680];
	v17 =	vmul.f32 $1.442695020e+00, v13;
	v19 =	vadd.f32 v19, v7;
	v7 =	vpop (erf)  }
0x10d: {  	v12 =	vld [tilespmem:s23+$0x17690];
	v27 =	vunpack.i.u.bf16.f32 v18;
	v9 =	vadd.f32 v14, v9;
	(erf) = vpow2.f32 v8;
	v8 =	vpop (erf)  }
0x10e: {  	v14 =	vunpack.i.l.bf16.f32 v18;
	v30 =	vadd.f32 $1.000000000e+00, v7;
	v7 =	vld [tilespmem:s23+$0x176D0];
	v18 =	vadd.f32 $1.000000000e+00, v8  }
0x10f: {  	v33 =	vunpack.i.u.bf16.f32 v24;
	v26 =	vunpack.i.u.bf16.f32 v26;
	v22 =	vunpack.i.l.bf16.f32 v4;
	v8 =	vld [tilespmem:s23+$0x176F0]  }
0x110: {  	v19 =	vadd.f32 v19, v25;
	(erf) = vpow2.f32 v17;
	v17 =	vunpack.i.u.bf16.f32 v15;
	v15 =	vld [tilespmem:s23+$0x176E0]  }
0x111: {  	v34 =	vld [tilespmem:s23+$0x14ED0];
	v28 =	vunpack.i.l.bf16.f32 v2;
	v9 =	vmul.f32 $1.442695020e+00, v9;
	v16 =	vadd.f32 v16, v22  }
0x112: {  	v13 =	vld [tilespmem:s23+$0x176A0];
	v22 =	vunpack.i.u.bf16.f32 v21;
	v19 =	vmul.f32 $1.442695020e+00, v19;
	(erf) = vrcp.f32 v18;
	v18 =	vpop (erf)  }
0x113: {  	v36 =	vld [tilespmem:s23+$0x14EA0];
	(erf) = vpow2.f32 v9;
	v37 =	vunpack.i.l.bf16.f32 v7;
	v29 =	vadd.f32 $1.000000000e+00, v18  }
0x114: {  	v20 =	vld [tilespmem:s23+$0x14EE0];
	v18 =	vadd.f32 v16, v27;
	v27 =	vunpack.i.l.bf16.f32 v12;
	v25 =	vunpack.i.l.bf16.f32 v8  }
0x115: {  	v9 =	vld [tilespmem:s23+$0x176B0];
	v16 =	vunpack.i.l.bf16.f32 v24;
	v24 =	vunpack.i.l.bf16.f32 v15;
	v25 =	vadd.f32 v32, v25  }
0x116: {  	v39 =	vld [tilespmem:s23+$0x14EB0];
	v35 =	vpop (erf);
	v38 =	vadd.f32 v23, v27;
	v27 =	vadd.f32 v34, v37;
	(erf) = vrcp.f32 v29  }
0x117: {  	v35 =	vadd.f32 $1.000000000e+00, v35;
	v23 =	vld [tilespmem:s23+$0x14E80];
	v29 =	vunpack.i.l.bf16.f32 v13;
	(erf) = vpow2.f32 v19  }
0x118: {  	v19 =	vunpack.i.l.bf16.f32 v21;
	v21 =	vadd.f32 v36, v29;
	v29 =	vadd.f32 v25, v33  }
0x119: {  	v20 =	vadd.f32 v20, v24;
	v26 =	vadd.f32 v27, v26;
	v25 =	vpop (erf);
	(erf) = vrcp.f32 v35  }
0x11a: {  	v62 =	vunpack.i.l.bf16.f32 v9;
	v63 =	vadd.f32 v21, v19;
	v29 =	vmul.f32 $1.442695020e+00, v29;
	v27 =	vpop (erf)  }
0x11b: {  	v19 =	vadd.f32 v39, v62;
	v21 =	vadd.f32 v38, v31;
	(erf) = vrcp.f32 v30;
	v24 =	vpop (erf)  }
0x11c: {  	s24 =	simm.s32 $0x400;
	v26 =	vmul.f32 $1.442695020e+00, v26;
	v23 =	vadd.f32 v23, v28;
	v30 =	vmul.f32 $1.442695020e+00, v63;
	v28 =	vpop (erf)  }
.LBB2_5:
0x11d: {  	s17 =	sshra.s32 s24, $0x2;
	p2 =	sne.s32 s24, $0x4E00;
	s24 =	sadd.s32 $0x200, s24;
	v22 =	vadd.f32 v20, v22;
	(erf) = vpow2.f32 v29;
	v31 =	vadd.f32 $1.000000000e+00, v27  }
0x11e: {  	v25 =	vadd.f32 $1.000000000e+00, v25;
	v20 =	vld [tilespmem:s17+$0x19EA0];
	v29 =	vmul.f32 $1.442695020e+00, v21;
	(erf) = vpow2.f32 v30  }
0x11f: {  	v32 =	vunpack.i.u.bf16.f32 v6;
	v30 =	vld [tilespmem:s17+$0x14EC0];
	v22 =	vmul.f32 $1.442695020e+00, v22;
	(erf) = vrcp.f32 v31;
	v27 =	vpop (erf)  }
0x120: {  	v28 =	vadd.f32 $1.000000000e+00, v28;
	v33 =	vmul.f32 v24, v17;
	v21 =	vld [tilespmem:s17+$0x14EE0];
	(erf) = vrcp.f32 v25;
	v24 =	vpop (erf)  }
0x121: {  	v6 =	vmovc v15;
	v31 =	vld [tilespmem:s17+$0x14E90];
	(erf) = vpow2.f32 v22;
	v22 =	vmul.f32 v27, v32;
	v24 =	vadd.f32 $1.000000000e+00, v24  }
0x122: {  	v25 =	vunpack.i.u.bf16.f32 v5;
	v5 =	vmov v12;
	v15 =	vld [tilespmem:s17+$0x19E80];
	[tilespmem:s21+$0x1B2A0] =	vst v33;
	(erf) = vrcp.f32 v28;
	v17 =	vpop (erf)  }
0x123: {  	v27 =	vunpack.i.u.bf16.f32 v0;
	v0 =	vmovc v2;
	v12 =	vmul.f32 v17, v25;
	[tilespmem:s21+$0x1B2E0] =	vst v22;
	(erf) = vrcp.f32 v24;
	v2 =	vld [tilespmem:s17+$0x17680]  }
0x124: {  	v17 =	vmul.f32 $1.442695020e+00, v18;
	v25 =	vunpack.i.u.bf16.f32 v3;
	v24 =	vld [tilespmem:s17+$0x19EB0];
	(erf) = vpow2.f32 v29;
	v18 =	vpop (erf)  }
0x125: {  	v22 =	vunpack.i.u.bf16.f32 v1;
	v1 =	vmovc v4;
	v3 =	vmovc v8;
	(erf) = vpow2.f32 v26;
	[tilespmem:s21+$0x1B290] =	vst v12;
	v12 =	vmul.f32 v18, v25;
	v4 =	vld [tilespmem:s17+$0x176C0]  }
0x126: {  	v10 =	vunpack.i.u.bf16.f32 v10;
	v11 =	vunpack.i.u.bf16.f32 v11;
	v26 =	vld [tilespmem:s17+$0x176A0];
	(erf) = vpow2.f32 v17;
	v18 =	vpop (erf)  }
0x127: {  	v23 =	vadd.f32 v23, v14;
	v25 =	vunpack.i.u.bf16.f32 v15;
	v28 =	vld [tilespmem:s17+$0x19E90];
	v14 =	vunpack.i.l.bf16.f32 v15;
	v8 =	vpop (erf);
	[tilespmem:s21+$0x1B2F0] =	vst v12  }
0x128: {  	v17 =	vunpack.i.u.bf16.f32 v13;
	v32 =	vunpack.i.l.bf16.f32 v2;
	v12 =	vld [tilespmem:s17+$0x17690];
	v34 =	vadd.f32 $1.000000000e+00, v8;
	v15 =	vpop (erf)  }
0x129: {  	v23 =	vmul.f32 $1.442695020e+00, v23;
	v33 =	vadd.f32 $1.000000000e+00, v18;
	v8 =	vld [tilespmem:s17+$0x176F0];
	v18 =	vmul.f32 v15, v22;
	v22 =	vpop (erf)  }
0x12a: {  	v29 =	vunpack.i.l.bf16.f32 v4;
	v15 =	vld [tilespmem:s17+$0x176E0];
	(erf) = vrcp.f32 v34;
	v13 =	vpop (erf);
	v38 =	vmul.f32 v22, v10  }
0x12b: {  	v22 =	vunpack.i.u.bf16.f32 v20;
	v29 =	vadd.f32 v30, v29;
	v30 =	vld [tilespmem:s17+$0x176D0];
	v34 =	vadd.f32 $1.000000000e+00, v13;
	[tilespmem:s21+$0x1B2C0] =	vst v18;
	v13 =	vpop (erf)  }
0x12c: {  	v36 =	vunpack.i.u.bf16.f32 v24;
	v35 =	vunpack.i.l.bf16.f32 v28;
	v37 =	vld [tilespmem:s17+$0x14EF0];
	v13 =	vmul.f32 v13, v27;
	[tilespmem:s21+$0x1B2D0] =	vst v38;
	v10 =	vpop (erf)  }
0x12d: {  	v18 =	vadd.f32 v29, v25;
	v29 =	vunpack.i.l.bf16.f32 v12;
	v38 =	vld [tilespmem:s17+$0x14ED0];
	v27 =	vpop (erf);
	v43 =	vmul.f32 v10, v11  }
0x12e: {  	v44 =	vadd.f32 v19, v16;
	v16 =	vunpack.i.l.bf16.f32 v24;
	v39 =	vld [tilespmem:s17+$0x14EA0];
	(erf) = vpow2.f32 v23;
	v25 =	vpop (erf);
	[tilespmem:s21+$0x1B280] =	vst v13  }
0x12f: {  	v24 =	vunpack.i.l.bf16.f32 v8;
	v40 =	vadd.f32 $1.000000000e+00, v27;
	v19 =	vunpack.i.l.bf16.f32 v15;
	v23 =	vld [tilespmem:s17+$0x176B0];
	v27 =	vpop (erf);
	[tilespmem:s21+$0x1B2B0] =	vst v43;
	s21 =	smov.u32 s23;
	s23 =	smov.u32 s17  }
0x130: {  	v10 =	vmovc v7;
	v31 =	vadd.f32 v31, v29;
	v29 =	vmul.f32 $1.442695020e+00, v44;
	v41 =	vunpack.i.l.bf16.f32 v30;
	v42 =	vld [tilespmem:s23+$0x14EB0];
	v13 =	vmovc v26  }
0x131: {  	v28 =	vunpack.i.u.bf16.f32 v28;
	v11 =	vmovc v9;
	v7 =	vmovc v30;
	v26 =	vld [tilespmem:s23+$0x14E80];
	v37 =	vadd.f32 v37, v24;
	(erf) = vrcp.f32 v34  }
0x132: {  	v30 =	vunpack.i.l.bf16.f32 v13;
	v38 =	vadd.f32 v38, v41;
	(erf) = vpow2.f32 v29  }
.Ltmp3:
0x133: {  	v20 =	vunpack.i.l.bf16.f32 v20;
	v29 =	vadd.f32 v39, v30;
	v30 =	vadd.f32 v37, v36;
	v24 =	vpop (erf);
	(pc) =	sbr.rel @p2 .LBB2_5-.Ltmp3, $4  }
0x134: {  	v37 =	vadd.f32 v38, v28;
	v34 =	vunpack.i.l.bf16.f32 v23;
	(erf) = vrcp.f32 v40;
	v9 =	vmovc v23  }
0x135: {  	v36 =	vadd.f32 v29, v20;
	v20 =	vadd.f32 v21, v19;
	v29 =	vmul.f32 $1.442695020e+00, v30  }
0x136: {  	v19 =	vadd.f32 v42, v34;
	v23 =	vadd.f32 v26, v32;
	(erf) = vrcp.f32 v33  }
0x137: {  	v21 =	vadd.f32 v31, v35;
	v26 =	vmul.f32 $1.442695020e+00, v37;
	v30 =	vmul.f32 $1.442695020e+00, v36;
	v28 =	vpop (erf)  }
0x138: {  	v20 =	vadd.f32 v20, v22;
	(erf) = vpow2.f32 v29;
	v55 =	vadd.f32 $1.000000000e+00, v27  }
0x139: {  	v25 =	vadd.f32 $1.000000000e+00, v25;
	(erf) = vpow2.f32 v30  }
0x13a: {  	v20 =	vmul.f32 $1.442695020e+00, v20;
	(erf) = vrcp.f32 v55  }
0x13b: {  	(erf) = vrcp.f32 v25  }
0x13c: {  	(erf) = vpow2.f32 v20  }
0x13d: {  	v56 =	vpop (erf)  }
0x13e: {  	v57 =	vpop (erf)  }
0x13f: {  	v58 =	vadd.f32 $1.000000000e+00, v28;
	v59 =	vpop (erf)  }
0x140: {  	v22 =	vadd.f32 $1.000000000e+00, v57;
	v60 =	vpop (erf)  }
0x141: {  	v21 =	vmul.f32 $1.442695020e+00, v21;
	(erf) = vrcp.f32 v58;
	v61 =	vpop (erf)  }
0x142: {  	(erf) = vrcp.f32 v22;
	v62 =	vpop (erf)  }
0x143: {  	v18 =	vmul.f32 $1.442695020e+00, v18;
	v14 =	vadd.f32 v23, v14;
	(erf) = vpow2.f32 v21;
	v63 =	vpop (erf)  }
0x144: {  	(erf) = vpow2.f32 v26;
	v22 =	vadd.f32 $1.000000000e+00, v62;
	v29 =	vpop (erf)  }
0x145: {  	v16 =	vadd.f32 v19, v16;
	v14 =	vmul.f32 $1.442695020e+00, v14;
	(erf) = vpow2.f32 v18;
	v30 =	vpop (erf)  }
0x146: {  	(erf) = vrcp.f32 v22;
	v18 =	vadd.f32 $1.000000000e+00, v30  }
0x147: {  	v31 =	vmul.f32 $1.442695020e+00, v16;
	(erf) = vpow2.f32 v14  }
0x148: {  	(erf) = vrcp.f32 v18  }
0x149: {  	(erf) = vpow2.f32 v31  }
0x14a: {  	v32 =	vpop (erf)  }
0x14b: {  	v33 =	vpop (erf)  }
0x14c: {  	v34 =	vpop (erf)  }
0x14d: {  	v35 =	vpop (erf)  }
0x14e: {  	v6 =	vunpack.i.u.bf16.f32 v6;
	v17 =	vmul.f32 v24, v17;
	v18 =	vadd.f32 $1.000000000e+00, v34;
	v36 =	vpop (erf)  }
0x14f: {  	v5 =	vunpack.i.u.bf16.f32 v5;
	v3 =	vunpack.i.u.bf16.f32 v3;
	v37 =	vadd.f32 $1.000000000e+00, v61;
	v38 =	vpop (erf)  }
0x150: {  	v1 =	vunpack.i.u.bf16.f32 v1;
	(erf) = vrcp.f32 v18;
	v22 =	vadd.f32 $1.000000000e+00, v36;
	v39 =	vpop (erf)  }
0x151: {  	v6 =	vmul.f32 v56, v6;
	v19 =	vadd.f32 $1.000000000e+00, v35;
	(erf) = vrcp.f32 v37;
	v40 =	vpop (erf)  }
0x152: {  	[tilespmem:s21+$0x1B2A0] =	vst v17;
	v5 =	vmul.f32 v59, v5;
	(erf) = vrcp.f32 v22;
	v41 =	vadd.f32 $1.000000000e+00, v39;
	v42 =	vpop (erf)  }
0x153: {  	[tilespmem:s21+$0x1B2E0] =	vst v6;
	v3 =	vmul.f32 v60, v3;
	(erf) = vrcp.f32 v19;
	v43 =	vadd.f32 $1.000000000e+00, v42  }
0x154: {  	v44 =	vunpack.i.u.bf16.f32 v10;
	[tilespmem:s21+$0x1B290] =	vst v5;
	v1 =	vmul.f32 v63, v1;
	(erf) = vrcp.f32 v41  }
0x155: {  	v0 =	vunpack.i.u.bf16.f32 v0;
	[tilespmem:s21+$0x1B2F0] =	vst v3;
	v45 =	vmul.f32 v29, v44;
	(erf) = vrcp.f32 v43  }
0x156: {  	v46 =	vunpack.i.u.bf16.f32 v11;
	[tilespmem:s21+$0x1B2C0] =	vst v1;
	v0 =	vmul.f32 v32, v0  }
0x157: {  	v47 =	vunpack.i.u.bf16.f32 v13;
	[tilespmem:s21+$0x1B2D0] =	vst v45;
	v48 =	vmul.f32 v33, v46  }
0x158: {  	v49 =	vunpack.i.u.bf16.f32 v15;
	[tilespmem:s21+$0x1B280] =	vst v0;
	v1 =	vmul.f32 v38, v47  }
0x159: {  	v50 =	vunpack.i.u.bf16.f32 v12;
	[tilespmem:s21+$0x1B2B0] =	vst v48;
	v0 =	vmul.f32 v40, v49;
	v51 =	vpop (erf)  }
0x15a: {  	v53 =	vunpack.i.u.bf16.f32 v8;
	[tilespmem:s23+$0x1B2A0] =	vst v1;
	v52 =	vmul.f32 v51, v50;
	v54 =	vpop (erf)  }
0x15b: {  	v55 =	vunpack.i.u.bf16.f32 v4;
	[tilespmem:s23+$0x1B2E0] =	vst v0;
	v3 =	vmul.f32 v54, v53;
	v56 =	vpop (erf)  }
0x15c: {  	v57 =	vunpack.i.u.bf16.f32 v7;
	[tilespmem:s23+$0x1B290] =	vst v52;
	v0 =	vmul.f32 v56, v55;
	v58 =	vpop (erf)  }
0x15d: {  	v2 =	vunpack.i.u.bf16.f32 v2;
	[tilespmem:s23+$0x1B2F0] =	vst v3;
	v1 =	vmul.f32 v58, v57;
	v59 =	vpop (erf)  }
0x15e: {  	v60 =	vunpack.i.u.bf16.f32 v9;
	[tilespmem:s23+$0x1B2C0] =	vst v0;
	v61 =	vmul.f32 v59, v2;
	v62 =	vpop (erf)  }
0x15f: {  	[tilespmem:s23+$0x1B2D0] =	vst v1;
	v63 =	vmul.f32 v62, v60  }
0x160: {  	[tilespmem:s23+$0x1B280] =	vst v61  }
.Ltmp4:
0x161: {  	[tilespmem:s23+$0x1B2B0] =	vst v63;
	(pc) =	sbr.rel @p1 .LBB2_8-.Ltmp4, $4  }
0x162: {  	[spmem:s1] =	stream.indirect.scatter.add.f32 [tilespmem:s15], [sflag:$0x3], $0x80, s30, s2, $0xb8;
	[tilespmem:$0x1C680] =	vst v63  }
0x163: {  	_ =	swait.ge [sflag:s26], $0x1400  }
0x164: {  	[sflag:s26] =	ssyncset.done $0x0  }
0x165: {  	[sflag:s26] =	ssyncadd.s32 $0xFFFFEC00  }
0x166: {  	s12 =	sadd.s32 s22, s19  }
0x167: {  	s12 =	smul.u32 $0x5, s12  }
.Ltmp5:
0x168: {  	_ = 	snop;
	(pc) =	sbr.rel .LBB2_2-.Ltmp5, $4  }
0x169: {  	s17 =	sadd.s32 s8, s12  }
0x16a: {  	[tilespmem:s30], [sflag:$0x1] =	stream.linear.gather [hbm4b:s17+s3], $0x28, $0x38;
	[tilespmem:$0x1C680] =	vst v63  }
0x16b: {  	s18 =	sadd.s32 $0x1, s18;
	s12 =	sadd.s32 s7, s12  }
0x16c: {  	[tilespmem:s31], [sflag:$0x1] =	stream.linear.gather [hbm4b:s12+s3], $0x28, $0x38;
	[tilespmem:$0x1C680] =	vst v63  }
.LBB2_9:
0x16d: {  	_ =	sfence.sel $0x180000  }
0x16e: {  	[bflag:$0x0] =	sbarrier.arrive $0xFFFF  }
0x16f: {  	_ =	strace $0x9000004D  }
0x170: {  	s0 =	stileid.u32;
	[bflag:$0x2] =	sbarrier.arrive $0xFFFF  }
0x171: {  	p0 =	sne.s32 s0, $0x0;
	s0 =	rddreg [dreg:$0x2]  }
0x172: {  	s0 =	sadd.s32 @!p0 $0x100000, s0  }
0x173: {  	[sflag:s0] =	ssyncadd.tile.s32 @!p0 $0x1;
	_ =	shalt  }
.Lfunc_end2:
_tile_overlayer_lowered:
.L_overlay_start_2:
0x174: {  	(tag) =	ssettag $0x2  }
0x175: {  	s0 =	rddreg [dreg:$0x0];
	s2 =	stileid.u32  }
0x176: {  	s1 =	rddreg [dreg:$0x1];
	p0 =	sne.s32 s2, $0x0  }
0x177: {  	s3 =	rddreg [dreg:$0x2];
	[bflag:$0x3] =	sbarrier.arrive $0xFFFF;
	s2 =	simm.s32 @!p0 $0x1C03  }
0x178: {  	[timem:s3], [sflag:s2] =	dma.local @!p0 [hbm:s0], s1  }
0x179: {  	s0 =	simm.s32 @!p0 $0x3  }
0x17a: {  	_ =	swait.ge @!p0 [sflag:s0], s1  }
0x17b: {  	s1 =	ssub.s32 @!p0 $0x0, s1;
	[sflag:s0] =	ssyncset.done @!p0 $0x0  }
0x17c: {  	[sflag:s0] =	ssyncadd.s32 @!p0 s1  }
0x17d: {  	[bflag:$0x3] =	sbarrier.arrive $0xFFFF  }
0x17e: {  	_ =	shalt  }

</sc_bundles>
